<compile_context>
chip_gen: v7x
topology: tpu7x:2x2x1
jax: 0.10.2.dev20260603
libtpu: 0.0.44.dev20260713+nightly
codegen_flags: <defaults>
</compile_context>

<pallas_src>
import jax
import jax.numpy as jnp
from jax import lax
from jax.experimental import pallas as pl
from jax.experimental.pallas import tpu as pltpu
from jax.experimental.pallas import tpu_sc as plsc

VOCAB = 1028
NUM_CH = 9
HID = 2048
NUM_WORKERS = 32
TOK_BLK = 16
NPAN = 8
PAN = HID // NPAN


def _sc_body(idx_hbm, table_hbm, out_hbm,
             s0, s1, s2, s3, s4, s5, s6, s7, s8,
             idx_v, obuf_v, gsem0, gsem1, osem0, osem1):
    sid = lax.axis_index("s")
    cid = lax.axis_index("c")
    wid = sid * 2 + cid
    toks = out_hbm.shape[0] // NUM_WORKERS
    nblk = toks // TOK_BLK

    stages = (s0, s1, s2, s3, s4, s5, s6, s7, s8)
    gsems = (gsem0, gsem1)
    osems = (osem0, osem1)

    pltpu.sync_copy(idx_hbm.at[:, pl.ds(wid * nblk, nblk), :], idx_v)

    nstep = nblk * NPAN

    def _gather(i, pb):
        b = i // NPAN
        q = lax.rem(i, NPAN)
        for c in range(NUM_CH):
            pltpu.async_copy(
                table_hbm.at[idx_v.at[c, b], pl.ds(q * PAN, PAN)],
                stages[c].at[pb], gsems[pb])

    def _gather_wait(i, pb):
        b = i // NPAN
        q = lax.rem(i, NPAN)
        for c in range(NUM_CH):
            pltpu.make_async_copy(
                table_hbm.at[idx_v.at[c, b], pl.ds(q * PAN, PAN)],
                stages[c].at[pb], gsems[pb]).wait()

    def _out_start(i, pb):
        b = i // NPAN
        q = lax.rem(i, NPAN)
        pltpu.async_copy(
            obuf_v.at[pb],
            out_hbm.at[pl.ds(wid * toks + b * TOK_BLK, TOK_BLK),
                       pl.ds(q * PAN, PAN)], osems[pb])

    def _out_wait(i, pb):
        b = i // NPAN
        q = lax.rem(i, NPAN)
        pltpu.make_async_copy(
            obuf_v.at[pb],
            out_hbm.at[pl.ds(wid * toks + b * TOK_BLK, TOK_BLK),
                       pl.ds(q * PAN, PAN)], osems[pb]).wait()

    _gather(0, 0)

    def _step2(i2, _):
        for pb in range(2):
            i = i2 * 2 + pb
            npb = 1 - pb

            @pl.when(i + 1 < nstep)
            def _():
                _gather(i + 1, npb)

            _gather_wait(i, pb)

            @pl.when(i >= 2)
            def _():
                _out_wait(i, pb)

            def _ck(k, _, pb=pb):
                sl = pl.ds(k * 16, 16)
                for t in range(TOK_BLK):
                    acc = stages[0][pb, t, sl]
                    for c in range(1, NUM_CH):
                        acc = acc + stages[c][pb, t, sl]
                    obuf_v[pb, t, sl] = acc
                return 0
            lax.fori_loop(0, PAN // 16, _ck, 0)

            _out_start(i, pb)
        return 0

    lax.fori_loop(0, nstep // 2, _step2, 0)
    _out_wait(nstep - 2, 0)
    _out_wait(nstep - 1, 1)


def kernel(audio_codes, embed_weight):
    b, s, c = audio_codes.shape
    bs = b * s
    nblk_total = bs // TOK_BLK
    codes = audio_codes.reshape(bs, c).T.reshape(c, nblk_total, TOK_BLK)
    offs = jnp.arange(NUM_CH, dtype=jnp.int32) * VOCAB
    idx_arr = codes + offs[:, None, None]

    mesh = plsc.VectorSubcoreMesh(core_axis_name="c", subcore_axis_name="s")
    nblk = bs // NUM_WORKERS // TOK_BLK
    out = pl.kernel(
        _sc_body,
        out_type=jax.ShapeDtypeStruct((bs, HID), jnp.float32),
        mesh=mesh,
        scratch_types=(
            [pltpu.VMEM((2, TOK_BLK, PAN), jnp.float32) for _ in range(NUM_CH)]
            + [
                pltpu.VMEM((NUM_CH, nblk, TOK_BLK), jnp.int32),
                pltpu.VMEM((2, TOK_BLK, PAN), jnp.float32),
                pltpu.SemaphoreType.DMA,
                pltpu.SemaphoreType.DMA,
                pltpu.SemaphoreType.DMA,
                pltpu.SemaphoreType.DMA,
            ]
        ),
    )(idx_arr, embed_weight)
    return out.reshape(b, s, HID)

# --- scband reference (transcript-rebuilt; emitter-appended) ---
"""Pipeline reference for scband-dia-multi-channel-embed-46780783788672 (READ-ONLY COPY).

The authoritative reference and input builder live on the scoring server;
editing this copy changes nothing except your own understanding.
"""

import jax, jax.numpy as jnp
import numpy as np

VOCAB_SIZE = 1028
NUM_CHANNELS = 9
HIDDEN_SIZE = 2048
B = 4
S = 2048


def setup_inputs(seed: int = 0) -> dict:
    key = jax.random.key(seed)
    k1, k2 = jax.random.split(key)
    audio_codes = jax.random.randint(k1, (B, S, NUM_CHANNELS), 0, VOCAB_SIZE, dtype=jnp.int64 if jax.config.jax_enable_x64 else jnp.int32).astype(jnp.int32)
    embed_weight = jax.random.normal(k2, (VOCAB_SIZE * NUM_CHANNELS, HIDDEN_SIZE), dtype=jnp.float32) * 0.02
    return {"audio_codes": audio_codes, "embed_weight": embed_weight}


def reference(audio_codes, embed_weight):
    # offsets buffer: arange(num_channels) * vocab_size
    offsets = jnp.arange(NUM_CHANNELS, dtype=audio_codes.dtype) * VOCAB_SIZE
    tokens = audio_codes + offsets  # [B, S, C]; torch .squeeze(1) is a no-op since S != 1
    # single fused embedding gather over all channels
    embeds = jnp.take(embed_weight, tokens, axis=0)  # [B, S, C, H]
    embeds = embeds.reshape(tokens.shape[0], audio_codes.shape[1], -1, HIDDEN_SIZE)
    return embeds.sum(axis=2)  # [B, S, H]

if __name__ == "__main__":
    import jax
    _d = setup_inputs()
    print(jax.jit(kernel)(*tuple(_d.values())))

</pallas_src>

<mosaic_0001>
#map = affine_map<(d0, d1) -> (0, 0, 0)>
#map1 = affine_map<(d0, d1) -> (0, 0)>
module attributes {stable_mosaic.version = 14 : i64} {
  func.func @_sc_body(%arg0: i32, %arg1: i32, %arg2: memref<9x512x16xi32, #tpu.memory_space<hbm>>, %arg3: memref<9252x2048xf32, #tpu.memory_space<hbm>>, %arg4: memref<8192x2048xf32, #tpu.memory_space<hbm>>, %arg5: memref<2x16x256xf32, #tpu.memory_space<vmem>>, %arg6: memref<2x16x256xf32, #tpu.memory_space<vmem>>, %arg7: memref<2x16x256xf32, #tpu.memory_space<vmem>>, %arg8: memref<2x16x256xf32, #tpu.memory_space<vmem>>, %arg9: memref<2x16x256xf32, #tpu.memory_space<vmem>>, %arg10: memref<2x16x256xf32, #tpu.memory_space<vmem>>, %arg11: memref<2x16x256xf32, #tpu.memory_space<vmem>>, %arg12: memref<2x16x256xf32, #tpu.memory_space<vmem>>, %arg13: memref<2x16x256xf32, #tpu.memory_space<vmem>>, %arg14: memref<9x16x16xi32, #tpu.memory_space<vmem>>, %arg15: memref<2x16x256xf32, #tpu.memory_space<vmem>>, %arg16: memref<!tpu.dma_semaphore, #tpu.memory_space<semaphore_mem>>, %arg17: memref<!tpu.dma_semaphore, #tpu.memory_space<semaphore_mem>>, %arg18: memref<!tpu.dma_semaphore, #tpu.memory_space<semaphore_mem>>, %arg19: memref<!tpu.dma_semaphore, #tpu.memory_space<semaphore_mem>>) attributes {dimension_semantics = [#tpu.dimension_semantics<core_parallel>, #tpu.dimension_semantics<subcore_parallel>], iteration_bounds = array<i64: 2, 16>, scalar_prefetch = 0 : i64, scratch_operands = 15 : i64, tpu.core_type = #tpu.core_type<sc_vector_subcore>, window_params = [{transform_indices = #map}, {transform_indices = #map1}, {transform_indices = #map1}]} {
    %mul3A = arith.constant 2 : i32
    %mul3A_0 = arith.muli %arg1, %mul3A : i32
    %add3A = arith.addi %mul3A_0, %arg0 : i32
    %mul3A_1 = arith.constant 16 : i32
    %mul3A_2 = arith.muli %add3A, %mul3A_1 : i32
    "tpu.region"() ({
      %run_scoped3A = tpu.sem_alloc : memref<!tpu.dma_semaphore, #tpu.memory_space<semaphore_mem>>
      %dma_start3A_175 = arith.constant 0 : i32
      %dma_start3A_176 = arith.constant 0 : i32
      %dma_start3A_177 = tpu.memref_slice %arg2[%dma_start3A_175, %mul3A_2, %dma_start3A_176] : memref<9x512x16xi32, #tpu.memory_space<hbm>> -> memref<9x16x16xi32, #tpu.memory_space<hbm>>
      %dma_start3A_178 = arith.constant 0 : i32
      %dma_start3A_179 = arith.constant 0 : i32
      %dma_start3A_180 = tpu.memref_slice %arg2[%dma_start3A_178, %mul3A_2, %dma_start3A_179] : memref<9x512x16xi32, #tpu.memory_space<hbm>> -> memref<9x16x16xi32, #tpu.memory_space<hbm>>
      tpu.enqueue_dma source(%dma_start3A_180 : memref<9x16x16xi32, #tpu.memory_space<hbm>>) target(%arg14 : memref<9x16x16xi32, #tpu.memory_space<vmem>>) target_semaphore(%run_scoped3A : memref<!tpu.dma_semaphore, #tpu.memory_space<semaphore_mem>>)
      %dma_wait3A_181 = arith.constant 0 : i32
      %dma_wait3A_182 = arith.constant 0 : i32
      %dma_wait3A_183 = tpu.memref_slice %arg2[%dma_wait3A_181, %mul3A_2, %dma_wait3A_182] : memref<9x512x16xi32, #tpu.memory_space<hbm>> -> memref<9x16x16xi32, #tpu.memory_space<hbm>>
      %dma_wait3A_184 = arith.constant 0 : i32
      %dma_wait3A_185 = arith.constant 0 : i32
      %dma_wait3A_186 = tpu.memref_slice %arg2[%dma_wait3A_184, %mul3A_2, %dma_wait3A_185] : memref<9x512x16xi32, #tpu.memory_space<hbm>> -> memref<9x16x16xi32, #tpu.memory_space<hbm>>
      tpu.wait_dma2 semaphore(%run_scoped3A : memref<!tpu.dma_semaphore, #tpu.memory_space<semaphore_mem>>) src(%dma_wait3A_186 : memref<9x16x16xi32, #tpu.memory_space<hbm>>) dst(%arg14 : memref<9x16x16xi32, #tpu.memory_space<vmem>>)
      tpu.yield
    }) : () -> ()
    %rem3A = arith.constant 0 : i32
    %rem3A_3 = arith.constant 8 : i32
    %rem3A_4 = arith.remsi %rem3A, %rem3A_3 : i32
    %mul3A_5 = arith.constant 256 : i32
    %mul3A_6 = arith.muli %rem3A_4, %mul3A_5 : i32
    %dma_start3A = arith.constant 0 : i32
    %dma_start3A_7 = arith.constant 0 : i32
    %dma_start3A_8 = arith.constant 0 : i32
    %dma_start3A_9 = arith.constant 0 : i32
    %dma_start3A_10 = arith.constant 0 : i32
    %dma_start3A_11 = tpu.memref_slice %arg5[%dma_start3A_8, %dma_start3A_9, %dma_start3A_10] : memref<2x16x256xf32, #tpu.memory_space<vmem>> -> memref<1x16x256xf32, #tpu.memory_space<vmem>>
    %dma_start3A_12 = tpu.memref_squeeze %dma_start3A_11 : memref<1x16x256xf32, #tpu.memory_space<vmem>> -> memref<16x256xf32, #tpu.memory_space<vmem>>
    %dma_start3A_13 = arith.constant 0 : i32
    %dma_start3A_14 = tpu.memref_slice %arg14[%dma_start3A, %dma_start3A_7, %dma_start3A_13] : memref<9x16x16xi32, #tpu.memory_space<vmem>> -> memref<1x1x16xi32, #tpu.memory_space<vmem>>
    %dma_start3A_15 = tpu.memref_squeeze %dma_start3A_14 : memref<1x1x16xi32, #tpu.memory_space<vmem>> -> memref<16xi32, #tpu.memory_space<vmem>>
    %dma_start3A_16 = arith.constant 0 : i32
    %dma_start3A_17 = tpu.memref_slice %arg3[%dma_start3A_16, %mul3A_6] : memref<9252x2048xf32, #tpu.memory_space<hbm>> -> memref<9252x256xf32, #tpu.memory_space<hbm>>
    tpu.enqueue_indirect_dma source(%dma_start3A_17 : memref<9252x256xf32, #tpu.memory_space<hbm>>) target(%dma_start3A_12 : memref<16x256xf32, #tpu.memory_space<vmem>>) offsets(%dma_start3A_15 : memref<16xi32, #tpu.memory_space<vmem>>) semaphore(%arg16 : memref<!tpu.dma_semaphore, #tpu.memory_space<semaphore_mem>>)
    %mul3A_18 = arith.constant 256 : i32
    %mul3A_19 = arith.muli %rem3A_4, %mul3A_18 : i32
    %dma_start3A_20 = arith.constant 1 : i32
    %dma_start3A_21 = arith.constant 0 : i32
    %dma_start3A_22 = arith.constant 0 : i32
    %dma_start3A_23 = arith.constant 0 : i32
    %dma_start3A_24 = arith.constant 0 : i32
    %dma_start3A_25 = tpu.memref_slice %arg6[%dma_start3A_22, %dma_start3A_23, %dma_start3A_24] : memref<2x16x256xf32, #tpu.memory_space<vmem>> -> memref<1x16x256xf32, #tpu.memory_space<vmem>>
    %dma_start3A_26 = tpu.memref_squeeze %dma_start3A_25 : memref<1x16x256xf32, #tpu.memory_space<vmem>> -> memref<16x256xf32, #tpu.memory_space<vmem>>
    %dma_start3A_27 = arith.constant 0 : i32
    %dma_start3A_28 = tpu.memref_slice %arg14[%dma_start3A_20, %dma_start3A_21, %dma_start3A_27] : memref<9x16x16xi32, #tpu.memory_space<vmem>> -> memref<1x1x16xi32, #tpu.memory_space<vmem>>
    %dma_start3A_29 = tpu.memref_squeeze %dma_start3A_28 : memref<1x1x16xi32, #tpu.memory_space<vmem>> -> memref<16xi32, #tpu.memory_space<vmem>>
    %dma_start3A_30 = arith.constant 0 : i32
    %dma_start3A_31 = tpu.memref_slice %arg3[%dma_start3A_30, %mul3A_19] : memref<9252x2048xf32, #tpu.memory_space<hbm>> -> memref<9252x256xf32, #tpu.memory_space<hbm>>
    tpu.enqueue_indirect_dma source(%dma_start3A_31 : memref<9252x256xf32, #tpu.memory_space<hbm>>) target(%dma_start3A_26 : memref<16x256xf32, #tpu.memory_space<vmem>>) offsets(%dma_start3A_29 : memref<16xi32, #tpu.memory_space<vmem>>) semaphore(%arg16 : memref<!tpu.dma_semaphore, #tpu.memory_space<semaphore_mem>>)
    %mul3A_32 = arith.constant 256 : i32
    %mul3A_33 = arith.muli %rem3A_4, %mul3A_32 : i32
    %dma_start3A_34 = arith.constant 2 : i32
    %dma_start3A_35 = arith.constant 0 : i32
    %dma_start3A_36 = arith.constant 0 : i32
    %dma_start3A_37 = arith.constant 0 : i32
    %dma_start3A_38 = arith.constant 0 : i32
    %dma_start3A_39 = tpu.memref_slice %arg7[%dma_start3A_36, %dma_start3A_37, %dma_start3A_38] : memref<2x16x256xf32, #tpu.memory_space<vmem>> -> memref<1x16x256xf32, #tpu.memory_space<vmem>>
    %dma_start3A_40 = tpu.memref_squeeze %dma_start3A_39 : memref<1x16x256xf32, #tpu.memory_space<vmem>> -> memref<16x256xf32, #tpu.memory_space<vmem>>
    %dma_start3A_41 = arith.constant 0 : i32
    %dma_start3A_42 = tpu.memref_slice %arg14[%dma_start3A_34, %dma_start3A_35, %dma_start3A_41] : memref<9x16x16xi32, #tpu.memory_space<vmem>> -> memref<1x1x16xi32, #tpu.memory_space<vmem>>
    %dma_start3A_43 = tpu.memref_squeeze %dma_start3A_42 : memref<1x1x16xi32, #tpu.memory_space<vmem>> -> memref<16xi32, #tpu.memory_space<vmem>>
    %dma_start3A_44 = arith.constant 0 : i32
    %dma_start3A_45 = tpu.memref_slice %arg3[%dma_start3A_44, %mul3A_33] : memref<9252x2048xf32, #tpu.memory_space<hbm>> -> memref<9252x256xf32, #tpu.memory_space<hbm>>
    tpu.enqueue_indirect_dma source(%dma_start3A_45 : memref<9252x256xf32, #tpu.memory_space<hbm>>) target(%dma_start3A_40 : memref<16x256xf32, #tpu.memory_space<vmem>>) offsets(%dma_start3A_43 : memref<16xi32, #tpu.memory_space<vmem>>) semaphore(%arg16 : memref<!tpu.dma_semaphore, #tpu.memory_space<semaphore_mem>>)
    %mul3A_46 = arith.constant 256 : i32
    %mul3A_47 = arith.muli %rem3A_4, %mul3A_46 : i32
    %dma_start3A_48 = arith.constant 3 : i32
    %dma_start3A_49 = arith.constant 0 : i32
    %dma_start3A_50 = arith.constant 0 : i32
    %dma_start3A_51 = arith.constant 0 : i32
    %dma_start3A_52 = arith.constant 0 : i32
    %dma_start3A_53 = tpu.memref_slice %arg8[%dma_start3A_50, %dma_start3A_51, %dma_start3A_52] : memref<2x16x256xf32, #tpu.memory_space<vmem>> -> memref<1x16x256xf32, #tpu.memory_space<vmem>>
    %dma_start3A_54 = tpu.memref_squeeze %dma_start3A_53 : memref<1x16x256xf32, #tpu.memory_space<vmem>> -> memref<16x256xf32, #tpu.memory_space<vmem>>
    %dma_start3A_55 = arith.constant 0 : i32
    %dma_start3A_56 = tpu.memref_slice %arg14[%dma_start3A_48, %dma_start3A_49, %dma_start3A_55] : memref<9x16x16xi32, #tpu.memory_space<vmem>> -> memref<1x1x16xi32, #tpu.memory_space<vmem>>
    %dma_start3A_57 = tpu.memref_squeeze %dma_start3A_56 : memref<1x1x16xi32, #tpu.memory_space<vmem>> -> memref<16xi32, #tpu.memory_space<vmem>>
    %dma_start3A_58 = arith.constant 0 : i32
    %dma_start3A_59 = tpu.memref_slice %arg3[%dma_start3A_58, %mul3A_47] : memref<9252x2048xf32, #tpu.memory_space<hbm>> -> memref<9252x256xf32, #tpu.memory_space<hbm>>
    tpu.enqueue_indirect_dma source(%dma_start3A_59 : memref<9252x256xf32, #tpu.memory_space<hbm>>) target(%dma_start3A_54 : memref<16x256xf32, #tpu.memory_space<vmem>>) offsets(%dma_start3A_57 : memref<16xi32, #tpu.memory_space<vmem>>) semaphore(%arg16 : memref<!tpu.dma_semaphore, #tpu.memory_space<semaphore_mem>>)
    %mul3A_60 = arith.constant 256 : i32
    %mul3A_61 = arith.muli %rem3A_4, %mul3A_60 : i32
    %dma_start3A_62 = arith.constant 4 : i32
    %dma_start3A_63 = arith.constant 0 : i32
    %dma_start3A_64 = arith.constant 0 : i32
    %dma_start3A_65 = arith.constant 0 : i32
    %dma_start3A_66 = arith.constant 0 : i32
    %dma_start3A_67 = tpu.memref_slice %arg9[%dma_start3A_64, %dma_start3A_65, %dma_start3A_66] : memref<2x16x256xf32, #tpu.memory_space<vmem>> -> memref<1x16x256xf32, #tpu.memory_space<vmem>>
    %dma_start3A_68 = tpu.memref_squeeze %dma_start3A_67 : memref<1x16x256xf32, #tpu.memory_space<vmem>> -> memref<16x256xf32, #tpu.memory_space<vmem>>
    %dma_start3A_69 = arith.constant 0 : i32
    %dma_start3A_70 = tpu.memref_slice %arg14[%dma_start3A_62, %dma_start3A_63, %dma_start3A_69] : memref<9x16x16xi32, #tpu.memory_space<vmem>> -> memref<1x1x16xi32, #tpu.memory_space<vmem>>
    %dma_start3A_71 = tpu.memref_squeeze %dma_start3A_70 : memref<1x1x16xi32, #tpu.memory_space<vmem>> -> memref<16xi32, #tpu.memory_space<vmem>>
    %dma_start3A_72 = arith.constant 0 : i32
    %dma_start3A_73 = tpu.memref_slice %arg3[%dma_start3A_72, %mul3A_61] : memref<9252x2048xf32, #tpu.memory_space<hbm>> -> memref<9252x256xf32, #tpu.memory_space<hbm>>
    tpu.enqueue_indirect_dma source(%dma_start3A_73 : memref<9252x256xf32, #tpu.memory_space<hbm>>) target(%dma_start3A_68 : memref<16x256xf32, #tpu.memory_space<vmem>>) offsets(%dma_start3A_71 : memref<16xi32, #tpu.memory_space<vmem>>) semaphore(%arg16 : memref<!tpu.dma_semaphore, #tpu.memory_space<semaphore_mem>>)
    %mul3A_74 = arith.constant 256 : i32
    %mul3A_75 = arith.muli %rem3A_4, %mul3A_74 : i32
    %dma_start3A_76 = arith.constant 5 : i32
    %dma_start3A_77 = arith.constant 0 : i32
    %dma_start3A_78 = arith.constant 0 : i32
    %dma_start3A_79 = arith.constant 0 : i32
    %dma_start3A_80 = arith.constant 0 : i32
    %dma_start3A_81 = tpu.memref_slice %arg10[%dma_start3A_78, %dma_start3A_79, %dma_start3A_80] : memref<2x16x256xf32, #tpu.memory_space<vmem>> -> memref<1x16x256xf32, #tpu.memory_space<vmem>>
    %dma_start3A_82 = tpu.memref_squeeze %dma_start3A_81 : memref<1x16x256xf32, #tpu.memory_space<vmem>> -> memref<16x256xf32, #tpu.memory_space<vmem>>
    %dma_start3A_83 = arith.constant 0 : i32
    %dma_start3A_84 = tpu.memref_slice %arg14[%dma_start3A_76, %dma_start3A_77, %dma_start3A_83] : memref<9x16x16xi32, #tpu.memory_space<vmem>> -> memref<1x1x16xi32, #tpu.memory_space<vmem>>
    %dma_start3A_85 = tpu.memref_squeeze %dma_start3A_84 : memref<1x1x16xi32, #tpu.memory_space<vmem>> -> memref<16xi32, #tpu.memory_space<vmem>>
    %dma_start3A_86 = arith.constant 0 : i32
    %dma_start3A_87 = tpu.memref_slice %arg3[%dma_start3A_86, %mul3A_75] : memref<9252x2048xf32, #tpu.memory_space<hbm>> -> memref<9252x256xf32, #tpu.memory_space<hbm>>
    tpu.enqueue_indirect_dma source(%dma_start3A_87 : memref<9252x256xf32, #tpu.memory_space<hbm>>) target(%dma_start3A_82 : memref<16x256xf32, #tpu.memory_space<vmem>>) offsets(%dma_start3A_85 : memref<16xi32, #tpu.memory_space<vmem>>) semaphore(%arg16 : memref<!tpu.dma_semaphore, #tpu.memory_space<semaphore_mem>>)
    %mul3A_88 = arith.constant 256 : i32
    %mul3A_89 = arith.muli %rem3A_4, %mul3A_88 : i32
    %dma_start3A_90 = arith.constant 6 : i32
    %dma_start3A_91 = arith.constant 0 : i32
    %dma_start3A_92 = arith.constant 0 : i32
    %dma_start3A_93 = arith.constant 0 : i32
    %dma_start3A_94 = arith.constant 0 : i32
    %dma_start3A_95 = tpu.memref_slice %arg11[%dma_start3A_92, %dma_start3A_93, %dma_start3A_94] : memref<2x16x256xf32, #tpu.memory_space<vmem>> -> memref<1x16x256xf32, #tpu.memory_space<vmem>>
    %dma_start3A_96 = tpu.memref_squeeze %dma_start3A_95 : memref<1x16x256xf32, #tpu.memory_space<vmem>> -> memref<16x256xf32, #tpu.memory_space<vmem>>
    %dma_start3A_97 = arith.constant 0 : i32
    %dma_start3A_98 = tpu.memref_slice %arg14[%dma_start3A_90, %dma_start3A_91, %dma_start3A_97] : memref<9x16x16xi32, #tpu.memory_space<vmem>> -> memref<1x1x16xi32, #tpu.memory_space<vmem>>
    %dma_start3A_99 = tpu.memref_squeeze %dma_start3A_98 : memref<1x1x16xi32, #tpu.memory_space<vmem>> -> memref<16xi32, #tpu.memory_space<vmem>>
    %dma_start3A_100 = arith.constant 0 : i32
    %dma_start3A_101 = tpu.memref_slice %arg3[%dma_start3A_100, %mul3A_89] : memref<9252x2048xf32, #tpu.memory_space<hbm>> -> memref<9252x256xf32, #tpu.memory_space<hbm>>
    tpu.enqueue_indirect_dma source(%dma_start3A_101 : memref<9252x256xf32, #tpu.memory_space<hbm>>) target(%dma_start3A_96 : memref<16x256xf32, #tpu.memory_space<vmem>>) offsets(%dma_start3A_99 : memref<16xi32, #tpu.memory_space<vmem>>) semaphore(%arg16 : memref<!tpu.dma_semaphore, #tpu.memory_space<semaphore_mem>>)
    %mul3A_102 = arith.constant 256 : i32
    %mul3A_103 = arith.muli %rem3A_4, %mul3A_102 : i32
    %dma_start3A_104 = arith.constant 7 : i32
    %dma_start3A_105 = arith.constant 0 : i32
    %dma_start3A_106 = arith.constant 0 : i32
    %dma_start3A_107 = arith.constant 0 : i32
    %dma_start3A_108 = arith.constant 0 : i32
    %dma_start3A_109 = tpu.memref_slice %arg12[%dma_start3A_106, %dma_start3A_107, %dma_start3A_108] : memref<2x16x256xf32, #tpu.memory_space<vmem>> -> memref<1x16x256xf32, #tpu.memory_space<vmem>>
    %dma_start3A_110 = tpu.memref_squeeze %dma_start3A_109 : memref<1x16x256xf32, #tpu.memory_space<vmem>> -> memref<16x256xf32, #tpu.memory_space<vmem>>
    %dma_start3A_111 = arith.constant 0 : i32
    %dma_start3A_112 = tpu.memref_slice %arg14[%dma_start3A_104, %dma_start3A_105, %dma_start3A_111] : memref<9x16x16xi32, #tpu.memory_space<vmem>> -> memref<1x1x16xi32, #tpu.memory_space<vmem>>
    %dma_start3A_113 = tpu.memref_squeeze %dma_start3A_112 : memref<1x1x16xi32, #tpu.memory_space<vmem>> -> memref<16xi32, #tpu.memory_space<vmem>>
    %dma_start3A_114 = arith.constant 0 : i32
    %dma_start3A_115 = tpu.memref_slice %arg3[%dma_start3A_114, %mul3A_103] : memref<9252x2048xf32, #tpu.memory_space<hbm>> -> memref<9252x256xf32, #tpu.memory_space<hbm>>
    tpu.enqueue_indirect_dma source(%dma_start3A_115 : memref<9252x256xf32, #tpu.memory_space<hbm>>) target(%dma_start3A_110 : memref<16x256xf32, #tpu.memory_space<vmem>>) offsets(%dma_start3A_113 : memref<16xi32, #tpu.memory_space<vmem>>) semaphore(%arg16 : memref<!tpu.dma_semaphore, #tpu.memory_space<semaphore_mem>>)
    %mul3A_116 = arith.constant 256 : i32
    %mul3A_117 = arith.muli %rem3A_4, %mul3A_116 : i32
    %dma_start3A_118 = arith.constant 8 : i32
    %dma_start3A_119 = arith.constant 0 : i32
    %dma_start3A_120 = arith.constant 0 : i32
    %dma_start3A_121 = arith.constant 0 : i32
    %dma_start3A_122 = arith.constant 0 : i32
    %dma_start3A_123 = tpu.memref_slice %arg13[%dma_start3A_120, %dma_start3A_121, %dma_start3A_122] : memref<2x16x256xf32, #tpu.memory_space<vmem>> -> memref<1x16x256xf32, #tpu.memory_space<vmem>>
    %dma_start3A_124 = tpu.memref_squeeze %dma_start3A_123 : memref<1x16x256xf32, #tpu.memory_space<vmem>> -> memref<16x256xf32, #tpu.memory_space<vmem>>
    %dma_start3A_125 = arith.constant 0 : i32
    %dma_start3A_126 = tpu.memref_slice %arg14[%dma_start3A_118, %dma_start3A_119, %dma_start3A_125] : memref<9x16x16xi32, #tpu.memory_space<vmem>> -> memref<1x1x16xi32, #tpu.memory_space<vmem>>
    %dma_start3A_127 = tpu.memref_squeeze %dma_start3A_126 : memref<1x1x16xi32, #tpu.memory_space<vmem>> -> memref<16xi32, #tpu.memory_space<vmem>>
    %dma_start3A_128 = arith.constant 0 : i32
    %dma_start3A_129 = tpu.memref_slice %arg3[%dma_start3A_128, %mul3A_117] : memref<9252x2048xf32, #tpu.memory_space<hbm>> -> memref<9252x256xf32, #tpu.memory_space<hbm>>
    tpu.enqueue_indirect_dma source(%dma_start3A_129 : memref<9252x256xf32, #tpu.memory_space<hbm>>) target(%dma_start3A_124 : memref<16x256xf32, #tpu.memory_space<vmem>>) offsets(%dma_start3A_127 : memref<16xi32, #tpu.memory_space<vmem>>) semaphore(%arg16 : memref<!tpu.dma_semaphore, #tpu.memory_space<semaphore_mem>>)
    %scan3A = arith.constant 0 : i32
    %scan3A_130 = arith.constant 0 : i32
    %scan3A_131 = arith.constant 64 : i32
    %scan3A_132 = arith.addi %scan3A_130, %scan3A_131 : i32
    %scan3A_133 = arith.constant 1 : i32
    %scan3A_134 = scf.for %scan3A_175 = %scan3A_130 to %scan3A_132 step %scan3A_133 iter_args(%scan3A_176 = %scan3A) -> (i32)  : i32 {
      %mul3A_177 = arith.constant 2 : i32
      %mul3A_178 = arith.muli %scan3A_175, %mul3A_177 : i32
      %add3A_179 = arith.constant 0 : i32
      %add3A_180 = arith.addi %mul3A_178, %add3A_179 : i32
      %add3A_181 = arith.constant 1 : i32
      %add3A_182 = arith.addi %add3A_180, %add3A_181 : i32
      %lt3A = arith.constant 128 : i32
      %lt3A_183 = arith.cmpi slt, %add3A_182, %lt3A : i32
      %convert_element_type3A = arith.extui %lt3A_183 : i1 to i32
      %cond3A = arith.constant 0 : i32
      %cond3A_184 = arith.cmpi ne, %convert_element_type3A, %cond3A : i32
      scf.if %cond3A_184 {
        %add3A_587 = arith.constant 1 : i32
        %add3A_588 = arith.addi %add3A_180, %add3A_587 : i32
        %jit3A_589 = arith.constant 8 : i32
        %div3A_590 = arith.divsi %add3A_588, %jit3A_589 : i32
        %sign3A_591 = arith.constant 0 : i32
        %sign3A_592 = arith.cmpi sgt, %add3A_588, %sign3A_591 : i32
        %sign3A_593 = arith.extui %sign3A_592 : i1 to i32
        %sign3A_594 = arith.constant 0 : i32
        %sign3A_595 = arith.cmpi slt, %add3A_588, %sign3A_594 : i32
        %sign3A_596 = arith.extui %sign3A_595 : i1 to i32
        %sign3A_597 = arith.subi %sign3A_593, %sign3A_596 : i32
        %sign3A_598 = arith.constant 0 : i32
        %sign3A_599 = arith.cmpi sgt, %jit3A_589, %sign3A_598 : i32
        %sign3A_600 = arith.extui %sign3A_599 : i1 to i32
        %sign3A_601 = arith.constant 0 : i32
        %sign3A_602 = arith.cmpi slt, %jit3A_589, %sign3A_601 : i32
        %sign3A_603 = arith.extui %sign3A_602 : i1 to i32
        %sign3A_604 = arith.subi %sign3A_600, %sign3A_603 : i32
        %ne3A_605 = arith.cmpi ne, %sign3A_597, %sign3A_604 : i32
        %rem3A_606 = arith.remsi %add3A_588, %jit3A_589 : i32
        %ne3A_607 = arith.constant 0 : i32
        %ne3A_608 = arith.cmpi ne, %rem3A_606, %ne3A_607 : i32
        %and3A_609 = arith.andi %ne3A_605, %ne3A_608 : i1
        %sub3A_610 = arith.constant 1 : i32
        %sub3A_611 = arith.subi %div3A_590, %sub3A_610 : i32
        %select_n3A_612 = arith.select %and3A_609, %sub3A_611, %div3A_590 : i32
        %rem3A_613 = arith.constant 8 : i32
        %rem3A_614 = arith.remsi %add3A_588, %rem3A_613 : i32
        %mul3A_615 = arith.constant 256 : i32
        %mul3A_616 = arith.muli %rem3A_614, %mul3A_615 : i32
        %dma_start3A_617 = arith.constant 0 : i32
        %dma_start3A_618 = arith.constant 1 : i32
        %dma_start3A_619 = arith.constant 0 : i32
        %dma_start3A_620 = arith.constant 0 : i32
        %dma_start3A_621 = tpu.memref_slice %arg5[%dma_start3A_618, %dma_start3A_619, %dma_start3A_620] : memref<2x16x256xf32, #tpu.memory_space<vmem>> -> memref<1x16x256xf32, #tpu.memory_space<vmem>>
        %dma_start3A_622 = tpu.memref_squeeze %dma_start3A_621 : memref<1x16x256xf32, #tpu.memory_space<vmem>> -> memref<16x256xf32, #tpu.memory_space<vmem>>
        %dma_start3A_623 = arith.constant 0 : i32
        %dma_start3A_624 = tpu.memref_slice %arg14[%dma_start3A_617, %select_n3A_612, %dma_start3A_623] : memref<9x16x16xi32, #tpu.memory_space<vmem>> -> memref<1x1x16xi32, #tpu.memory_space<vmem>>
        %dma_start3A_625 = tpu.memref_squeeze %dma_start3A_624 : memref<1x1x16xi32, #tpu.memory_space<vmem>> -> memref<16xi32, #tpu.memory_space<vmem>>
        %dma_start3A_626 = arith.constant 0 : i32
        %dma_start3A_627 = tpu.memref_slice %arg3[%dma_start3A_626, %mul3A_616] : memref<9252x2048xf32, #tpu.memory_space<hbm>> -> memref<9252x256xf32, #tpu.memory_space<hbm>>
        tpu.enqueue_indirect_dma source(%dma_start3A_627 : memref<9252x256xf32, #tpu.memory_space<hbm>>) target(%dma_start3A_622 : memref<16x256xf32, #tpu.memory_space<vmem>>) offsets(%dma_start3A_625 : memref<16xi32, #tpu.memory_space<vmem>>) semaphore(%arg17 : memref<!tpu.dma_semaphore, #tpu.memory_space<semaphore_mem>>)
        %mul3A_628 = arith.constant 256 : i32
        %mul3A_629 = arith.muli %rem3A_614, %mul3A_628 : i32
        %dma_start3A_630 = arith.constant 1 : i32
        %dma_start3A_631 = arith.constant 1 : i32
        %dma_start3A_632 = arith.constant 0 : i32
        %dma_start3A_633 = arith.constant 0 : i32
        %dma_start3A_634 = tpu.memref_slice %arg6[%dma_start3A_631, %dma_start3A_632, %dma_start3A_633] : memref<2x16x256xf32, #tpu.memory_space<vmem>> -> memref<1x16x256xf32, #tpu.memory_space<vmem>>
        %dma_start3A_635 = tpu.memref_squeeze %dma_start3A_634 : memref<1x16x256xf32, #tpu.memory_space<vmem>> -> memref<16x256xf32, #tpu.memory_space<vmem>>
        %dma_start3A_636 = arith.constant 0 : i32
        %dma_start3A_637 = tpu.memref_slice %arg14[%dma_start3A_630, %select_n3A_612, %dma_start3A_636] : memref<9x16x16xi32, #tpu.memory_space<vmem>> -> memref<1x1x16xi32, #tpu.memory_space<vmem>>
        %dma_start3A_638 = tpu.memref_squeeze %dma_start3A_637 : memref<1x1x16xi32, #tpu.memory_space<vmem>> -> memref<16xi32, #tpu.memory_space<vmem>>
        %dma_start3A_639 = arith.constant 0 : i32
        %dma_start3A_640 = tpu.memref_slice %arg3[%dma_start3A_639, %mul3A_629] : memref<9252x2048xf32, #tpu.memory_space<hbm>> -> memref<9252x256xf32, #tpu.memory_space<hbm>>
        tpu.enqueue_indirect_dma source(%dma_start3A_640 : memref<9252x256xf32, #tpu.memory_space<hbm>>) target(%dma_start3A_635 : memref<16x256xf32, #tpu.memory_space<vmem>>) offsets(%dma_start3A_638 : memref<16xi32, #tpu.memory_space<vmem>>) semaphore(%arg17 : memref<!tpu.dma_semaphore, #tpu.memory_space<semaphore_mem>>)
        %mul3A_641 = arith.constant 256 : i32
        %mul3A_642 = arith.muli %rem3A_614, %mul3A_641 : i32
        %dma_start3A_643 = arith.constant 2 : i32
        %dma_start3A_644 = arith.constant 1 : i32
        %dma_start3A_645 = arith.constant 0 : i32
        %dma_start3A_646 = arith.constant 0 : i32
        %dma_start3A_647 = tpu.memref_slice %arg7[%dma_start3A_644, %dma_start3A_645, %dma_start3A_646] : memref<2x16x256xf32, #tpu.memory_space<vmem>> -> memref<1x16x256xf32, #tpu.memory_space<vmem>>
        %dma_start3A_648 = tpu.memref_squeeze %dma_start3A_647 : memref<1x16x256xf32, #tpu.memory_space<vmem>> -> memref<16x256xf32, #tpu.memory_space<vmem>>
        %dma_start3A_649 = arith.constant 0 : i32
        %dma_start3A_650 = tpu.memref_slice %arg14[%dma_start3A_643, %select_n3A_612, %dma_start3A_649] : memref<9x16x16xi32, #tpu.memory_space<vmem>> -> memref<1x1x16xi32, #tpu.memory_space<vmem>>
        %dma_start3A_651 = tpu.memref_squeeze %dma_start3A_650 : memref<1x1x16xi32, #tpu.memory_space<vmem>> -> memref<16xi32, #tpu.memory_space<vmem>>
        %dma_start3A_652 = arith.constant 0 : i32
        %dma_start3A_653 = tpu.memref_slice %arg3[%dma_start3A_652, %mul3A_642] : memref<9252x2048xf32, #tpu.memory_space<hbm>> -> memref<9252x256xf32, #tpu.memory_space<hbm>>
        tpu.enqueue_indirect_dma source(%dma_start3A_653 : memref<9252x256xf32, #tpu.memory_space<hbm>>) target(%dma_start3A_648 : memref<16x256xf32, #tpu.memory_space<vmem>>) offsets(%dma_start3A_651 : memref<16xi32, #tpu.memory_space<vmem>>) semaphore(%arg17 : memref<!tpu.dma_semaphore, #tpu.memory_space<semaphore_mem>>)
        %mul3A_654 = arith.constant 256 : i32
        %mul3A_655 = arith.muli %rem3A_614, %mul3A_654 : i32
        %dma_start3A_656 = arith.constant 3 : i32
        %dma_start3A_657 = arith.constant 1 : i32
        %dma_start3A_658 = arith.constant 0 : i32
        %dma_start3A_659 = arith.constant 0 : i32
        %dma_start3A_660 = tpu.memref_slice %arg8[%dma_start3A_657, %dma_start3A_658, %dma_start3A_659] : memref<2x16x256xf32, #tpu.memory_space<vmem>> -> memref<1x16x256xf32, #tpu.memory_space<vmem>>
        %dma_start3A_661 = tpu.memref_squeeze %dma_start3A_660 : memref<1x16x256xf32, #tpu.memory_space<vmem>> -> memref<16x256xf32, #tpu.memory_space<vmem>>
        %dma_start3A_662 = arith.constant 0 : i32
        %dma_start3A_663 = tpu.memref_slice %arg14[%dma_start3A_656, %select_n3A_612, %dma_start3A_662] : memref<9x16x16xi32, #tpu.memory_space<vmem>> -> memref<1x1x16xi32, #tpu.memory_space<vmem>>
        %dma_start3A_664 = tpu.memref_squeeze %dma_start3A_663 : memref<1x1x16xi32, #tpu.memory_space<vmem>> -> memref<16xi32, #tpu.memory_space<vmem>>
        %dma_start3A_665 = arith.constant 0 : i32
        %dma_start3A_666 = tpu.memref_slice %arg3[%dma_start3A_665, %mul3A_655] : memref<9252x2048xf32, #tpu.memory_space<hbm>> -> memref<9252x256xf32, #tpu.memory_space<hbm>>
        tpu.enqueue_indirect_dma source(%dma_start3A_666 : memref<9252x256xf32, #tpu.memory_space<hbm>>) target(%dma_start3A_661 : memref<16x256xf32, #tpu.memory_space<vmem>>) offsets(%dma_start3A_664 : memref<16xi32, #tpu.memory_space<vmem>>) semaphore(%arg17 : memref<!tpu.dma_semaphore, #tpu.memory_space<semaphore_mem>>)
        %mul3A_667 = arith.constant 256 : i32
        %mul3A_668 = arith.muli %rem3A_614, %mul3A_667 : i32
        %dma_start3A_669 = arith.constant 4 : i32
        %dma_start3A_670 = arith.constant 1 : i32
        %dma_start3A_671 = arith.constant 0 : i32
        %dma_start3A_672 = arith.constant 0 : i32
        %dma_start3A_673 = tpu.memref_slice %arg9[%dma_start3A_670, %dma_start3A_671, %dma_start3A_672] : memref<2x16x256xf32, #tpu.memory_space<vmem>> -> memref<1x16x256xf32, #tpu.memory_space<vmem>>
        %dma_start3A_674 = tpu.memref_squeeze %dma_start3A_673 : memref<1x16x256xf32, #tpu.memory_space<vmem>> -> memref<16x256xf32, #tpu.memory_space<vmem>>
        %dma_start3A_675 = arith.constant 0 : i32
        %dma_start3A_676 = tpu.memref_slice %arg14[%dma_start3A_669, %select_n3A_612, %dma_start3A_675] : memref<9x16x16xi32, #tpu.memory_space<vmem>> -> memref<1x1x16xi32, #tpu.memory_space<vmem>>
        %dma_start3A_677 = tpu.memref_squeeze %dma_start3A_676 : memref<1x1x16xi32, #tpu.memory_space<vmem>> -> memref<16xi32, #tpu.memory_space<vmem>>
        %dma_start3A_678 = arith.constant 0 : i32
        %dma_start3A_679 = tpu.memref_slice %arg3[%dma_start3A_678, %mul3A_668] : memref<9252x2048xf32, #tpu.memory_space<hbm>> -> memref<9252x256xf32, #tpu.memory_space<hbm>>
        tpu.enqueue_indirect_dma source(%dma_start3A_679 : memref<9252x256xf32, #tpu.memory_space<hbm>>) target(%dma_start3A_674 : memref<16x256xf32, #tpu.memory_space<vmem>>) offsets(%dma_start3A_677 : memref<16xi32, #tpu.memory_space<vmem>>) semaphore(%arg17 : memref<!tpu.dma_semaphore, #tpu.memory_space<semaphore_mem>>)
        %mul3A_680 = arith.constant 256 : i32
        %mul3A_681 = arith.muli %rem3A_614, %mul3A_680 : i32
        %dma_start3A_682 = arith.constant 5 : i32
        %dma_start3A_683 = arith.constant 1 : i32
        %dma_start3A_684 = arith.constant 0 : i32
        %dma_start3A_685 = arith.constant 0 : i32
        %dma_start3A_686 = tpu.memref_slice %arg10[%dma_start3A_683, %dma_start3A_684, %dma_start3A_685] : memref<2x16x256xf32, #tpu.memory_space<vmem>> -> memref<1x16x256xf32, #tpu.memory_space<vmem>>
        %dma_start3A_687 = tpu.memref_squeeze %dma_start3A_686 : memref<1x16x256xf32, #tpu.memory_space<vmem>> -> memref<16x256xf32, #tpu.memory_space<vmem>>
        %dma_start3A_688 = arith.constant 0 : i32
        %dma_start3A_689 = tpu.memref_slice %arg14[%dma_start3A_682, %select_n3A_612, %dma_start3A_688] : memref<9x16x16xi32, #tpu.memory_space<vmem>> -> memref<1x1x16xi32, #tpu.memory_space<vmem>>
        %dma_start3A_690 = tpu.memref_squeeze %dma_start3A_689 : memref<1x1x16xi32, #tpu.memory_space<vmem>> -> memref<16xi32, #tpu.memory_space<vmem>>
        %dma_start3A_691 = arith.constant 0 : i32
        %dma_start3A_692 = tpu.memref_slice %arg3[%dma_start3A_691, %mul3A_681] : memref<9252x2048xf32, #tpu.memory_space<hbm>> -> memref<9252x256xf32, #tpu.memory_space<hbm>>
        tpu.enqueue_indirect_dma source(%dma_start3A_692 : memref<9252x256xf32, #tpu.memory_space<hbm>>) target(%dma_start3A_687 : memref<16x256xf32, #tpu.memory_space<vmem>>) offsets(%dma_start3A_690 : memref<16xi32, #tpu.memory_space<vmem>>) semaphore(%arg17 : memref<!tpu.dma_semaphore, #tpu.memory_space<semaphore_mem>>)
        %mul3A_693 = arith.constant 256 : i32
        %mul3A_694 = arith.muli %rem3A_614, %mul3A_693 : i32
        %dma_start3A_695 = arith.constant 6 : i32
        %dma_start3A_696 = arith.constant 1 : i32
        %dma_start3A_697 = arith.constant 0 : i32
        %dma_start3A_698 = arith.constant 0 : i32
        %dma_start3A_699 = tpu.memref_slice %arg11[%dma_start3A_696, %dma_start3A_697, %dma_start3A_698] : memref<2x16x256xf32, #tpu.memory_space<vmem>> -> memref<1x16x256xf32, #tpu.memory_space<vmem>>
        %dma_start3A_700 = tpu.memref_squeeze %dma_start3A_699 : memref<1x16x256xf32, #tpu.memory_space<vmem>> -> memref<16x256xf32, #tpu.memory_space<vmem>>
        %dma_start3A_701 = arith.constant 0 : i32
        %dma_start3A_702 = tpu.memref_slice %arg14[%dma_start3A_695, %select_n3A_612, %dma_start3A_701] : memref<9x16x16xi32, #tpu.memory_space<vmem>> -> memref<1x1x16xi32, #tpu.memory_space<vmem>>
        %dma_start3A_703 = tpu.memref_squeeze %dma_start3A_702 : memref<1x1x16xi32, #tpu.memory_space<vmem>> -> memref<16xi32, #tpu.memory_space<vmem>>
        %dma_start3A_704 = arith.constant 0 : i32
        %dma_start3A_705 = tpu.memref_slice %arg3[%dma_start3A_704, %mul3A_694] : memref<9252x2048xf32, #tpu.memory_space<hbm>> -> memref<9252x256xf32, #tpu.memory_space<hbm>>
        tpu.enqueue_indirect_dma source(%dma_start3A_705 : memref<9252x256xf32, #tpu.memory_space<hbm>>) target(%dma_start3A_700 : memref<16x256xf32, #tpu.memory_space<vmem>>) offsets(%dma_start3A_703 : memref<16xi32, #tpu.memory_space<vmem>>) semaphore(%arg17 : memref<!tpu.dma_semaphore, #tpu.memory_space<semaphore_mem>>)
        %mul3A_706 = arith.constant 256 : i32
        %mul3A_707 = arith.muli %rem3A_614, %mul3A_706 : i32
        %dma_start3A_708 = arith.constant 7 : i32
        %dma_start3A_709 = arith.constant 1 : i32
        %dma_start3A_710 = arith.constant 0 : i32
        %dma_start3A_711 = arith.constant 0 : i32
        %dma_start3A_712 = tpu.memref_slice %arg12[%dma_start3A_709, %dma_start3A_710, %dma_start3A_711] : memref<2x16x256xf32, #tpu.memory_space<vmem>> -> memref<1x16x256xf32, #tpu.memory_space<vmem>>
        %dma_start3A_713 = tpu.memref_squeeze %dma_start3A_712 : memref<1x16x256xf32, #tpu.memory_space<vmem>> -> memref<16x256xf32, #tpu.memory_space<vmem>>
        %dma_start3A_714 = arith.constant 0 : i32
        %dma_start3A_715 = tpu.memref_slice %arg14[%dma_start3A_708, %select_n3A_612, %dma_start3A_714] : memref<9x16x16xi32, #tpu.memory_space<vmem>> -> memref<1x1x16xi32, #tpu.memory_space<vmem>>
        %dma_start3A_716 = tpu.memref_squeeze %dma_start3A_715 : memref<1x1x16xi32, #tpu.memory_space<vmem>> -> memref<16xi32, #tpu.memory_space<vmem>>
        %dma_start3A_717 = arith.constant 0 : i32
        %dma_start3A_718 = tpu.memref_slice %arg3[%dma_start3A_717, %mul3A_707] : memref<9252x2048xf32, #tpu.memory_space<hbm>> -> memref<9252x256xf32, #tpu.memory_space<hbm>>
        tpu.enqueue_indirect_dma source(%dma_start3A_718 : memref<9252x256xf32, #tpu.memory_space<hbm>>) target(%dma_start3A_713 : memref<16x256xf32, #tpu.memory_space<vmem>>) offsets(%dma_start3A_716 : memref<16xi32, #tpu.memory_space<vmem>>) semaphore(%arg17 : memref<!tpu.dma_semaphore, #tpu.memory_space<semaphore_mem>>)
        %mul3A_719 = arith.constant 256 : i32
        %mul3A_720 = arith.muli %rem3A_614, %mul3A_719 : i32
        %dma_start3A_721 = arith.constant 8 : i32
        %dma_start3A_722 = arith.constant 1 : i32
        %dma_start3A_723 = arith.constant 0 : i32
        %dma_start3A_724 = arith.constant 0 : i32
        %dma_start3A_725 = tpu.memref_slice %arg13[%dma_start3A_722, %dma_start3A_723, %dma_start3A_724] : memref<2x16x256xf32, #tpu.memory_space<vmem>> -> memref<1x16x256xf32, #tpu.memory_space<vmem>>
        %dma_start3A_726 = tpu.memref_squeeze %dma_start3A_725 : memref<1x16x256xf32, #tpu.memory_space<vmem>> -> memref<16x256xf32, #tpu.memory_space<vmem>>
        %dma_start3A_727 = arith.constant 0 : i32
        %dma_start3A_728 = tpu.memref_slice %arg14[%dma_start3A_721, %select_n3A_612, %dma_start3A_727] : memref<9x16x16xi32, #tpu.memory_space<vmem>> -> memref<1x1x16xi32, #tpu.memory_space<vmem>>
        %dma_start3A_729 = tpu.memref_squeeze %dma_start3A_728 : memref<1x1x16xi32, #tpu.memory_space<vmem>> -> memref<16xi32, #tpu.memory_space<vmem>>
        %dma_start3A_730 = arith.constant 0 : i32
        %dma_start3A_731 = tpu.memref_slice %arg3[%dma_start3A_730, %mul3A_720] : memref<9252x2048xf32, #tpu.memory_space<hbm>> -> memref<9252x256xf32, #tpu.memory_space<hbm>>
        tpu.enqueue_indirect_dma source(%dma_start3A_731 : memref<9252x256xf32, #tpu.memory_space<hbm>>) target(%dma_start3A_726 : memref<16x256xf32, #tpu.memory_space<vmem>>) offsets(%dma_start3A_729 : memref<16xi32, #tpu.memory_space<vmem>>) semaphore(%arg17 : memref<!tpu.dma_semaphore, #tpu.memory_space<semaphore_mem>>)
      } else {
      }
      %jit3A = arith.constant 8 : i32
      %div3A = arith.divsi %add3A_180, %jit3A : i32
      %sign3A = arith.constant 0 : i32
      %sign3A_185 = arith.cmpi sgt, %add3A_180, %sign3A : i32
      %sign3A_186 = arith.extui %sign3A_185 : i1 to i32
      %sign3A_187 = arith.constant 0 : i32
      %sign3A_188 = arith.cmpi slt, %add3A_180, %sign3A_187 : i32
      %sign3A_189 = arith.extui %sign3A_188 : i1 to i32
      %sign3A_190 = arith.subi %sign3A_186, %sign3A_189 : i32
      %sign3A_191 = arith.constant 0 : i32
      %sign3A_192 = arith.cmpi sgt, %jit3A, %sign3A_191 : i32
      %sign3A_193 = arith.extui %sign3A_192 : i1 to i32
      %sign3A_194 = arith.constant 0 : i32
      %sign3A_195 = arith.cmpi slt, %jit3A, %sign3A_194 : i32
      %sign3A_196 = arith.extui %sign3A_195 : i1 to i32
      %sign3A_197 = arith.subi %sign3A_193, %sign3A_196 : i32
      %ne3A = arith.cmpi ne, %sign3A_190, %sign3A_197 : i32
      %rem3A_198 = arith.remsi %add3A_180, %jit3A : i32
      %ne3A_199 = arith.constant 0 : i32
      %ne3A_200 = arith.cmpi ne, %rem3A_198, %ne3A_199 : i32
      %and3A = arith.andi %ne3A, %ne3A_200 : i1
      %sub3A = arith.constant 1 : i32
      %sub3A_201 = arith.subi %div3A, %sub3A : i32
      %select_n3A = arith.select %and3A, %sub3A_201, %div3A : i32
      %rem3A_202 = arith.constant 8 : i32
      %rem3A_203 = arith.remsi %add3A_180, %rem3A_202 : i32
      %mul3A_204 = arith.constant 256 : i32
      %mul3A_205 = arith.muli %rem3A_203, %mul3A_204 : i32
      %dma_wait3A_206 = arith.constant 0 : i32
      %dma_wait3A_207 = arith.constant 0 : i32
      %dma_wait3A_208 = arith.constant 0 : i32
      %dma_wait3A_209 = arith.constant 0 : i32
      %dma_wait3A_210 = tpu.memref_slice %arg5[%dma_wait3A_207, %dma_wait3A_208, %dma_wait3A_209] : memref<2x16x256xf32, #tpu.memory_space<vmem>> -> memref<1x16x256xf32, #tpu.memory_space<vmem>>
      %dma_wait3A_211 = tpu.memref_squeeze %dma_wait3A_210 : memref<1x16x256xf32, #tpu.memory_space<vmem>> -> memref<16x256xf32, #tpu.memory_space<vmem>>
      %dma_wait3A_212 = arith.constant 0 : i32
      %dma_wait3A_213 = tpu.memref_slice %arg14[%dma_wait3A_206, %select_n3A, %dma_wait3A_212] : memref<9x16x16xi32, #tpu.memory_space<vmem>> -> memref<1x1x16xi32, #tpu.memory_space<vmem>>
      %dma_wait3A_214 = tpu.memref_squeeze %dma_wait3A_213 : memref<1x1x16xi32, #tpu.memory_space<vmem>> -> memref<16xi32, #tpu.memory_space<vmem>>
      %dma_wait3A_215 = arith.constant 0 : i32
      %dma_wait3A_216 = tpu.memref_slice %arg3[%dma_wait3A_215, %mul3A_205] : memref<9252x2048xf32, #tpu.memory_space<hbm>> -> memref<9252x256xf32, #tpu.memory_space<hbm>>
      tpu.wait_indirect_dma semaphore(%arg16 : memref<!tpu.dma_semaphore, #tpu.memory_space<semaphore_mem>>) src(%dma_wait3A_216 : memref<9252x256xf32, #tpu.memory_space<hbm>>) dst(%dma_wait3A_211 : memref<16x256xf32, #tpu.memory_space<vmem>>)
      %mul3A_217 = arith.constant 256 : i32
      %mul3A_218 = arith.muli %rem3A_203, %mul3A_217 : i32
      %dma_wait3A_219 = arith.constant 1 : i32
      %dma_wait3A_220 = arith.constant 0 : i32
      %dma_wait3A_221 = arith.constant 0 : i32
      %dma_wait3A_222 = arith.constant 0 : i32
      %dma_wait3A_223 = tpu.memref_slice %arg6[%dma_wait3A_220, %dma_wait3A_221, %dma_wait3A_222] : memref<2x16x256xf32, #tpu.memory_space<vmem>> -> memref<1x16x256xf32, #tpu.memory_space<vmem>>
      %dma_wait3A_224 = tpu.memref_squeeze %dma_wait3A_223 : memref<1x16x256xf32, #tpu.memory_space<vmem>> -> memref<16x256xf32, #tpu.memory_space<vmem>>
      %dma_wait3A_225 = arith.constant 0 : i32
      %dma_wait3A_226 = tpu.memref_slice %arg14[%dma_wait3A_219, %select_n3A, %dma_wait3A_225] : memref<9x16x16xi32, #tpu.memory_space<vmem>> -> memref<1x1x16xi32, #tpu.memory_space<vmem>>
      %dma_wait3A_227 = tpu.memref_squeeze %dma_wait3A_226 : memref<1x1x16xi32, #tpu.memory_space<vmem>> -> memref<16xi32, #tpu.memory_space<vmem>>
      %dma_wait3A_228 = arith.constant 0 : i32
      %dma_wait3A_229 = tpu.memref_slice %arg3[%dma_wait3A_228, %mul3A_218] : memref<9252x2048xf32, #tpu.memory_space<hbm>> -> memref<9252x256xf32, #tpu.memory_space<hbm>>
      tpu.wait_indirect_dma semaphore(%arg16 : memref<!tpu.dma_semaphore, #tpu.memory_space<semaphore_mem>>) src(%dma_wait3A_229 : memref<9252x256xf32, #tpu.memory_space<hbm>>) dst(%dma_wait3A_224 : memref<16x256xf32, #tpu.memory_space<vmem>>)
      %mul3A_230 = arith.constant 256 : i32
      %mul3A_231 = arith.muli %rem3A_203, %mul3A_230 : i32
      %dma_wait3A_232 = arith.constant 2 : i32
      %dma_wait3A_233 = arith.constant 0 : i32
      %dma_wait3A_234 = arith.constant 0 : i32
      %dma_wait3A_235 = arith.constant 0 : i32
      %dma_wait3A_236 = tpu.memref_slice %arg7[%dma_wait3A_233, %dma_wait3A_234, %dma_wait3A_235] : memref<2x16x256xf32, #tpu.memory_space<vmem>> -> memref<1x16x256xf32, #tpu.memory_space<vmem>>
      %dma_wait3A_237 = tpu.memref_squeeze %dma_wait3A_236 : memref<1x16x256xf32, #tpu.memory_space<vmem>> -> memref<16x256xf32, #tpu.memory_space<vmem>>
      %dma_wait3A_238 = arith.constant 0 : i32
      %dma_wait3A_239 = tpu.memref_slice %arg14[%dma_wait3A_232, %select_n3A, %dma_wait3A_238] : memref<9x16x16xi32, #tpu.memory_space<vmem>> -> memref<1x1x16xi32, #tpu.memory_space<vmem>>
      %dma_wait3A_240 = tpu.memref_squeeze %dma_wait3A_239 : memref<1x1x16xi32, #tpu.memory_space<vmem>> -> memref<16xi32, #tpu.memory_space<vmem>>
      %dma_wait3A_241 = arith.constant 0 : i32
      %dma_wait3A_242 = tpu.memref_slice %arg3[%dma_wait3A_241, %mul3A_231] : memref<9252x2048xf32, #tpu.memory_space<hbm>> -> memref<9252x256xf32, #tpu.memory_space<hbm>>
      tpu.wait_indirect_dma semaphore(%arg16 : memref<!tpu.dma_semaphore, #tpu.memory_space<semaphore_mem>>) src(%dma_wait3A_242 : memref<9252x256xf32, #tpu.memory_space<hbm>>) dst(%dma_wait3A_237 : memref<16x256xf32, #tpu.memory_space<vmem>>)
      %mul3A_243 = arith.constant 256 : i32
      %mul3A_244 = arith.muli %rem3A_203, %mul3A_243 : i32
      %dma_wait3A_245 = arith.constant 3 : i32
      %dma_wait3A_246 = arith.constant 0 : i32
      %dma_wait3A_247 = arith.constant 0 : i32
      %dma_wait3A_248 = arith.constant 0 : i32
      %dma_wait3A_249 = tpu.memref_slice %arg8[%dma_wait3A_246, %dma_wait3A_247, %dma_wait3A_248] : memref<2x16x256xf32, #tpu.memory_space<vmem>> -> memref<1x16x256xf32, #tpu.memory_space<vmem>>
      %dma_wait3A_250 = tpu.memref_squeeze %dma_wait3A_249 : memref<1x16x256xf32, #tpu.memory_space<vmem>> -> memref<16x256xf32, #tpu.memory_space<vmem>>
      %dma_wait3A_251 = arith.constant 0 : i32
      %dma_wait3A_252 = tpu.memref_slice %arg14[%dma_wait3A_245, %select_n3A, %dma_wait3A_251] : memref<9x16x16xi32, #tpu.memory_space<vmem>> -> memref<1x1x16xi32, #tpu.memory_space<vmem>>
      %dma_wait3A_253 = tpu.memref_squeeze %dma_wait3A_252 : memref<1x1x16xi32, #tpu.memory_space<vmem>> -> memref<16xi32, #tpu.memory_space<vmem>>
      %dma_wait3A_254 = arith.constant 0 : i32
      %dma_wait3A_255 = tpu.memref_slice %arg3[%dma_wait3A_254, %mul3A_244] : memref<9252x2048xf32, #tpu.memory_space<hbm>> -> memref<9252x256xf32, #tpu.memory_space<hbm>>
      tpu.wait_indirect_dma semaphore(%arg16 : memref<!tpu.dma_semaphore, #tpu.memory_space<semaphore_mem>>) src(%dma_wait3A_255 : memref<9252x256xf32, #tpu.memory_space<hbm>>) dst(%dma_wait3A_250 : memref<16x256xf32, #tpu.memory_space<vmem>>)
      %mul3A_256 = arith.constant 256 : i32
      %mul3A_257 = arith.muli %rem3A_203, %mul3A_256 : i32
      %dma_wait3A_258 = arith.constant 4 : i32
      %dma_wait3A_259 = arith.constant 0 : i32
      %dma_wait3A_260 = arith.constant 0 : i32
      %dma_wait3A_261 = arith.constant 0 : i32
      %dma_wait3A_262 = tpu.memref_slice %arg9[%dma_wait3A_259, %dma_wait3A_260, %dma_wait3A_261] : memref<2x16x256xf32, #tpu.memory_space<vmem>> -> memref<1x16x256xf32, #tpu.memory_space<vmem>>
      %dma_wait3A_263 = tpu.memref_squeeze %dma_wait3A_262 : memref<1x16x256xf32, #tpu.memory_space<vmem>> -> memref<16x256xf32, #tpu.memory_space<vmem>>
      %dma_wait3A_264 = arith.constant 0 : i32
      %dma_wait3A_265 = tpu.memref_slice %arg14[%dma_wait3A_258, %select_n3A, %dma_wait3A_264] : memref<9x16x16xi32, #tpu.memory_space<vmem>> -> memref<1x1x16xi32, #tpu.memory_space<vmem>>
      %dma_wait3A_266 = tpu.memref_squeeze %dma_wait3A_265 : memref<1x1x16xi32, #tpu.memory_space<vmem>> -> memref<16xi32, #tpu.memory_space<vmem>>
      %dma_wait3A_267 = arith.constant 0 : i32
      %dma_wait3A_268 = tpu.memref_slice %arg3[%dma_wait3A_267, %mul3A_257] : memref<9252x2048xf32, #tpu.memory_space<hbm>> -> memref<9252x256xf32, #tpu.memory_space<hbm>>
      tpu.wait_indirect_dma semaphore(%arg16 : memref<!tpu.dma_semaphore, #tpu.memory_space<semaphore_mem>>) src(%dma_wait3A_268 : memref<9252x256xf32, #tpu.memory_space<hbm>>) dst(%dma_wait3A_263 : memref<16x256xf32, #tpu.memory_space<vmem>>)
      %mul3A_269 = arith.constant 256 : i32
      %mul3A_270 = arith.muli %rem3A_203, %mul3A_269 : i32
      %dma_wait3A_271 = arith.constant 5 : i32
      %dma_wait3A_272 = arith.constant 0 : i32
      %dma_wait3A_273 = arith.constant 0 : i32
      %dma_wait3A_274 = arith.constant 0 : i32
      %dma_wait3A_275 = tpu.memref_slice %arg10[%dma_wait3A_272, %dma_wait3A_273, %dma_wait3A_274] : memref<2x16x256xf32, #tpu.memory_space<vmem>> -> memref<1x16x256xf32, #tpu.memory_space<vmem>>
      %dma_wait3A_276 = tpu.memref_squeeze %dma_wait3A_275 : memref<1x16x256xf32, #tpu.memory_space<vmem>> -> memref<16x256xf32, #tpu.memory_space<vmem>>
      %dma_wait3A_277 = arith.constant 0 : i32
      %dma_wait3A_278 = tpu.memref_slice %arg14[%dma_wait3A_271, %select_n3A, %dma_wait3A_277] : memref<9x16x16xi32, #tpu.memory_space<vmem>> -> memref<1x1x16xi32, #tpu.memory_space<vmem>>
      %dma_wait3A_279 = tpu.memref_squeeze %dma_wait3A_278 : memref<1x1x16xi32, #tpu.memory_space<vmem>> -> memref<16xi32, #tpu.memory_space<vmem>>
      %dma_wait3A_280 = arith.constant 0 : i32
      %dma_wait3A_281 = tpu.memref_slice %arg3[%dma_wait3A_280, %mul3A_270] : memref<9252x2048xf32, #tpu.memory_space<hbm>> -> memref<9252x256xf32, #tpu.memory_space<hbm>>
      tpu.wait_indirect_dma semaphore(%arg16 : memref<!tpu.dma_semaphore, #tpu.memory_space<semaphore_mem>>) src(%dma_wait3A_281 : memref<9252x256xf32, #tpu.memory_space<hbm>>) dst(%dma_wait3A_276 : memref<16x256xf32, #tpu.memory_space<vmem>>)
      %mul3A_282 = arith.constant 256 : i32
      %mul3A_283 = arith.muli %rem3A_203, %mul3A_282 : i32
      %dma_wait3A_284 = arith.constant 6 : i32
      %dma_wait3A_285 = arith.constant 0 : i32
      %dma_wait3A_286 = arith.constant 0 : i32
      %dma_wait3A_287 = arith.constant 0 : i32
      %dma_wait3A_288 = tpu.memref_slice %arg11[%dma_wait3A_285, %dma_wait3A_286, %dma_wait3A_287] : memref<2x16x256xf32, #tpu.memory_space<vmem>> -> memref<1x16x256xf32, #tpu.memory_space<vmem>>
      %dma_wait3A_289 = tpu.memref_squeeze %dma_wait3A_288 : memref<1x16x256xf32, #tpu.memory_space<vmem>> -> memref<16x256xf32, #tpu.memory_space<vmem>>
      %dma_wait3A_290 = arith.constant 0 : i32
      %dma_wait3A_291 = tpu.memref_slice %arg14[%dma_wait3A_284, %select_n3A, %dma_wait3A_290] : memref<9x16x16xi32, #tpu.memory_space<vmem>> -> memref<1x1x16xi32, #tpu.memory_space<vmem>>
      %dma_wait3A_292 = tpu.memref_squeeze %dma_wait3A_291 : memref<1x1x16xi32, #tpu.memory_space<vmem>> -> memref<16xi32, #tpu.memory_space<vmem>>
      %dma_wait3A_293 = arith.constant 0 : i32
      %dma_wait3A_294 = tpu.memref_slice %arg3[%dma_wait3A_293, %mul3A_283] : memref<9252x2048xf32, #tpu.memory_space<hbm>> -> memref<9252x256xf32, #tpu.memory_space<hbm>>
      tpu.wait_indirect_dma semaphore(%arg16 : memref<!tpu.dma_semaphore, #tpu.memory_space<semaphore_mem>>) src(%dma_wait3A_294 : memref<9252x256xf32, #tpu.memory_space<hbm>>) dst(%dma_wait3A_289 : memref<16x256xf32, #tpu.memory_space<vmem>>)
      %mul3A_295 = arith.constant 256 : i32
      %mul3A_296 = arith.muli %rem3A_203, %mul3A_295 : i32
      %dma_wait3A_297 = arith.constant 7 : i32
      %dma_wait3A_298 = arith.constant 0 : i32
      %dma_wait3A_299 = arith.constant 0 : i32
      %dma_wait3A_300 = arith.constant 0 : i32
      %dma_wait3A_301 = tpu.memref_slice %arg12[%dma_wait3A_298, %dma_wait3A_299, %dma_wait3A_300] : memref<2x16x256xf32, #tpu.memory_space<vmem>> -> memref<1x16x256xf32, #tpu.memory_space<vmem>>
      %dma_wait3A_302 = tpu.memref_squeeze %dma_wait3A_301 : memref<1x16x256xf32, #tpu.memory_space<vmem>> -> memref<16x256xf32, #tpu.memory_space<vmem>>
      %dma_wait3A_303 = arith.constant 0 : i32
      %dma_wait3A_304 = tpu.memref_slice %arg14[%dma_wait3A_297, %select_n3A, %dma_wait3A_303] : memref<9x16x16xi32, #tpu.memory_space<vmem>> -> memref<1x1x16xi32, #tpu.memory_space<vmem>>
      %dma_wait3A_305 = tpu.memref_squeeze %dma_wait3A_304 : memref<1x1x16xi32, #tpu.memory_space<vmem>> -> memref<16xi32, #tpu.memory_space<vmem>>
      %dma_wait3A_306 = arith.constant 0 : i32
      %dma_wait3A_307 = tpu.memref_slice %arg3[%dma_wait3A_306, %mul3A_296] : memref<9252x2048xf32, #tpu.memory_space<hbm>> -> memref<9252x256xf32, #tpu.memory_space<hbm>>
      tpu.wait_indirect_dma semaphore(%arg16 : memref<!tpu.dma_semaphore, #tpu.memory_space<semaphore_mem>>) src(%dma_wait3A_307 : memref<9252x256xf32, #tpu.memory_space<hbm>>) dst(%dma_wait3A_302 : memref<16x256xf32, #tpu.memory_space<vmem>>)
      %mul3A_308 = arith.constant 256 : i32
      %mul3A_309 = arith.muli %rem3A_203, %mul3A_308 : i32
      %dma_wait3A_310 = arith.constant 8 : i32
      %dma_wait3A_311 = arith.constant 0 : i32
      %dma_wait3A_312 = arith.constant 0 : i32
      %dma_wait3A_313 = arith.constant 0 : i32
      %dma_wait3A_314 = tpu.memref_slice %arg13[%dma_wait3A_311, %dma_wait3A_312, %dma_wait3A_313] : memref<2x16x256xf32, #tpu.memory_space<vmem>> -> memref<1x16x256xf32, #tpu.memory_space<vmem>>
      %dma_wait3A_315 = tpu.memref_squeeze %dma_wait3A_314 : memref<1x16x256xf32, #tpu.memory_space<vmem>> -> memref<16x256xf32, #tpu.memory_space<vmem>>
      %dma_wait3A_316 = arith.constant 0 : i32
      %dma_wait3A_317 = tpu.memref_slice %arg14[%dma_wait3A_310, %select_n3A, %dma_wait3A_316] : memref<9x16x16xi32, #tpu.memory_space<vmem>> -> memref<1x1x16xi32, #tpu.memory_space<vmem>>
      %dma_wait3A_318 = tpu.memref_squeeze %dma_wait3A_317 : memref<1x1x16xi32, #tpu.memory_space<vmem>> -> memref<16xi32, #tpu.memory_space<vmem>>
      %dma_wait3A_319 = arith.constant 0 : i32
      %dma_wait3A_320 = tpu.memref_slice %arg3[%dma_wait3A_319, %mul3A_309] : memref<9252x2048xf32, #tpu.memory_space<hbm>> -> memref<9252x256xf32, #tpu.memory_space<hbm>>
      tpu.wait_indirect_dma semaphore(%arg16 : memref<!tpu.dma_semaphore, #tpu.memory_space<semaphore_mem>>) src(%dma_wait3A_320 : memref<9252x256xf32, #tpu.memory_space<hbm>>) dst(%dma_wait3A_315 : memref<16x256xf32, #tpu.memory_space<vmem>>)
      %ge3A = arith.constant 2 : i32
      %ge3A_321 = arith.cmpi sge, %add3A_180, %ge3A : i32
      %convert_element_type3A_322 = arith.extui %ge3A_321 : i1 to i32
      %cond3A_323 = arith.constant 0 : i32
      %cond3A_324 = arith.cmpi ne, %convert_element_type3A_322, %cond3A_323 : i32
      scf.if %cond3A_324 {
        %jit3A_587 = arith.constant 8 : i32
        %div3A_588 = arith.divsi %add3A_180, %jit3A_587 : i32
        %sign3A_589 = arith.constant 0 : i32
        %sign3A_590 = arith.cmpi sgt, %add3A_180, %sign3A_589 : i32
        %sign3A_591 = arith.extui %sign3A_590 : i1 to i32
        %sign3A_592 = arith.constant 0 : i32
        %sign3A_593 = arith.cmpi slt, %add3A_180, %sign3A_592 : i32
        %sign3A_594 = arith.extui %sign3A_593 : i1 to i32
        %sign3A_595 = arith.subi %sign3A_591, %sign3A_594 : i32
        %sign3A_596 = arith.constant 0 : i32
        %sign3A_597 = arith.cmpi sgt, %jit3A_587, %sign3A_596 : i32
        %sign3A_598 = arith.extui %sign3A_597 : i1 to i32
        %sign3A_599 = arith.constant 0 : i32
        %sign3A_600 = arith.cmpi slt, %jit3A_587, %sign3A_599 : i32
        %sign3A_601 = arith.extui %sign3A_600 : i1 to i32
        %sign3A_602 = arith.subi %sign3A_598, %sign3A_601 : i32
        %ne3A_603 = arith.cmpi ne, %sign3A_595, %sign3A_602 : i32
        %rem3A_604 = arith.remsi %add3A_180, %jit3A_587 : i32
        %ne3A_605 = arith.constant 0 : i32
        %ne3A_606 = arith.cmpi ne, %rem3A_604, %ne3A_605 : i32
        %and3A_607 = arith.andi %ne3A_603, %ne3A_606 : i1
        %sub3A_608 = arith.constant 1 : i32
        %sub3A_609 = arith.subi %div3A_588, %sub3A_608 : i32
        %select_n3A_610 = arith.select %and3A_607, %sub3A_609, %div3A_588 : i32
        %rem3A_611 = arith.constant 8 : i32
        %rem3A_612 = arith.remsi %add3A_180, %rem3A_611 : i32
        %mul3A_613 = arith.constant 256 : i32
        %mul3A_614 = arith.muli %add3A, %mul3A_613 : i32
        %mul3A_615 = arith.constant 16 : i32
        %mul3A_616 = arith.muli %select_n3A_610, %mul3A_615 : i32
        %add3A_617 = arith.addi %mul3A_614, %mul3A_616 : i32
        %mul3A_618 = arith.constant 256 : i32
        %mul3A_619 = arith.muli %rem3A_612, %mul3A_618 : i32
        %dma_wait3A_620 = arith.constant 0 : i32
        %dma_wait3A_621 = arith.constant 0 : i32
        %dma_wait3A_622 = arith.constant 0 : i32
        %dma_wait3A_623 = tpu.memref_slice %arg15[%dma_wait3A_620, %dma_wait3A_621, %dma_wait3A_622] : memref<2x16x256xf32, #tpu.memory_space<vmem>> -> memref<1x16x256xf32, #tpu.memory_space<vmem>>
        %dma_wait3A_624 = tpu.memref_squeeze %dma_wait3A_623 : memref<1x16x256xf32, #tpu.memory_space<vmem>> -> memref<16x256xf32, #tpu.memory_space<vmem>>
        %dma_wait3A_625 = tpu.memref_slice %arg4[%add3A_617, %mul3A_619] : memref<8192x2048xf32, #tpu.memory_space<hbm>> -> memref<16x256xf32, #tpu.memory_space<hbm>>
        %dma_wait3A_626 = tpu.memref_slice %arg4[%add3A_617, %mul3A_619] : memref<8192x2048xf32, #tpu.memory_space<hbm>> -> memref<16x256xf32, #tpu.memory_space<hbm>>
        %dma_wait3A_627 = arith.constant 0 : i32
        %dma_wait3A_628 = arith.constant 0 : i32
        %dma_wait3A_629 = tpu.memref_slice %arg15[%dma_wait3A_620, %dma_wait3A_627, %dma_wait3A_628] : memref<2x16x256xf32, #tpu.memory_space<vmem>> -> memref<1x16x256xf32, #tpu.memory_space<vmem>>
        %dma_wait3A_630 = tpu.memref_squeeze %dma_wait3A_629 : memref<1x16x256xf32, #tpu.memory_space<vmem>> -> memref<16x256xf32, #tpu.memory_space<vmem>>
        tpu.wait_dma2 semaphore(%arg18 : memref<!tpu.dma_semaphore, #tpu.memory_space<semaphore_mem>>) src(%dma_wait3A_630 : memref<16x256xf32, #tpu.memory_space<vmem>>) dst(%dma_wait3A_626 : memref<16x256xf32, #tpu.memory_space<hbm>>)
      } else {
      }
      %scan3A_325 = arith.constant 0 : i32
      %scan3A_326 = arith.constant 0 : i32
      %scan3A_327 = arith.constant 16 : i32
      %scan3A_328 = arith.addi %scan3A_326, %scan3A_327 : i32
      %scan3A_329 = arith.constant 1 : i32
      %scan3A_330 = scf.for %scan3A_587 = %scan3A_326 to %scan3A_328 step %scan3A_329 iter_args(%scan3A_588 = %scan3A_325) -> (i32)  : i32 {
        %mul3A_589 = arith.constant 16 : i32
        %mul3A_590 = arith.muli %scan3A_587, %mul3A_589 : i32
        %get3A = arith.constant 0 : i32
        %get3A_591 = arith.constant 0 : i32
        %get3A_592 = arith.index_cast %get3A : i32 to index
        %get3A_593 = arith.index_cast %get3A_591 : i32 to index
        %get3A_594 = arith.index_cast %mul3A_590 : i32 to index
        %get3A_595 = tpu.vector_load %arg5[%get3A_592, %get3A_593, %get3A_594] {strides = array<i32>} : memref<2x16x256xf32, #tpu.memory_space<vmem>>, vector<1x1x16xf32>,
        %get3A_596 = vector.shape_cast %get3A_595 : vector<1x1x16xf32> to vector<16xf32>
        %get3A_597 = arith.constant 0 : i32
        %get3A_598 = arith.constant 0 : i32
        %get3A_599 = arith.index_cast %get3A_597 : i32 to index
        %get3A_600 = arith.index_cast %get3A_598 : i32 to index
        %get3A_601 = arith.index_cast %mul3A_590 : i32 to index
        %get3A_602 = tpu.vector_load %arg6[%get3A_599, %get3A_600, %get3A_601] {strides = array<i32>} : memref<2x16x256xf32, #tpu.memory_space<vmem>>, vector<1x1x16xf32>,
        %get3A_603 = vector.shape_cast %get3A_602 : vector<1x1x16xf32> to vector<16xf32>
        %add3A_604 = arith.addf %get3A_596, %get3A_603 : vector<16xf32>
        %get3A_605 = arith.constant 0 : i32
        %get3A_606 = arith.constant 0 : i32
        %get3A_607 = arith.index_cast %get3A_605 : i32 to index
        %get3A_608 = arith.index_cast %get3A_606 : i32 to index
        %get3A_609 = arith.index_cast %mul3A_590 : i32 to index
        %get3A_610 = tpu.vector_load %arg7[%get3A_607, %get3A_608, %get3A_609] {strides = array<i32>} : memref<2x16x256xf32, #tpu.memory_space<vmem>>, vector<1x1x16xf32>,
        %get3A_611 = vector.shape_cast %get3A_610 : vector<1x1x16xf32> to vector<16xf32>
        %add3A_612 = arith.addf %add3A_604, %get3A_611 : vector<16xf32>
        %get3A_613 = arith.constant 0 : i32
        %get3A_614 = arith.constant 0 : i32
        %get3A_615 = arith.index_cast %get3A_613 : i32 to index
        %get3A_616 = arith.index_cast %get3A_614 : i32 to index
        %get3A_617 = arith.index_cast %mul3A_590 : i32 to index
        %get3A_618 = tpu.vector_load %arg8[%get3A_615, %get3A_616, %get3A_617] {strides = array<i32>} : memref<2x16x256xf32, #tpu.memory_space<vmem>>, vector<1x1x16xf32>,
        %get3A_619 = vector.shape_cast %get3A_618 : vector<1x1x16xf32> to vector<16xf32>
        %add3A_620 = arith.addf %add3A_612, %get3A_619 : vector<16xf32>
        %get3A_621 = arith.constant 0 : i32
        %get3A_622 = arith.constant 0 : i32
        %get3A_623 = arith.index_cast %get3A_621 : i32 to index
        %get3A_624 = arith.index_cast %get3A_622 : i32 to index
        %get3A_625 = arith.index_cast %mul3A_590 : i32 to index
        %get3A_626 = tpu.vector_load %arg9[%get3A_623, %get3A_624, %get3A_625] {strides = array<i32>} : memref<2x16x256xf32, #tpu.memory_space<vmem>>, vector<1x1x16xf32>,
        %get3A_627 = vector.shape_cast %get3A_626 : vector<1x1x16xf32> to vector<16xf32>
        %add3A_628 = arith.addf %add3A_620, %get3A_627 : vector<16xf32>
        %get3A_629 = arith.constant 0 : i32
        %get3A_630 = arith.constant 0 : i32
        %get3A_631 = arith.index_cast %get3A_629 : i32 to index
        %get3A_632 = arith.index_cast %get3A_630 : i32 to index
        %get3A_633 = arith.index_cast %mul3A_590 : i32 to index
        %get3A_634 = tpu.vector_load %arg10[%get3A_631, %get3A_632, %get3A_633] {strides = array<i32>} : memref<2x16x256xf32, #tpu.memory_space<vmem>>, vector<1x1x16xf32>,
        %get3A_635 = vector.shape_cast %get3A_634 : vector<1x1x16xf32> to vector<16xf32>
        %add3A_636 = arith.addf %add3A_628, %get3A_635 : vector<16xf32>
        %get3A_637 = arith.constant 0 : i32
        %get3A_638 = arith.constant 0 : i32
        %get3A_639 = arith.index_cast %get3A_637 : i32 to index
        %get3A_640 = arith.index_cast %get3A_638 : i32 to index
        %get3A_641 = arith.index_cast %mul3A_590 : i32 to index
        %get3A_642 = tpu.vector_load %arg11[%get3A_639, %get3A_640, %get3A_641] {strides = array<i32>} : memref<2x16x256xf32, #tpu.memory_space<vmem>>, vector<1x1x16xf32>,
        %get3A_643 = vector.shape_cast %get3A_642 : vector<1x1x16xf32> to vector<16xf32>
        %add3A_644 = arith.addf %add3A_636, %get3A_643 : vector<16xf32>
        %get3A_645 = arith.constant 0 : i32
        %get3A_646 = arith.constant 0 : i32
        %get3A_647 = arith.index_cast %get3A_645 : i32 to index
        %get3A_648 = arith.index_cast %get3A_646 : i32 to index
        %get3A_649 = arith.index_cast %mul3A_590 : i32 to index
        %get3A_650 = tpu.vector_load %arg12[%get3A_647, %get3A_648, %get3A_649] {strides = array<i32>} : memref<2x16x256xf32, #tpu.memory_space<vmem>>, vector<1x1x16xf32>,
        %get3A_651 = vector.shape_cast %get3A_650 : vector<1x1x16xf32> to vector<16xf32>
        %add3A_652 = arith.addf %add3A_644, %get3A_651 : vector<16xf32>
        %get3A_653 = arith.constant 0 : i32
        %get3A_654 = arith.constant 0 : i32
        %get3A_655 = arith.index_cast %get3A_653 : i32 to index
        %get3A_656 = arith.index_cast %get3A_654 : i32 to index
        %get3A_657 = arith.index_cast %mul3A_590 : i32 to index
        %get3A_658 = tpu.vector_load %arg13[%get3A_655, %get3A_656, %get3A_657] {strides = array<i32>} : memref<2x16x256xf32, #tpu.memory_space<vmem>>, vector<1x1x16xf32>,
        %get3A_659 = vector.shape_cast %get3A_658 : vector<1x1x16xf32> to vector<16xf32>
        %add3A_660 = arith.addf %add3A_652, %get3A_659 : vector<16xf32>
        %swap3A = arith.constant 0 : i32
        %swap3A_661 = arith.constant 0 : i32
        %swap3A_662 = arith.index_cast %swap3A : i32 to index
        %swap3A_663 = arith.index_cast %swap3A_661 : i32 to index
        %swap3A_664 = arith.index_cast %mul3A_590 : i32 to index
        %swap3A_665 = tpu.vector_load %arg15[%swap3A_662, %swap3A_663, %swap3A_664] {strides = array<i32>} : memref<2x16x256xf32, #tpu.memory_space<vmem>>, vector<1x1x16xf32>,
        %swap3A_666 = vector.shape_cast %swap3A_665 : vector<1x1x16xf32> to vector<16xf32>
        %swap3A_667 = vector.shape_cast %add3A_660 : vector<16xf32> to vector<1x1x16xf32>
        tpu.vector_store %arg15[%swap3A_662, %swap3A_663, %swap3A_664], %swap3A_667 {strides = array<i32>} : memref<2x16x256xf32, #tpu.memory_space<vmem>>, vector<1x1x16xf32>,
        %get3A_668 = arith.constant 0 : i32
        %get3A_669 = arith.constant 1 : i32
        %get3A_670 = arith.index_cast %get3A_668 : i32 to index
        %get3A_671 = arith.index_cast %get3A_669 : i32 to index
        %get3A_672 = arith.index_cast %mul3A_590 : i32 to index
        %get3A_673 = tpu.vector_load %arg5[%get3A_670, %get3A_671, %get3A_672] {strides = array<i32>} : memref<2x16x256xf32, #tpu.memory_space<vmem>>, vector<1x1x16xf32>,
        %get3A_674 = vector.shape_cast %get3A_673 : vector<1x1x16xf32> to vector<16xf32>
        %get3A_675 = arith.constant 0 : i32
        %get3A_676 = arith.constant 1 : i32
        %get3A_677 = arith.index_cast %get3A_675 : i32 to index
        %get3A_678 = arith.index_cast %get3A_676 : i32 to index
        %get3A_679 = arith.index_cast %mul3A_590 : i32 to index
        %get3A_680 = tpu.vector_load %arg6[%get3A_677, %get3A_678, %get3A_679] {strides = array<i32>} : memref<2x16x256xf32, #tpu.memory_space<vmem>>, vector<1x1x16xf32>,
        %get3A_681 = vector.shape_cast %get3A_680 : vector<1x1x16xf32> to vector<16xf32>
        %add3A_682 = arith.addf %get3A_674, %get3A_681 : vector<16xf32>
        %get3A_683 = arith.constant 0 : i32
        %get3A_684 = arith.constant 1 : i32
        %get3A_685 = arith.index_cast %get3A_683 : i32 to index
        %get3A_686 = arith.index_cast %get3A_684 : i32 to index
        %get3A_687 = arith.index_cast %mul3A_590 : i32 to index
        %get3A_688 = tpu.vector_load %arg7[%get3A_685, %get3A_686, %get3A_687] {strides = array<i32>} : memref<2x16x256xf32, #tpu.memory_space<vmem>>, vector<1x1x16xf32>,
        %get3A_689 = vector.shape_cast %get3A_688 : vector<1x1x16xf32> to vector<16xf32>
        %add3A_690 = arith.addf %add3A_682, %get3A_689 : vector<16xf32>
        %get3A_691 = arith.constant 0 : i32
        %get3A_692 = arith.constant 1 : i32
        %get3A_693 = arith.index_cast %get3A_691 : i32 to index
        %get3A_694 = arith.index_cast %get3A_692 : i32 to index
        %get3A_695 = arith.index_cast %mul3A_590 : i32 to index
        %get3A_696 = tpu.vector_load %arg8[%get3A_693, %get3A_694, %get3A_695] {strides = array<i32>} : memref<2x16x256xf32, #tpu.memory_space<vmem>>, vector<1x1x16xf32>,
        %get3A_697 = vector.shape_cast %get3A_696 : vector<1x1x16xf32> to vector<16xf32>
        %add3A_698 = arith.addf %add3A_690, %get3A_697 : vector<16xf32>
        %get3A_699 = arith.constant 0 : i32
        %get3A_700 = arith.constant 1 : i32
        %get3A_701 = arith.index_cast %get3A_699 : i32 to index
        %get3A_702 = arith.index_cast %get3A_700 : i32 to index
        %get3A_703 = arith.index_cast %mul3A_590 : i32 to index
        %get3A_704 = tpu.vector_load %arg9[%get3A_701, %get3A_702, %get3A_703] {strides = array<i32>} : memref<2x16x256xf32, #tpu.memory_space<vmem>>, vector<1x1x16xf32>,
        %get3A_705 = vector.shape_cast %get3A_704 : vector<1x1x16xf32> to vector<16xf32>
        %add3A_706 = arith.addf %add3A_698, %get3A_705 : vector<16xf32>
        %get3A_707 = arith.constant 0 : i32
        %get3A_708 = arith.constant 1 : i32
        %get3A_709 = arith.index_cast %get3A_707 : i32 to index
        %get3A_710 = arith.index_cast %get3A_708 : i32 to index
        %get3A_711 = arith.index_cast %mul3A_590 : i32 to index
        %get3A_712 = tpu.vector_load %arg10[%get3A_709, %get3A_710, %get3A_711] {strides = array<i32>} : memref<2x16x256xf32, #tpu.memory_space<vmem>>, vector<1x1x16xf32>,
        %get3A_713 = vector.shape_cast %get3A_712 : vector<1x1x16xf32> to vector<16xf32>
        %add3A_714 = arith.addf %add3A_706, %get3A_713 : vector<16xf32>
        %get3A_715 = arith.constant 0 : i32
        %get3A_716 = arith.constant 1 : i32
        %get3A_717 = arith.index_cast %get3A_715 : i32 to index
        %get3A_718 = arith.index_cast %get3A_716 : i32 to index
        %get3A_719 = arith.index_cast %mul3A_590 : i32 to index
        %get3A_720 = tpu.vector_load %arg11[%get3A_717, %get3A_718, %get3A_719] {strides = array<i32>} : memref<2x16x256xf32, #tpu.memory_space<vmem>>, vector<1x1x16xf32>,
        %get3A_721 = vector.shape_cast %get3A_720 : vector<1x1x16xf32> to vector<16xf32>
        %add3A_722 = arith.addf %add3A_714, %get3A_721 : vector<16xf32>
        %get3A_723 = arith.constant 0 : i32
        %get3A_724 = arith.constant 1 : i32
        %get3A_725 = arith.index_cast %get3A_723 : i32 to index
        %get3A_726 = arith.index_cast %get3A_724 : i32 to index
        %get3A_727 = arith.index_cast %mul3A_590 : i32 to index
        %get3A_728 = tpu.vector_load %arg12[%get3A_725, %get3A_726, %get3A_727] {strides = array<i32>} : memref<2x16x256xf32, #tpu.memory_space<vmem>>, vector<1x1x16xf32>,
        %get3A_729 = vector.shape_cast %get3A_728 : vector<1x1x16xf32> to vector<16xf32>
        %add3A_730 = arith.addf %add3A_722, %get3A_729 : vector<16xf32>
        %get3A_731 = arith.constant 0 : i32
        %get3A_732 = arith.constant 1 : i32
        %get3A_733 = arith.index_cast %get3A_731 : i32 to index
        %get3A_734 = arith.index_cast %get3A_732 : i32 to index
        %get3A_735 = arith.index_cast %mul3A_590 : i32 to index
        %get3A_736 = tpu.vector_load %arg13[%get3A_733, %get3A_734, %get3A_735] {strides = array<i32>} : memref<2x16x256xf32, #tpu.memory_space<vmem>>, vector<1x1x16xf32>,
        %get3A_737 = vector.shape_cast %get3A_736 : vector<1x1x16xf32> to vector<16xf32>
        %add3A_738 = arith.addf %add3A_730, %get3A_737 : vector<16xf32>
        %swap3A_739 = arith.constant 0 : i32
        %swap3A_740 = arith.constant 1 : i32
        %swap3A_741 = arith.index_cast %swap3A_739 : i32 to index
        %swap3A_742 = arith.index_cast %swap3A_740 : i32 to index
        %swap3A_743 = arith.index_cast %mul3A_590 : i32 to index
        %swap3A_744 = tpu.vector_load %arg15[%swap3A_741, %swap3A_742, %swap3A_743] {strides = array<i32>} : memref<2x16x256xf32, #tpu.memory_space<vmem>>, vector<1x1x16xf32>,
        %swap3A_745 = vector.shape_cast %swap3A_744 : vector<1x1x16xf32> to vector<16xf32>
        %swap3A_746 = vector.shape_cast %add3A_738 : vector<16xf32> to vector<1x1x16xf32>
        tpu.vector_store %arg15[%swap3A_741, %swap3A_742, %swap3A_743], %swap3A_746 {strides = array<i32>} : memref<2x16x256xf32, #tpu.memory_space<vmem>>, vector<1x1x16xf32>,
        %get3A_747 = arith.constant 0 : i32
        %get3A_748 = arith.constant 2 : i32
        %get3A_749 = arith.index_cast %get3A_747 : i32 to index
        %get3A_750 = arith.index_cast %get3A_748 : i32 to index
        %get3A_751 = arith.index_cast %mul3A_590 : i32 to index
        %get3A_752 = tpu.vector_load %arg5[%get3A_749, %get3A_750, %get3A_751] {strides = array<i32>} : memref<2x16x256xf32, #tpu.memory_space<vmem>>, vector<1x1x16xf32>,
        %get3A_753 = vector.shape_cast %get3A_752 : vector<1x1x16xf32> to vector<16xf32>
        %get3A_754 = arith.constant 0 : i32
        %get3A_755 = arith.constant 2 : i32
        %get3A_756 = arith.index_cast %get3A_754 : i32 to index
        %get3A_757 = arith.index_cast %get3A_755 : i32 to index
        %get3A_758 = arith.index_cast %mul3A_590 : i32 to index
        %get3A_759 = tpu.vector_load %arg6[%get3A_756, %get3A_757, %get3A_758] {strides = array<i32>} : memref<2x16x256xf32, #tpu.memory_space<vmem>>, vector<1x1x16xf32>,
        %get3A_760 = vector.shape_cast %get3A_759 : vector<1x1x16xf32> to vector<16xf32>
        %add3A_761 = arith.addf %get3A_753, %get3A_760 : vector<16xf32>
        %get3A_762 = arith.constant 0 : i32
        %get3A_763 = arith.constant 2 : i32
        %get3A_764 = arith.index_cast %get3A_762 : i32 to index
        %get3A_765 = arith.index_cast %get3A_763 : i32 to index
        %get3A_766 = arith.index_cast %mul3A_590 : i32 to index
        %get3A_767 = tpu.vector_load %arg7[%get3A_764, %get3A_765, %get3A_766] {strides = array<i32>} : memref<2x16x256xf32, #tpu.memory_space<vmem>>, vector<1x1x16xf32>,
        %get3A_768 = vector.shape_cast %get3A_767 : vector<1x1x16xf32> to vector<16xf32>
        %add3A_769 = arith.addf %add3A_761, %get3A_768 : vector<16xf32>
        %get3A_770 = arith.constant 0 : i32
        %get3A_771 = arith.constant 2 : i32
        %get3A_772 = arith.index_cast %get3A_770 : i32 to index
        %get3A_773 = arith.index_cast %get3A_771 : i32 to index
        %get3A_774 = arith.index_cast %mul3A_590 : i32 to index
        %get3A_775 = tpu.vector_load %arg8[%get3A_772, %get3A_773, %get3A_774] {strides = array<i32>} : memref<2x16x256xf32, #tpu.memory_space<vmem>>, vector<1x1x16xf32>,
        %get3A_776 = vector.shape_cast %get3A_775 : vector<1x1x16xf32> to vector<16xf32>
        %add3A_777 = arith.addf %add3A_769, %get3A_776 : vector<16xf32>
        %get3A_778 = arith.constant 0 : i32
        %get3A_779 = arith.constant 2 : i32
        %get3A_780 = arith.index_cast %get3A_778 : i32 to index
        %get3A_781 = arith.index_cast %get3A_779 : i32 to index
        %get3A_782 = arith.index_cast %mul3A_590 : i32 to index
        %get3A_783 = tpu.vector_load %arg9[%get3A_780, %get3A_781, %get3A_782] {strides = array<i32>} : memref<2x16x256xf32, #tpu.memory_space<vmem>>, vector<1x1x16xf32>,
        %get3A_784 = vector.shape_cast %get3A_783 : vector<1x1x16xf32> to vector<16xf32>
        %add3A_785 = arith.addf %add3A_777, %get3A_784 : vector<16xf32>
        %get3A_786 = arith.constant 0 : i32
        %get3A_787 = arith.constant 2 : i32
        %get3A_788 = arith.index_cast %get3A_786 : i32 to index
        %get3A_789 = arith.index_cast %get3A_787 : i32 to index
        %get3A_790 = arith.index_cast %mul3A_590 : i32 to index
        %get3A_791 = tpu.vector_load %arg10[%get3A_788, %get3A_789, %get3A_790] {strides = array<i32>} : memref<2x16x256xf32, #tpu.memory_space<vmem>>, vector<1x1x16xf32>,
        %get3A_792 = vector.shape_cast %get3A_791 : vector<1x1x16xf32> to vector<16xf32>
        %add3A_793 = arith.addf %add3A_785, %get3A_792 : vector<16xf32>
        %get3A_794 = arith.constant 0 : i32
        %get3A_795 = arith.constant 2 : i32
        %get3A_796 = arith.index_cast %get3A_794 : i32 to index
        %get3A_797 = arith.index_cast %get3A_795 : i32 to index
        %get3A_798 = arith.index_cast %mul3A_590 : i32 to index
        %get3A_799 = tpu.vector_load %arg11[%get3A_796, %get3A_797, %get3A_798] {strides = array<i32>} : memref<2x16x256xf32, #tpu.memory_space<vmem>>, vector<1x1x16xf32>,
        %get3A_800 = vector.shape_cast %get3A_799 : vector<1x1x16xf32> to vector<16xf32>
        %add3A_801 = arith.addf %add3A_793, %get3A_800 : vector<16xf32>
        %get3A_802 = arith.constant 0 : i32
        %get3A_803 = arith.constant 2 : i32
        %get3A_804 = arith.index_cast %get3A_802 : i32 to index
        %get3A_805 = arith.index_cast %get3A_803 : i32 to index
        %get3A_806 = arith.index_cast %mul3A_590 : i32 to index
        %get3A_807 = tpu.vector_load %arg12[%get3A_804, %get3A_805, %get3A_806] {strides = array<i32>} : memref<2x16x256xf32, #tpu.memory_space<vmem>>, vector<1x1x16xf32>,
        %get3A_808 = vector.shape_cast %get3A_807 : vector<1x1x16xf32> to vector<16xf32>
        %add3A_809 = arith.addf %add3A_801, %get3A_808 : vector<16xf32>
        %get3A_810 = arith.constant 0 : i32
        %get3A_811 = arith.constant 2 : i32
        %get3A_812 = arith.index_cast %get3A_810 : i32 to index
        %get3A_813 = arith.index_cast %get3A_811 : i32 to index
        %get3A_814 = arith.index_cast %mul3A_590 : i32 to index
        %get3A_815 = tpu.vector_load %arg13[%get3A_812, %get3A_813, %get3A_814] {strides = array<i32>} : memref<2x16x256xf32, #tpu.memory_space<vmem>>, vector<1x1x16xf32>,
        %get3A_816 = vector.shape_cast %get3A_815 : vector<1x1x16xf32> to vector<16xf32>
        %add3A_817 = arith.addf %add3A_809, %get3A_816 : vector<16xf32>
        %swap3A_818 = arith.constant 0 : i32
        %swap3A_819 = arith.constant 2 : i32
        %swap3A_820 = arith.index_cast %swap3A_818 : i32 to index
        %swap3A_821 = arith.index_cast %swap3A_819 : i32 to index
        %swap3A_822 = arith.index_cast %mul3A_590 : i32 to index
        %swap3A_823 = tpu.vector_load %arg15[%swap3A_820, %swap3A_821, %swap3A_822] {strides = array<i32>} : memref<2x16x256xf32, #tpu.memory_space<vmem>>, vector<1x1x16xf32>,
        %swap3A_824 = vector.shape_cast %swap3A_823 : vector<1x1x16xf32> to vector<16xf32>
        %swap3A_825 = vector.shape_cast %add3A_817 : vector<16xf32> to vector<1x1x16xf32>
        tpu.vector_store %arg15[%swap3A_820, %swap3A_821, %swap3A_822], %swap3A_825 {strides = array<i32>} : memref<2x16x256xf32, #tpu.memory_space<vmem>>, vector<1x1x16xf32>,
        %get3A_826 = arith.constant 0 : i32
        %get3A_827 = arith.constant 3 : i32
        %get3A_828 = arith.index_cast %get3A_826 : i32 to index
        %get3A_829 = arith.index_cast %get3A_827 : i32 to index
        %get3A_830 = arith.index_cast %mul3A_590 : i32 to index
        %get3A_831 = tpu.vector_load %arg5[%get3A_828, %get3A_829, %get3A_830] {strides = array<i32>} : memref<2x16x256xf32, #tpu.memory_space<vmem>>, vector<1x1x16xf32>,
        %get3A_832 = vector.shape_cast %get3A_831 : vector<1x1x16xf32> to vector<16xf32>
        %get3A_833 = arith.constant 0 : i32
        %get3A_834 = arith.constant 3 : i32
        %get3A_835 = arith.index_cast %get3A_833 : i32 to index
        %get3A_836 = arith.index_cast %get3A_834 : i32 to index
        %get3A_837 = arith.index_cast %mul3A_590 : i32 to index
        %get3A_838 = tpu.vector_load %arg6[%get3A_835, %get3A_836, %get3A_837] {strides = array<i32>} : memref<2x16x256xf32, #tpu.memory_space<vmem>>, vector<1x1x16xf32>,
        %get3A_839 = vector.shape_cast %get3A_838 : vector<1x1x16xf32> to vector<16xf32>
        %add3A_840 = arith.addf %get3A_832, %get3A_839 : vector<16xf32>
        %get3A_841 = arith.constant 0 : i32
        %get3A_842 = arith.constant 3 : i32
        %get3A_843 = arith.index_cast %get3A_841 : i32 to index
        %get3A_844 = arith.index_cast %get3A_842 : i32 to index
        %get3A_845 = arith.index_cast %mul3A_590 : i32 to index
        %get3A_846 = tpu.vector_load %arg7[%get3A_843, %get3A_844, %get3A_845] {strides = array<i32>} : memref<2x16x256xf32, #tpu.memory_space<vmem>>, vector<1x1x16xf32>,
        %get3A_847 = vector.shape_cast %get3A_846 : vector<1x1x16xf32> to vector<16xf32>
        %add3A_848 = arith.addf %add3A_840, %get3A_847 : vector<16xf32>
        %get3A_849 = arith.constant 0 : i32
        %get3A_850 = arith.constant 3 : i32
        %get3A_851 = arith.index_cast %get3A_849 : i32 to index
        %get3A_852 = arith.index_cast %get3A_850 : i32 to index
        %get3A_853 = arith.index_cast %mul3A_590 : i32 to index
        %get3A_854 = tpu.vector_load %arg8[%get3A_851, %get3A_852, %get3A_853] {strides = array<i32>} : memref<2x16x256xf32, #tpu.memory_space<vmem>>, vector<1x1x16xf32>,
        %get3A_855 = vector.shape_cast %get3A_854 : vector<1x1x16xf32> to vector<16xf32>
        %add3A_856 = arith.addf %add3A_848, %get3A_855 : vector<16xf32>
        %get3A_857 = arith.constant 0 : i32
        %get3A_858 = arith.constant 3 : i32
        %get3A_859 = arith.index_cast %get3A_857 : i32 to index
        %get3A_860 = arith.index_cast %get3A_858 : i32 to index
        %get3A_861 = arith.index_cast %mul3A_590 : i32 to index
        %get3A_862 = tpu.vector_load %arg9[%get3A_859, %get3A_860, %get3A_861] {strides = array<i32>} : memref<2x16x256xf32, #tpu.memory_space<vmem>>, vector<1x1x16xf32>,
        %get3A_863 = vector.shape_cast %get3A_862 : vector<1x1x16xf32> to vector<16xf32>
        %add3A_864 = arith.addf %add3A_856, %get3A_863 : vector<16xf32>
        %get3A_865 = arith.constant 0 : i32
        %get3A_866 = arith.constant 3 : i32
        %get3A_867 = arith.index_cast %get3A_865 : i32 to index
        %get3A_868 = arith.index_cast %get3A_866 : i32 to index
        %get3A_869 = arith.index_cast %mul3A_590 : i32 to index
        %get3A_870 = tpu.vector_load %arg10[%get3A_867, %get3A_868, %get3A_869] {strides = array<i32>} : memref<2x16x256xf32, #tpu.memory_space<vmem>>, vector<1x1x16xf32>,
        %get3A_871 = vector.shape_cast %get3A_870 : vector<1x1x16xf32> to vector<16xf32>
        %add3A_872 = arith.addf %add3A_864, %get3A_871 : vector<16xf32>
        %get3A_873 = arith.constant 0 : i32
        %get3A_874 = arith.constant 3 : i32
        %get3A_875 = arith.index_cast %get3A_873 : i32 to index
        %get3A_876 = arith.index_cast %get3A_874 : i32 to index
        %get3A_877 = arith.index_cast %mul3A_590 : i32 to index
        %get3A_878 = tpu.vector_load %arg11[%get3A_875, %get3A_876, %get3A_877] {strides = array<i32>} : memref<2x16x256xf32, #tpu.memory_space<vmem>>, vector<1x1x16xf32>,
        %get3A_879 = vector.shape_cast %get3A_878 : vector<1x1x16xf32> to vector<16xf32>
        %add3A_880 = arith.addf %add3A_872, %get3A_879 : vector<16xf32>
        %get3A_881 = arith.constant 0 : i32
        %get3A_882 = arith.constant 3 : i32
        %get3A_883 = arith.index_cast %get3A_881 : i32 to index
        %get3A_884 = arith.index_cast %get3A_882 : i32 to index
        %get3A_885 = arith.index_cast %mul3A_590 : i32 to index
        %get3A_886 = tpu.vector_load %arg12[%get3A_883, %get3A_884, %get3A_885] {strides = array<i32>} : memref<2x16x256xf32, #tpu.memory_space<vmem>>, vector<1x1x16xf32>,
        %get3A_887 = vector.shape_cast %get3A_886 : vector<1x1x16xf32> to vector<16xf32>
        %add3A_888 = arith.addf %add3A_880, %get3A_887 : vector<16xf32>
        %get3A_889 = arith.constant 0 : i32
        %get3A_890 = arith.constant 3 : i32
        %get3A_891 = arith.index_cast %get3A_889 : i32 to index
        %get3A_892 = arith.index_cast %get3A_890 : i32 to index
        %get3A_893 = arith.index_cast %mul3A_590 : i32 to index
        %get3A_894 = tpu.vector_load %arg13[%get3A_891, %get3A_892, %get3A_893] {strides = array<i32>} : memref<2x16x256xf32, #tpu.memory_space<vmem>>, vector<1x1x16xf32>,
        %get3A_895 = vector.shape_cast %get3A_894 : vector<1x1x16xf32> to vector<16xf32>
        %add3A_896 = arith.addf %add3A_888, %get3A_895 : vector<16xf32>
        %swap3A_897 = arith.constant 0 : i32
        %swap3A_898 = arith.constant 3 : i32
        %swap3A_899 = arith.index_cast %swap3A_897 : i32 to index
        %swap3A_900 = arith.index_cast %swap3A_898 : i32 to index
        %swap3A_901 = arith.index_cast %mul3A_590 : i32 to index
        %swap3A_902 = tpu.vector_load %arg15[%swap3A_899, %swap3A_900, %swap3A_901] {strides = array<i32>} : memref<2x16x256xf32, #tpu.memory_space<vmem>>, vector<1x1x16xf32>,
        %swap3A_903 = vector.shape_cast %swap3A_902 : vector<1x1x16xf32> to vector<16xf32>
        %swap3A_904 = vector.shape_cast %add3A_896 : vector<16xf32> to vector<1x1x16xf32>
        tpu.vector_store %arg15[%swap3A_899, %swap3A_900, %swap3A_901], %swap3A_904 {strides = array<i32>} : memref<2x16x256xf32, #tpu.memory_space<vmem>>, vector<1x1x16xf32>,
        %get3A_905 = arith.constant 0 : i32
        %get3A_906 = arith.constant 4 : i32
        %get3A_907 = arith.index_cast %get3A_905 : i32 to index
        %get3A_908 = arith.index_cast %get3A_906 : i32 to index
        %get3A_909 = arith.index_cast %mul3A_590 : i32 to index
        %get3A_910 = tpu.vector_load %arg5[%get3A_907, %get3A_908, %get3A_909] {strides = array<i32>} : memref<2x16x256xf32, #tpu.memory_space<vmem>>, vector<1x1x16xf32>,
        %get3A_911 = vector.shape_cast %get3A_910 : vector<1x1x16xf32> to vector<16xf32>
        %get3A_912 = arith.constant 0 : i32
        %get3A_913 = arith.constant 4 : i32
        %get3A_914 = arith.index_cast %get3A_912 : i32 to index
        %get3A_915 = arith.index_cast %get3A_913 : i32 to index
        %get3A_916 = arith.index_cast %mul3A_590 : i32 to index
        %get3A_917 = tpu.vector_load %arg6[%get3A_914, %get3A_915, %get3A_916] {strides = array<i32>} : memref<2x16x256xf32, #tpu.memory_space<vmem>>, vector<1x1x16xf32>,
        %get3A_918 = vector.shape_cast %get3A_917 : vector<1x1x16xf32> to vector<16xf32>
        %add3A_919 = arith.addf %get3A_911, %get3A_918 : vector<16xf32>
        %get3A_920 = arith.constant 0 : i32
        %get3A_921 = arith.constant 4 : i32
        %get3A_922 = arith.index_cast %get3A_920 : i32 to index
        %get3A_923 = arith.index_cast %get3A_921 : i32 to index
        %get3A_924 = arith.index_cast %mul3A_590 : i32 to index
        %get3A_925 = tpu.vector_load %arg7[%get3A_922, %get3A_923, %get3A_924] {strides = array<i32>} : memref<2x16x256xf32, #tpu.memory_space<vmem>>, vector<1x1x16xf32>,
        %get3A_926 = vector.shape_cast %get3A_925 : vector<1x1x16xf32> to vector<16xf32>
        %add3A_927 = arith.addf %add3A_919, %get3A_926 : vector<16xf32>
        %get3A_928 = arith.constant 0 : i32
        %get3A_929 = arith.constant 4 : i32
        %get3A_930 = arith.index_cast %get3A_928 : i32 to index
        %get3A_931 = arith.index_cast %get3A_929 : i32 to index
        %get3A_932 = arith.index_cast %mul3A_590 : i32 to index
        %get3A_933 = tpu.vector_load %arg8[%get3A_930, %get3A_931, %get3A_932] {strides = array<i32>} : memref<2x16x256xf32, #tpu.memory_space<vmem>>, vector<1x1x16xf32>,
        %get3A_934 = vector.shape_cast %get3A_933 : vector<1x1x16xf32> to vector<16xf32>
        %add3A_935 = arith.addf %add3A_927, %get3A_934 : vector<16xf32>
        %get3A_936 = arith.constant 0 : i32
        %get3A_937 = arith.constant 4 : i32
        %get3A_938 = arith.index_cast %get3A_936 : i32 to index
        %get3A_939 = arith.index_cast %get3A_937 : i32 to index
        %get3A_940 = arith.index_cast %mul3A_590 : i32 to index
        %get3A_941 = tpu.vector_load %arg9[%get3A_938, %get3A_939, %get3A_940] {strides = array<i32>} : memref<2x16x256xf32, #tpu.memory_space<vmem>>, vector<1x1x16xf32>,
        %get3A_942 = vector.shape_cast %get3A_941 : vector<1x1x16xf32> to vector<16xf32>
        %add3A_943 = arith.addf %add3A_935, %get3A_942 : vector<16xf32>
        %get3A_944 = arith.constant 0 : i32
        %get3A_945 = arith.constant 4 : i32
        %get3A_946 = arith.index_cast %get3A_944 : i32 to index
        %get3A_947 = arith.index_cast %get3A_945 : i32 to index
        %get3A_948 = arith.index_cast %mul3A_590 : i32 to index
        %get3A_949 = tpu.vector_load %arg10[%get3A_946, %get3A_947, %get3A_948] {strides = array<i32>} : memref<2x16x256xf32, #tpu.memory_space<vmem>>, vector<1x1x16xf32>,
        %get3A_950 = vector.shape_cast %get3A_949 : vector<1x1x16xf32> to vector<16xf32>
        %add3A_951 = arith.addf %add3A_943, %get3A_950 : vector<16xf32>
        %get3A_952 = arith.constant 0 : i32
        %get3A_953 = arith.constant 4 : i32
        %get3A_954 = arith.index_cast %get3A_952 : i32 to index
        %get3A_955 = arith.index_cast %get3A_953 : i32 to index
        %get3A_956 = arith.index_cast %mul3A_590 : i32 to index
        %get3A_957 = tpu.vector_load %arg11[%get3A_954, %get3A_955, %get3A_956] {strides = array<i32>} : memref<2x16x256xf32, #tpu.memory_space<vmem>>, vector<1x1x16xf32>,
        %get3A_958 = vector.shape_cast %get3A_957 : vector<1x1x16xf32> to vector<16xf32>
        %add3A_959 = arith.addf %add3A_951, %get3A_958 : vector<16xf32>
        %get3A_960 = arith.constant 0 : i32
        %get3A_961 = arith.constant 4 : i32
        %get3A_962 = arith.index_cast %get3A_960 : i32 to index
        %get3A_963 = arith.index_cast %get3A_961 : i32 to index
        %get3A_964 = arith.index_cast %mul3A_590 : i32 to index
        %get3A_965 = tpu.vector_load %arg12[%get3A_962, %get3A_963, %get3A_964] {strides = array<i32>} : memref<2x16x256xf32, #tpu.memory_space<vmem>>, vector<1x1x16xf32>,
        %get3A_966 = vector.shape_cast %get3A_965 : vector<1x1x16xf32> to vector<16xf32>
        %add3A_967 = arith.addf %add3A_959, %get3A_966 : vector<16xf32>
        %get3A_968 = arith.constant 0 : i32
        %get3A_969 = arith.constant 4 : i32
        %get3A_970 = arith.index_cast %get3A_968 : i32 to index
        %get3A_971 = arith.index_cast %get3A_969 : i32 to index
        %get3A_972 = arith.index_cast %mul3A_590 : i32 to index
        %get3A_973 = tpu.vector_load %arg13[%get3A_970, %get3A_971, %get3A_972] {strides = array<i32>} : memref<2x16x256xf32, #tpu.memory_space<vmem>>, vector<1x1x16xf32>,
        %get3A_974 = vector.shape_cast %get3A_973 : vector<1x1x16xf32> to vector<16xf32>
        %add3A_975 = arith.addf %add3A_967, %get3A_974 : vector<16xf32>
        %swap3A_976 = arith.constant 0 : i32
        %swap3A_977 = arith.constant 4 : i32
        %swap3A_978 = arith.index_cast %swap3A_976 : i32 to index
        %swap3A_979 = arith.index_cast %swap3A_977 : i32 to index
        %swap3A_980 = arith.index_cast %mul3A_590 : i32 to index
        %swap3A_981 = tpu.vector_load %arg15[%swap3A_978, %swap3A_979, %swap3A_980] {strides = array<i32>} : memref<2x16x256xf32, #tpu.memory_space<vmem>>, vector<1x1x16xf32>,
        %swap3A_982 = vector.shape_cast %swap3A_981 : vector<1x1x16xf32> to vector<16xf32>
        %swap3A_983 = vector.shape_cast %add3A_975 : vector<16xf32> to vector<1x1x16xf32>
        tpu.vector_store %arg15[%swap3A_978, %swap3A_979, %swap3A_980], %swap3A_983 {strides = array<i32>} : memref<2x16x256xf32, #tpu.memory_space<vmem>>, vector<1x1x16xf32>,
        %get3A_984 = arith.constant 0 : i32
        %get3A_985 = arith.constant 5 : i32
        %get3A_986 = arith.index_cast %get3A_984 : i32 to index
        %get3A_987 = arith.index_cast %get3A_985 : i32 to index
        %get3A_988 = arith.index_cast %mul3A_590 : i32 to index
        %get3A_989 = tpu.vector_load %arg5[%get3A_986, %get3A_987, %get3A_988] {strides = array<i32>} : memref<2x16x256xf32, #tpu.memory_space<vmem>>, vector<1x1x16xf32>,
        %get3A_990 = vector.shape_cast %get3A_989 : vector<1x1x16xf32> to vector<16xf32>
        %get3A_991 = arith.constant 0 : i32
        %get3A_992 = arith.constant 5 : i32
        %get3A_993 = arith.index_cast %get3A_991 : i32 to index
        %get3A_994 = arith.index_cast %get3A_992 : i32 to index
        %get3A_995 = arith.index_cast %mul3A_590 : i32 to index
        %get3A_996 = tpu.vector_load %arg6[%get3A_993, %get3A_994, %get3A_995] {strides = array<i32>} : memref<2x16x256xf32, #tpu.memory_space<vmem>>, vector<1x1x16xf32>,
        %get3A_997 = vector.shape_cast %get3A_996 : vector<1x1x16xf32> to vector<16xf32>
        %add3A_998 = arith.addf %get3A_990, %get3A_997 : vector<16xf32>
        %get3A_999 = arith.constant 0 : i32
        %get3A_1000 = arith.constant 5 : i32
        %get3A_1001 = arith.index_cast %get3A_999 : i32 to index
        %get3A_1002 = arith.index_cast %get3A_1000 : i32 to index
        %get3A_1003 = arith.index_cast %mul3A_590 : i32 to index
        %get3A_1004 = tpu.vector_load %arg7[%get3A_1001, %get3A_1002, %get3A_1003] {strides = array<i32>} : memref<2x16x256xf32, #tpu.memory_space<vmem>>, vector<1x1x16xf32>,
        %get3A_1005 = vector.shape_cast %get3A_1004 : vector<1x1x16xf32> to vector<16xf32>
        %add3A_1006 = arith.addf %add3A_998, %get3A_1005 : vector<16xf32>
        %get3A_1007 = arith.constant 0 : i32
        %get3A_1008 = arith.constant 5 : i32
        %get3A_1009 = arith.index_cast %get3A_1007 : i32 to index
        %get3A_1010 = arith.index_cast %get3A_1008 : i32 to index
        %get3A_1011 = arith.index_cast %mul3A_590 : i32 to index
        %get3A_1012 = tpu.vector_load %arg8[%get3A_1009, %get3A_1010, %get3A_1011] {strides = array<i32>} : memref<2x16x256xf32, #tpu.memory_space<vmem>>, vector<1x1x16xf32>,
        %get3A_1013 = vector.shape_cast %get3A_1012 : vector<1x1x16xf32> to vector<16xf32>
        %add3A_1014 = arith.addf %add3A_1006, %get3A_1013 : vector<16xf32>
        %get3A_1015 = arith.constant 0 : i32
        %get3A_1016 = arith.constant 5 : i32
        %get3A_1017 = arith.index_cast %get3A_1015 : i32 to index
        %get3A_1018 = arith.index_cast %get3A_1016 : i32 to index
        %get3A_1019 = arith.index_cast %mul3A_590 : i32 to index
        %get3A_1020 = tpu.vector_load %arg9[%get3A_1017, %get3A_1018, %get3A_1019] {strides = array<i32>} : memref<2x16x256xf32, #tpu.memory_space<vmem>>, vector<1x1x16xf32>,
        %get3A_1021 = vector.shape_cast %get3A_1020 : vector<1x1x16xf32> to vector<16xf32>
        %add3A_1022 = arith.addf %add3A_1014, %get3A_1021 : vector<16xf32>
        %get3A_1023 = arith.constant 0 : i32
        %get3A_1024 = arith.constant 5 : i32
        %get3A_1025 = arith.index_cast %get3A_1023 : i32 to index
        %get3A_1026 = arith.index_cast %get3A_1024 : i32 to index
        %get3A_1027 = arith.index_cast %mul3A_590 : i32 to index
        %get3A_1028 = tpu.vector_load %arg10[%get3A_1025, %get3A_1026, %get3A_1027] {strides = array<i32>} : memref<2x16x256xf32, #tpu.memory_space<vmem>>, vector<1x1x16xf32>,
        %get3A_1029 = vector.shape_cast %get3A_1028 : vector<1x1x16xf32> to vector<16xf32>
        %add3A_1030 = arith.addf %add3A_1022, %get3A_1029 : vector<16xf32>
        %get3A_1031 = arith.constant 0 : i32
        %get3A_1032 = arith.constant 5 : i32
        %get3A_1033 = arith.index_cast %get3A_1031 : i32 to index
        %get3A_1034 = arith.index_cast %get3A_1032 : i32 to index
        %get3A_1035 = arith.index_cast %mul3A_590 : i32 to index
        %get3A_1036 = tpu.vector_load %arg11[%get3A_1033, %get3A_1034, %get3A_1035] {strides = array<i32>} : memref<2x16x256xf32, #tpu.memory_space<vmem>>, vector<1x1x16xf32>,
        %get3A_1037 = vector.shape_cast %get3A_1036 : vector<1x1x16xf32> to vector<16xf32>
        %add3A_1038 = arith.addf %add3A_1030, %get3A_1037 : vector<16xf32>
        %get3A_1039 = arith.constant 0 : i32
        %get3A_1040 = arith.constant 5 : i32
        %get3A_1041 = arith.index_cast %get3A_1039 : i32 to index
        %get3A_1042 = arith.index_cast %get3A_1040 : i32 to index
        %get3A_1043 = arith.index_cast %mul3A_590 : i32 to index
        %get3A_1044 = tpu.vector_load %arg12[%get3A_1041, %get3A_1042, %get3A_1043] {strides = array<i32>} : memref<2x16x256xf32, #tpu.memory_space<vmem>>, vector<1x1x16xf32>,
        %get3A_1045 = vector.shape_cast %get3A_1044 : vector<1x1x16xf32> to vector<16xf32>
        %add3A_1046 = arith.addf %add3A_1038, %get3A_1045 : vector<16xf32>
        %get3A_1047 = arith.constant 0 : i32
        %get3A_1048 = arith.constant 5 : i32
        %get3A_1049 = arith.index_cast %get3A_1047 : i32 to index
        %get3A_1050 = arith.index_cast %get3A_1048 : i32 to index
        %get3A_1051 = arith.index_cast %mul3A_590 : i32 to index
        %get3A_1052 = tpu.vector_load %arg13[%get3A_1049, %get3A_1050, %get3A_1051] {strides = array<i32>} : memref<2x16x256xf32, #tpu.memory_space<vmem>>, vector<1x1x16xf32>,
        %get3A_1053 = vector.shape_cast %get3A_1052 : vector<1x1x16xf32> to vector<16xf32>
        %add3A_1054 = arith.addf %add3A_1046, %get3A_1053 : vector<16xf32>
        %swap3A_1055 = arith.constant 0 : i32
        %swap3A_1056 = arith.constant 5 : i32
        %swap3A_1057 = arith.index_cast %swap3A_1055 : i32 to index
        %swap3A_1058 = arith.index_cast %swap3A_1056 : i32 to index
        %swap3A_1059 = arith.index_cast %mul3A_590 : i32 to index
        %swap3A_1060 = tpu.vector_load %arg15[%swap3A_1057, %swap3A_1058, %swap3A_1059] {strides = array<i32>} : memref<2x16x256xf32, #tpu.memory_space<vmem>>, vector<1x1x16xf32>,
        %swap3A_1061 = vector.shape_cast %swap3A_1060 : vector<1x1x16xf32> to vector<16xf32>
        %swap3A_1062 = vector.shape_cast %add3A_1054 : vector<16xf32> to vector<1x1x16xf32>
        tpu.vector_store %arg15[%swap3A_1057, %swap3A_1058, %swap3A_1059], %swap3A_1062 {strides = array<i32>} : memref<2x16x256xf32, #tpu.memory_space<vmem>>, vector<1x1x16xf32>,
        %get3A_1063 = arith.constant 0 : i32
        %get3A_1064 = arith.constant 6 : i32
        %get3A_1065 = arith.index_cast %get3A_1063 : i32 to index
        %get3A_1066 = arith.index_cast %get3A_1064 : i32 to index
        %get3A_1067 = arith.index_cast %mul3A_590 : i32 to index
        %get3A_1068 = tpu.vector_load %arg5[%get3A_1065, %get3A_1066, %get3A_1067] {strides = array<i32>} : memref<2x16x256xf32, #tpu.memory_space<vmem>>, vector<1x1x16xf32>,
        %get3A_1069 = vector.shape_cast %get3A_1068 : vector<1x1x16xf32> to vector<16xf32>
        %get3A_1070 = arith.constant 0 : i32
        %get3A_1071 = arith.constant 6 : i32
        %get3A_1072 = arith.index_cast %get3A_1070 : i32 to index
        %get3A_1073 = arith.index_cast %get3A_1071 : i32 to index
        %get3A_1074 = arith.index_cast %mul3A_590 : i32 to index
        %get3A_1075 = tpu.vector_load %arg6[%get3A_1072, %get3A_1073, %get3A_1074] {strides = array<i32>} : memref<2x16x256xf32, #tpu.memory_space<vmem>>, vector<1x1x16xf32>,
        %get3A_1076 = vector.shape_cast %get3A_1075 : vector<1x1x16xf32> to vector<16xf32>
        %add3A_1077 = arith.addf %get3A_1069, %get3A_1076 : vector<16xf32>
        %get3A_1078 = arith.constant 0 : i32
        %get3A_1079 = arith.constant 6 : i32
        %get3A_1080 = arith.index_cast %get3A_1078 : i32 to index
        %get3A_1081 = arith.index_cast %get3A_1079 : i32 to index
        %get3A_1082 = arith.index_cast %mul3A_590 : i32 to index
        %get3A_1083 = tpu.vector_load %arg7[%get3A_1080, %get3A_1081, %get3A_1082] {strides = array<i32>} : memref<2x16x256xf32, #tpu.memory_space<vmem>>, vector<1x1x16xf32>,
        %get3A_1084 = vector.shape_cast %get3A_1083 : vector<1x1x16xf32> to vector<16xf32>
        %add3A_1085 = arith.addf %add3A_1077, %get3A_1084 : vector<16xf32>
        %get3A_1086 = arith.constant 0 : i32
        %get3A_1087 = arith.constant 6 : i32
        %get3A_1088 = arith.index_cast %get3A_1086 : i32 to index
        %get3A_1089 = arith.index_cast %get3A_1087 : i32 to index
        %get3A_1090 = arith.index_cast %mul3A_590 : i32 to index
        %get3A_1091 = tpu.vector_load %arg8[%get3A_1088, %get3A_1089, %get3A_1090] {strides = array<i32>} : memref<2x16x256xf32, #tpu.memory_space<vmem>>, vector<1x1x16xf32>,
        %get3A_1092 = vector.shape_cast %get3A_1091 : vector<1x1x16xf32> to vector<16xf32>
        %add3A_1093 = arith.addf %add3A_1085, %get3A_1092 : vector<16xf32>
        %get3A_1094 = arith.constant 0 : i32
        %get3A_1095 = arith.constant 6 : i32
        %get3A_1096 = arith.index_cast %get3A_1094 : i32 to index
        %get3A_1097 = arith.index_cast %get3A_1095 : i32 to index
        %get3A_1098 = arith.index_cast %mul3A_590 : i32 to index
        %get3A_1099 = tpu.vector_load %arg9[%get3A_1096, %get3A_1097, %get3A_1098] {strides = array<i32>} : memref<2x16x256xf32, #tpu.memory_space<vmem>>, vector<1x1x16xf32>,
        %get3A_1100 = vector.shape_cast %get3A_1099 : vector<1x1x16xf32> to vector<16xf32>
        %add3A_1101 = arith.addf %add3A_1093, %get3A_1100 : vector<16xf32>
        %get3A_1102 = arith.constant 0 : i32
        %get3A_1103 = arith.constant 6 : i32
        %get3A_1104 = arith.index_cast %get3A_1102 : i32 to index
        %get3A_1105 = arith.index_cast %get3A_1103 : i32 to index
        %get3A_1106 = arith.index_cast %mul3A_590 : i32 to index
        %get3A_1107 = tpu.vector_load %arg10[%get3A_1104, %get3A_1105, %get3A_1106] {strides = array<i32>} : memref<2x16x256xf32, #tpu.memory_space<vmem>>, vector<1x1x16xf32>,
        %get3A_1108 = vector.shape_cast %get3A_1107 : vector<1x1x16xf32> to vector<16xf32>
        %add3A_1109 = arith.addf %add3A_1101, %get3A_1108 : vector<16xf32>
        %get3A_1110 = arith.constant 0 : i32
        %get3A_1111 = arith.constant 6 : i32
        %get3A_1112 = arith.index_cast %get3A_1110 : i32 to index
        %get3A_1113 = arith.index_cast %get3A_1111 : i32 to index
        %get3A_1114 = arith.index_cast %mul3A_590 : i32 to index
        %get3A_1115 = tpu.vector_load %arg11[%get3A_1112, %get3A_1113, %get3A_1114] {strides = array<i32>} : memref<2x16x256xf32, #tpu.memory_space<vmem>>, vector<1x1x16xf32>,
        %get3A_1116 = vector.shape_cast %get3A_1115 : vector<1x1x16xf32> to vector<16xf32>
        %add3A_1117 = arith.addf %add3A_1109, %get3A_1116 : vector<16xf32>
        %get3A_1118 = arith.constant 0 : i32
        %get3A_1119 = arith.constant 6 : i32
        %get3A_1120 = arith.index_cast %get3A_1118 : i32 to index
        %get3A_1121 = arith.index_cast %get3A_1119 : i32 to index
        %get3A_1122 = arith.index_cast %mul3A_590 : i32 to index
        %get3A_1123 = tpu.vector_load %arg12[%get3A_1120, %get3A_1121, %get3A_1122] {strides = array<i32>} : memref<2x16x256xf32, #tpu.memory_space<vmem>>, vector<1x1x16xf32>,
        %get3A_1124 = vector.shape_cast %get3A_1123 : vector<1x1x16xf32> to vector<16xf32>
        %add3A_1125 = arith.addf %add3A_1117, %get3A_1124 : vector<16xf32>
        %get3A_1126 = arith.constant 0 : i32
        %get3A_1127 = arith.constant 6 : i32
        %get3A_1128 = arith.index_cast %get3A_1126 : i32 to index
        %get3A_1129 = arith.index_cast %get3A_1127 : i32 to index
        %get3A_1130 = arith.index_cast %mul3A_590 : i32 to index
        %get3A_1131 = tpu.vector_load %arg13[%get3A_1128, %get3A_1129, %get3A_1130] {strides = array<i32>} : memref<2x16x256xf32, #tpu.memory_space<vmem>>, vector<1x1x16xf32>,
        %get3A_1132 = vector.shape_cast %get3A_1131 : vector<1x1x16xf32> to vector<16xf32>
        %add3A_1133 = arith.addf %add3A_1125, %get3A_1132 : vector<16xf32>
        %swap3A_1134 = arith.constant 0 : i32
        %swap3A_1135 = arith.constant 6 : i32
        %swap3A_1136 = arith.index_cast %swap3A_1134 : i32 to index
        %swap3A_1137 = arith.index_cast %swap3A_1135 : i32 to index
        %swap3A_1138 = arith.index_cast %mul3A_590 : i32 to index
        %swap3A_1139 = tpu.vector_load %arg15[%swap3A_1136, %swap3A_1137, %swap3A_1138] {strides = array<i32>} : memref<2x16x256xf32, #tpu.memory_space<vmem>>, vector<1x1x16xf32>,
        %swap3A_1140 = vector.shape_cast %swap3A_1139 : vector<1x1x16xf32> to vector<16xf32>
        %swap3A_1141 = vector.shape_cast %add3A_1133 : vector<16xf32> to vector<1x1x16xf32>
        tpu.vector_store %arg15[%swap3A_1136, %swap3A_1137, %swap3A_1138], %swap3A_1141 {strides = array<i32>} : memref<2x16x256xf32, #tpu.memory_space<vmem>>, vector<1x1x16xf32>,
        %get3A_1142 = arith.constant 0 : i32
        %get3A_1143 = arith.constant 7 : i32
        %get3A_1144 = arith.index_cast %get3A_1142 : i32 to index
        %get3A_1145 = arith.index_cast %get3A_1143 : i32 to index
        %get3A_1146 = arith.index_cast %mul3A_590 : i32 to index
        %get3A_1147 = tpu.vector_load %arg5[%get3A_1144, %get3A_1145, %get3A_1146] {strides = array<i32>} : memref<2x16x256xf32, #tpu.memory_space<vmem>>, vector<1x1x16xf32>,
        %get3A_1148 = vector.shape_cast %get3A_1147 : vector<1x1x16xf32> to vector<16xf32>
        %get3A_1149 = arith.constant 0 : i32
        %get3A_1150 = arith.constant 7 : i32
        %get3A_1151 = arith.index_cast %get3A_1149 : i32 to index
        %get3A_1152 = arith.index_cast %get3A_1150 : i32 to index
        %get3A_1153 = arith.index_cast %mul3A_590 : i32 to index
        %get3A_1154 = tpu.vector_load %arg6[%get3A_1151, %get3A_1152, %get3A_1153] {strides = array<i32>} : memref<2x16x256xf32, #tpu.memory_space<vmem>>, vector<1x1x16xf32>,
        %get3A_1155 = vector.shape_cast %get3A_1154 : vector<1x1x16xf32> to vector<16xf32>
        %add3A_1156 = arith.addf %get3A_1148, %get3A_1155 : vector<16xf32>
        %get3A_1157 = arith.constant 0 : i32
        %get3A_1158 = arith.constant 7 : i32
        %get3A_1159 = arith.index_cast %get3A_1157 : i32 to index
        %get3A_1160 = arith.index_cast %get3A_1158 : i32 to index
        %get3A_1161 = arith.index_cast %mul3A_590 : i32 to index
        %get3A_1162 = tpu.vector_load %arg7[%get3A_1159, %get3A_1160, %get3A_1161] {strides = array<i32>} : memref<2x16x256xf32, #tpu.memory_space<vmem>>, vector<1x1x16xf32>,
        %get3A_1163 = vector.shape_cast %get3A_1162 : vector<1x1x16xf32> to vector<16xf32>
        %add3A_1164 = arith.addf %add3A_1156, %get3A_1163 : vector<16xf32>
        %get3A_1165 = arith.constant 0 : i32
        %get3A_1166 = arith.constant 7 : i32
        %get3A_1167 = arith.index_cast %get3A_1165 : i32 to index
        %get3A_1168 = arith.index_cast %get3A_1166 : i32 to index
        %get3A_1169 = arith.index_cast %mul3A_590 : i32 to index
        %get3A_1170 = tpu.vector_load %arg8[%get3A_1167, %get3A_1168, %get3A_1169] {strides = array<i32>} : memref<2x16x256xf32, #tpu.memory_space<vmem>>, vector<1x1x16xf32>,
        %get3A_1171 = vector.shape_cast %get3A_1170 : vector<1x1x16xf32> to vector<16xf32>
        %add3A_1172 = arith.addf %add3A_1164, %get3A_1171 : vector<16xf32>
        %get3A_1173 = arith.constant 0 : i32
        %get3A_1174 = arith.constant 7 : i32
        %get3A_1175 = arith.index_cast %get3A_1173 : i32 to index
        %get3A_1176 = arith.index_cast %get3A_1174 : i32 to index
        %get3A_1177 = arith.index_cast %mul3A_590 : i32 to index
        %get3A_1178 = tpu.vector_load %arg9[%get3A_1175, %get3A_1176, %get3A_1177] {strides = array<i32>} : memref<2x16x256xf32, #tpu.memory_space<vmem>>, vector<1x1x16xf32>,
        %get3A_1179 = vector.shape_cast %get3A_1178 : vector<1x1x16xf32> to vector<16xf32>
        %add3A_1180 = arith.addf %add3A_1172, %get3A_1179 : vector<16xf32>
        %get3A_1181 = arith.constant 0 : i32
        %get3A_1182 = arith.constant 7 : i32
        %get3A_1183 = arith.index_cast %get3A_1181 : i32 to index
        %get3A_1184 = arith.index_cast %get3A_1182 : i32 to index
        %get3A_1185 = arith.index_cast %mul3A_590 : i32 to index
        %get3A_1186 = tpu.vector_load %arg10[%get3A_1183, %get3A_1184, %get3A_1185] {strides = array<i32>} : memref<2x16x256xf32, #tpu.memory_space<vmem>>, vector<1x1x16xf32>,
        %get3A_1187 = vector.shape_cast %get3A_1186 : vector<1x1x16xf32> to vector<16xf32>
        %add3A_1188 = arith.addf %add3A_1180, %get3A_1187 : vector<16xf32>
        %get3A_1189 = arith.constant 0 : i32
        %get3A_1190 = arith.constant 7 : i32
        %get3A_1191 = arith.index_cast %get3A_1189 : i32 to index
        %get3A_1192 = arith.index_cast %get3A_1190 : i32 to index
        %get3A_1193 = arith.index_cast %mul3A_590 : i32 to index
        %get3A_1194 = tpu.vector_load %arg11[%get3A_1191, %get3A_1192, %get3A_1193] {strides = array<i32>} : memref<2x16x256xf32, #tpu.memory_space<vmem>>, vector<1x1x16xf32>,
        %get3A_1195 = vector.shape_cast %get3A_1194 : vector<1x1x16xf32> to vector<16xf32>
        %add3A_1196 = arith.addf %add3A_1188, %get3A_1195 : vector<16xf32>
        %get3A_1197 = arith.constant 0 : i32
        %get3A_1198 = arith.constant 7 : i32
        %get3A_1199 = arith.index_cast %get3A_1197 : i32 to index
        %get3A_1200 = arith.index_cast %get3A_1198 : i32 to index
        %get3A_1201 = arith.index_cast %mul3A_590 : i32 to index
        %get3A_1202 = tpu.vector_load %arg12[%get3A_1199, %get3A_1200, %get3A_1201] {strides = array<i32>} : memref<2x16x256xf32, #tpu.memory_space<vmem>>, vector<1x1x16xf32>,
        %get3A_1203 = vector.shape_cast %get3A_1202 : vector<1x1x16xf32> to vector<16xf32>
        %add3A_1204 = arith.addf %add3A_1196, %get3A_1203 : vector<16xf32>
        %get3A_1205 = arith.constant 0 : i32
        %get3A_1206 = arith.constant 7 : i32
        %get3A_1207 = arith.index_cast %get3A_1205 : i32 to index
        %get3A_1208 = arith.index_cast %get3A_1206 : i32 to index
        %get3A_1209 = arith.index_cast %mul3A_590 : i32 to index
        %get3A_1210 = tpu.vector_load %arg13[%get3A_1207, %get3A_1208, %get3A_1209] {strides = array<i32>} : memref<2x16x256xf32, #tpu.memory_space<vmem>>, vector<1x1x16xf32>,
        %get3A_1211 = vector.shape_cast %get3A_1210 : vector<1x1x16xf32> to vector<16xf32>
        %add3A_1212 = arith.addf %add3A_1204, %get3A_1211 : vector<16xf32>
        %swap3A_1213 = arith.constant 0 : i32
        %swap3A_1214 = arith.constant 7 : i32
        %swap3A_1215 = arith.index_cast %swap3A_1213 : i32 to index
        %swap3A_1216 = arith.index_cast %swap3A_1214 : i32 to index
        %swap3A_1217 = arith.index_cast %mul3A_590 : i32 to index
        %swap3A_1218 = tpu.vector_load %arg15[%swap3A_1215, %swap3A_1216, %swap3A_1217] {strides = array<i32>} : memref<2x16x256xf32, #tpu.memory_space<vmem>>, vector<1x1x16xf32>,
        %swap3A_1219 = vector.shape_cast %swap3A_1218 : vector<1x1x16xf32> to vector<16xf32>
        %swap3A_1220 = vector.shape_cast %add3A_1212 : vector<16xf32> to vector<1x1x16xf32>
        tpu.vector_store %arg15[%swap3A_1215, %swap3A_1216, %swap3A_1217], %swap3A_1220 {strides = array<i32>} : memref<2x16x256xf32, #tpu.memory_space<vmem>>, vector<1x1x16xf32>,
        %get3A_1221 = arith.constant 0 : i32
        %get3A_1222 = arith.constant 8 : i32
        %get3A_1223 = arith.index_cast %get3A_1221 : i32 to index
        %get3A_1224 = arith.index_cast %get3A_1222 : i32 to index
        %get3A_1225 = arith.index_cast %mul3A_590 : i32 to index
        %get3A_1226 = tpu.vector_load %arg5[%get3A_1223, %get3A_1224, %get3A_1225] {strides = array<i32>} : memref<2x16x256xf32, #tpu.memory_space<vmem>>, vector<1x1x16xf32>,
        %get3A_1227 = vector.shape_cast %get3A_1226 : vector<1x1x16xf32> to vector<16xf32>
        %get3A_1228 = arith.constant 0 : i32
        %get3A_1229 = arith.constant 8 : i32
        %get3A_1230 = arith.index_cast %get3A_1228 : i32 to index
        %get3A_1231 = arith.index_cast %get3A_1229 : i32 to index
        %get3A_1232 = arith.index_cast %mul3A_590 : i32 to index
        %get3A_1233 = tpu.vector_load %arg6[%get3A_1230, %get3A_1231, %get3A_1232] {strides = array<i32>} : memref<2x16x256xf32, #tpu.memory_space<vmem>>, vector<1x1x16xf32>,
        %get3A_1234 = vector.shape_cast %get3A_1233 : vector<1x1x16xf32> to vector<16xf32>
        %add3A_1235 = arith.addf %get3A_1227, %get3A_1234 : vector<16xf32>
        %get3A_1236 = arith.constant 0 : i32
        %get3A_1237 = arith.constant 8 : i32
        %get3A_1238 = arith.index_cast %get3A_1236 : i32 to index
        %get3A_1239 = arith.index_cast %get3A_1237 : i32 to index
        %get3A_1240 = arith.index_cast %mul3A_590 : i32 to index
        %get3A_1241 = tpu.vector_load %arg7[%get3A_1238, %get3A_1239, %get3A_1240] {strides = array<i32>} : memref<2x16x256xf32, #tpu.memory_space<vmem>>, vector<1x1x16xf32>,
        %get3A_1242 = vector.shape_cast %get3A_1241 : vector<1x1x16xf32> to vector<16xf32>
        %add3A_1243 = arith.addf %add3A_1235, %get3A_1242 : vector<16xf32>
        %get3A_1244 = arith.constant 0 : i32
        %get3A_1245 = arith.constant 8 : i32
        %get3A_1246 = arith.index_cast %get3A_1244 : i32 to index
        %get3A_1247 = arith.index_cast %get3A_1245 : i32 to index
        %get3A_1248 = arith.index_cast %mul3A_590 : i32 to index
        %get3A_1249 = tpu.vector_load %arg8[%get3A_1246, %get3A_1247, %get3A_1248] {strides = array<i32>} : memref<2x16x256xf32, #tpu.memory_space<vmem>>, vector<1x1x16xf32>,
        %get3A_1250 = vector.shape_cast %get3A_1249 : vector<1x1x16xf32> to vector<16xf32>
        %add3A_1251 = arith.addf %add3A_1243, %get3A_1250 : vector<16xf32>
        %get3A_1252 = arith.constant 0 : i32
        %get3A_1253 = arith.constant 8 : i32
        %get3A_1254 = arith.index_cast %get3A_1252 : i32 to index
        %get3A_1255 = arith.index_cast %get3A_1253 : i32 to index
        %get3A_1256 = arith.index_cast %mul3A_590 : i32 to index
        %get3A_1257 = tpu.vector_load %arg9[%get3A_1254, %get3A_1255, %get3A_1256] {strides = array<i32>} : memref<2x16x256xf32, #tpu.memory_space<vmem>>, vector<1x1x16xf32>,
        %get3A_1258 = vector.shape_cast %get3A_1257 : vector<1x1x16xf32> to vector<16xf32>
        %add3A_1259 = arith.addf %add3A_1251, %get3A_1258 : vector<16xf32>
        %get3A_1260 = arith.constant 0 : i32
        %get3A_1261 = arith.constant 8 : i32
        %get3A_1262 = arith.index_cast %get3A_1260 : i32 to index
        %get3A_1263 = arith.index_cast %get3A_1261 : i32 to index
        %get3A_1264 = arith.index_cast %mul3A_590 : i32 to index
        %get3A_1265 = tpu.vector_load %arg10[%get3A_1262, %get3A_1263, %get3A_1264] {strides = array<i32>} : memref<2x16x256xf32, #tpu.memory_space<vmem>>, vector<1x1x16xf32>,
        %get3A_1266 = vector.shape_cast %get3A_1265 : vector<1x1x16xf32> to vector<16xf32>
        %add3A_1267 = arith.addf %add3A_1259, %get3A_1266 : vector<16xf32>
        %get3A_1268 = arith.constant 0 : i32
        %get3A_1269 = arith.constant 8 : i32
        %get3A_1270 = arith.index_cast %get3A_1268 : i32 to index
        %get3A_1271 = arith.index_cast %get3A_1269 : i32 to index
        %get3A_1272 = arith.index_cast %mul3A_590 : i32 to index
        %get3A_1273 = tpu.vector_load %arg11[%get3A_1270, %get3A_1271, %get3A_1272] {strides = array<i32>} : memref<2x16x256xf32, #tpu.memory_space<vmem>>, vector<1x1x16xf32>,
        %get3A_1274 = vector.shape_cast %get3A_1273 : vector<1x1x16xf32> to vector<16xf32>
        %add3A_1275 = arith.addf %add3A_1267, %get3A_1274 : vector<16xf32>
        %get3A_1276 = arith.constant 0 : i32
        %get3A_1277 = arith.constant 8 : i32
        %get3A_1278 = arith.index_cast %get3A_1276 : i32 to index
        %get3A_1279 = arith.index_cast %get3A_1277 : i32 to index
        %get3A_1280 = arith.index_cast %mul3A_590 : i32 to index
        %get3A_1281 = tpu.vector_load %arg12[%get3A_1278, %get3A_1279, %get3A_1280] {strides = array<i32>} : memref<2x16x256xf32, #tpu.memory_space<vmem>>, vector<1x1x16xf32>,
        %get3A_1282 = vector.shape_cast %get3A_1281 : vector<1x1x16xf32> to vector<16xf32>
        %add3A_1283 = arith.addf %add3A_1275, %get3A_1282 : vector<16xf32>
        %get3A_1284 = arith.constant 0 : i32
        %get3A_1285 = arith.constant 8 : i32
        %get3A_1286 = arith.index_cast %get3A_1284 : i32 to index
        %get3A_1287 = arith.index_cast %get3A_1285 : i32 to index
        %get3A_1288 = arith.index_cast %mul3A_590 : i32 to index
        %get3A_1289 = tpu.vector_load %arg13[%get3A_1286, %get3A_1287, %get3A_1288] {strides = array<i32>} : memref<2x16x256xf32, #tpu.memory_space<vmem>>, vector<1x1x16xf32>,
        %get3A_1290 = vector.shape_cast %get3A_1289 : vector<1x1x16xf32> to vector<16xf32>
        %add3A_1291 = arith.addf %add3A_1283, %get3A_1290 : vector<16xf32>
        %swap3A_1292 = arith.constant 0 : i32
        %swap3A_1293 = arith.constant 8 : i32
        %swap3A_1294 = arith.index_cast %swap3A_1292 : i32 to index
        %swap3A_1295 = arith.index_cast %swap3A_1293 : i32 to index
        %swap3A_1296 = arith.index_cast %mul3A_590 : i32 to index
        %swap3A_1297 = tpu.vector_load %arg15[%swap3A_1294, %swap3A_1295, %swap3A_1296] {strides = array<i32>} : memref<2x16x256xf32, #tpu.memory_space<vmem>>, vector<1x1x16xf32>,
        %swap3A_1298 = vector.shape_cast %swap3A_1297 : vector<1x1x16xf32> to vector<16xf32>
        %swap3A_1299 = vector.shape_cast %add3A_1291 : vector<16xf32> to vector<1x1x16xf32>
        tpu.vector_store %arg15[%swap3A_1294, %swap3A_1295, %swap3A_1296], %swap3A_1299 {strides = array<i32>} : memref<2x16x256xf32, #tpu.memory_space<vmem>>, vector<1x1x16xf32>,
        %get3A_1300 = arith.constant 0 : i32
        %get3A_1301 = arith.constant 9 : i32
        %get3A_1302 = arith.index_cast %get3A_1300 : i32 to index
        %get3A_1303 = arith.index_cast %get3A_1301 : i32 to index
        %get3A_1304 = arith.index_cast %mul3A_590 : i32 to index
        %get3A_1305 = tpu.vector_load %arg5[%get3A_1302, %get3A_1303, %get3A_1304] {strides = array<i32>} : memref<2x16x256xf32, #tpu.memory_space<vmem>>, vector<1x1x16xf32>,
        %get3A_1306 = vector.shape_cast %get3A_1305 : vector<1x1x16xf32> to vector<16xf32>
        %get3A_1307 = arith.constant 0 : i32
        %get3A_1308 = arith.constant 9 : i32
        %get3A_1309 = arith.index_cast %get3A_1307 : i32 to index
        %get3A_1310 = arith.index_cast %get3A_1308 : i32 to index
        %get3A_1311 = arith.index_cast %mul3A_590 : i32 to index
        %get3A_1312 = tpu.vector_load %arg6[%get3A_1309, %get3A_1310, %get3A_1311] {strides = array<i32>} : memref<2x16x256xf32, #tpu.memory_space<vmem>>, vector<1x1x16xf32>,
        %get3A_1313 = vector.shape_cast %get3A_1312 : vector<1x1x16xf32> to vector<16xf32>
        %add3A_1314 = arith.addf %get3A_1306, %get3A_1313 : vector<16xf32>
        %get3A_1315 = arith.constant 0 : i32
        %get3A_1316 = arith.constant 9 : i32
        %get3A_1317 = arith.index_cast %get3A_1315 : i32 to index
        %get3A_1318 = arith.index_cast %get3A_1316 : i32 to index
        %get3A_1319 = arith.index_cast %mul3A_590 : i32 to index
        %get3A_1320 = tpu.vector_load %arg7[%get3A_1317, %get3A_1318, %get3A_1319] {strides = array<i32>} : memref<2x16x256xf32, #tpu.memory_space<vmem>>, vector<1x1x16xf32>,
        %get3A_1321 = vector.shape_cast %get3A_1320 : vector<1x1x16xf32> to vector<16xf32>
        %add3A_1322 = arith.addf %add3A_1314, %get3A_1321 : vector<16xf32>
        %get3A_1323 = arith.constant 0 : i32
        %get3A_1324 = arith.constant 9 : i32
        %get3A_1325 = arith.index_cast %get3A_1323 : i32 to index
        %get3A_1326 = arith.index_cast %get3A_1324 : i32 to index
        %get3A_1327 = arith.index_cast %mul3A_590 : i32 to index
        %get3A_1328 = tpu.vector_load %arg8[%get3A_1325, %get3A_1326, %get3A_1327] {strides = array<i32>} : memref<2x16x256xf32, #tpu.memory_space<vmem>>, vector<1x1x16xf32>,
        %get3A_1329 = vector.shape_cast %get3A_1328 : vector<1x1x16xf32> to vector<16xf32>
        %add3A_1330 = arith.addf %add3A_1322, %get3A_1329 : vector<16xf32>
        %get3A_1331 = arith.constant 0 : i32
        %get3A_1332 = arith.constant 9 : i32
        %get3A_1333 = arith.index_cast %get3A_1331 : i32 to index
        %get3A_1334 = arith.index_cast %get3A_1332 : i32 to index
        %get3A_1335 = arith.index_cast %mul3A_590 : i32 to index
        %get3A_1336 = tpu.vector_load %arg9[%get3A_1333, %get3A_1334, %get3A_1335] {strides = array<i32>} : memref<2x16x256xf32, #tpu.memory_space<vmem>>, vector<1x1x16xf32>,
        %get3A_1337 = vector.shape_cast %get3A_1336 : vector<1x1x16xf32> to vector<16xf32>
        %add3A_1338 = arith.addf %add3A_1330, %get3A_1337 : vector<16xf32>
        %get3A_1339 = arith.constant 0 : i32
        %get3A_1340 = arith.constant 9 : i32
        %get3A_1341 = arith.index_cast %get3A_1339 : i32 to index
        %get3A_1342 = arith.index_cast %get3A_1340 : i32 to index
        %get3A_1343 = arith.index_cast %mul3A_590 : i32 to index
        %get3A_1344 = tpu.vector_load %arg10[%get3A_1341, %get3A_1342, %get3A_1343] {strides = array<i32>} : memref<2x16x256xf32, #tpu.memory_space<vmem>>, vector<1x1x16xf32>,
        %get3A_1345 = vector.shape_cast %get3A_1344 : vector<1x1x16xf32> to vector<16xf32>
        %add3A_1346 = arith.addf %add3A_1338, %get3A_1345 : vector<16xf32>
        %get3A_1347 = arith.constant 0 : i32
        %get3A_1348 = arith.constant 9 : i32
        %get3A_1349 = arith.index_cast %get3A_1347 : i32 to index
        %get3A_1350 = arith.index_cast %get3A_1348 : i32 to index
        %get3A_1351 = arith.index_cast %mul3A_590 : i32 to index
        %get3A_1352 = tpu.vector_load %arg11[%get3A_1349, %get3A_1350, %get3A_1351] {strides = array<i32>} : memref<2x16x256xf32, #tpu.memory_space<vmem>>, vector<1x1x16xf32>,
        %get3A_1353 = vector.shape_cast %get3A_1352 : vector<1x1x16xf32> to vector<16xf32>
        %add3A_1354 = arith.addf %add3A_1346, %get3A_1353 : vector<16xf32>
        %get3A_1355 = arith.constant 0 : i32
        %get3A_1356 = arith.constant 9 : i32
        %get3A_1357 = arith.index_cast %get3A_1355 : i32 to index
        %get3A_1358 = arith.index_cast %get3A_1356 : i32 to index
        %get3A_1359 = arith.index_cast %mul3A_590 : i32 to index
        %get3A_1360 = tpu.vector_load %arg12[%get3A_1357, %get3A_1358, %get3A_1359] {strides = array<i32>} : memref<2x16x256xf32, #tpu.memory_space<vmem>>, vector<1x1x16xf32>,
        %get3A_1361 = vector.shape_cast %get3A_1360 : vector<1x1x16xf32> to vector<16xf32>
        %add3A_1362 = arith.addf %add3A_1354, %get3A_1361 : vector<16xf32>
        %get3A_1363 = arith.constant 0 : i32
        %get3A_1364 = arith.constant 9 : i32
        %get3A_1365 = arith.index_cast %get3A_1363 : i32 to index
        %get3A_1366 = arith.index_cast %get3A_1364 : i32 to index
        %get3A_1367 = arith.index_cast %mul3A_590 : i32 to index
        %get3A_1368 = tpu.vector_load %arg13[%get3A_1365, %get3A_1366, %get3A_1367] {strides = array<i32>} : memref<2x16x256xf32, #tpu.memory_space<vmem>>, vector<1x1x16xf32>,
        %get3A_1369 = vector.shape_cast %get3A_1368 : vector<1x1x16xf32> to vector<16xf32>
        %add3A_1370 = arith.addf %add3A_1362, %get3A_1369 : vector<16xf32>
        %swap3A_1371 = arith.constant 0 : i32
        %swap3A_1372 = arith.constant 9 : i32
        %swap3A_1373 = arith.index_cast %swap3A_1371 : i32 to index
        %swap3A_1374 = arith.index_cast %swap3A_1372 : i32 to index
        %swap3A_1375 = arith.index_cast %mul3A_590 : i32 to index
        %swap3A_1376 = tpu.vector_load %arg15[%swap3A_1373, %swap3A_1374, %swap3A_1375] {strides = array<i32>} : memref<2x16x256xf32, #tpu.memory_space<vmem>>, vector<1x1x16xf32>,
        %swap3A_1377 = vector.shape_cast %swap3A_1376 : vector<1x1x16xf32> to vector<16xf32>
        %swap3A_1378 = vector.shape_cast %add3A_1370 : vector<16xf32> to vector<1x1x16xf32>
        tpu.vector_store %arg15[%swap3A_1373, %swap3A_1374, %swap3A_1375], %swap3A_1378 {strides = array<i32>} : memref<2x16x256xf32, #tpu.memory_space<vmem>>, vector<1x1x16xf32>,
        %get3A_1379 = arith.constant 0 : i32
        %get3A_1380 = arith.constant 10 : i32
        %get3A_1381 = arith.index_cast %get3A_1379 : i32 to index
        %get3A_1382 = arith.index_cast %get3A_1380 : i32 to index
        %get3A_1383 = arith.index_cast %mul3A_590 : i32 to index
        %get3A_1384 = tpu.vector_load %arg5[%get3A_1381, %get3A_1382, %get3A_1383] {strides = array<i32>} : memref<2x16x256xf32, #tpu.memory_space<vmem>>, vector<1x1x16xf32>,
        %get3A_1385 = vector.shape_cast %get3A_1384 : vector<1x1x16xf32> to vector<16xf32>
        %get3A_1386 = arith.constant 0 : i32
        %get3A_1387 = arith.constant 10 : i32
        %get3A_1388 = arith.index_cast %get3A_1386 : i32 to index
        %get3A_1389 = arith.index_cast %get3A_1387 : i32 to index
        %get3A_1390 = arith.index_cast %mul3A_590 : i32 to index
        %get3A_1391 = tpu.vector_load %arg6[%get3A_1388, %get3A_1389, %get3A_1390] {strides = array<i32>} : memref<2x16x256xf32, #tpu.memory_space<vmem>>, vector<1x1x16xf32>,
        %get3A_1392 = vector.shape_cast %get3A_1391 : vector<1x1x16xf32> to vector<16xf32>
        %add3A_1393 = arith.addf %get3A_1385, %get3A_1392 : vector<16xf32>
        %get3A_1394 = arith.constant 0 : i32
        %get3A_1395 = arith.constant 10 : i32
        %get3A_1396 = arith.index_cast %get3A_1394 : i32 to index
        %get3A_1397 = arith.index_cast %get3A_1395 : i32 to index
        %get3A_1398 = arith.index_cast %mul3A_590 : i32 to index
        %get3A_1399 = tpu.vector_load %arg7[%get3A_1396, %get3A_1397, %get3A_1398] {strides = array<i32>} : memref<2x16x256xf32, #tpu.memory_space<vmem>>, vector<1x1x16xf32>,
        %get3A_1400 = vector.shape_cast %get3A_1399 : vector<1x1x16xf32> to vector<16xf32>
        %add3A_1401 = arith.addf %add3A_1393, %get3A_1400 : vector<16xf32>
        %get3A_1402 = arith.constant 0 : i32
        %get3A_1403 = arith.constant 10 : i32
        %get3A_1404 = arith.index_cast %get3A_1402 : i32 to index
        %get3A_1405 = arith.index_cast %get3A_1403 : i32 to index
        %get3A_1406 = arith.index_cast %mul3A_590 : i32 to index
        %get3A_1407 = tpu.vector_load %arg8[%get3A_1404, %get3A_1405, %get3A_1406] {strides = array<i32>} : memref<2x16x256xf32, #tpu.memory_space<vmem>>, vector<1x1x16xf32>,
        %get3A_1408 = vector.shape_cast %get3A_1407 : vector<1x1x16xf32> to vector<16xf32>
        %add3A_1409 = arith.addf %add3A_1401, %get3A_1408 : vector<16xf32>
        %get3A_1410 = arith.constant 0 : i32
        %get3A_1411 = arith.constant 10 : i32
        %get3A_1412 = arith.index_cast %get3A_1410 : i32 to index
        %get3A_1413 = arith.index_cast %get3A_1411 : i32 to index
        %get3A_1414 = arith.index_cast %mul3A_590 : i32 to index
        %get3A_1415 = tpu.vector_load %arg9[%get3A_1412, %get3A_1413, %get3A_1414] {strides = array<i32>} : memref<2x16x256xf32, #tpu.memory_space<vmem>>, vector<1x1x16xf32>,
        %get3A_1416 = vector.shape_cast %get3A_1415 : vector<1x1x16xf32> to vector<16xf32>
        %add3A_1417 = arith.addf %add3A_1409, %get3A_1416 : vector<16xf32>
        %get3A_1418 = arith.constant 0 : i32
        %get3A_1419 = arith.constant 10 : i32
        %get3A_1420 = arith.index_cast %get3A_1418 : i32 to index
        %get3A_1421 = arith.index_cast %get3A_1419 : i32 to index
        %get3A_1422 = arith.index_cast %mul3A_590 : i32 to index
        %get3A_1423 = tpu.vector_load %arg10[%get3A_1420, %get3A_1421, %get3A_1422] {strides = array<i32>} : memref<2x16x256xf32, #tpu.memory_space<vmem>>, vector<1x1x16xf32>,
        %get3A_1424 = vector.shape_cast %get3A_1423 : vector<1x1x16xf32> to vector<16xf32>
        %add3A_1425 = arith.addf %add3A_1417, %get3A_1424 : vector<16xf32>
        %get3A_1426 = arith.constant 0 : i32
        %get3A_1427 = arith.constant 10 : i32
        %get3A_1428 = arith.index_cast %get3A_1426 : i32 to index
        %get3A_1429 = arith.index_cast %get3A_1427 : i32 to index
        %get3A_1430 = arith.index_cast %mul3A_590 : i32 to index
        %get3A_1431 = tpu.vector_load %arg11[%get3A_1428, %get3A_1429, %get3A_1430] {strides = array<i32>} : memref<2x16x256xf32, #tpu.memory_space<vmem>>, vector<1x1x16xf32>,
        %get3A_1432 = vector.shape_cast %get3A_1431 : vector<1x1x16xf32> to vector<16xf32>
        %add3A_1433 = arith.addf %add3A_1425, %get3A_1432 : vector<16xf32>
        %get3A_1434 = arith.constant 0 : i32
        %get3A_1435 = arith.constant 10 : i32
        %get3A_1436 = arith.index_cast %get3A_1434 : i32 to index
        %get3A_1437 = arith.index_cast %get3A_1435 : i32 to index
        %get3A_1438 = arith.index_cast %mul3A_590 : i32 to index
        %get3A_1439 = tpu.vector_load %arg12[%get3A_1436, %get3A_1437, %get3A_1438] {strides = array<i32>} : memref<2x16x256xf32, #tpu.memory_space<vmem>>, vector<1x1x16xf32>,
        %get3A_1440 = vector.shape_cast %get3A_1439 : vector<1x1x16xf32> to vector<16xf32>
        %add3A_1441 = arith.addf %add3A_1433, %get3A_1440 : vector<16xf32>
        %get3A_1442 = arith.constant 0 : i32
        %get3A_1443 = arith.constant 10 : i32
        %get3A_1444 = arith.index_cast %get3A_1442 : i32 to index
        %get3A_1445 = arith.index_cast %get3A_1443 : i32 to index
        %get3A_1446 = arith.index_cast %mul3A_590 : i32 to index
        %get3A_1447 = tpu.vector_load %arg13[%get3A_1444, %get3A_1445, %get3A_1446] {strides = array<i32>} : memref<2x16x256xf32, #tpu.memory_space<vmem>>, vector<1x1x16xf32>,
        %get3A_1448 = vector.shape_cast %get3A_1447 : vector<1x1x16xf32> to vector<16xf32>
        %add3A_1449 = arith.addf %add3A_1441, %get3A_1448 : vector<16xf32>
        %swap3A_1450 = arith.constant 0 : i32
        %swap3A_1451 = arith.constant 10 : i32
        %swap3A_1452 = arith.index_cast %swap3A_1450 : i32 to index
        %swap3A_1453 = arith.index_cast %swap3A_1451 : i32 to index
        %swap3A_1454 = arith.index_cast %mul3A_590 : i32 to index
        %swap3A_1455 = tpu.vector_load %arg15[%swap3A_1452, %swap3A_1453, %swap3A_1454] {strides = array<i32>} : memref<2x16x256xf32, #tpu.memory_space<vmem>>, vector<1x1x16xf32>,
        %swap3A_1456 = vector.shape_cast %swap3A_1455 : vector<1x1x16xf32> to vector<16xf32>
        %swap3A_1457 = vector.shape_cast %add3A_1449 : vector<16xf32> to vector<1x1x16xf32>
        tpu.vector_store %arg15[%swap3A_1452, %swap3A_1453, %swap3A_1454], %swap3A_1457 {strides = array<i32>} : memref<2x16x256xf32, #tpu.memory_space<vmem>>, vector<1x1x16xf32>,
        %get3A_1458 = arith.constant 0 : i32
        %get3A_1459 = arith.constant 11 : i32
        %get3A_1460 = arith.index_cast %get3A_1458 : i32 to index
        %get3A_1461 = arith.index_cast %get3A_1459 : i32 to index
        %get3A_1462 = arith.index_cast %mul3A_590 : i32 to index
        %get3A_1463 = tpu.vector_load %arg5[%get3A_1460, %get3A_1461, %get3A_1462] {strides = array<i32>} : memref<2x16x256xf32, #tpu.memory_space<vmem>>, vector<1x1x16xf32>,
        %get3A_1464 = vector.shape_cast %get3A_1463 : vector<1x1x16xf32> to vector<16xf32>
        %get3A_1465 = arith.constant 0 : i32
        %get3A_1466 = arith.constant 11 : i32
        %get3A_1467 = arith.index_cast %get3A_1465 : i32 to index
        %get3A_1468 = arith.index_cast %get3A_1466 : i32 to index
        %get3A_1469 = arith.index_cast %mul3A_590 : i32 to index
        %get3A_1470 = tpu.vector_load %arg6[%get3A_1467, %get3A_1468, %get3A_1469] {strides = array<i32>} : memref<2x16x256xf32, #tpu.memory_space<vmem>>, vector<1x1x16xf32>,
        %get3A_1471 = vector.shape_cast %get3A_1470 : vector<1x1x16xf32> to vector<16xf32>
        %add3A_1472 = arith.addf %get3A_1464, %get3A_1471 : vector<16xf32>
        %get3A_1473 = arith.constant 0 : i32
        %get3A_1474 = arith.constant 11 : i32
        %get3A_1475 = arith.index_cast %get3A_1473 : i32 to index
        %get3A_1476 = arith.index_cast %get3A_1474 : i32 to index
        %get3A_1477 = arith.index_cast %mul3A_590 : i32 to index
        %get3A_1478 = tpu.vector_load %arg7[%get3A_1475, %get3A_1476, %get3A_1477] {strides = array<i32>} : memref<2x16x256xf32, #tpu.memory_space<vmem>>, vector<1x1x16xf32>,
        %get3A_1479 = vector.shape_cast %get3A_1478 : vector<1x1x16xf32> to vector<16xf32>
        %add3A_1480 = arith.addf %add3A_1472, %get3A_1479 : vector<16xf32>
        %get3A_1481 = arith.constant 0 : i32
        %get3A_1482 = arith.constant 11 : i32
        %get3A_1483 = arith.index_cast %get3A_1481 : i32 to index
        %get3A_1484 = arith.index_cast %get3A_1482 : i32 to index
        %get3A_1485 = arith.index_cast %mul3A_590 : i32 to index
        %get3A_1486 = tpu.vector_load %arg8[%get3A_1483, %get3A_1484, %get3A_1485] {strides = array<i32>} : memref<2x16x256xf32, #tpu.memory_space<vmem>>, vector<1x1x16xf32>,
        %get3A_1487 = vector.shape_cast %get3A_1486 : vector<1x1x16xf32> to vector<16xf32>
        %add3A_1488 = arith.addf %add3A_1480, %get3A_1487 : vector<16xf32>
        %get3A_1489 = arith.constant 0 : i32
        %get3A_1490 = arith.constant 11 : i32
        %get3A_1491 = arith.index_cast %get3A_1489 : i32 to index
        %get3A_1492 = arith.index_cast %get3A_1490 : i32 to index
        %get3A_1493 = arith.index_cast %mul3A_590 : i32 to index
        %get3A_1494 = tpu.vector_load %arg9[%get3A_1491, %get3A_1492, %get3A_1493] {strides = array<i32>} : memref<2x16x256xf32, #tpu.memory_space<vmem>>, vector<1x1x16xf32>,
        %get3A_1495 = vector.shape_cast %get3A_1494 : vector<1x1x16xf32> to vector<16xf32>
        %add3A_1496 = arith.addf %add3A_1488, %get3A_1495 : vector<16xf32>
        %get3A_1497 = arith.constant 0 : i32
        %get3A_1498 = arith.constant 11 : i32
        %get3A_1499 = arith.index_cast %get3A_1497 : i32 to index
        %get3A_1500 = arith.index_cast %get3A_1498 : i32 to index
        %get3A_1501 = arith.index_cast %mul3A_590 : i32 to index
        %get3A_1502 = tpu.vector_load %arg10[%get3A_1499, %get3A_1500, %get3A_1501] {strides = array<i32>} : memref<2x16x256xf32, #tpu.memory_space<vmem>>, vector<1x1x16xf32>,
        %get3A_1503 = vector.shape_cast %get3A_1502 : vector<1x1x16xf32> to vector<16xf32>
        %add3A_1504 = arith.addf %add3A_1496, %get3A_1503 : vector<16xf32>
        %get3A_1505 = arith.constant 0 : i32
        %get3A_1506 = arith.constant 11 : i32
        %get3A_1507 = arith.index_cast %get3A_1505 : i32 to index
        %get3A_1508 = arith.index_cast %get3A_1506 : i32 to index
        %get3A_1509 = arith.index_cast %mul3A_590 : i32 to index
        %get3A_1510 = tpu.vector_load %arg11[%get3A_1507, %get3A_1508, %get3A_1509] {strides = array<i32>} : memref<2x16x256xf32, #tpu.memory_space<vmem>>, vector<1x1x16xf32>,
        %get3A_1511 = vector.shape_cast %get3A_1510 : vector<1x1x16xf32> to vector<16xf32>
        %add3A_1512 = arith.addf %add3A_1504, %get3A_1511 : vector<16xf32>
        %get3A_1513 = arith.constant 0 : i32
        %get3A_1514 = arith.constant 11 : i32
        %get3A_1515 = arith.index_cast %get3A_1513 : i32 to index
        %get3A_1516 = arith.index_cast %get3A_1514 : i32 to index
        %get3A_1517 = arith.index_cast %mul3A_590 : i32 to index
        %get3A_1518 = tpu.vector_load %arg12[%get3A_1515, %get3A_1516, %get3A_1517] {strides = array<i32>} : memref<2x16x256xf32, #tpu.memory_space<vmem>>, vector<1x1x16xf32>,
        %get3A_1519 = vector.shape_cast %get3A_1518 : vector<1x1x16xf32> to vector<16xf32>
        %add3A_1520 = arith.addf %add3A_1512, %get3A_1519 : vector<16xf32>
        %get3A_1521 = arith.constant 0 : i32
        %get3A_1522 = arith.constant 11 : i32
        %get3A_1523 = arith.index_cast %get3A_1521 : i32 to index
        %get3A_1524 = arith.index_cast %get3A_1522 : i32 to index
        %get3A_1525 = arith.index_cast %mul3A_590 : i32 to index
        %get3A_1526 = tpu.vector_load %arg13[%get3A_1523, %get3A_1524, %get3A_1525] {strides = array<i32>} : memref<2x16x256xf32, #tpu.memory_space<vmem>>, vector<1x1x16xf32>,
        %get3A_1527 = vector.shape_cast %get3A_1526 : vector<1x1x16xf32> to vector<16xf32>
        %add3A_1528 = arith.addf %add3A_1520, %get3A_1527 : vector<16xf32>
        %swap3A_1529 = arith.constant 0 : i32
        %swap3A_1530 = arith.constant 11 : i32
        %swap3A_1531 = arith.index_cast %swap3A_1529 : i32 to index
        %swap3A_1532 = arith.index_cast %swap3A_1530 : i32 to index
        %swap3A_1533 = arith.index_cast %mul3A_590 : i32 to index
        %swap3A_1534 = tpu.vector_load %arg15[%swap3A_1531, %swap3A_1532, %swap3A_1533] {strides = array<i32>} : memref<2x16x256xf32, #tpu.memory_space<vmem>>, vector<1x1x16xf32>,
        %swap3A_1535 = vector.shape_cast %swap3A_1534 : vector<1x1x16xf32> to vector<16xf32>
        %swap3A_1536 = vector.shape_cast %add3A_1528 : vector<16xf32> to vector<1x1x16xf32>
        tpu.vector_store %arg15[%swap3A_1531, %swap3A_1532, %swap3A_1533], %swap3A_1536 {strides = array<i32>} : memref<2x16x256xf32, #tpu.memory_space<vmem>>, vector<1x1x16xf32>,
        %get3A_1537 = arith.constant 0 : i32
        %get3A_1538 = arith.constant 12 : i32
        %get3A_1539 = arith.index_cast %get3A_1537 : i32 to index
        %get3A_1540 = arith.index_cast %get3A_1538 : i32 to index
        %get3A_1541 = arith.index_cast %mul3A_590 : i32 to index
        %get3A_1542 = tpu.vector_load %arg5[%get3A_1539, %get3A_1540, %get3A_1541] {strides = array<i32>} : memref<2x16x256xf32, #tpu.memory_space<vmem>>, vector<1x1x16xf32>,
        %get3A_1543 = vector.shape_cast %get3A_1542 : vector<1x1x16xf32> to vector<16xf32>
        %get3A_1544 = arith.constant 0 : i32
        %get3A_1545 = arith.constant 12 : i32
        %get3A_1546 = arith.index_cast %get3A_1544 : i32 to index
        %get3A_1547 = arith.index_cast %get3A_1545 : i32 to index
        %get3A_1548 = arith.index_cast %mul3A_590 : i32 to index
        %get3A_1549 = tpu.vector_load %arg6[%get3A_1546, %get3A_1547, %get3A_1548] {strides = array<i32>} : memref<2x16x256xf32, #tpu.memory_space<vmem>>, vector<1x1x16xf32>,
        %get3A_1550 = vector.shape_cast %get3A_1549 : vector<1x1x16xf32> to vector<16xf32>
        %add3A_1551 = arith.addf %get3A_1543, %get3A_1550 : vector<16xf32>
        %get3A_1552 = arith.constant 0 : i32
        %get3A_1553 = arith.constant 12 : i32
        %get3A_1554 = arith.index_cast %get3A_1552 : i32 to index
        %get3A_1555 = arith.index_cast %get3A_1553 : i32 to index
        %get3A_1556 = arith.index_cast %mul3A_590 : i32 to index
        %get3A_1557 = tpu.vector_load %arg7[%get3A_1554, %get3A_1555, %get3A_1556] {strides = array<i32>} : memref<2x16x256xf32, #tpu.memory_space<vmem>>, vector<1x1x16xf32>,
        %get3A_1558 = vector.shape_cast %get3A_1557 : vector<1x1x16xf32> to vector<16xf32>
        %add3A_1559 = arith.addf %add3A_1551, %get3A_1558 : vector<16xf32>
        %get3A_1560 = arith.constant 0 : i32
        %get3A_1561 = arith.constant 12 : i32
        %get3A_1562 = arith.index_cast %get3A_1560 : i32 to index
        %get3A_1563 = arith.index_cast %get3A_1561 : i32 to index
        %get3A_1564 = arith.index_cast %mul3A_590 : i32 to index
        %get3A_1565 = tpu.vector_load %arg8[%get3A_1562, %get3A_1563, %get3A_1564] {strides = array<i32>} : memref<2x16x256xf32, #tpu.memory_space<vmem>>, vector<1x1x16xf32>,
        %get3A_1566 = vector.shape_cast %get3A_1565 : vector<1x1x16xf32> to vector<16xf32>
        %add3A_1567 = arith.addf %add3A_1559, %get3A_1566 : vector<16xf32>
        %get3A_1568 = arith.constant 0 : i32
        %get3A_1569 = arith.constant 12 : i32
        %get3A_1570 = arith.index_cast %get3A_1568 : i32 to index
        %get3A_1571 = arith.index_cast %get3A_1569 : i32 to index
        %get3A_1572 = arith.index_cast %mul3A_590 : i32 to index
        %get3A_1573 = tpu.vector_load %arg9[%get3A_1570, %get3A_1571, %get3A_1572] {strides = array<i32>} : memref<2x16x256xf32, #tpu.memory_space<vmem>>, vector<1x1x16xf32>,
        %get3A_1574 = vector.shape_cast %get3A_1573 : vector<1x1x16xf32> to vector<16xf32>
        %add3A_1575 = arith.addf %add3A_1567, %get3A_1574 : vector<16xf32>
        %get3A_1576 = arith.constant 0 : i32
        %get3A_1577 = arith.constant 12 : i32
        %get3A_1578 = arith.index_cast %get3A_1576 : i32 to index
        %get3A_1579 = arith.index_cast %get3A_1577 : i32 to index
        %get3A_1580 = arith.index_cast %mul3A_590 : i32 to index
        %get3A_1581 = tpu.vector_load %arg10[%get3A_1578, %get3A_1579, %get3A_1580] {strides = array<i32>} : memref<2x16x256xf32, #tpu.memory_space<vmem>>, vector<1x1x16xf32>,
        %get3A_1582 = vector.shape_cast %get3A_1581 : vector<1x1x16xf32> to vector<16xf32>
        %add3A_1583 = arith.addf %add3A_1575, %get3A_1582 : vector<16xf32>
        %get3A_1584 = arith.constant 0 : i32
        %get3A_1585 = arith.constant 12 : i32
        %get3A_1586 = arith.index_cast %get3A_1584 : i32 to index
        %get3A_1587 = arith.index_cast %get3A_1585 : i32 to index
        %get3A_1588 = arith.index_cast %mul3A_590 : i32 to index
        %get3A_1589 = tpu.vector_load %arg11[%get3A_1586, %get3A_1587, %get3A_1588] {strides = array<i32>} : memref<2x16x256xf32, #tpu.memory_space<vmem>>, vector<1x1x16xf32>,
        %get3A_1590 = vector.shape_cast %get3A_1589 : vector<1x1x16xf32> to vector<16xf32>
        %add3A_1591 = arith.addf %add3A_1583, %get3A_1590 : vector<16xf32>
        %get3A_1592 = arith.constant 0 : i32
        %get3A_1593 = arith.constant 12 : i32
        %get3A_1594 = arith.index_cast %get3A_1592 : i32 to index
        %get3A_1595 = arith.index_cast %get3A_1593 : i32 to index
        %get3A_1596 = arith.index_cast %mul3A_590 : i32 to index
        %get3A_1597 = tpu.vector_load %arg12[%get3A_1594, %get3A_1595, %get3A_1596] {strides = array<i32>} : memref<2x16x256xf32, #tpu.memory_space<vmem>>, vector<1x1x16xf32>,
        %get3A_1598 = vector.shape_cast %get3A_1597 : vector<1x1x16xf32> to vector<16xf32>
        %add3A_1599 = arith.addf %add3A_1591, %get3A_1598 : vector<16xf32>
        %get3A_1600 = arith.constant 0 : i32
        %get3A_1601 = arith.constant 12 : i32
        %get3A_1602 = arith.index_cast %get3A_1600 : i32 to index
        %get3A_1603 = arith.index_cast %get3A_1601 : i32 to index
        %get3A_1604 = arith.index_cast %mul3A_590 : i32 to index
        %get3A_1605 = tpu.vector_load %arg13[%get3A_1602, %get3A_1603, %get3A_1604] {strides = array<i32>} : memref<2x16x256xf32, #tpu.memory_space<vmem>>, vector<1x1x16xf32>,
        %get3A_1606 = vector.shape_cast %get3A_1605 : vector<1x1x16xf32> to vector<16xf32>
        %add3A_1607 = arith.addf %add3A_1599, %get3A_1606 : vector<16xf32>
        %swap3A_1608 = arith.constant 0 : i32
        %swap3A_1609 = arith.constant 12 : i32
        %swap3A_1610 = arith.index_cast %swap3A_1608 : i32 to index
        %swap3A_1611 = arith.index_cast %swap3A_1609 : i32 to index
        %swap3A_1612 = arith.index_cast %mul3A_590 : i32 to index
        %swap3A_1613 = tpu.vector_load %arg15[%swap3A_1610, %swap3A_1611, %swap3A_1612] {strides = array<i32>} : memref<2x16x256xf32, #tpu.memory_space<vmem>>, vector<1x1x16xf32>,
        %swap3A_1614 = vector.shape_cast %swap3A_1613 : vector<1x1x16xf32> to vector<16xf32>
        %swap3A_1615 = vector.shape_cast %add3A_1607 : vector<16xf32> to vector<1x1x16xf32>
        tpu.vector_store %arg15[%swap3A_1610, %swap3A_1611, %swap3A_1612], %swap3A_1615 {strides = array<i32>} : memref<2x16x256xf32, #tpu.memory_space<vmem>>, vector<1x1x16xf32>,
        %get3A_1616 = arith.constant 0 : i32
        %get3A_1617 = arith.constant 13 : i32
        %get3A_1618 = arith.index_cast %get3A_1616 : i32 to index
        %get3A_1619 = arith.index_cast %get3A_1617 : i32 to index
        %get3A_1620 = arith.index_cast %mul3A_590 : i32 to index
        %get3A_1621 = tpu.vector_load %arg5[%get3A_1618, %get3A_1619, %get3A_1620] {strides = array<i32>} : memref<2x16x256xf32, #tpu.memory_space<vmem>>, vector<1x1x16xf32>,
        %get3A_1622 = vector.shape_cast %get3A_1621 : vector<1x1x16xf32> to vector<16xf32>
        %get3A_1623 = arith.constant 0 : i32
        %get3A_1624 = arith.constant 13 : i32
        %get3A_1625 = arith.index_cast %get3A_1623 : i32 to index
        %get3A_1626 = arith.index_cast %get3A_1624 : i32 to index
        %get3A_1627 = arith.index_cast %mul3A_590 : i32 to index
        %get3A_1628 = tpu.vector_load %arg6[%get3A_1625, %get3A_1626, %get3A_1627] {strides = array<i32>} : memref<2x16x256xf32, #tpu.memory_space<vmem>>, vector<1x1x16xf32>,
        %get3A_1629 = vector.shape_cast %get3A_1628 : vector<1x1x16xf32> to vector<16xf32>
        %add3A_1630 = arith.addf %get3A_1622, %get3A_1629 : vector<16xf32>
        %get3A_1631 = arith.constant 0 : i32
        %get3A_1632 = arith.constant 13 : i32
        %get3A_1633 = arith.index_cast %get3A_1631 : i32 to index
        %get3A_1634 = arith.index_cast %get3A_1632 : i32 to index
        %get3A_1635 = arith.index_cast %mul3A_590 : i32 to index
        %get3A_1636 = tpu.vector_load %arg7[%get3A_1633, %get3A_1634, %get3A_1635] {strides = array<i32>} : memref<2x16x256xf32, #tpu.memory_space<vmem>>, vector<1x1x16xf32>,
        %get3A_1637 = vector.shape_cast %get3A_1636 : vector<1x1x16xf32> to vector<16xf32>
        %add3A_1638 = arith.addf %add3A_1630, %get3A_1637 : vector<16xf32>
        %get3A_1639 = arith.constant 0 : i32
        %get3A_1640 = arith.constant 13 : i32
        %get3A_1641 = arith.index_cast %get3A_1639 : i32 to index
        %get3A_1642 = arith.index_cast %get3A_1640 : i32 to index
        %get3A_1643 = arith.index_cast %mul3A_590 : i32 to index
        %get3A_1644 = tpu.vector_load %arg8[%get3A_1641, %get3A_1642, %get3A_1643] {strides = array<i32>} : memref<2x16x256xf32, #tpu.memory_space<vmem>>, vector<1x1x16xf32>,
        %get3A_1645 = vector.shape_cast %get3A_1644 : vector<1x1x16xf32> to vector<16xf32>
        %add3A_1646 = arith.addf %add3A_1638, %get3A_1645 : vector<16xf32>
        %get3A_1647 = arith.constant 0 : i32
        %get3A_1648 = arith.constant 13 : i32
        %get3A_1649 = arith.index_cast %get3A_1647 : i32 to index
        %get3A_1650 = arith.index_cast %get3A_1648 : i32 to index
        %get3A_1651 = arith.index_cast %mul3A_590 : i32 to index
        %get3A_1652 = tpu.vector_load %arg9[%get3A_1649, %get3A_1650, %get3A_1651] {strides = array<i32>} : memref<2x16x256xf32, #tpu.memory_space<vmem>>, vector<1x1x16xf32>,
        %get3A_1653 = vector.shape_cast %get3A_1652 : vector<1x1x16xf32> to vector<16xf32>
        %add3A_1654 = arith.addf %add3A_1646, %get3A_1653 : vector<16xf32>
        %get3A_1655 = arith.constant 0 : i32
        %get3A_1656 = arith.constant 13 : i32
        %get3A_1657 = arith.index_cast %get3A_1655 : i32 to index
        %get3A_1658 = arith.index_cast %get3A_1656 : i32 to index
        %get3A_1659 = arith.index_cast %mul3A_590 : i32 to index
        %get3A_1660 = tpu.vector_load %arg10[%get3A_1657, %get3A_1658, %get3A_1659] {strides = array<i32>} : memref<2x16x256xf32, #tpu.memory_space<vmem>>, vector<1x1x16xf32>,
        %get3A_1661 = vector.shape_cast %get3A_1660 : vector<1x1x16xf32> to vector<16xf32>
        %add3A_1662 = arith.addf %add3A_1654, %get3A_1661 : vector<16xf32>
        %get3A_1663 = arith.constant 0 : i32
        %get3A_1664 = arith.constant 13 : i32
        %get3A_1665 = arith.index_cast %get3A_1663 : i32 to index
        %get3A_1666 = arith.index_cast %get3A_1664 : i32 to index
        %get3A_1667 = arith.index_cast %mul3A_590 : i32 to index
        %get3A_1668 = tpu.vector_load %arg11[%get3A_1665, %get3A_1666, %get3A_1667] {strides = array<i32>} : memref<2x16x256xf32, #tpu.memory_space<vmem>>, vector<1x1x16xf32>,
        %get3A_1669 = vector.shape_cast %get3A_1668 : vector<1x1x16xf32> to vector<16xf32>
        %add3A_1670 = arith.addf %add3A_1662, %get3A_1669 : vector<16xf32>
        %get3A_1671 = arith.constant 0 : i32
        %get3A_1672 = arith.constant 13 : i32
        %get3A_1673 = arith.index_cast %get3A_1671 : i32 to index
        %get3A_1674 = arith.index_cast %get3A_1672 : i32 to index
        %get3A_1675 = arith.index_cast %mul3A_590 : i32 to index
        %get3A_1676 = tpu.vector_load %arg12[%get3A_1673, %get3A_1674, %get3A_1675] {strides = array<i32>} : memref<2x16x256xf32, #tpu.memory_space<vmem>>, vector<1x1x16xf32>,
        %get3A_1677 = vector.shape_cast %get3A_1676 : vector<1x1x16xf32> to vector<16xf32>
        %add3A_1678 = arith.addf %add3A_1670, %get3A_1677 : vector<16xf32>
        %get3A_1679 = arith.constant 0 : i32
        %get3A_1680 = arith.constant 13 : i32
        %get3A_1681 = arith.index_cast %get3A_1679 : i32 to index
        %get3A_1682 = arith.index_cast %get3A_1680 : i32 to index
        %get3A_1683 = arith.index_cast %mul3A_590 : i32 to index
        %get3A_1684 = tpu.vector_load %arg13[%get3A_1681, %get3A_1682, %get3A_1683] {strides = array<i32>} : memref<2x16x256xf32, #tpu.memory_space<vmem>>, vector<1x1x16xf32>,
        %get3A_1685 = vector.shape_cast %get3A_1684 : vector<1x1x16xf32> to vector<16xf32>
        %add3A_1686 = arith.addf %add3A_1678, %get3A_1685 : vector<16xf32>
        %swap3A_1687 = arith.constant 0 : i32
        %swap3A_1688 = arith.constant 13 : i32
        %swap3A_1689 = arith.index_cast %swap3A_1687 : i32 to index
        %swap3A_1690 = arith.index_cast %swap3A_1688 : i32 to index
        %swap3A_1691 = arith.index_cast %mul3A_590 : i32 to index
        %swap3A_1692 = tpu.vector_load %arg15[%swap3A_1689, %swap3A_1690, %swap3A_1691] {strides = array<i32>} : memref<2x16x256xf32, #tpu.memory_space<vmem>>, vector<1x1x16xf32>,
        %swap3A_1693 = vector.shape_cast %swap3A_1692 : vector<1x1x16xf32> to vector<16xf32>
        %swap3A_1694 = vector.shape_cast %add3A_1686 : vector<16xf32> to vector<1x1x16xf32>
        tpu.vector_store %arg15[%swap3A_1689, %swap3A_1690, %swap3A_1691], %swap3A_1694 {strides = array<i32>} : memref<2x16x256xf32, #tpu.memory_space<vmem>>, vector<1x1x16xf32>,
        %get3A_1695 = arith.constant 0 : i32
        %get3A_1696 = arith.constant 14 : i32
        %get3A_1697 = arith.index_cast %get3A_1695 : i32 to index
        %get3A_1698 = arith.index_cast %get3A_1696 : i32 to index
        %get3A_1699 = arith.index_cast %mul3A_590 : i32 to index
        %get3A_1700 = tpu.vector_load %arg5[%get3A_1697, %get3A_1698, %get3A_1699] {strides = array<i32>} : memref<2x16x256xf32, #tpu.memory_space<vmem>>, vector<1x1x16xf32>,
        %get3A_1701 = vector.shape_cast %get3A_1700 : vector<1x1x16xf32> to vector<16xf32>
        %get3A_1702 = arith.constant 0 : i32
        %get3A_1703 = arith.constant 14 : i32
        %get3A_1704 = arith.index_cast %get3A_1702 : i32 to index
        %get3A_1705 = arith.index_cast %get3A_1703 : i32 to index
        %get3A_1706 = arith.index_cast %mul3A_590 : i32 to index
        %get3A_1707 = tpu.vector_load %arg6[%get3A_1704, %get3A_1705, %get3A_1706] {strides = array<i32>} : memref<2x16x256xf32, #tpu.memory_space<vmem>>, vector<1x1x16xf32>,
        %get3A_1708 = vector.shape_cast %get3A_1707 : vector<1x1x16xf32> to vector<16xf32>
        %add3A_1709 = arith.addf %get3A_1701, %get3A_1708 : vector<16xf32>
        %get3A_1710 = arith.constant 0 : i32
        %get3A_1711 = arith.constant 14 : i32
        %get3A_1712 = arith.index_cast %get3A_1710 : i32 to index
        %get3A_1713 = arith.index_cast %get3A_1711 : i32 to index
        %get3A_1714 = arith.index_cast %mul3A_590 : i32 to index
        %get3A_1715 = tpu.vector_load %arg7[%get3A_1712, %get3A_1713, %get3A_1714] {strides = array<i32>} : memref<2x16x256xf32, #tpu.memory_space<vmem>>, vector<1x1x16xf32>,
        %get3A_1716 = vector.shape_cast %get3A_1715 : vector<1x1x16xf32> to vector<16xf32>
        %add3A_1717 = arith.addf %add3A_1709, %get3A_1716 : vector<16xf32>
        %get3A_1718 = arith.constant 0 : i32
        %get3A_1719 = arith.constant 14 : i32
        %get3A_1720 = arith.index_cast %get3A_1718 : i32 to index
        %get3A_1721 = arith.index_cast %get3A_1719 : i32 to index
        %get3A_1722 = arith.index_cast %mul3A_590 : i32 to index
        %get3A_1723 = tpu.vector_load %arg8[%get3A_1720, %get3A_1721, %get3A_1722] {strides = array<i32>} : memref<2x16x256xf32, #tpu.memory_space<vmem>>, vector<1x1x16xf32>,
        %get3A_1724 = vector.shape_cast %get3A_1723 : vector<1x1x16xf32> to vector<16xf32>
        %add3A_1725 = arith.addf %add3A_1717, %get3A_1724 : vector<16xf32>
        %get3A_1726 = arith.constant 0 : i32
        %get3A_1727 = arith.constant 14 : i32
        %get3A_1728 = arith.index_cast %get3A_1726 : i32 to index
        %get3A_1729 = arith.index_cast %get3A_1727 : i32 to index
        %get3A_1730 = arith.index_cast %mul3A_590 : i32 to index
        %get3A_1731 = tpu.vector_load %arg9[%get3A_1728, %get3A_1729, %get3A_1730] {strides = array<i32>} : memref<2x16x256xf32, #tpu.memory_space<vmem>>, vector<1x1x16xf32>,
        %get3A_1732 = vector.shape_cast %get3A_1731 : vector<1x1x16xf32> to vector<16xf32>
        %add3A_1733 = arith.addf %add3A_1725, %get3A_1732 : vector<16xf32>
        %get3A_1734 = arith.constant 0 : i32
        %get3A_1735 = arith.constant 14 : i32
        %get3A_1736 = arith.index_cast %get3A_1734 : i32 to index
        %get3A_1737 = arith.index_cast %get3A_1735 : i32 to index
        %get3A_1738 = arith.index_cast %mul3A_590 : i32 to index
        %get3A_1739 = tpu.vector_load %arg10[%get3A_1736, %get3A_1737, %get3A_1738] {strides = array<i32>} : memref<2x16x256xf32, #tpu.memory_space<vmem>>, vector<1x1x16xf32>,
        %get3A_1740 = vector.shape_cast %get3A_1739 : vector<1x1x16xf32> to vector<16xf32>
        %add3A_1741 = arith.addf %add3A_1733, %get3A_1740 : vector<16xf32>
        %get3A_1742 = arith.constant 0 : i32
        %get3A_1743 = arith.constant 14 : i32
        %get3A_1744 = arith.index_cast %get3A_1742 : i32 to index
        %get3A_1745 = arith.index_cast %get3A_1743 : i32 to index
        %get3A_1746 = arith.index_cast %mul3A_590 : i32 to index
        %get3A_1747 = tpu.vector_load %arg11[%get3A_1744, %get3A_1745, %get3A_1746] {strides = array<i32>} : memref<2x16x256xf32, #tpu.memory_space<vmem>>, vector<1x1x16xf32>,
        %get3A_1748 = vector.shape_cast %get3A_1747 : vector<1x1x16xf32> to vector<16xf32>
        %add3A_1749 = arith.addf %add3A_1741, %get3A_1748 : vector<16xf32>
        %get3A_1750 = arith.constant 0 : i32
        %get3A_1751 = arith.constant 14 : i32
        %get3A_1752 = arith.index_cast %get3A_1750 : i32 to index
        %get3A_1753 = arith.index_cast %get3A_1751 : i32 to index
        %get3A_1754 = arith.index_cast %mul3A_590 : i32 to index
        %get3A_1755 = tpu.vector_load %arg12[%get3A_1752, %get3A_1753, %get3A_1754] {strides = array<i32>} : memref<2x16x256xf32, #tpu.memory_space<vmem>>, vector<1x1x16xf32>,
        %get3A_1756 = vector.shape_cast %get3A_1755 : vector<1x1x16xf32> to vector<16xf32>
        %add3A_1757 = arith.addf %add3A_1749, %get3A_1756 : vector<16xf32>
        %get3A_1758 = arith.constant 0 : i32
        %get3A_1759 = arith.constant 14 : i32
        %get3A_1760 = arith.index_cast %get3A_1758 : i32 to index
        %get3A_1761 = arith.index_cast %get3A_1759 : i32 to index
        %get3A_1762 = arith.index_cast %mul3A_590 : i32 to index
        %get3A_1763 = tpu.vector_load %arg13[%get3A_1760, %get3A_1761, %get3A_1762] {strides = array<i32>} : memref<2x16x256xf32, #tpu.memory_space<vmem>>, vector<1x1x16xf32>,
        %get3A_1764 = vector.shape_cast %get3A_1763 : vector<1x1x16xf32> to vector<16xf32>
        %add3A_1765 = arith.addf %add3A_1757, %get3A_1764 : vector<16xf32>
        %swap3A_1766 = arith.constant 0 : i32
        %swap3A_1767 = arith.constant 14 : i32
        %swap3A_1768 = arith.index_cast %swap3A_1766 : i32 to index
        %swap3A_1769 = arith.index_cast %swap3A_1767 : i32 to index
        %swap3A_1770 = arith.index_cast %mul3A_590 : i32 to index
        %swap3A_1771 = tpu.vector_load %arg15[%swap3A_1768, %swap3A_1769, %swap3A_1770] {strides = array<i32>} : memref<2x16x256xf32, #tpu.memory_space<vmem>>, vector<1x1x16xf32>,
        %swap3A_1772 = vector.shape_cast %swap3A_1771 : vector<1x1x16xf32> to vector<16xf32>
        %swap3A_1773 = vector.shape_cast %add3A_1765 : vector<16xf32> to vector<1x1x16xf32>
        tpu.vector_store %arg15[%swap3A_1768, %swap3A_1769, %swap3A_1770], %swap3A_1773 {strides = array<i32>} : memref<2x16x256xf32, #tpu.memory_space<vmem>>, vector<1x1x16xf32>,
        %get3A_1774 = arith.constant 0 : i32
        %get3A_1775 = arith.constant 15 : i32
        %get3A_1776 = arith.index_cast %get3A_1774 : i32 to index
        %get3A_1777 = arith.index_cast %get3A_1775 : i32 to index
        %get3A_1778 = arith.index_cast %mul3A_590 : i32 to index
        %get3A_1779 = tpu.vector_load %arg5[%get3A_1776, %get3A_1777, %get3A_1778] {strides = array<i32>} : memref<2x16x256xf32, #tpu.memory_space<vmem>>, vector<1x1x16xf32>,
        %get3A_1780 = vector.shape_cast %get3A_1779 : vector<1x1x16xf32> to vector<16xf32>
        %get3A_1781 = arith.constant 0 : i32
        %get3A_1782 = arith.constant 15 : i32
        %get3A_1783 = arith.index_cast %get3A_1781 : i32 to index
        %get3A_1784 = arith.index_cast %get3A_1782 : i32 to index
        %get3A_1785 = arith.index_cast %mul3A_590 : i32 to index
        %get3A_1786 = tpu.vector_load %arg6[%get3A_1783, %get3A_1784, %get3A_1785] {strides = array<i32>} : memref<2x16x256xf32, #tpu.memory_space<vmem>>, vector<1x1x16xf32>,
        %get3A_1787 = vector.shape_cast %get3A_1786 : vector<1x1x16xf32> to vector<16xf32>
        %add3A_1788 = arith.addf %get3A_1780, %get3A_1787 : vector<16xf32>
        %get3A_1789 = arith.constant 0 : i32
        %get3A_1790 = arith.constant 15 : i32
        %get3A_1791 = arith.index_cast %get3A_1789 : i32 to index
        %get3A_1792 = arith.index_cast %get3A_1790 : i32 to index
        %get3A_1793 = arith.index_cast %mul3A_590 : i32 to index
        %get3A_1794 = tpu.vector_load %arg7[%get3A_1791, %get3A_1792, %get3A_1793] {strides = array<i32>} : memref<2x16x256xf32, #tpu.memory_space<vmem>>, vector<1x1x16xf32>,
        %get3A_1795 = vector.shape_cast %get3A_1794 : vector<1x1x16xf32> to vector<16xf32>
        %add3A_1796 = arith.addf %add3A_1788, %get3A_1795 : vector<16xf32>
        %get3A_1797 = arith.constant 0 : i32
        %get3A_1798 = arith.constant 15 : i32
        %get3A_1799 = arith.index_cast %get3A_1797 : i32 to index
        %get3A_1800 = arith.index_cast %get3A_1798 : i32 to index
        %get3A_1801 = arith.index_cast %mul3A_590 : i32 to index
        %get3A_1802 = tpu.vector_load %arg8[%get3A_1799, %get3A_1800, %get3A_1801] {strides = array<i32>} : memref<2x16x256xf32, #tpu.memory_space<vmem>>, vector<1x1x16xf32>,
        %get3A_1803 = vector.shape_cast %get3A_1802 : vector<1x1x16xf32> to vector<16xf32>
        %add3A_1804 = arith.addf %add3A_1796, %get3A_1803 : vector<16xf32>
        %get3A_1805 = arith.constant 0 : i32
        %get3A_1806 = arith.constant 15 : i32
        %get3A_1807 = arith.index_cast %get3A_1805 : i32 to index
        %get3A_1808 = arith.index_cast %get3A_1806 : i32 to index
        %get3A_1809 = arith.index_cast %mul3A_590 : i32 to index
        %get3A_1810 = tpu.vector_load %arg9[%get3A_1807, %get3A_1808, %get3A_1809] {strides = array<i32>} : memref<2x16x256xf32, #tpu.memory_space<vmem>>, vector<1x1x16xf32>,
        %get3A_1811 = vector.shape_cast %get3A_1810 : vector<1x1x16xf32> to vector<16xf32>
        %add3A_1812 = arith.addf %add3A_1804, %get3A_1811 : vector<16xf32>
        %get3A_1813 = arith.constant 0 : i32
        %get3A_1814 = arith.constant 15 : i32
        %get3A_1815 = arith.index_cast %get3A_1813 : i32 to index
        %get3A_1816 = arith.index_cast %get3A_1814 : i32 to index
        %get3A_1817 = arith.index_cast %mul3A_590 : i32 to index
        %get3A_1818 = tpu.vector_load %arg10[%get3A_1815, %get3A_1816, %get3A_1817] {strides = array<i32>} : memref<2x16x256xf32, #tpu.memory_space<vmem>>, vector<1x1x16xf32>,
        %get3A_1819 = vector.shape_cast %get3A_1818 : vector<1x1x16xf32> to vector<16xf32>
        %add3A_1820 = arith.addf %add3A_1812, %get3A_1819 : vector<16xf32>
        %get3A_1821 = arith.constant 0 : i32
        %get3A_1822 = arith.constant 15 : i32
        %get3A_1823 = arith.index_cast %get3A_1821 : i32 to index
        %get3A_1824 = arith.index_cast %get3A_1822 : i32 to index
        %get3A_1825 = arith.index_cast %mul3A_590 : i32 to index
        %get3A_1826 = tpu.vector_load %arg11[%get3A_1823, %get3A_1824, %get3A_1825] {strides = array<i32>} : memref<2x16x256xf32, #tpu.memory_space<vmem>>, vector<1x1x16xf32>,
        %get3A_1827 = vector.shape_cast %get3A_1826 : vector<1x1x16xf32> to vector<16xf32>
        %add3A_1828 = arith.addf %add3A_1820, %get3A_1827 : vector<16xf32>
        %get3A_1829 = arith.constant 0 : i32
        %get3A_1830 = arith.constant 15 : i32
        %get3A_1831 = arith.index_cast %get3A_1829 : i32 to index
        %get3A_1832 = arith.index_cast %get3A_1830 : i32 to index
        %get3A_1833 = arith.index_cast %mul3A_590 : i32 to index
        %get3A_1834 = tpu.vector_load %arg12[%get3A_1831, %get3A_1832, %get3A_1833] {strides = array<i32>} : memref<2x16x256xf32, #tpu.memory_space<vmem>>, vector<1x1x16xf32>,
        %get3A_1835 = vector.shape_cast %get3A_1834 : vector<1x1x16xf32> to vector<16xf32>
        %add3A_1836 = arith.addf %add3A_1828, %get3A_1835 : vector<16xf32>
        %get3A_1837 = arith.constant 0 : i32
        %get3A_1838 = arith.constant 15 : i32
        %get3A_1839 = arith.index_cast %get3A_1837 : i32 to index
        %get3A_1840 = arith.index_cast %get3A_1838 : i32 to index
        %get3A_1841 = arith.index_cast %mul3A_590 : i32 to index
        %get3A_1842 = tpu.vector_load %arg13[%get3A_1839, %get3A_1840, %get3A_1841] {strides = array<i32>} : memref<2x16x256xf32, #tpu.memory_space<vmem>>, vector<1x1x16xf32>,
        %get3A_1843 = vector.shape_cast %get3A_1842 : vector<1x1x16xf32> to vector<16xf32>
        %add3A_1844 = arith.addf %add3A_1836, %get3A_1843 : vector<16xf32>
        %swap3A_1845 = arith.constant 0 : i32
        %swap3A_1846 = arith.constant 15 : i32
        %swap3A_1847 = arith.index_cast %swap3A_1845 : i32 to index
        %swap3A_1848 = arith.index_cast %swap3A_1846 : i32 to index
        %swap3A_1849 = arith.index_cast %mul3A_590 : i32 to index
        %swap3A_1850 = tpu.vector_load %arg15[%swap3A_1847, %swap3A_1848, %swap3A_1849] {strides = array<i32>} : memref<2x16x256xf32, #tpu.memory_space<vmem>>, vector<1x1x16xf32>,
        %swap3A_1851 = vector.shape_cast %swap3A_1850 : vector<1x1x16xf32> to vector<16xf32>
        %swap3A_1852 = vector.shape_cast %add3A_1844 : vector<16xf32> to vector<1x1x16xf32>
        tpu.vector_store %arg15[%swap3A_1847, %swap3A_1848, %swap3A_1849], %swap3A_1852 {strides = array<i32>} : memref<2x16x256xf32, #tpu.memory_space<vmem>>, vector<1x1x16xf32>,
        %scan3A_1853 = arith.constant 0 : i32
        scf.yield %scan3A_1853 : i32
      }
      %scan3A_331 = arith.constant 16 : i32
      %jit3A_332 = arith.constant 8 : i32
      %div3A_333 = arith.divsi %add3A_180, %jit3A_332 : i32
      %sign3A_334 = arith.constant 0 : i32
      %sign3A_335 = arith.cmpi sgt, %add3A_180, %sign3A_334 : i32
      %sign3A_336 = arith.extui %sign3A_335 : i1 to i32
      %sign3A_337 = arith.constant 0 : i32
      %sign3A_338 = arith.cmpi slt, %add3A_180, %sign3A_337 : i32
      %sign3A_339 = arith.extui %sign3A_338 : i1 to i32
      %sign3A_340 = arith.subi %sign3A_336, %sign3A_339 : i32
      %sign3A_341 = arith.constant 0 : i32
      %sign3A_342 = arith.cmpi sgt, %jit3A_332, %sign3A_341 : i32
      %sign3A_343 = arith.extui %sign3A_342 : i1 to i32
      %sign3A_344 = arith.constant 0 : i32
      %sign3A_345 = arith.cmpi slt, %jit3A_332, %sign3A_344 : i32
      %sign3A_346 = arith.extui %sign3A_345 : i1 to i32
      %sign3A_347 = arith.subi %sign3A_343, %sign3A_346 : i32
      %ne3A_348 = arith.cmpi ne, %sign3A_340, %sign3A_347 : i32
      %rem3A_349 = arith.remsi %add3A_180, %jit3A_332 : i32
      %ne3A_350 = arith.constant 0 : i32
      %ne3A_351 = arith.cmpi ne, %rem3A_349, %ne3A_350 : i32
      %and3A_352 = arith.andi %ne3A_348, %ne3A_351 : i1
      %sub3A_353 = arith.constant 1 : i32
      %sub3A_354 = arith.subi %div3A_333, %sub3A_353 : i32
      %select_n3A_355 = arith.select %and3A_352, %sub3A_354, %div3A_333 : i32
      %rem3A_356 = arith.constant 8 : i32
      %rem3A_357 = arith.remsi %add3A_180, %rem3A_356 : i32
      %mul3A_358 = arith.constant 256 : i32
      %mul3A_359 = arith.muli %add3A, %mul3A_358 : i32
      %mul3A_360 = arith.constant 16 : i32
      %mul3A_361 = arith.muli %select_n3A_355, %mul3A_360 : i32
      %add3A_362 = arith.addi %mul3A_359, %mul3A_361 : i32
      %mul3A_363 = arith.constant 256 : i32
      %mul3A_364 = arith.muli %rem3A_357, %mul3A_363 : i32
      %dma_start3A_365 = arith.constant 0 : i32
      %dma_start3A_366 = arith.constant 0 : i32
      %dma_start3A_367 = arith.constant 0 : i32
      %dma_start3A_368 = tpu.memref_slice %arg15[%dma_start3A_365, %dma_start3A_366, %dma_start3A_367] : memref<2x16x256xf32, #tpu.memory_space<vmem>> -> memref<1x16x256xf32, #tpu.memory_space<vmem>>
      %dma_start3A_369 = tpu.memref_squeeze %dma_start3A_368 : memref<1x16x256xf32, #tpu.memory_space<vmem>> -> memref<16x256xf32, #tpu.memory_space<vmem>>
      %dma_start3A_370 = tpu.memref_slice %arg4[%add3A_362, %mul3A_364] : memref<8192x2048xf32, #tpu.memory_space<hbm>> -> memref<16x256xf32, #tpu.memory_space<hbm>>
      %dma_start3A_371 = tpu.memref_slice %arg4[%add3A_362, %mul3A_364] : memref<8192x2048xf32, #tpu.memory_space<hbm>> -> memref<16x256xf32, #tpu.memory_space<hbm>>
      %dma_start3A_372 = arith.constant 0 : i32
      %dma_start3A_373 = arith.constant 0 : i32
      %dma_start3A_374 = tpu.memref_slice %arg15[%dma_start3A_365, %dma_start3A_372, %dma_start3A_373] : memref<2x16x256xf32, #tpu.memory_space<vmem>> -> memref<1x16x256xf32, #tpu.memory_space<vmem>>
      %dma_start3A_375 = tpu.memref_squeeze %dma_start3A_374 : memref<1x16x256xf32, #tpu.memory_space<vmem>> -> memref<16x256xf32, #tpu.memory_space<vmem>>
      tpu.enqueue_dma source(%dma_start3A_375 : memref<16x256xf32, #tpu.memory_space<vmem>>) target(%dma_start3A_371 : memref<16x256xf32, #tpu.memory_space<hbm>>) target_semaphore(%arg18 : memref<!tpu.dma_semaphore, #tpu.memory_space<semaphore_mem>>)
      %mul3A_376 = arith.constant 2 : i32
      %mul3A_377 = arith.muli %scan3A_175, %mul3A_376 : i32
      %add3A_378 = arith.constant 1 : i32
      %add3A_379 = arith.addi %mul3A_377, %add3A_378 : i32
      %add3A_380 = arith.constant 1 : i32
      %add3A_381 = arith.addi %add3A_379, %add3A_380 : i32
      %lt3A_382 = arith.constant 128 : i32
      %lt3A_383 = arith.cmpi slt, %add3A_381, %lt3A_382 : i32
      %convert_element_type3A_384 = arith.extui %lt3A_383 : i1 to i32
      %cond3A_385 = arith.constant 0 : i32
      %cond3A_386 = arith.cmpi ne, %convert_element_type3A_384, %cond3A_385 : i32
      scf.if %cond3A_386 {
        %add3A_587 = arith.constant 1 : i32
        %add3A_588 = arith.addi %add3A_379, %add3A_587 : i32
        %jit3A_589 = arith.constant 8 : i32
        %div3A_590 = arith.divsi %add3A_588, %jit3A_589 : i32
        %sign3A_591 = arith.constant 0 : i32
        %sign3A_592 = arith.cmpi sgt, %add3A_588, %sign3A_591 : i32
        %sign3A_593 = arith.extui %sign3A_592 : i1 to i32
        %sign3A_594 = arith.constant 0 : i32
        %sign3A_595 = arith.cmpi slt, %add3A_588, %sign3A_594 : i32
        %sign3A_596 = arith.extui %sign3A_595 : i1 to i32
        %sign3A_597 = arith.subi %sign3A_593, %sign3A_596 : i32
        %sign3A_598 = arith.constant 0 : i32
        %sign3A_599 = arith.cmpi sgt, %jit3A_589, %sign3A_598 : i32
        %sign3A_600 = arith.extui %sign3A_599 : i1 to i32
        %sign3A_601 = arith.constant 0 : i32
        %sign3A_602 = arith.cmpi slt, %jit3A_589, %sign3A_601 : i32
        %sign3A_603 = arith.extui %sign3A_602 : i1 to i32
        %sign3A_604 = arith.subi %sign3A_600, %sign3A_603 : i32
        %ne3A_605 = arith.cmpi ne, %sign3A_597, %sign3A_604 : i32
        %rem3A_606 = arith.remsi %add3A_588, %jit3A_589 : i32
        %ne3A_607 = arith.constant 0 : i32
        %ne3A_608 = arith.cmpi ne, %rem3A_606, %ne3A_607 : i32
        %and3A_609 = arith.andi %ne3A_605, %ne3A_608 : i1
        %sub3A_610 = arith.constant 1 : i32
        %sub3A_611 = arith.subi %div3A_590, %sub3A_610 : i32
        %select_n3A_612 = arith.select %and3A_609, %sub3A_611, %div3A_590 : i32
        %rem3A_613 = arith.constant 8 : i32
        %rem3A_614 = arith.remsi %add3A_588, %rem3A_613 : i32
        %mul3A_615 = arith.constant 256 : i32
        %mul3A_616 = arith.muli %rem3A_614, %mul3A_615 : i32
        %dma_start3A_617 = arith.constant 0 : i32
        %dma_start3A_618 = arith.constant 0 : i32
        %dma_start3A_619 = arith.constant 0 : i32
        %dma_start3A_620 = arith.constant 0 : i32
        %dma_start3A_621 = tpu.memref_slice %arg5[%dma_start3A_618, %dma_start3A_619, %dma_start3A_620] : memref<2x16x256xf32, #tpu.memory_space<vmem>> -> memref<1x16x256xf32, #tpu.memory_space<vmem>>
        %dma_start3A_622 = tpu.memref_squeeze %dma_start3A_621 : memref<1x16x256xf32, #tpu.memory_space<vmem>> -> memref<16x256xf32, #tpu.memory_space<vmem>>
        %dma_start3A_623 = arith.constant 0 : i32
        %dma_start3A_624 = tpu.memref_slice %arg14[%dma_start3A_617, %select_n3A_612, %dma_start3A_623] : memref<9x16x16xi32, #tpu.memory_space<vmem>> -> memref<1x1x16xi32, #tpu.memory_space<vmem>>
        %dma_start3A_625 = tpu.memref_squeeze %dma_start3A_624 : memref<1x1x16xi32, #tpu.memory_space<vmem>> -> memref<16xi32, #tpu.memory_space<vmem>>
        %dma_start3A_626 = arith.constant 0 : i32
        %dma_start3A_627 = tpu.memref_slice %arg3[%dma_start3A_626, %mul3A_616] : memref<9252x2048xf32, #tpu.memory_space<hbm>> -> memref<9252x256xf32, #tpu.memory_space<hbm>>
        tpu.enqueue_indirect_dma source(%dma_start3A_627 : memref<9252x256xf32, #tpu.memory_space<hbm>>) target(%dma_start3A_622 : memref<16x256xf32, #tpu.memory_space<vmem>>) offsets(%dma_start3A_625 : memref<16xi32, #tpu.memory_space<vmem>>) semaphore(%arg16 : memref<!tpu.dma_semaphore, #tpu.memory_space<semaphore_mem>>)
        %mul3A_628 = arith.constant 256 : i32
        %mul3A_629 = arith.muli %rem3A_614, %mul3A_628 : i32
        %dma_start3A_630 = arith.constant 1 : i32
        %dma_start3A_631 = arith.constant 0 : i32
        %dma_start3A_632 = arith.constant 0 : i32
        %dma_start3A_633 = arith.constant 0 : i32
        %dma_start3A_634 = tpu.memref_slice %arg6[%dma_start3A_631, %dma_start3A_632, %dma_start3A_633] : memref<2x16x256xf32, #tpu.memory_space<vmem>> -> memref<1x16x256xf32, #tpu.memory_space<vmem>>
        %dma_start3A_635 = tpu.memref_squeeze %dma_start3A_634 : memref<1x16x256xf32, #tpu.memory_space<vmem>> -> memref<16x256xf32, #tpu.memory_space<vmem>>
        %dma_start3A_636 = arith.constant 0 : i32
        %dma_start3A_637 = tpu.memref_slice %arg14[%dma_start3A_630, %select_n3A_612, %dma_start3A_636] : memref<9x16x16xi32, #tpu.memory_space<vmem>> -> memref<1x1x16xi32, #tpu.memory_space<vmem>>
        %dma_start3A_638 = tpu.memref_squeeze %dma_start3A_637 : memref<1x1x16xi32, #tpu.memory_space<vmem>> -> memref<16xi32, #tpu.memory_space<vmem>>
        %dma_start3A_639 = arith.constant 0 : i32
        %dma_start3A_640 = tpu.memref_slice %arg3[%dma_start3A_639, %mul3A_629] : memref<9252x2048xf32, #tpu.memory_space<hbm>> -> memref<9252x256xf32, #tpu.memory_space<hbm>>
        tpu.enqueue_indirect_dma source(%dma_start3A_640 : memref<9252x256xf32, #tpu.memory_space<hbm>>) target(%dma_start3A_635 : memref<16x256xf32, #tpu.memory_space<vmem>>) offsets(%dma_start3A_638 : memref<16xi32, #tpu.memory_space<vmem>>) semaphore(%arg16 : memref<!tpu.dma_semaphore, #tpu.memory_space<semaphore_mem>>)
        %mul3A_641 = arith.constant 256 : i32
        %mul3A_642 = arith.muli %rem3A_614, %mul3A_641 : i32
        %dma_start3A_643 = arith.constant 2 : i32
        %dma_start3A_644 = arith.constant 0 : i32
        %dma_start3A_645 = arith.constant 0 : i32
        %dma_start3A_646 = arith.constant 0 : i32
        %dma_start3A_647 = tpu.memref_slice %arg7[%dma_start3A_644, %dma_start3A_645, %dma_start3A_646] : memref<2x16x256xf32, #tpu.memory_space<vmem>> -> memref<1x16x256xf32, #tpu.memory_space<vmem>>
        %dma_start3A_648 = tpu.memref_squeeze %dma_start3A_647 : memref<1x16x256xf32, #tpu.memory_space<vmem>> -> memref<16x256xf32, #tpu.memory_space<vmem>>
        %dma_start3A_649 = arith.constant 0 : i32
        %dma_start3A_650 = tpu.memref_slice %arg14[%dma_start3A_643, %select_n3A_612, %dma_start3A_649] : memref<9x16x16xi32, #tpu.memory_space<vmem>> -> memref<1x1x16xi32, #tpu.memory_space<vmem>>
        %dma_start3A_651 = tpu.memref_squeeze %dma_start3A_650 : memref<1x1x16xi32, #tpu.memory_space<vmem>> -> memref<16xi32, #tpu.memory_space<vmem>>
        %dma_start3A_652 = arith.constant 0 : i32
        %dma_start3A_653 = tpu.memref_slice %arg3[%dma_start3A_652, %mul3A_642] : memref<9252x2048xf32, #tpu.memory_space<hbm>> -> memref<9252x256xf32, #tpu.memory_space<hbm>>
        tpu.enqueue_indirect_dma source(%dma_start3A_653 : memref<9252x256xf32, #tpu.memory_space<hbm>>) target(%dma_start3A_648 : memref<16x256xf32, #tpu.memory_space<vmem>>) offsets(%dma_start3A_651 : memref<16xi32, #tpu.memory_space<vmem>>) semaphore(%arg16 : memref<!tpu.dma_semaphore, #tpu.memory_space<semaphore_mem>>)
        %mul3A_654 = arith.constant 256 : i32
        %mul3A_655 = arith.muli %rem3A_614, %mul3A_654 : i32
        %dma_start3A_656 = arith.constant 3 : i32
        %dma_start3A_657 = arith.constant 0 : i32
        %dma_start3A_658 = arith.constant 0 : i32
        %dma_start3A_659 = arith.constant 0 : i32
        %dma_start3A_660 = tpu.memref_slice %arg8[%dma_start3A_657, %dma_start3A_658, %dma_start3A_659] : memref<2x16x256xf32, #tpu.memory_space<vmem>> -> memref<1x16x256xf32, #tpu.memory_space<vmem>>
        %dma_start3A_661 = tpu.memref_squeeze %dma_start3A_660 : memref<1x16x256xf32, #tpu.memory_space<vmem>> -> memref<16x256xf32, #tpu.memory_space<vmem>>
        %dma_start3A_662 = arith.constant 0 : i32
        %dma_start3A_663 = tpu.memref_slice %arg14[%dma_start3A_656, %select_n3A_612, %dma_start3A_662] : memref<9x16x16xi32, #tpu.memory_space<vmem>> -> memref<1x1x16xi32, #tpu.memory_space<vmem>>
        %dma_start3A_664 = tpu.memref_squeeze %dma_start3A_663 : memref<1x1x16xi32, #tpu.memory_space<vmem>> -> memref<16xi32, #tpu.memory_space<vmem>>
        %dma_start3A_665 = arith.constant 0 : i32
        %dma_start3A_666 = tpu.memref_slice %arg3[%dma_start3A_665, %mul3A_655] : memref<9252x2048xf32, #tpu.memory_space<hbm>> -> memref<9252x256xf32, #tpu.memory_space<hbm>>
        tpu.enqueue_indirect_dma source(%dma_start3A_666 : memref<9252x256xf32, #tpu.memory_space<hbm>>) target(%dma_start3A_661 : memref<16x256xf32, #tpu.memory_space<vmem>>) offsets(%dma_start3A_664 : memref<16xi32, #tpu.memory_space<vmem>>) semaphore(%arg16 : memref<!tpu.dma_semaphore, #tpu.memory_space<semaphore_mem>>)
        %mul3A_667 = arith.constant 256 : i32
        %mul3A_668 = arith.muli %rem3A_614, %mul3A_667 : i32
        %dma_start3A_669 = arith.constant 4 : i32
        %dma_start3A_670 = arith.constant 0 : i32
        %dma_start3A_671 = arith.constant 0 : i32
        %dma_start3A_672 = arith.constant 0 : i32
        %dma_start3A_673 = tpu.memref_slice %arg9[%dma_start3A_670, %dma_start3A_671, %dma_start3A_672] : memref<2x16x256xf32, #tpu.memory_space<vmem>> -> memref<1x16x256xf32, #tpu.memory_space<vmem>>
        %dma_start3A_674 = tpu.memref_squeeze %dma_start3A_673 : memref<1x16x256xf32, #tpu.memory_space<vmem>> -> memref<16x256xf32, #tpu.memory_space<vmem>>
        %dma_start3A_675 = arith.constant 0 : i32
        %dma_start3A_676 = tpu.memref_slice %arg14[%dma_start3A_669, %select_n3A_612, %dma_start3A_675] : memref<9x16x16xi32, #tpu.memory_space<vmem>> -> memref<1x1x16xi32, #tpu.memory_space<vmem>>
        %dma_start3A_677 = tpu.memref_squeeze %dma_start3A_676 : memref<1x1x16xi32, #tpu.memory_space<vmem>> -> memref<16xi32, #tpu.memory_space<vmem>>
        %dma_start3A_678 = arith.constant 0 : i32
        %dma_start3A_679 = tpu.memref_slice %arg3[%dma_start3A_678, %mul3A_668] : memref<9252x2048xf32, #tpu.memory_space<hbm>> -> memref<9252x256xf32, #tpu.memory_space<hbm>>
        tpu.enqueue_indirect_dma source(%dma_start3A_679 : memref<9252x256xf32, #tpu.memory_space<hbm>>) target(%dma_start3A_674 : memref<16x256xf32, #tpu.memory_space<vmem>>) offsets(%dma_start3A_677 : memref<16xi32, #tpu.memory_space<vmem>>) semaphore(%arg16 : memref<!tpu.dma_semaphore, #tpu.memory_space<semaphore_mem>>)
        %mul3A_680 = arith.constant 256 : i32
        %mul3A_681 = arith.muli %rem3A_614, %mul3A_680 : i32
        %dma_start3A_682 = arith.constant 5 : i32
        %dma_start3A_683 = arith.constant 0 : i32
        %dma_start3A_684 = arith.constant 0 : i32
        %dma_start3A_685 = arith.constant 0 : i32
        %dma_start3A_686 = tpu.memref_slice %arg10[%dma_start3A_683, %dma_start3A_684, %dma_start3A_685] : memref<2x16x256xf32, #tpu.memory_space<vmem>> -> memref<1x16x256xf32, #tpu.memory_space<vmem>>
        %dma_start3A_687 = tpu.memref_squeeze %dma_start3A_686 : memref<1x16x256xf32, #tpu.memory_space<vmem>> -> memref<16x256xf32, #tpu.memory_space<vmem>>
        %dma_start3A_688 = arith.constant 0 : i32
        %dma_start3A_689 = tpu.memref_slice %arg14[%dma_start3A_682, %select_n3A_612, %dma_start3A_688] : memref<9x16x16xi32, #tpu.memory_space<vmem>> -> memref<1x1x16xi32, #tpu.memory_space<vmem>>
        %dma_start3A_690 = tpu.memref_squeeze %dma_start3A_689 : memref<1x1x16xi32, #tpu.memory_space<vmem>> -> memref<16xi32, #tpu.memory_space<vmem>>
        %dma_start3A_691 = arith.constant 0 : i32
        %dma_start3A_692 = tpu.memref_slice %arg3[%dma_start3A_691, %mul3A_681] : memref<9252x2048xf32, #tpu.memory_space<hbm>> -> memref<9252x256xf32, #tpu.memory_space<hbm>>
        tpu.enqueue_indirect_dma source(%dma_start3A_692 : memref<9252x256xf32, #tpu.memory_space<hbm>>) target(%dma_start3A_687 : memref<16x256xf32, #tpu.memory_space<vmem>>) offsets(%dma_start3A_690 : memref<16xi32, #tpu.memory_space<vmem>>) semaphore(%arg16 : memref<!tpu.dma_semaphore, #tpu.memory_space<semaphore_mem>>)
        %mul3A_693 = arith.constant 256 : i32
        %mul3A_694 = arith.muli %rem3A_614, %mul3A_693 : i32
        %dma_start3A_695 = arith.constant 6 : i32
        %dma_start3A_696 = arith.constant 0 : i32
        %dma_start3A_697 = arith.constant 0 : i32
        %dma_start3A_698 = arith.constant 0 : i32
        %dma_start3A_699 = tpu.memref_slice %arg11[%dma_start3A_696, %dma_start3A_697, %dma_start3A_698] : memref<2x16x256xf32, #tpu.memory_space<vmem>> -> memref<1x16x256xf32, #tpu.memory_space<vmem>>
        %dma_start3A_700 = tpu.memref_squeeze %dma_start3A_699 : memref<1x16x256xf32, #tpu.memory_space<vmem>> -> memref<16x256xf32, #tpu.memory_space<vmem>>
        %dma_start3A_701 = arith.constant 0 : i32
        %dma_start3A_702 = tpu.memref_slice %arg14[%dma_start3A_695, %select_n3A_612, %dma_start3A_701] : memref<9x16x16xi32, #tpu.memory_space<vmem>> -> memref<1x1x16xi32, #tpu.memory_space<vmem>>
        %dma_start3A_703 = tpu.memref_squeeze %dma_start3A_702 : memref<1x1x16xi32, #tpu.memory_space<vmem>> -> memref<16xi32, #tpu.memory_space<vmem>>
        %dma_start3A_704 = arith.constant 0 : i32
        %dma_start3A_705 = tpu.memref_slice %arg3[%dma_start3A_704, %mul3A_694] : memref<9252x2048xf32, #tpu.memory_space<hbm>> -> memref<9252x256xf32, #tpu.memory_space<hbm>>
        tpu.enqueue_indirect_dma source(%dma_start3A_705 : memref<9252x256xf32, #tpu.memory_space<hbm>>) target(%dma_start3A_700 : memref<16x256xf32, #tpu.memory_space<vmem>>) offsets(%dma_start3A_703 : memref<16xi32, #tpu.memory_space<vmem>>) semaphore(%arg16 : memref<!tpu.dma_semaphore, #tpu.memory_space<semaphore_mem>>)
        %mul3A_706 = arith.constant 256 : i32
        %mul3A_707 = arith.muli %rem3A_614, %mul3A_706 : i32
        %dma_start3A_708 = arith.constant 7 : i32
        %dma_start3A_709 = arith.constant 0 : i32
        %dma_start3A_710 = arith.constant 0 : i32
        %dma_start3A_711 = arith.constant 0 : i32
        %dma_start3A_712 = tpu.memref_slice %arg12[%dma_start3A_709, %dma_start3A_710, %dma_start3A_711] : memref<2x16x256xf32, #tpu.memory_space<vmem>> -> memref<1x16x256xf32, #tpu.memory_space<vmem>>
        %dma_start3A_713 = tpu.memref_squeeze %dma_start3A_712 : memref<1x16x256xf32, #tpu.memory_space<vmem>> -> memref<16x256xf32, #tpu.memory_space<vmem>>
        %dma_start3A_714 = arith.constant 0 : i32
        %dma_start3A_715 = tpu.memref_slice %arg14[%dma_start3A_708, %select_n3A_612, %dma_start3A_714] : memref<9x16x16xi32, #tpu.memory_space<vmem>> -> memref<1x1x16xi32, #tpu.memory_space<vmem>>
        %dma_start3A_716 = tpu.memref_squeeze %dma_start3A_715 : memref<1x1x16xi32, #tpu.memory_space<vmem>> -> memref<16xi32, #tpu.memory_space<vmem>>
        %dma_start3A_717 = arith.constant 0 : i32
        %dma_start3A_718 = tpu.memref_slice %arg3[%dma_start3A_717, %mul3A_707] : memref<9252x2048xf32, #tpu.memory_space<hbm>> -> memref<9252x256xf32, #tpu.memory_space<hbm>>
        tpu.enqueue_indirect_dma source(%dma_start3A_718 : memref<9252x256xf32, #tpu.memory_space<hbm>>) target(%dma_start3A_713 : memref<16x256xf32, #tpu.memory_space<vmem>>) offsets(%dma_start3A_716 : memref<16xi32, #tpu.memory_space<vmem>>) semaphore(%arg16 : memref<!tpu.dma_semaphore, #tpu.memory_space<semaphore_mem>>)
        %mul3A_719 = arith.constant 256 : i32
        %mul3A_720 = arith.muli %rem3A_614, %mul3A_719 : i32
        %dma_start3A_721 = arith.constant 8 : i32
        %dma_start3A_722 = arith.constant 0 : i32
        %dma_start3A_723 = arith.constant 0 : i32
        %dma_start3A_724 = arith.constant 0 : i32
        %dma_start3A_725 = tpu.memref_slice %arg13[%dma_start3A_722, %dma_start3A_723, %dma_start3A_724] : memref<2x16x256xf32, #tpu.memory_space<vmem>> -> memref<1x16x256xf32, #tpu.memory_space<vmem>>
        %dma_start3A_726 = tpu.memref_squeeze %dma_start3A_725 : memref<1x16x256xf32, #tpu.memory_space<vmem>> -> memref<16x256xf32, #tpu.memory_space<vmem>>
        %dma_start3A_727 = arith.constant 0 : i32
        %dma_start3A_728 = tpu.memref_slice %arg14[%dma_start3A_721, %select_n3A_612, %dma_start3A_727] : memref<9x16x16xi32, #tpu.memory_space<vmem>> -> memref<1x1x16xi32, #tpu.memory_space<vmem>>
        %dma_start3A_729 = tpu.memref_squeeze %dma_start3A_728 : memref<1x1x16xi32, #tpu.memory_space<vmem>> -> memref<16xi32, #tpu.memory_space<vmem>>
        %dma_start3A_730 = arith.constant 0 : i32
        %dma_start3A_731 = tpu.memref_slice %arg3[%dma_start3A_730, %mul3A_720] : memref<9252x2048xf32, #tpu.memory_space<hbm>> -> memref<9252x256xf32, #tpu.memory_space<hbm>>
        tpu.enqueue_indirect_dma source(%dma_start3A_731 : memref<9252x256xf32, #tpu.memory_space<hbm>>) target(%dma_start3A_726 : memref<16x256xf32, #tpu.memory_space<vmem>>) offsets(%dma_start3A_729 : memref<16xi32, #tpu.memory_space<vmem>>) semaphore(%arg16 : memref<!tpu.dma_semaphore, #tpu.memory_space<semaphore_mem>>)
      } else {
      }
      %jit3A_387 = arith.constant 8 : i32
      %div3A_388 = arith.divsi %add3A_379, %jit3A_387 : i32
      %sign3A_389 = arith.constant 0 : i32
      %sign3A_390 = arith.cmpi sgt, %add3A_379, %sign3A_389 : i32
      %sign3A_391 = arith.extui %sign3A_390 : i1 to i32
      %sign3A_392 = arith.constant 0 : i32
      %sign3A_393 = arith.cmpi slt, %add3A_379, %sign3A_392 : i32
      %sign3A_394 = arith.extui %sign3A_393 : i1 to i32
      %sign3A_395 = arith.subi %sign3A_391, %sign3A_394 : i32
      %sign3A_396 = arith.constant 0 : i32
      %sign3A_397 = arith.cmpi sgt, %jit3A_387, %sign3A_396 : i32
      %sign3A_398 = arith.extui %sign3A_397 : i1 to i32
      %sign3A_399 = arith.constant 0 : i32
      %sign3A_400 = arith.cmpi slt, %jit3A_387, %sign3A_399 : i32
      %sign3A_401 = arith.extui %sign3A_400 : i1 to i32
      %sign3A_402 = arith.subi %sign3A_398, %sign3A_401 : i32
      %ne3A_403 = arith.cmpi ne, %sign3A_395, %sign3A_402 : i32
      %rem3A_404 = arith.remsi %add3A_379, %jit3A_387 : i32
      %ne3A_405 = arith.constant 0 : i32
      %ne3A_406 = arith.cmpi ne, %rem3A_404, %ne3A_405 : i32
      %and3A_407 = arith.andi %ne3A_403, %ne3A_406 : i1
      %sub3A_408 = arith.constant 1 : i32
      %sub3A_409 = arith.subi %div3A_388, %sub3A_408 : i32
      %select_n3A_410 = arith.select %and3A_407, %sub3A_409, %div3A_388 : i32
      %rem3A_411 = arith.constant 8 : i32
      %rem3A_412 = arith.remsi %add3A_379, %rem3A_411 : i32
      %mul3A_413 = arith.constant 256 : i32
      %mul3A_414 = arith.muli %rem3A_412, %mul3A_413 : i32
      %dma_wait3A_415 = arith.constant 0 : i32
      %dma_wait3A_416 = arith.constant 1 : i32
      %dma_wait3A_417 = arith.constant 0 : i32
      %dma_wait3A_418 = arith.constant 0 : i32
      %dma_wait3A_419 = tpu.memref_slice %arg5[%dma_wait3A_416, %dma_wait3A_417, %dma_wait3A_418] : memref<2x16x256xf32, #tpu.memory_space<vmem>> -> memref<1x16x256xf32, #tpu.memory_space<vmem>>
      %dma_wait3A_420 = tpu.memref_squeeze %dma_wait3A_419 : memref<1x16x256xf32, #tpu.memory_space<vmem>> -> memref<16x256xf32, #tpu.memory_space<vmem>>
      %dma_wait3A_421 = arith.constant 0 : i32
      %dma_wait3A_422 = tpu.memref_slice %arg14[%dma_wait3A_415, %select_n3A_410, %dma_wait3A_421] : memref<9x16x16xi32, #tpu.memory_space<vmem>> -> memref<1x1x16xi32, #tpu.memory_space<vmem>>
      %dma_wait3A_423 = tpu.memref_squeeze %dma_wait3A_422 : memref<1x1x16xi32, #tpu.memory_space<vmem>> -> memref<16xi32, #tpu.memory_space<vmem>>
      %dma_wait3A_424 = arith.constant 0 : i32
      %dma_wait3A_425 = tpu.memref_slice %arg3[%dma_wait3A_424, %mul3A_414] : memref<9252x2048xf32, #tpu.memory_space<hbm>> -> memref<9252x256xf32, #tpu.memory_space<hbm>>
      tpu.wait_indirect_dma semaphore(%arg17 : memref<!tpu.dma_semaphore, #tpu.memory_space<semaphore_mem>>) src(%dma_wait3A_425 : memref<9252x256xf32, #tpu.memory_space<hbm>>) dst(%dma_wait3A_420 : memref<16x256xf32, #tpu.memory_space<vmem>>)
      %mul3A_426 = arith.constant 256 : i32
      %mul3A_427 = arith.muli %rem3A_412, %mul3A_426 : i32
      %dma_wait3A_428 = arith.constant 1 : i32
      %dma_wait3A_429 = arith.constant 1 : i32
      %dma_wait3A_430 = arith.constant 0 : i32
      %dma_wait3A_431 = arith.constant 0 : i32
      %dma_wait3A_432 = tpu.memref_slice %arg6[%dma_wait3A_429, %dma_wait3A_430, %dma_wait3A_431] : memref<2x16x256xf32, #tpu.memory_space<vmem>> -> memref<1x16x256xf32, #tpu.memory_space<vmem>>
      %dma_wait3A_433 = tpu.memref_squeeze %dma_wait3A_432 : memref<1x16x256xf32, #tpu.memory_space<vmem>> -> memref<16x256xf32, #tpu.memory_space<vmem>>
      %dma_wait3A_434 = arith.constant 0 : i32
      %dma_wait3A_435 = tpu.memref_slice %arg14[%dma_wait3A_428, %select_n3A_410, %dma_wait3A_434] : memref<9x16x16xi32, #tpu.memory_space<vmem>> -> memref<1x1x16xi32, #tpu.memory_space<vmem>>
      %dma_wait3A_436 = tpu.memref_squeeze %dma_wait3A_435 : memref<1x1x16xi32, #tpu.memory_space<vmem>> -> memref<16xi32, #tpu.memory_space<vmem>>
      %dma_wait3A_437 = arith.constant 0 : i32
      %dma_wait3A_438 = tpu.memref_slice %arg3[%dma_wait3A_437, %mul3A_427] : memref<9252x2048xf32, #tpu.memory_space<hbm>> -> memref<9252x256xf32, #tpu.memory_space<hbm>>
      tpu.wait_indirect_dma semaphore(%arg17 : memref<!tpu.dma_semaphore, #tpu.memory_space<semaphore_mem>>) src(%dma_wait3A_438 : memref<9252x256xf32, #tpu.memory_space<hbm>>) dst(%dma_wait3A_433 : memref<16x256xf32, #tpu.memory_space<vmem>>)
      %mul3A_439 = arith.constant 256 : i32
      %mul3A_440 = arith.muli %rem3A_412, %mul3A_439 : i32
      %dma_wait3A_441 = arith.constant 2 : i32
      %dma_wait3A_442 = arith.constant 1 : i32
      %dma_wait3A_443 = arith.constant 0 : i32
      %dma_wait3A_444 = arith.constant 0 : i32
      %dma_wait3A_445 = tpu.memref_slice %arg7[%dma_wait3A_442, %dma_wait3A_443, %dma_wait3A_444] : memref<2x16x256xf32, #tpu.memory_space<vmem>> -> memref<1x16x256xf32, #tpu.memory_space<vmem>>
      %dma_wait3A_446 = tpu.memref_squeeze %dma_wait3A_445 : memref<1x16x256xf32, #tpu.memory_space<vmem>> -> memref<16x256xf32, #tpu.memory_space<vmem>>
      %dma_wait3A_447 = arith.constant 0 : i32
      %dma_wait3A_448 = tpu.memref_slice %arg14[%dma_wait3A_441, %select_n3A_410, %dma_wait3A_447] : memref<9x16x16xi32, #tpu.memory_space<vmem>> -> memref<1x1x16xi32, #tpu.memory_space<vmem>>
      %dma_wait3A_449 = tpu.memref_squeeze %dma_wait3A_448 : memref<1x1x16xi32, #tpu.memory_space<vmem>> -> memref<16xi32, #tpu.memory_space<vmem>>
      %dma_wait3A_450 = arith.constant 0 : i32
      %dma_wait3A_451 = tpu.memref_slice %arg3[%dma_wait3A_450, %mul3A_440] : memref<9252x2048xf32, #tpu.memory_space<hbm>> -> memref<9252x256xf32, #tpu.memory_space<hbm>>
      tpu.wait_indirect_dma semaphore(%arg17 : memref<!tpu.dma_semaphore, #tpu.memory_space<semaphore_mem>>) src(%dma_wait3A_451 : memref<9252x256xf32, #tpu.memory_space<hbm>>) dst(%dma_wait3A_446 : memref<16x256xf32, #tpu.memory_space<vmem>>)
      %mul3A_452 = arith.constant 256 : i32
      %mul3A_453 = arith.muli %rem3A_412, %mul3A_452 : i32
      %dma_wait3A_454 = arith.constant 3 : i32
      %dma_wait3A_455 = arith.constant 1 : i32
      %dma_wait3A_456 = arith.constant 0 : i32
      %dma_wait3A_457 = arith.constant 0 : i32
      %dma_wait3A_458 = tpu.memref_slice %arg8[%dma_wait3A_455, %dma_wait3A_456, %dma_wait3A_457] : memref<2x16x256xf32, #tpu.memory_space<vmem>> -> memref<1x16x256xf32, #tpu.memory_space<vmem>>
      %dma_wait3A_459 = tpu.memref_squeeze %dma_wait3A_458 : memref<1x16x256xf32, #tpu.memory_space<vmem>> -> memref<16x256xf32, #tpu.memory_space<vmem>>
      %dma_wait3A_460 = arith.constant 0 : i32
      %dma_wait3A_461 = tpu.memref_slice %arg14[%dma_wait3A_454, %select_n3A_410, %dma_wait3A_460] : memref<9x16x16xi32, #tpu.memory_space<vmem>> -> memref<1x1x16xi32, #tpu.memory_space<vmem>>
      %dma_wait3A_462 = tpu.memref_squeeze %dma_wait3A_461 : memref<1x1x16xi32, #tpu.memory_space<vmem>> -> memref<16xi32, #tpu.memory_space<vmem>>
      %dma_wait3A_463 = arith.constant 0 : i32
      %dma_wait3A_464 = tpu.memref_slice %arg3[%dma_wait3A_463, %mul3A_453] : memref<9252x2048xf32, #tpu.memory_space<hbm>> -> memref<9252x256xf32, #tpu.memory_space<hbm>>
      tpu.wait_indirect_dma semaphore(%arg17 : memref<!tpu.dma_semaphore, #tpu.memory_space<semaphore_mem>>) src(%dma_wait3A_464 : memref<9252x256xf32, #tpu.memory_space<hbm>>) dst(%dma_wait3A_459 : memref<16x256xf32, #tpu.memory_space<vmem>>)
      %mul3A_465 = arith.constant 256 : i32
      %mul3A_466 = arith.muli %rem3A_412, %mul3A_465 : i32
      %dma_wait3A_467 = arith.constant 4 : i32
      %dma_wait3A_468 = arith.constant 1 : i32
      %dma_wait3A_469 = arith.constant 0 : i32
      %dma_wait3A_470 = arith.constant 0 : i32
      %dma_wait3A_471 = tpu.memref_slice %arg9[%dma_wait3A_468, %dma_wait3A_469, %dma_wait3A_470] : memref<2x16x256xf32, #tpu.memory_space<vmem>> -> memref<1x16x256xf32, #tpu.memory_space<vmem>>
      %dma_wait3A_472 = tpu.memref_squeeze %dma_wait3A_471 : memref<1x16x256xf32, #tpu.memory_space<vmem>> -> memref<16x256xf32, #tpu.memory_space<vmem>>
      %dma_wait3A_473 = arith.constant 0 : i32
      %dma_wait3A_474 = tpu.memref_slice %arg14[%dma_wait3A_467, %select_n3A_410, %dma_wait3A_473] : memref<9x16x16xi32, #tpu.memory_space<vmem>> -> memref<1x1x16xi32, #tpu.memory_space<vmem>>
      %dma_wait3A_475 = tpu.memref_squeeze %dma_wait3A_474 : memref<1x1x16xi32, #tpu.memory_space<vmem>> -> memref<16xi32, #tpu.memory_space<vmem>>
      %dma_wait3A_476 = arith.constant 0 : i32
      %dma_wait3A_477 = tpu.memref_slice %arg3[%dma_wait3A_476, %mul3A_466] : memref<9252x2048xf32, #tpu.memory_space<hbm>> -> memref<9252x256xf32, #tpu.memory_space<hbm>>
      tpu.wait_indirect_dma semaphore(%arg17 : memref<!tpu.dma_semaphore, #tpu.memory_space<semaphore_mem>>) src(%dma_wait3A_477 : memref<9252x256xf32, #tpu.memory_space<hbm>>) dst(%dma_wait3A_472 : memref<16x256xf32, #tpu.memory_space<vmem>>)
      %mul3A_478 = arith.constant 256 : i32
      %mul3A_479 = arith.muli %rem3A_412, %mul3A_478 : i32
      %dma_wait3A_480 = arith.constant 5 : i32
      %dma_wait3A_481 = arith.constant 1 : i32
      %dma_wait3A_482 = arith.constant 0 : i32
      %dma_wait3A_483 = arith.constant 0 : i32
      %dma_wait3A_484 = tpu.memref_slice %arg10[%dma_wait3A_481, %dma_wait3A_482, %dma_wait3A_483] : memref<2x16x256xf32, #tpu.memory_space<vmem>> -> memref<1x16x256xf32, #tpu.memory_space<vmem>>
      %dma_wait3A_485 = tpu.memref_squeeze %dma_wait3A_484 : memref<1x16x256xf32, #tpu.memory_space<vmem>> -> memref<16x256xf32, #tpu.memory_space<vmem>>
      %dma_wait3A_486 = arith.constant 0 : i32
      %dma_wait3A_487 = tpu.memref_slice %arg14[%dma_wait3A_480, %select_n3A_410, %dma_wait3A_486] : memref<9x16x16xi32, #tpu.memory_space<vmem>> -> memref<1x1x16xi32, #tpu.memory_space<vmem>>
      %dma_wait3A_488 = tpu.memref_squeeze %dma_wait3A_487 : memref<1x1x16xi32, #tpu.memory_space<vmem>> -> memref<16xi32, #tpu.memory_space<vmem>>
      %dma_wait3A_489 = arith.constant 0 : i32
      %dma_wait3A_490 = tpu.memref_slice %arg3[%dma_wait3A_489, %mul3A_479] : memref<9252x2048xf32, #tpu.memory_space<hbm>> -> memref<9252x256xf32, #tpu.memory_space<hbm>>
      tpu.wait_indirect_dma semaphore(%arg17 : memref<!tpu.dma_semaphore, #tpu.memory_space<semaphore_mem>>) src(%dma_wait3A_490 : memref<9252x256xf32, #tpu.memory_space<hbm>>) dst(%dma_wait3A_485 : memref<16x256xf32, #tpu.memory_space<vmem>>)
      %mul3A_491 = arith.constant 256 : i32
      %mul3A_492 = arith.muli %rem3A_412, %mul3A_491 : i32
      %dma_wait3A_493 = arith.constant 6 : i32
      %dma_wait3A_494 = arith.constant 1 : i32
      %dma_wait3A_495 = arith.constant 0 : i32
      %dma_wait3A_496 = arith.constant 0 : i32
      %dma_wait3A_497 = tpu.memref_slice %arg11[%dma_wait3A_494, %dma_wait3A_495, %dma_wait3A_496] : memref<2x16x256xf32, #tpu.memory_space<vmem>> -> memref<1x16x256xf32, #tpu.memory_space<vmem>>
      %dma_wait3A_498 = tpu.memref_squeeze %dma_wait3A_497 : memref<1x16x256xf32, #tpu.memory_space<vmem>> -> memref<16x256xf32, #tpu.memory_space<vmem>>
      %dma_wait3A_499 = arith.constant 0 : i32
      %dma_wait3A_500 = tpu.memref_slice %arg14[%dma_wait3A_493, %select_n3A_410, %dma_wait3A_499] : memref<9x16x16xi32, #tpu.memory_space<vmem>> -> memref<1x1x16xi32, #tpu.memory_space<vmem>>
      %dma_wait3A_501 = tpu.memref_squeeze %dma_wait3A_500 : memref<1x1x16xi32, #tpu.memory_space<vmem>> -> memref<16xi32, #tpu.memory_space<vmem>>
      %dma_wait3A_502 = arith.constant 0 : i32
      %dma_wait3A_503 = tpu.memref_slice %arg3[%dma_wait3A_502, %mul3A_492] : memref<9252x2048xf32, #tpu.memory_space<hbm>> -> memref<9252x256xf32, #tpu.memory_space<hbm>>
      tpu.wait_indirect_dma semaphore(%arg17 : memref<!tpu.dma_semaphore, #tpu.memory_space<semaphore_mem>>) src(%dma_wait3A_503 : memref<9252x256xf32, #tpu.memory_space<hbm>>) dst(%dma_wait3A_498 : memref<16x256xf32, #tpu.memory_space<vmem>>)
      %mul3A_504 = arith.constant 256 : i32
      %mul3A_505 = arith.muli %rem3A_412, %mul3A_504 : i32
      %dma_wait3A_506 = arith.constant 7 : i32
      %dma_wait3A_507 = arith.constant 1 : i32
      %dma_wait3A_508 = arith.constant 0 : i32
      %dma_wait3A_509 = arith.constant 0 : i32
      %dma_wait3A_510 = tpu.memref_slice %arg12[%dma_wait3A_507, %dma_wait3A_508, %dma_wait3A_509] : memref<2x16x256xf32, #tpu.memory_space<vmem>> -> memref<1x16x256xf32, #tpu.memory_space<vmem>>
      %dma_wait3A_511 = tpu.memref_squeeze %dma_wait3A_510 : memref<1x16x256xf32, #tpu.memory_space<vmem>> -> memref<16x256xf32, #tpu.memory_space<vmem>>
      %dma_wait3A_512 = arith.constant 0 : i32
      %dma_wait3A_513 = tpu.memref_slice %arg14[%dma_wait3A_506, %select_n3A_410, %dma_wait3A_512] : memref<9x16x16xi32, #tpu.memory_space<vmem>> -> memref<1x1x16xi32, #tpu.memory_space<vmem>>
      %dma_wait3A_514 = tpu.memref_squeeze %dma_wait3A_513 : memref<1x1x16xi32, #tpu.memory_space<vmem>> -> memref<16xi32, #tpu.memory_space<vmem>>
      %dma_wait3A_515 = arith.constant 0 : i32
      %dma_wait3A_516 = tpu.memref_slice %arg3[%dma_wait3A_515, %mul3A_505] : memref<9252x2048xf32, #tpu.memory_space<hbm>> -> memref<9252x256xf32, #tpu.memory_space<hbm>>
      tpu.wait_indirect_dma semaphore(%arg17 : memref<!tpu.dma_semaphore, #tpu.memory_space<semaphore_mem>>) src(%dma_wait3A_516 : memref<9252x256xf32, #tpu.memory_space<hbm>>) dst(%dma_wait3A_511 : memref<16x256xf32, #tpu.memory_space<vmem>>)
      %mul3A_517 = arith.constant 256 : i32
      %mul3A_518 = arith.muli %rem3A_412, %mul3A_517 : i32
      %dma_wait3A_519 = arith.constant 8 : i32
      %dma_wait3A_520 = arith.constant 1 : i32
      %dma_wait3A_521 = arith.constant 0 : i32
      %dma_wait3A_522 = arith.constant 0 : i32
      %dma_wait3A_523 = tpu.memref_slice %arg13[%dma_wait3A_520, %dma_wait3A_521, %dma_wait3A_522] : memref<2x16x256xf32, #tpu.memory_space<vmem>> -> memref<1x16x256xf32, #tpu.memory_space<vmem>>
      %dma_wait3A_524 = tpu.memref_squeeze %dma_wait3A_523 : memref<1x16x256xf32, #tpu.memory_space<vmem>> -> memref<16x256xf32, #tpu.memory_space<vmem>>
      %dma_wait3A_525 = arith.constant 0 : i32
      %dma_wait3A_526 = tpu.memref_slice %arg14[%dma_wait3A_519, %select_n3A_410, %dma_wait3A_525] : memref<9x16x16xi32, #tpu.memory_space<vmem>> -> memref<1x1x16xi32, #tpu.memory_space<vmem>>
      %dma_wait3A_527 = tpu.memref_squeeze %dma_wait3A_526 : memref<1x1x16xi32, #tpu.memory_space<vmem>> -> memref<16xi32, #tpu.memory_space<vmem>>
      %dma_wait3A_528 = arith.constant 0 : i32
      %dma_wait3A_529 = tpu.memref_slice %arg3[%dma_wait3A_528, %mul3A_518] : memref<9252x2048xf32, #tpu.memory_space<hbm>> -> memref<9252x256xf32, #tpu.memory_space<hbm>>
      tpu.wait_indirect_dma semaphore(%arg17 : memref<!tpu.dma_semaphore, #tpu.memory_space<semaphore_mem>>) src(%dma_wait3A_529 : memref<9252x256xf32, #tpu.memory_space<hbm>>) dst(%dma_wait3A_524 : memref<16x256xf32, #tpu.memory_space<vmem>>)
      %ge3A_530 = arith.constant 2 : i32
      %ge3A_531 = arith.cmpi sge, %add3A_379, %ge3A_530 : i32
      %convert_element_type3A_532 = arith.extui %ge3A_531 : i1 to i32
      %cond3A_533 = arith.constant 0 : i32
      %cond3A_534 = arith.cmpi ne, %convert_element_type3A_532, %cond3A_533 : i32
      scf.if %cond3A_534 {
        %jit3A_587 = arith.constant 8 : i32
        %div3A_588 = arith.divsi %add3A_379, %jit3A_587 : i32
        %sign3A_589 = arith.constant 0 : i32
        %sign3A_590 = arith.cmpi sgt, %add3A_379, %sign3A_589 : i32
        %sign3A_591 = arith.extui %sign3A_590 : i1 to i32
        %sign3A_592 = arith.constant 0 : i32
        %sign3A_593 = arith.cmpi slt, %add3A_379, %sign3A_592 : i32
        %sign3A_594 = arith.extui %sign3A_593 : i1 to i32
        %sign3A_595 = arith.subi %sign3A_591, %sign3A_594 : i32
        %sign3A_596 = arith.constant 0 : i32
        %sign3A_597 = arith.cmpi sgt, %jit3A_587, %sign3A_596 : i32
        %sign3A_598 = arith.extui %sign3A_597 : i1 to i32
        %sign3A_599 = arith.constant 0 : i32
        %sign3A_600 = arith.cmpi slt, %jit3A_587, %sign3A_599 : i32
        %sign3A_601 = arith.extui %sign3A_600 : i1 to i32
        %sign3A_602 = arith.subi %sign3A_598, %sign3A_601 : i32
        %ne3A_603 = arith.cmpi ne, %sign3A_595, %sign3A_602 : i32
        %rem3A_604 = arith.remsi %add3A_379, %jit3A_587 : i32
        %ne3A_605 = arith.constant 0 : i32
        %ne3A_606 = arith.cmpi ne, %rem3A_604, %ne3A_605 : i32
        %and3A_607 = arith.andi %ne3A_603, %ne3A_606 : i1
        %sub3A_608 = arith.constant 1 : i32
        %sub3A_609 = arith.subi %div3A_588, %sub3A_608 : i32
        %select_n3A_610 = arith.select %and3A_607, %sub3A_609, %div3A_588 : i32
        %rem3A_611 = arith.constant 8 : i32
        %rem3A_612 = arith.remsi %add3A_379, %rem3A_611 : i32
        %mul3A_613 = arith.constant 256 : i32
        %mul3A_614 = arith.muli %add3A, %mul3A_613 : i32
        %mul3A_615 = arith.constant 16 : i32
        %mul3A_616 = arith.muli %select_n3A_610, %mul3A_615 : i32
        %add3A_617 = arith.addi %mul3A_614, %mul3A_616 : i32
        %mul3A_618 = arith.constant 256 : i32
        %mul3A_619 = arith.muli %rem3A_612, %mul3A_618 : i32
        %dma_wait3A_620 = arith.constant 1 : i32
        %dma_wait3A_621 = arith.constant 0 : i32
        %dma_wait3A_622 = arith.constant 0 : i32
        %dma_wait3A_623 = tpu.memref_slice %arg15[%dma_wait3A_620, %dma_wait3A_621, %dma_wait3A_622] : memref<2x16x256xf32, #tpu.memory_space<vmem>> -> memref<1x16x256xf32, #tpu.memory_space<vmem>>
        %dma_wait3A_624 = tpu.memref_squeeze %dma_wait3A_623 : memref<1x16x256xf32, #tpu.memory_space<vmem>> -> memref<16x256xf32, #tpu.memory_space<vmem>>
        %dma_wait3A_625 = tpu.memref_slice %arg4[%add3A_617, %mul3A_619] : memref<8192x2048xf32, #tpu.memory_space<hbm>> -> memref<16x256xf32, #tpu.memory_space<hbm>>
        %dma_wait3A_626 = tpu.memref_slice %arg4[%add3A_617, %mul3A_619] : memref<8192x2048xf32, #tpu.memory_space<hbm>> -> memref<16x256xf32, #tpu.memory_space<hbm>>
        %dma_wait3A_627 = arith.constant 0 : i32
        %dma_wait3A_628 = arith.constant 0 : i32
        %dma_wait3A_629 = tpu.memref_slice %arg15[%dma_wait3A_620, %dma_wait3A_627, %dma_wait3A_628] : memref<2x16x256xf32, #tpu.memory_space<vmem>> -> memref<1x16x256xf32, #tpu.memory_space<vmem>>
        %dma_wait3A_630 = tpu.memref_squeeze %dma_wait3A_629 : memref<1x16x256xf32, #tpu.memory_space<vmem>> -> memref<16x256xf32, #tpu.memory_space<vmem>>
        tpu.wait_dma2 semaphore(%arg19 : memref<!tpu.dma_semaphore, #tpu.memory_space<semaphore_mem>>) src(%dma_wait3A_630 : memref<16x256xf32, #tpu.memory_space<vmem>>) dst(%dma_wait3A_626 : memref<16x256xf32, #tpu.memory_space<hbm>>)
      } else {
      }
      %scan3A_535 = arith.constant 0 : i32
      %scan3A_536 = arith.constant 0 : i32
      %scan3A_537 = arith.constant 16 : i32
      %scan3A_538 = arith.addi %scan3A_536, %scan3A_537 : i32
      %scan3A_539 = arith.constant 1 : i32
      %scan3A_540 = scf.for %scan3A_587 = %scan3A_536 to %scan3A_538 step %scan3A_539 iter_args(%scan3A_588 = %scan3A_535) -> (i32)  : i32 {
        %mul3A_589 = arith.constant 16 : i32
        %mul3A_590 = arith.muli %scan3A_587, %mul3A_589 : i32
        %get3A = arith.constant 1 : i32
        %get3A_591 = arith.constant 0 : i32
        %get3A_592 = arith.index_cast %get3A : i32 to index
        %get3A_593 = arith.index_cast %get3A_591 : i32 to index
        %get3A_594 = arith.index_cast %mul3A_590 : i32 to index
        %get3A_595 = tpu.vector_load %arg5[%get3A_592, %get3A_593, %get3A_594] {strides = array<i32>} : memref<2x16x256xf32, #tpu.memory_space<vmem>>, vector<1x1x16xf32>,
        %get3A_596 = vector.shape_cast %get3A_595 : vector<1x1x16xf32> to vector<16xf32>
        %get3A_597 = arith.constant 1 : i32
        %get3A_598 = arith.constant 0 : i32
        %get3A_599 = arith.index_cast %get3A_597 : i32 to index
        %get3A_600 = arith.index_cast %get3A_598 : i32 to index
        %get3A_601 = arith.index_cast %mul3A_590 : i32 to index
        %get3A_602 = tpu.vector_load %arg6[%get3A_599, %get3A_600, %get3A_601] {strides = array<i32>} : memref<2x16x256xf32, #tpu.memory_space<vmem>>, vector<1x1x16xf32>,
        %get3A_603 = vector.shape_cast %get3A_602 : vector<1x1x16xf32> to vector<16xf32>
        %add3A_604 = arith.addf %get3A_596, %get3A_603 : vector<16xf32>
        %get3A_605 = arith.constant 1 : i32
        %get3A_606 = arith.constant 0 : i32
        %get3A_607 = arith.index_cast %get3A_605 : i32 to index
        %get3A_608 = arith.index_cast %get3A_606 : i32 to index
        %get3A_609 = arith.index_cast %mul3A_590 : i32 to index
        %get3A_610 = tpu.vector_load %arg7[%get3A_607, %get3A_608, %get3A_609] {strides = array<i32>} : memref<2x16x256xf32, #tpu.memory_space<vmem>>, vector<1x1x16xf32>,
        %get3A_611 = vector.shape_cast %get3A_610 : vector<1x1x16xf32> to vector<16xf32>
        %add3A_612 = arith.addf %add3A_604, %get3A_611 : vector<16xf32>
        %get3A_613 = arith.constant 1 : i32
        %get3A_614 = arith.constant 0 : i32
        %get3A_615 = arith.index_cast %get3A_613 : i32 to index
        %get3A_616 = arith.index_cast %get3A_614 : i32 to index
        %get3A_617 = arith.index_cast %mul3A_590 : i32 to index
        %get3A_618 = tpu.vector_load %arg8[%get3A_615, %get3A_616, %get3A_617] {strides = array<i32>} : memref<2x16x256xf32, #tpu.memory_space<vmem>>, vector<1x1x16xf32>,
        %get3A_619 = vector.shape_cast %get3A_618 : vector<1x1x16xf32> to vector<16xf32>
        %add3A_620 = arith.addf %add3A_612, %get3A_619 : vector<16xf32>
        %get3A_621 = arith.constant 1 : i32
        %get3A_622 = arith.constant 0 : i32
        %get3A_623 = arith.index_cast %get3A_621 : i32 to index
        %get3A_624 = arith.index_cast %get3A_622 : i32 to index
        %get3A_625 = arith.index_cast %mul3A_590 : i32 to index
        %get3A_626 = tpu.vector_load %arg9[%get3A_623, %get3A_624, %get3A_625] {strides = array<i32>} : memref<2x16x256xf32, #tpu.memory_space<vmem>>, vector<1x1x16xf32>,
        %get3A_627 = vector.shape_cast %get3A_626 : vector<1x1x16xf32> to vector<16xf32>
        %add3A_628 = arith.addf %add3A_620, %get3A_627 : vector<16xf32>
        %get3A_629 = arith.constant 1 : i32
        %get3A_630 = arith.constant 0 : i32
        %get3A_631 = arith.index_cast %get3A_629 : i32 to index
        %get3A_632 = arith.index_cast %get3A_630 : i32 to index
        %get3A_633 = arith.index_cast %mul3A_590 : i32 to index
        %get3A_634 = tpu.vector_load %arg10[%get3A_631, %get3A_632, %get3A_633] {strides = array<i32>} : memref<2x16x256xf32, #tpu.memory_space<vmem>>, vector<1x1x16xf32>,
        %get3A_635 = vector.shape_cast %get3A_634 : vector<1x1x16xf32> to vector<16xf32>
        %add3A_636 = arith.addf %add3A_628, %get3A_635 : vector<16xf32>
        %get3A_637 = arith.constant 1 : i32
        %get3A_638 = arith.constant 0 : i32
        %get3A_639 = arith.index_cast %get3A_637 : i32 to index
        %get3A_640 = arith.index_cast %get3A_638 : i32 to index
        %get3A_641 = arith.index_cast %mul3A_590 : i32 to index
        %get3A_642 = tpu.vector_load %arg11[%get3A_639, %get3A_640, %get3A_641] {strides = array<i32>} : memref<2x16x256xf32, #tpu.memory_space<vmem>>, vector<1x1x16xf32>,
        %get3A_643 = vector.shape_cast %get3A_642 : vector<1x1x16xf32> to vector<16xf32>
        %add3A_644 = arith.addf %add3A_636, %get3A_643 : vector<16xf32>
        %get3A_645 = arith.constant 1 : i32
        %get3A_646 = arith.constant 0 : i32
        %get3A_647 = arith.index_cast %get3A_645 : i32 to index
        %get3A_648 = arith.index_cast %get3A_646 : i32 to index
        %get3A_649 = arith.index_cast %mul3A_590 : i32 to index
        %get3A_650 = tpu.vector_load %arg12[%get3A_647, %get3A_648, %get3A_649] {strides = array<i32>} : memref<2x16x256xf32, #tpu.memory_space<vmem>>, vector<1x1x16xf32>,
        %get3A_651 = vector.shape_cast %get3A_650 : vector<1x1x16xf32> to vector<16xf32>
        %add3A_652 = arith.addf %add3A_644, %get3A_651 : vector<16xf32>
        %get3A_653 = arith.constant 1 : i32
        %get3A_654 = arith.constant 0 : i32
        %get3A_655 = arith.index_cast %get3A_653 : i32 to index
        %get3A_656 = arith.index_cast %get3A_654 : i32 to index
        %get3A_657 = arith.index_cast %mul3A_590 : i32 to index
        %get3A_658 = tpu.vector_load %arg13[%get3A_655, %get3A_656, %get3A_657] {strides = array<i32>} : memref<2x16x256xf32, #tpu.memory_space<vmem>>, vector<1x1x16xf32>,
        %get3A_659 = vector.shape_cast %get3A_658 : vector<1x1x16xf32> to vector<16xf32>
        %add3A_660 = arith.addf %add3A_652, %get3A_659 : vector<16xf32>
        %swap3A = arith.constant 1 : i32
        %swap3A_661 = arith.constant 0 : i32
        %swap3A_662 = arith.index_cast %swap3A : i32 to index
        %swap3A_663 = arith.index_cast %swap3A_661 : i32 to index
        %swap3A_664 = arith.index_cast %mul3A_590 : i32 to index
        %swap3A_665 = tpu.vector_load %arg15[%swap3A_662, %swap3A_663, %swap3A_664] {strides = array<i32>} : memref<2x16x256xf32, #tpu.memory_space<vmem>>, vector<1x1x16xf32>,
        %swap3A_666 = vector.shape_cast %swap3A_665 : vector<1x1x16xf32> to vector<16xf32>
        %swap3A_667 = vector.shape_cast %add3A_660 : vector<16xf32> to vector<1x1x16xf32>
        tpu.vector_store %arg15[%swap3A_662, %swap3A_663, %swap3A_664], %swap3A_667 {strides = array<i32>} : memref<2x16x256xf32, #tpu.memory_space<vmem>>, vector<1x1x16xf32>,
        %get3A_668 = arith.constant 1 : i32
        %get3A_669 = arith.constant 1 : i32
        %get3A_670 = arith.index_cast %get3A_668 : i32 to index
        %get3A_671 = arith.index_cast %get3A_669 : i32 to index
        %get3A_672 = arith.index_cast %mul3A_590 : i32 to index
        %get3A_673 = tpu.vector_load %arg5[%get3A_670, %get3A_671, %get3A_672] {strides = array<i32>} : memref<2x16x256xf32, #tpu.memory_space<vmem>>, vector<1x1x16xf32>,
        %get3A_674 = vector.shape_cast %get3A_673 : vector<1x1x16xf32> to vector<16xf32>
        %get3A_675 = arith.constant 1 : i32
        %get3A_676 = arith.constant 1 : i32
        %get3A_677 = arith.index_cast %get3A_675 : i32 to index
        %get3A_678 = arith.index_cast %get3A_676 : i32 to index
        %get3A_679 = arith.index_cast %mul3A_590 : i32 to index
        %get3A_680 = tpu.vector_load %arg6[%get3A_677, %get3A_678, %get3A_679] {strides = array<i32>} : memref<2x16x256xf32, #tpu.memory_space<vmem>>, vector<1x1x16xf32>,
        %get3A_681 = vector.shape_cast %get3A_680 : vector<1x1x16xf32> to vector<16xf32>
        %add3A_682 = arith.addf %get3A_674, %get3A_681 : vector<16xf32>
        %get3A_683 = arith.constant 1 : i32
        %get3A_684 = arith.constant 1 : i32
        %get3A_685 = arith.index_cast %get3A_683 : i32 to index
        %get3A_686 = arith.index_cast %get3A_684 : i32 to index
        %get3A_687 = arith.index_cast %mul3A_590 : i32 to index
        %get3A_688 = tpu.vector_load %arg7[%get3A_685, %get3A_686, %get3A_687] {strides = array<i32>} : memref<2x16x256xf32, #tpu.memory_space<vmem>>, vector<1x1x16xf32>,
        %get3A_689 = vector.shape_cast %get3A_688 : vector<1x1x16xf32> to vector<16xf32>
        %add3A_690 = arith.addf %add3A_682, %get3A_689 : vector<16xf32>
        %get3A_691 = arith.constant 1 : i32
        %get3A_692 = arith.constant 1 : i32
        %get3A_693 = arith.index_cast %get3A_691 : i32 to index
        %get3A_694 = arith.index_cast %get3A_692 : i32 to index
        %get3A_695 = arith.index_cast %mul3A_590 : i32 to index
        %get3A_696 = tpu.vector_load %arg8[%get3A_693, %get3A_694, %get3A_695] {strides = array<i32>} : memref<2x16x256xf32, #tpu.memory_space<vmem>>, vector<1x1x16xf32>,
        %get3A_697 = vector.shape_cast %get3A_696 : vector<1x1x16xf32> to vector<16xf32>
        %add3A_698 = arith.addf %add3A_690, %get3A_697 : vector<16xf32>
        %get3A_699 = arith.constant 1 : i32
        %get3A_700 = arith.constant 1 : i32
        %get3A_701 = arith.index_cast %get3A_699 : i32 to index
        %get3A_702 = arith.index_cast %get3A_700 : i32 to index
        %get3A_703 = arith.index_cast %mul3A_590 : i32 to index
        %get3A_704 = tpu.vector_load %arg9[%get3A_701, %get3A_702, %get3A_703] {strides = array<i32>} : memref<2x16x256xf32, #tpu.memory_space<vmem>>, vector<1x1x16xf32>,
        %get3A_705 = vector.shape_cast %get3A_704 : vector<1x1x16xf32> to vector<16xf32>
        %add3A_706 = arith.addf %add3A_698, %get3A_705 : vector<16xf32>
        %get3A_707 = arith.constant 1 : i32
        %get3A_708 = arith.constant 1 : i32
        %get3A_709 = arith.index_cast %get3A_707 : i32 to index
        %get3A_710 = arith.index_cast %get3A_708 : i32 to index
        %get3A_711 = arith.index_cast %mul3A_590 : i32 to index
        %get3A_712 = tpu.vector_load %arg10[%get3A_709, %get3A_710, %get3A_711] {strides = array<i32>} : memref<2x16x256xf32, #tpu.memory_space<vmem>>, vector<1x1x16xf32>,
        %get3A_713 = vector.shape_cast %get3A_712 : vector<1x1x16xf32> to vector<16xf32>
        %add3A_714 = arith.addf %add3A_706, %get3A_713 : vector<16xf32>
        %get3A_715 = arith.constant 1 : i32
        %get3A_716 = arith.constant 1 : i32
        %get3A_717 = arith.index_cast %get3A_715 : i32 to index
        %get3A_718 = arith.index_cast %get3A_716 : i32 to index
        %get3A_719 = arith.index_cast %mul3A_590 : i32 to index
        %get3A_720 = tpu.vector_load %arg11[%get3A_717, %get3A_718, %get3A_719] {strides = array<i32>} : memref<2x16x256xf32, #tpu.memory_space<vmem>>, vector<1x1x16xf32>,
        %get3A_721 = vector.shape_cast %get3A_720 : vector<1x1x16xf32> to vector<16xf32>
        %add3A_722 = arith.addf %add3A_714, %get3A_721 : vector<16xf32>
        %get3A_723 = arith.constant 1 : i32
        %get3A_724 = arith.constant 1 : i32
        %get3A_725 = arith.index_cast %get3A_723 : i32 to index
        %get3A_726 = arith.index_cast %get3A_724 : i32 to index
        %get3A_727 = arith.index_cast %mul3A_590 : i32 to index
        %get3A_728 = tpu.vector_load %arg12[%get3A_725, %get3A_726, %get3A_727] {strides = array<i32>} : memref<2x16x256xf32, #tpu.memory_space<vmem>>, vector<1x1x16xf32>,
        %get3A_729 = vector.shape_cast %get3A_728 : vector<1x1x16xf32> to vector<16xf32>
        %add3A_730 = arith.addf %add3A_722, %get3A_729 : vector<16xf32>
        %get3A_731 = arith.constant 1 : i32
        %get3A_732 = arith.constant 1 : i32
        %get3A_733 = arith.index_cast %get3A_731 : i32 to index
        %get3A_734 = arith.index_cast %get3A_732 : i32 to index
        %get3A_735 = arith.index_cast %mul3A_590 : i32 to index
        %get3A_736 = tpu.vector_load %arg13[%get3A_733, %get3A_734, %get3A_735] {strides = array<i32>} : memref<2x16x256xf32, #tpu.memory_space<vmem>>, vector<1x1x16xf32>,
        %get3A_737 = vector.shape_cast %get3A_736 : vector<1x1x16xf32> to vector<16xf32>
        %add3A_738 = arith.addf %add3A_730, %get3A_737 : vector<16xf32>
        %swap3A_739 = arith.constant 1 : i32
        %swap3A_740 = arith.constant 1 : i32
        %swap3A_741 = arith.index_cast %swap3A_739 : i32 to index
        %swap3A_742 = arith.index_cast %swap3A_740 : i32 to index
        %swap3A_743 = arith.index_cast %mul3A_590 : i32 to index
        %swap3A_744 = tpu.vector_load %arg15[%swap3A_741, %swap3A_742, %swap3A_743] {strides = array<i32>} : memref<2x16x256xf32, #tpu.memory_space<vmem>>, vector<1x1x16xf32>,
        %swap3A_745 = vector.shape_cast %swap3A_744 : vector<1x1x16xf32> to vector<16xf32>
        %swap3A_746 = vector.shape_cast %add3A_738 : vector<16xf32> to vector<1x1x16xf32>
        tpu.vector_store %arg15[%swap3A_741, %swap3A_742, %swap3A_743], %swap3A_746 {strides = array<i32>} : memref<2x16x256xf32, #tpu.memory_space<vmem>>, vector<1x1x16xf32>,
        %get3A_747 = arith.constant 1 : i32
        %get3A_748 = arith.constant 2 : i32
        %get3A_749 = arith.index_cast %get3A_747 : i32 to index
        %get3A_750 = arith.index_cast %get3A_748 : i32 to index
        %get3A_751 = arith.index_cast %mul3A_590 : i32 to index
        %get3A_752 = tpu.vector_load %arg5[%get3A_749, %get3A_750, %get3A_751] {strides = array<i32>} : memref<2x16x256xf32, #tpu.memory_space<vmem>>, vector<1x1x16xf32>,
        %get3A_753 = vector.shape_cast %get3A_752 : vector<1x1x16xf32> to vector<16xf32>
        %get3A_754 = arith.constant 1 : i32
        %get3A_755 = arith.constant 2 : i32
        %get3A_756 = arith.index_cast %get3A_754 : i32 to index
        %get3A_757 = arith.index_cast %get3A_755 : i32 to index
        %get3A_758 = arith.index_cast %mul3A_590 : i32 to index
        %get3A_759 = tpu.vector_load %arg6[%get3A_756, %get3A_757, %get3A_758] {strides = array<i32>} : memref<2x16x256xf32, #tpu.memory_space<vmem>>, vector<1x1x16xf32>,
        %get3A_760 = vector.shape_cast %get3A_759 : vector<1x1x16xf32> to vector<16xf32>
        %add3A_761 = arith.addf %get3A_753, %get3A_760 : vector<16xf32>
        %get3A_762 = arith.constant 1 : i32
        %get3A_763 = arith.constant 2 : i32
        %get3A_764 = arith.index_cast %get3A_762 : i32 to index
        %get3A_765 = arith.index_cast %get3A_763 : i32 to index
        %get3A_766 = arith.index_cast %mul3A_590 : i32 to index
        %get3A_767 = tpu.vector_load %arg7[%get3A_764, %get3A_765, %get3A_766] {strides = array<i32>} : memref<2x16x256xf32, #tpu.memory_space<vmem>>, vector<1x1x16xf32>,
        %get3A_768 = vector.shape_cast %get3A_767 : vector<1x1x16xf32> to vector<16xf32>
        %add3A_769 = arith.addf %add3A_761, %get3A_768 : vector<16xf32>
        %get3A_770 = arith.constant 1 : i32
        %get3A_771 = arith.constant 2 : i32
        %get3A_772 = arith.index_cast %get3A_770 : i32 to index
        %get3A_773 = arith.index_cast %get3A_771 : i32 to index
        %get3A_774 = arith.index_cast %mul3A_590 : i32 to index
        %get3A_775 = tpu.vector_load %arg8[%get3A_772, %get3A_773, %get3A_774] {strides = array<i32>} : memref<2x16x256xf32, #tpu.memory_space<vmem>>, vector<1x1x16xf32>,
        %get3A_776 = vector.shape_cast %get3A_775 : vector<1x1x16xf32> to vector<16xf32>
        %add3A_777 = arith.addf %add3A_769, %get3A_776 : vector<16xf32>
        %get3A_778 = arith.constant 1 : i32
        %get3A_779 = arith.constant 2 : i32
        %get3A_780 = arith.index_cast %get3A_778 : i32 to index
        %get3A_781 = arith.index_cast %get3A_779 : i32 to index
        %get3A_782 = arith.index_cast %mul3A_590 : i32 to index
        %get3A_783 = tpu.vector_load %arg9[%get3A_780, %get3A_781, %get3A_782] {strides = array<i32>} : memref<2x16x256xf32, #tpu.memory_space<vmem>>, vector<1x1x16xf32>,
        %get3A_784 = vector.shape_cast %get3A_783 : vector<1x1x16xf32> to vector<16xf32>
        %add3A_785 = arith.addf %add3A_777, %get3A_784 : vector<16xf32>
        %get3A_786 = arith.constant 1 : i32
        %get3A_787 = arith.constant 2 : i32
        %get3A_788 = arith.index_cast %get3A_786 : i32 to index
        %get3A_789 = arith.index_cast %get3A_787 : i32 to index
        %get3A_790 = arith.index_cast %mul3A_590 : i32 to index
        %get3A_791 = tpu.vector_load %arg10[%get3A_788, %get3A_789, %get3A_790] {strides = array<i32>} : memref<2x16x256xf32, #tpu.memory_space<vmem>>, vector<1x1x16xf32>,
        %get3A_792 = vector.shape_cast %get3A_791 : vector<1x1x16xf32> to vector<16xf32>
        %add3A_793 = arith.addf %add3A_785, %get3A_792 : vector<16xf32>
        %get3A_794 = arith.constant 1 : i32
        %get3A_795 = arith.constant 2 : i32
        %get3A_796 = arith.index_cast %get3A_794 : i32 to index
        %get3A_797 = arith.index_cast %get3A_795 : i32 to index
        %get3A_798 = arith.index_cast %mul3A_590 : i32 to index
        %get3A_799 = tpu.vector_load %arg11[%get3A_796, %get3A_797, %get3A_798] {strides = array<i32>} : memref<2x16x256xf32, #tpu.memory_space<vmem>>, vector<1x1x16xf32>,
        %get3A_800 = vector.shape_cast %get3A_799 : vector<1x1x16xf32> to vector<16xf32>
        %add3A_801 = arith.addf %add3A_793, %get3A_800 : vector<16xf32>
        %get3A_802 = arith.constant 1 : i32
        %get3A_803 = arith.constant 2 : i32
        %get3A_804 = arith.index_cast %get3A_802 : i32 to index
        %get3A_805 = arith.index_cast %get3A_803 : i32 to index
        %get3A_806 = arith.index_cast %mul3A_590 : i32 to index
        %get3A_807 = tpu.vector_load %arg12[%get3A_804, %get3A_805, %get3A_806] {strides = array<i32>} : memref<2x16x256xf32, #tpu.memory_space<vmem>>, vector<1x1x16xf32>,
        %get3A_808 = vector.shape_cast %get3A_807 : vector<1x1x16xf32> to vector<16xf32>
        %add3A_809 = arith.addf %add3A_801, %get3A_808 : vector<16xf32>
        %get3A_810 = arith.constant 1 : i32
        %get3A_811 = arith.constant 2 : i32
        %get3A_812 = arith.index_cast %get3A_810 : i32 to index
        %get3A_813 = arith.index_cast %get3A_811 : i32 to index
        %get3A_814 = arith.index_cast %mul3A_590 : i32 to index
        %get3A_815 = tpu.vector_load %arg13[%get3A_812, %get3A_813, %get3A_814] {strides = array<i32>} : memref<2x16x256xf32, #tpu.memory_space<vmem>>, vector<1x1x16xf32>,
        %get3A_816 = vector.shape_cast %get3A_815 : vector<1x1x16xf32> to vector<16xf32>
        %add3A_817 = arith.addf %add3A_809, %get3A_816 : vector<16xf32>
        %swap3A_818 = arith.constant 1 : i32
        %swap3A_819 = arith.constant 2 : i32
        %swap3A_820 = arith.index_cast %swap3A_818 : i32 to index
        %swap3A_821 = arith.index_cast %swap3A_819 : i32 to index
        %swap3A_822 = arith.index_cast %mul3A_590 : i32 to index
        %swap3A_823 = tpu.vector_load %arg15[%swap3A_820, %swap3A_821, %swap3A_822] {strides = array<i32>} : memref<2x16x256xf32, #tpu.memory_space<vmem>>, vector<1x1x16xf32>,
        %swap3A_824 = vector.shape_cast %swap3A_823 : vector<1x1x16xf32> to vector<16xf32>
        %swap3A_825 = vector.shape_cast %add3A_817 : vector<16xf32> to vector<1x1x16xf32>
        tpu.vector_store %arg15[%swap3A_820, %swap3A_821, %swap3A_822], %swap3A_825 {strides = array<i32>} : memref<2x16x256xf32, #tpu.memory_space<vmem>>, vector<1x1x16xf32>,
        %get3A_826 = arith.constant 1 : i32
        %get3A_827 = arith.constant 3 : i32
        %get3A_828 = arith.index_cast %get3A_826 : i32 to index
        %get3A_829 = arith.index_cast %get3A_827 : i32 to index
        %get3A_830 = arith.index_cast %mul3A_590 : i32 to index
        %get3A_831 = tpu.vector_load %arg5[%get3A_828, %get3A_829, %get3A_830] {strides = array<i32>} : memref<2x16x256xf32, #tpu.memory_space<vmem>>, vector<1x1x16xf32>,
        %get3A_832 = vector.shape_cast %get3A_831 : vector<1x1x16xf32> to vector<16xf32>
        %get3A_833 = arith.constant 1 : i32
        %get3A_834 = arith.constant 3 : i32
        %get3A_835 = arith.index_cast %get3A_833 : i32 to index
        %get3A_836 = arith.index_cast %get3A_834 : i32 to index
        %get3A_837 = arith.index_cast %mul3A_590 : i32 to index
        %get3A_838 = tpu.vector_load %arg6[%get3A_835, %get3A_836, %get3A_837] {strides = array<i32>} : memref<2x16x256xf32, #tpu.memory_space<vmem>>, vector<1x1x16xf32>,
        %get3A_839 = vector.shape_cast %get3A_838 : vector<1x1x16xf32> to vector<16xf32>
        %add3A_840 = arith.addf %get3A_832, %get3A_839 : vector<16xf32>
        %get3A_841 = arith.constant 1 : i32
        %get3A_842 = arith.constant 3 : i32
        %get3A_843 = arith.index_cast %get3A_841 : i32 to index
        %get3A_844 = arith.index_cast %get3A_842 : i32 to index
        %get3A_845 = arith.index_cast %mul3A_590 : i32 to index
        %get3A_846 = tpu.vector_load %arg7[%get3A_843, %get3A_844, %get3A_845] {strides = array<i32>} : memref<2x16x256xf32, #tpu.memory_space<vmem>>, vector<1x1x16xf32>,
        %get3A_847 = vector.shape_cast %get3A_846 : vector<1x1x16xf32> to vector<16xf32>
        %add3A_848 = arith.addf %add3A_840, %get3A_847 : vector<16xf32>
        %get3A_849 = arith.constant 1 : i32
        %get3A_850 = arith.constant 3 : i32
        %get3A_851 = arith.index_cast %get3A_849 : i32 to index
        %get3A_852 = arith.index_cast %get3A_850 : i32 to index
        %get3A_853 = arith.index_cast %mul3A_590 : i32 to index
        %get3A_854 = tpu.vector_load %arg8[%get3A_851, %get3A_852, %get3A_853] {strides = array<i32>} : memref<2x16x256xf32, #tpu.memory_space<vmem>>, vector<1x1x16xf32>,
        %get3A_855 = vector.shape_cast %get3A_854 : vector<1x1x16xf32> to vector<16xf32>
        %add3A_856 = arith.addf %add3A_848, %get3A_855 : vector<16xf32>
        %get3A_857 = arith.constant 1 : i32
        %get3A_858 = arith.constant 3 : i32
        %get3A_859 = arith.index_cast %get3A_857 : i32 to index
        %get3A_860 = arith.index_cast %get3A_858 : i32 to index
        %get3A_861 = arith.index_cast %mul3A_590 : i32 to index
        %get3A_862 = tpu.vector_load %arg9[%get3A_859, %get3A_860, %get3A_861] {strides = array<i32>} : memref<2x16x256xf32, #tpu.memory_space<vmem>>, vector<1x1x16xf32>,
        %get3A_863 = vector.shape_cast %get3A_862 : vector<1x1x16xf32> to vector<16xf32>
        %add3A_864 = arith.addf %add3A_856, %get3A_863 : vector<16xf32>
        %get3A_865 = arith.constant 1 : i32
        %get3A_866 = arith.constant 3 : i32
        %get3A_867 = arith.index_cast %get3A_865 : i32 to index
        %get3A_868 = arith.index_cast %get3A_866 : i32 to index
        %get3A_869 = arith.index_cast %mul3A_590 : i32 to index
        %get3A_870 = tpu.vector_load %arg10[%get3A_867, %get3A_868, %get3A_869] {strides = array<i32>} : memref<2x16x256xf32, #tpu.memory_space<vmem>>, vector<1x1x16xf32>,
        %get3A_871 = vector.shape_cast %get3A_870 : vector<1x1x16xf32> to vector<16xf32>
        %add3A_872 = arith.addf %add3A_864, %get3A_871 : vector<16xf32>
        %get3A_873 = arith.constant 1 : i32
        %get3A_874 = arith.constant 3 : i32
        %get3A_875 = arith.index_cast %get3A_873 : i32 to index
        %get3A_876 = arith.index_cast %get3A_874 : i32 to index
        %get3A_877 = arith.index_cast %mul3A_590 : i32 to index
        %get3A_878 = tpu.vector_load %arg11[%get3A_875, %get3A_876, %get3A_877] {strides = array<i32>} : memref<2x16x256xf32, #tpu.memory_space<vmem>>, vector<1x1x16xf32>,
        %get3A_879 = vector.shape_cast %get3A_878 : vector<1x1x16xf32> to vector<16xf32>
        %add3A_880 = arith.addf %add3A_872, %get3A_879 : vector<16xf32>
        %get3A_881 = arith.constant 1 : i32
        %get3A_882 = arith.constant 3 : i32
        %get3A_883 = arith.index_cast %get3A_881 : i32 to index
        %get3A_884 = arith.index_cast %get3A_882 : i32 to index
        %get3A_885 = arith.index_cast %mul3A_590 : i32 to index
        %get3A_886 = tpu.vector_load %arg12[%get3A_883, %get3A_884, %get3A_885] {strides = array<i32>} : memref<2x16x256xf32, #tpu.memory_space<vmem>>, vector<1x1x16xf32>,
        %get3A_887 = vector.shape_cast %get3A_886 : vector<1x1x16xf32> to vector<16xf32>
        %add3A_888 = arith.addf %add3A_880, %get3A_887 : vector<16xf32>
        %get3A_889 = arith.constant 1 : i32
        %get3A_890 = arith.constant 3 : i32
        %get3A_891 = arith.index_cast %get3A_889 : i32 to index
        %get3A_892 = arith.index_cast %get3A_890 : i32 to index
        %get3A_893 = arith.index_cast %mul3A_590 : i32 to index
        %get3A_894 = tpu.vector_load %arg13[%get3A_891, %get3A_892, %get3A_893] {strides = array<i32>} : memref<2x16x256xf32, #tpu.memory_space<vmem>>, vector<1x1x16xf32>,
        %get3A_895 = vector.shape_cast %get3A_894 : vector<1x1x16xf32> to vector<16xf32>
        %add3A_896 = arith.addf %add3A_888, %get3A_895 : vector<16xf32>
        %swap3A_897 = arith.constant 1 : i32
        %swap3A_898 = arith.constant 3 : i32
        %swap3A_899 = arith.index_cast %swap3A_897 : i32 to index
        %swap3A_900 = arith.index_cast %swap3A_898 : i32 to index
        %swap3A_901 = arith.index_cast %mul3A_590 : i32 to index
        %swap3A_902 = tpu.vector_load %arg15[%swap3A_899, %swap3A_900, %swap3A_901] {strides = array<i32>} : memref<2x16x256xf32, #tpu.memory_space<vmem>>, vector<1x1x16xf32>,
        %swap3A_903 = vector.shape_cast %swap3A_902 : vector<1x1x16xf32> to vector<16xf32>
        %swap3A_904 = vector.shape_cast %add3A_896 : vector<16xf32> to vector<1x1x16xf32>
        tpu.vector_store %arg15[%swap3A_899, %swap3A_900, %swap3A_901], %swap3A_904 {strides = array<i32>} : memref<2x16x256xf32, #tpu.memory_space<vmem>>, vector<1x1x16xf32>,
        %get3A_905 = arith.constant 1 : i32
        %get3A_906 = arith.constant 4 : i32
        %get3A_907 = arith.index_cast %get3A_905 : i32 to index
        %get3A_908 = arith.index_cast %get3A_906 : i32 to index
        %get3A_909 = arith.index_cast %mul3A_590 : i32 to index
        %get3A_910 = tpu.vector_load %arg5[%get3A_907, %get3A_908, %get3A_909] {strides = array<i32>} : memref<2x16x256xf32, #tpu.memory_space<vmem>>, vector<1x1x16xf32>,
        %get3A_911 = vector.shape_cast %get3A_910 : vector<1x1x16xf32> to vector<16xf32>
        %get3A_912 = arith.constant 1 : i32
        %get3A_913 = arith.constant 4 : i32
        %get3A_914 = arith.index_cast %get3A_912 : i32 to index
        %get3A_915 = arith.index_cast %get3A_913 : i32 to index
        %get3A_916 = arith.index_cast %mul3A_590 : i32 to index
        %get3A_917 = tpu.vector_load %arg6[%get3A_914, %get3A_915, %get3A_916] {strides = array<i32>} : memref<2x16x256xf32, #tpu.memory_space<vmem>>, vector<1x1x16xf32>,
        %get3A_918 = vector.shape_cast %get3A_917 : vector<1x1x16xf32> to vector<16xf32>
        %add3A_919 = arith.addf %get3A_911, %get3A_918 : vector<16xf32>
        %get3A_920 = arith.constant 1 : i32
        %get3A_921 = arith.constant 4 : i32
        %get3A_922 = arith.index_cast %get3A_920 : i32 to index
        %get3A_923 = arith.index_cast %get3A_921 : i32 to index
        %get3A_924 = arith.index_cast %mul3A_590 : i32 to index
        %get3A_925 = tpu.vector_load %arg7[%get3A_922, %get3A_923, %get3A_924] {strides = array<i32>} : memref<2x16x256xf32, #tpu.memory_space<vmem>>, vector<1x1x16xf32>,
        %get3A_926 = vector.shape_cast %get3A_925 : vector<1x1x16xf32> to vector<16xf32>
        %add3A_927 = arith.addf %add3A_919, %get3A_926 : vector<16xf32>
        %get3A_928 = arith.constant 1 : i32
        %get3A_929 = arith.constant 4 : i32
        %get3A_930 = arith.index_cast %get3A_928 : i32 to index
        %get3A_931 = arith.index_cast %get3A_929 : i32 to index
        %get3A_932 = arith.index_cast %mul3A_590 : i32 to index
        %get3A_933 = tpu.vector_load %arg8[%get3A_930, %get3A_931, %get3A_932] {strides = array<i32>} : memref<2x16x256xf32, #tpu.memory_space<vmem>>, vector<1x1x16xf32>,
        %get3A_934 = vector.shape_cast %get3A_933 : vector<1x1x16xf32> to vector<16xf32>
        %add3A_935 = arith.addf %add3A_927, %get3A_934 : vector<16xf32>
        %get3A_936 = arith.constant 1 : i32
        %get3A_937 = arith.constant 4 : i32
        %get3A_938 = arith.index_cast %get3A_936 : i32 to index
        %get3A_939 = arith.index_cast %get3A_937 : i32 to index
        %get3A_940 = arith.index_cast %mul3A_590 : i32 to index
        %get3A_941 = tpu.vector_load %arg9[%get3A_938, %get3A_939, %get3A_940] {strides = array<i32>} : memref<2x16x256xf32, #tpu.memory_space<vmem>>, vector<1x1x16xf32>,
        %get3A_942 = vector.shape_cast %get3A_941 : vector<1x1x16xf32> to vector<16xf32>
        %add3A_943 = arith.addf %add3A_935, %get3A_942 : vector<16xf32>
        %get3A_944 = arith.constant 1 : i32
        %get3A_945 = arith.constant 4 : i32
        %get3A_946 = arith.index_cast %get3A_944 : i32 to index
        %get3A_947 = arith.index_cast %get3A_945 : i32 to index
        %get3A_948 = arith.index_cast %mul3A_590 : i32 to index
        %get3A_949 = tpu.vector_load %arg10[%get3A_946, %get3A_947, %get3A_948] {strides = array<i32>} : memref<2x16x256xf32, #tpu.memory_space<vmem>>, vector<1x1x16xf32>,
        %get3A_950 = vector.shape_cast %get3A_949 : vector<1x1x16xf32> to vector<16xf32>
        %add3A_951 = arith.addf %add3A_943, %get3A_950 : vector<16xf32>
        %get3A_952 = arith.constant 1 : i32
        %get3A_953 = arith.constant 4 : i32
        %get3A_954 = arith.index_cast %get3A_952 : i32 to index
        %get3A_955 = arith.index_cast %get3A_953 : i32 to index
        %get3A_956 = arith.index_cast %mul3A_590 : i32 to index
        %get3A_957 = tpu.vector_load %arg11[%get3A_954, %get3A_955, %get3A_956] {strides = array<i32>} : memref<2x16x256xf32, #tpu.memory_space<vmem>>, vector<1x1x16xf32>,
        %get3A_958 = vector.shape_cast %get3A_957 : vector<1x1x16xf32> to vector<16xf32>
        %add3A_959 = arith.addf %add3A_951, %get3A_958 : vector<16xf32>
        %get3A_960 = arith.constant 1 : i32
        %get3A_961 = arith.constant 4 : i32
        %get3A_962 = arith.index_cast %get3A_960 : i32 to index
        %get3A_963 = arith.index_cast %get3A_961 : i32 to index
        %get3A_964 = arith.index_cast %mul3A_590 : i32 to index
        %get3A_965 = tpu.vector_load %arg12[%get3A_962, %get3A_963, %get3A_964] {strides = array<i32>} : memref<2x16x256xf32, #tpu.memory_space<vmem>>, vector<1x1x16xf32>,
        %get3A_966 = vector.shape_cast %get3A_965 : vector<1x1x16xf32> to vector<16xf32>
        %add3A_967 = arith.addf %add3A_959, %get3A_966 : vector<16xf32>
        %get3A_968 = arith.constant 1 : i32
        %get3A_969 = arith.constant 4 : i32
        %get3A_970 = arith.index_cast %get3A_968 : i32 to index
        %get3A_971 = arith.index_cast %get3A_969 : i32 to index
        %get3A_972 = arith.index_cast %mul3A_590 : i32 to index
        %get3A_973 = tpu.vector_load %arg13[%get3A_970, %get3A_971, %get3A_972] {strides = array<i32>} : memref<2x16x256xf32, #tpu.memory_space<vmem>>, vector<1x1x16xf32>,
        %get3A_974 = vector.shape_cast %get3A_973 : vector<1x1x16xf32> to vector<16xf32>
        %add3A_975 = arith.addf %add3A_967, %get3A_974 : vector<16xf32>
        %swap3A_976 = arith.constant 1 : i32
        %swap3A_977 = arith.constant 4 : i32
        %swap3A_978 = arith.index_cast %swap3A_976 : i32 to index
        %swap3A_979 = arith.index_cast %swap3A_977 : i32 to index
        %swap3A_980 = arith.index_cast %mul3A_590 : i32 to index
        %swap3A_981 = tpu.vector_load %arg15[%swap3A_978, %swap3A_979, %swap3A_980] {strides = array<i32>} : memref<2x16x256xf32, #tpu.memory_space<vmem>>, vector<1x1x16xf32>,
        %swap3A_982 = vector.shape_cast %swap3A_981 : vector<1x1x16xf32> to vector<16xf32>
        %swap3A_983 = vector.shape_cast %add3A_975 : vector<16xf32> to vector<1x1x16xf32>
        tpu.vector_store %arg15[%swap3A_978, %swap3A_979, %swap3A_980], %swap3A_983 {strides = array<i32>} : memref<2x16x256xf32, #tpu.memory_space<vmem>>, vector<1x1x16xf32>,
        %get3A_984 = arith.constant 1 : i32
        %get3A_985 = arith.constant 5 : i32
        %get3A_986 = arith.index_cast %get3A_984 : i32 to index
        %get3A_987 = arith.index_cast %get3A_985 : i32 to index
        %get3A_988 = arith.index_cast %mul3A_590 : i32 to index
        %get3A_989 = tpu.vector_load %arg5[%get3A_986, %get3A_987, %get3A_988] {strides = array<i32>} : memref<2x16x256xf32, #tpu.memory_space<vmem>>, vector<1x1x16xf32>,
        %get3A_990 = vector.shape_cast %get3A_989 : vector<1x1x16xf32> to vector<16xf32>
        %get3A_991 = arith.constant 1 : i32
        %get3A_992 = arith.constant 5 : i32
        %get3A_993 = arith.index_cast %get3A_991 : i32 to index
        %get3A_994 = arith.index_cast %get3A_992 : i32 to index
        %get3A_995 = arith.index_cast %mul3A_590 : i32 to index
        %get3A_996 = tpu.vector_load %arg6[%get3A_993, %get3A_994, %get3A_995] {strides = array<i32>} : memref<2x16x256xf32, #tpu.memory_space<vmem>>, vector<1x1x16xf32>,
        %get3A_997 = vector.shape_cast %get3A_996 : vector<1x1x16xf32> to vector<16xf32>
        %add3A_998 = arith.addf %get3A_990, %get3A_997 : vector<16xf32>
        %get3A_999 = arith.constant 1 : i32
        %get3A_1000 = arith.constant 5 : i32
        %get3A_1001 = arith.index_cast %get3A_999 : i32 to index
        %get3A_1002 = arith.index_cast %get3A_1000 : i32 to index
        %get3A_1003 = arith.index_cast %mul3A_590 : i32 to index
        %get3A_1004 = tpu.vector_load %arg7[%get3A_1001, %get3A_1002, %get3A_1003] {strides = array<i32>} : memref<2x16x256xf32, #tpu.memory_space<vmem>>, vector<1x1x16xf32>,
        %get3A_1005 = vector.shape_cast %get3A_1004 : vector<1x1x16xf32> to vector<16xf32>
        %add3A_1006 = arith.addf %add3A_998, %get3A_1005 : vector<16xf32>
        %get3A_1007 = arith.constant 1 : i32
        %get3A_1008 = arith.constant 5 : i32
        %get3A_1009 = arith.index_cast %get3A_1007 : i32 to index
        %get3A_1010 = arith.index_cast %get3A_1008 : i32 to index
        %get3A_1011 = arith.index_cast %mul3A_590 : i32 to index
        %get3A_1012 = tpu.vector_load %arg8[%get3A_1009, %get3A_1010, %get3A_1011] {strides = array<i32>} : memref<2x16x256xf32, #tpu.memory_space<vmem>>, vector<1x1x16xf32>,
        %get3A_1013 = vector.shape_cast %get3A_1012 : vector<1x1x16xf32> to vector<16xf32>
        %add3A_1014 = arith.addf %add3A_1006, %get3A_1013 : vector<16xf32>
        %get3A_1015 = arith.constant 1 : i32
        %get3A_1016 = arith.constant 5 : i32
        %get3A_1017 = arith.index_cast %get3A_1015 : i32 to index
        %get3A_1018 = arith.index_cast %get3A_1016 : i32 to index
        %get3A_1019 = arith.index_cast %mul3A_590 : i32 to index
        %get3A_1020 = tpu.vector_load %arg9[%get3A_1017, %get3A_1018, %get3A_1019] {strides = array<i32>} : memref<2x16x256xf32, #tpu.memory_space<vmem>>, vector<1x1x16xf32>,
        %get3A_1021 = vector.shape_cast %get3A_1020 : vector<1x1x16xf32> to vector<16xf32>
        %add3A_1022 = arith.addf %add3A_1014, %get3A_1021 : vector<16xf32>
        %get3A_1023 = arith.constant 1 : i32
        %get3A_1024 = arith.constant 5 : i32
        %get3A_1025 = arith.index_cast %get3A_1023 : i32 to index
        %get3A_1026 = arith.index_cast %get3A_1024 : i32 to index
        %get3A_1027 = arith.index_cast %mul3A_590 : i32 to index
        %get3A_1028 = tpu.vector_load %arg10[%get3A_1025, %get3A_1026, %get3A_1027] {strides = array<i32>} : memref<2x16x256xf32, #tpu.memory_space<vmem>>, vector<1x1x16xf32>,
        %get3A_1029 = vector.shape_cast %get3A_1028 : vector<1x1x16xf32> to vector<16xf32>
        %add3A_1030 = arith.addf %add3A_1022, %get3A_1029 : vector<16xf32>
        %get3A_1031 = arith.constant 1 : i32
        %get3A_1032 = arith.constant 5 : i32
        %get3A_1033 = arith.index_cast %get3A_1031 : i32 to index
        %get3A_1034 = arith.index_cast %get3A_1032 : i32 to index
        %get3A_1035 = arith.index_cast %mul3A_590 : i32 to index
        %get3A_1036 = tpu.vector_load %arg11[%get3A_1033, %get3A_1034, %get3A_1035] {strides = array<i32>} : memref<2x16x256xf32, #tpu.memory_space<vmem>>, vector<1x1x16xf32>,
        %get3A_1037 = vector.shape_cast %get3A_1036 : vector<1x1x16xf32> to vector<16xf32>
        %add3A_1038 = arith.addf %add3A_1030, %get3A_1037 : vector<16xf32>
        %get3A_1039 = arith.constant 1 : i32
        %get3A_1040 = arith.constant 5 : i32
        %get3A_1041 = arith.index_cast %get3A_1039 : i32 to index
        %get3A_1042 = arith.index_cast %get3A_1040 : i32 to index
        %get3A_1043 = arith.index_cast %mul3A_590 : i32 to index
        %get3A_1044 = tpu.vector_load %arg12[%get3A_1041, %get3A_1042, %get3A_1043] {strides = array<i32>} : memref<2x16x256xf32, #tpu.memory_space<vmem>>, vector<1x1x16xf32>,
        %get3A_1045 = vector.shape_cast %get3A_1044 : vector<1x1x16xf32> to vector<16xf32>
        %add3A_1046 = arith.addf %add3A_1038, %get3A_1045 : vector<16xf32>
        %get3A_1047 = arith.constant 1 : i32
        %get3A_1048 = arith.constant 5 : i32
        %get3A_1049 = arith.index_cast %get3A_1047 : i32 to index
        %get3A_1050 = arith.index_cast %get3A_1048 : i32 to index
        %get3A_1051 = arith.index_cast %mul3A_590 : i32 to index
        %get3A_1052 = tpu.vector_load %arg13[%get3A_1049, %get3A_1050, %get3A_1051] {strides = array<i32>} : memref<2x16x256xf32, #tpu.memory_space<vmem>>, vector<1x1x16xf32>,
        %get3A_1053 = vector.shape_cast %get3A_1052 : vector<1x1x16xf32> to vector<16xf32>
        %add3A_1054 = arith.addf %add3A_1046, %get3A_1053 : vector<16xf32>
        %swap3A_1055 = arith.constant 1 : i32
        %swap3A_1056 = arith.constant 5 : i32
        %swap3A_1057 = arith.index_cast %swap3A_1055 : i32 to index
        %swap3A_1058 = arith.index_cast %swap3A_1056 : i32 to index
        %swap3A_1059 = arith.index_cast %mul3A_590 : i32 to index
        %swap3A_1060 = tpu.vector_load %arg15[%swap3A_1057, %swap3A_1058, %swap3A_1059] {strides = array<i32>} : memref<2x16x256xf32, #tpu.memory_space<vmem>>, vector<1x1x16xf32>,
        %swap3A_1061 = vector.shape_cast %swap3A_1060 : vector<1x1x16xf32> to vector<16xf32>
        %swap3A_1062 = vector.shape_cast %add3A_1054 : vector<16xf32> to vector<1x1x16xf32>
        tpu.vector_store %arg15[%swap3A_1057, %swap3A_1058, %swap3A_1059], %swap3A_1062 {strides = array<i32>} : memref<2x16x256xf32, #tpu.memory_space<vmem>>, vector<1x1x16xf32>,
        %get3A_1063 = arith.constant 1 : i32
        %get3A_1064 = arith.constant 6 : i32
        %get3A_1065 = arith.index_cast %get3A_1063 : i32 to index
        %get3A_1066 = arith.index_cast %get3A_1064 : i32 to index
        %get3A_1067 = arith.index_cast %mul3A_590 : i32 to index
        %get3A_1068 = tpu.vector_load %arg5[%get3A_1065, %get3A_1066, %get3A_1067] {strides = array<i32>} : memref<2x16x256xf32, #tpu.memory_space<vmem>>, vector<1x1x16xf32>,
        %get3A_1069 = vector.shape_cast %get3A_1068 : vector<1x1x16xf32> to vector<16xf32>
        %get3A_1070 = arith.constant 1 : i32
        %get3A_1071 = arith.constant 6 : i32
        %get3A_1072 = arith.index_cast %get3A_1070 : i32 to index
        %get3A_1073 = arith.index_cast %get3A_1071 : i32 to index
        %get3A_1074 = arith.index_cast %mul3A_590 : i32 to index
        %get3A_1075 = tpu.vector_load %arg6[%get3A_1072, %get3A_1073, %get3A_1074] {strides = array<i32>} : memref<2x16x256xf32, #tpu.memory_space<vmem>>, vector<1x1x16xf32>,
        %get3A_1076 = vector.shape_cast %get3A_1075 : vector<1x1x16xf32> to vector<16xf32>
        %add3A_1077 = arith.addf %get3A_1069, %get3A_1076 : vector<16xf32>
        %get3A_1078 = arith.constant 1 : i32
        %get3A_1079 = arith.constant 6 : i32
        %get3A_1080 = arith.index_cast %get3A_1078 : i32 to index
        %get3A_1081 = arith.index_cast %get3A_1079 : i32 to index
        %get3A_1082 = arith.index_cast %mul3A_590 : i32 to index
        %get3A_1083 = tpu.vector_load %arg7[%get3A_1080, %get3A_1081, %get3A_1082] {strides = array<i32>} : memref<2x16x256xf32, #tpu.memory_space<vmem>>, vector<1x1x16xf32>,
        %get3A_1084 = vector.shape_cast %get3A_1083 : vector<1x1x16xf32> to vector<16xf32>
        %add3A_1085 = arith.addf %add3A_1077, %get3A_1084 : vector<16xf32>
        %get3A_1086 = arith.constant 1 : i32
        %get3A_1087 = arith.constant 6 : i32
        %get3A_1088 = arith.index_cast %get3A_1086 : i32 to index
        %get3A_1089 = arith.index_cast %get3A_1087 : i32 to index
        %get3A_1090 = arith.index_cast %mul3A_590 : i32 to index
        %get3A_1091 = tpu.vector_load %arg8[%get3A_1088, %get3A_1089, %get3A_1090] {strides = array<i32>} : memref<2x16x256xf32, #tpu.memory_space<vmem>>, vector<1x1x16xf32>,
        %get3A_1092 = vector.shape_cast %get3A_1091 : vector<1x1x16xf32> to vector<16xf32>
        %add3A_1093 = arith.addf %add3A_1085, %get3A_1092 : vector<16xf32>
        %get3A_1094 = arith.constant 1 : i32
        %get3A_1095 = arith.constant 6 : i32
        %get3A_1096 = arith.index_cast %get3A_1094 : i32 to index
        %get3A_1097 = arith.index_cast %get3A_1095 : i32 to index
        %get3A_1098 = arith.index_cast %mul3A_590 : i32 to index
        %get3A_1099 = tpu.vector_load %arg9[%get3A_1096, %get3A_1097, %get3A_1098] {strides = array<i32>} : memref<2x16x256xf32, #tpu.memory_space<vmem>>, vector<1x1x16xf32>,
        %get3A_1100 = vector.shape_cast %get3A_1099 : vector<1x1x16xf32> to vector<16xf32>
        %add3A_1101 = arith.addf %add3A_1093, %get3A_1100 : vector<16xf32>
        %get3A_1102 = arith.constant 1 : i32
        %get3A_1103 = arith.constant 6 : i32
        %get3A_1104 = arith.index_cast %get3A_1102 : i32 to index
        %get3A_1105 = arith.index_cast %get3A_1103 : i32 to index
        %get3A_1106 = arith.index_cast %mul3A_590 : i32 to index
        %get3A_1107 = tpu.vector_load %arg10[%get3A_1104, %get3A_1105, %get3A_1106] {strides = array<i32>} : memref<2x16x256xf32, #tpu.memory_space<vmem>>, vector<1x1x16xf32>,
        %get3A_1108 = vector.shape_cast %get3A_1107 : vector<1x1x16xf32> to vector<16xf32>
        %add3A_1109 = arith.addf %add3A_1101, %get3A_1108 : vector<16xf32>
        %get3A_1110 = arith.constant 1 : i32
        %get3A_1111 = arith.constant 6 : i32
        %get3A_1112 = arith.index_cast %get3A_1110 : i32 to index
        %get3A_1113 = arith.index_cast %get3A_1111 : i32 to index
        %get3A_1114 = arith.index_cast %mul3A_590 : i32 to index
        %get3A_1115 = tpu.vector_load %arg11[%get3A_1112, %get3A_1113, %get3A_1114] {strides = array<i32>} : memref<2x16x256xf32, #tpu.memory_space<vmem>>, vector<1x1x16xf32>,
        %get3A_1116 = vector.shape_cast %get3A_1115 : vector<1x1x16xf32> to vector<16xf32>
        %add3A_1117 = arith.addf %add3A_1109, %get3A_1116 : vector<16xf32>
        %get3A_1118 = arith.constant 1 : i32
        %get3A_1119 = arith.constant 6 : i32
        %get3A_1120 = arith.index_cast %get3A_1118 : i32 to index
        %get3A_1121 = arith.index_cast %get3A_1119 : i32 to index
        %get3A_1122 = arith.index_cast %mul3A_590 : i32 to index
        %get3A_1123 = tpu.vector_load %arg12[%get3A_1120, %get3A_1121, %get3A_1122] {strides = array<i32>} : memref<2x16x256xf32, #tpu.memory_space<vmem>>, vector<1x1x16xf32>,
        %get3A_1124 = vector.shape_cast %get3A_1123 : vector<1x1x16xf32> to vector<16xf32>
        %add3A_1125 = arith.addf %add3A_1117, %get3A_1124 : vector<16xf32>
        %get3A_1126 = arith.constant 1 : i32
        %get3A_1127 = arith.constant 6 : i32
        %get3A_1128 = arith.index_cast %get3A_1126 : i32 to index
        %get3A_1129 = arith.index_cast %get3A_1127 : i32 to index
        %get3A_1130 = arith.index_cast %mul3A_590 : i32 to index
        %get3A_1131 = tpu.vector_load %arg13[%get3A_1128, %get3A_1129, %get3A_1130] {strides = array<i32>} : memref<2x16x256xf32, #tpu.memory_space<vmem>>, vector<1x1x16xf32>,
        %get3A_1132 = vector.shape_cast %get3A_1131 : vector<1x1x16xf32> to vector<16xf32>
        %add3A_1133 = arith.addf %add3A_1125, %get3A_1132 : vector<16xf32>
        %swap3A_1134 = arith.constant 1 : i32
        %swap3A_1135 = arith.constant 6 : i32
        %swap3A_1136 = arith.index_cast %swap3A_1134 : i32 to index
        %swap3A_1137 = arith.index_cast %swap3A_1135 : i32 to index
        %swap3A_1138 = arith.index_cast %mul3A_590 : i32 to index
        %swap3A_1139 = tpu.vector_load %arg15[%swap3A_1136, %swap3A_1137, %swap3A_1138] {strides = array<i32>} : memref<2x16x256xf32, #tpu.memory_space<vmem>>, vector<1x1x16xf32>,
        %swap3A_1140 = vector.shape_cast %swap3A_1139 : vector<1x1x16xf32> to vector<16xf32>
        %swap3A_1141 = vector.shape_cast %add3A_1133 : vector<16xf32> to vector<1x1x16xf32>
        tpu.vector_store %arg15[%swap3A_1136, %swap3A_1137, %swap3A_1138], %swap3A_1141 {strides = array<i32>} : memref<2x16x256xf32, #tpu.memory_space<vmem>>, vector<1x1x16xf32>,
        %get3A_1142 = arith.constant 1 : i32
        %get3A_1143 = arith.constant 7 : i32
        %get3A_1144 = arith.index_cast %get3A_1142 : i32 to index
        %get3A_1145 = arith.index_cast %get3A_1143 : i32 to index
        %get3A_1146 = arith.index_cast %mul3A_590 : i32 to index
        %get3A_1147 = tpu.vector_load %arg5[%get3A_1144, %get3A_1145, %get3A_1146] {strides = array<i32>} : memref<2x16x256xf32, #tpu.memory_space<vmem>>, vector<1x1x16xf32>,
        %get3A_1148 = vector.shape_cast %get3A_1147 : vector<1x1x16xf32> to vector<16xf32>
        %get3A_1149 = arith.constant 1 : i32
        %get3A_1150 = arith.constant 7 : i32
        %get3A_1151 = arith.index_cast %get3A_1149 : i32 to index
        %get3A_1152 = arith.index_cast %get3A_1150 : i32 to index
        %get3A_1153 = arith.index_cast %mul3A_590 : i32 to index
        %get3A_1154 = tpu.vector_load %arg6[%get3A_1151, %get3A_1152, %get3A_1153] {strides = array<i32>} : memref<2x16x256xf32, #tpu.memory_space<vmem>>, vector<1x1x16xf32>,
        %get3A_1155 = vector.shape_cast %get3A_1154 : vector<1x1x16xf32> to vector<16xf32>
        %add3A_1156 = arith.addf %get3A_1148, %get3A_1155 : vector<16xf32>
        %get3A_1157 = arith.constant 1 : i32
        %get3A_1158 = arith.constant 7 : i32
        %get3A_1159 = arith.index_cast %get3A_1157 : i32 to index
        %get3A_1160 = arith.index_cast %get3A_1158 : i32 to index
        %get3A_1161 = arith.index_cast %mul3A_590 : i32 to index
        %get3A_1162 = tpu.vector_load %arg7[%get3A_1159, %get3A_1160, %get3A_1161] {strides = array<i32>} : memref<2x16x256xf32, #tpu.memory_space<vmem>>, vector<1x1x16xf32>,
        %get3A_1163 = vector.shape_cast %get3A_1162 : vector<1x1x16xf32> to vector<16xf32>
        %add3A_1164 = arith.addf %add3A_1156, %get3A_1163 : vector<16xf32>
        %get3A_1165 = arith.constant 1 : i32
        %get3A_1166 = arith.constant 7 : i32
        %get3A_1167 = arith.index_cast %get3A_1165 : i32 to index
        %get3A_1168 = arith.index_cast %get3A_1166 : i32 to index
        %get3A_1169 = arith.index_cast %mul3A_590 : i32 to index
        %get3A_1170 = tpu.vector_load %arg8[%get3A_1167, %get3A_1168, %get3A_1169] {strides = array<i32>} : memref<2x16x256xf32, #tpu.memory_space<vmem>>, vector<1x1x16xf32>,
        %get3A_1171 = vector.shape_cast %get3A_1170 : vector<1x1x16xf32> to vector<16xf32>
        %add3A_1172 = arith.addf %add3A_1164, %get3A_1171 : vector<16xf32>
        %get3A_1173 = arith.constant 1 : i32
        %get3A_1174 = arith.constant 7 : i32
        %get3A_1175 = arith.index_cast %get3A_1173 : i32 to index
        %get3A_1176 = arith.index_cast %get3A_1174 : i32 to index
        %get3A_1177 = arith.index_cast %mul3A_590 : i32 to index
        %get3A_1178 = tpu.vector_load %arg9[%get3A_1175, %get3A_1176, %get3A_1177] {strides = array<i32>} : memref<2x16x256xf32, #tpu.memory_space<vmem>>, vector<1x1x16xf32>,
        %get3A_1179 = vector.shape_cast %get3A_1178 : vector<1x1x16xf32> to vector<16xf32>
        %add3A_1180 = arith.addf %add3A_1172, %get3A_1179 : vector<16xf32>
        %get3A_1181 = arith.constant 1 : i32
        %get3A_1182 = arith.constant 7 : i32
        %get3A_1183 = arith.index_cast %get3A_1181 : i32 to index
        %get3A_1184 = arith.index_cast %get3A_1182 : i32 to index
        %get3A_1185 = arith.index_cast %mul3A_590 : i32 to index
        %get3A_1186 = tpu.vector_load %arg10[%get3A_1183, %get3A_1184, %get3A_1185] {strides = array<i32>} : memref<2x16x256xf32, #tpu.memory_space<vmem>>, vector<1x1x16xf32>,
        %get3A_1187 = vector.shape_cast %get3A_1186 : vector<1x1x16xf32> to vector<16xf32>
        %add3A_1188 = arith.addf %add3A_1180, %get3A_1187 : vector<16xf32>
        %get3A_1189 = arith.constant 1 : i32
        %get3A_1190 = arith.constant 7 : i32
        %get3A_1191 = arith.index_cast %get3A_1189 : i32 to index
        %get3A_1192 = arith.index_cast %get3A_1190 : i32 to index
        %get3A_1193 = arith.index_cast %mul3A_590 : i32 to index
        %get3A_1194 = tpu.vector_load %arg11[%get3A_1191, %get3A_1192, %get3A_1193] {strides = array<i32>} : memref<2x16x256xf32, #tpu.memory_space<vmem>>, vector<1x1x16xf32>,
        %get3A_1195 = vector.shape_cast %get3A_1194 : vector<1x1x16xf32> to vector<16xf32>
        %add3A_1196 = arith.addf %add3A_1188, %get3A_1195 : vector<16xf32>
        %get3A_1197 = arith.constant 1 : i32
        %get3A_1198 = arith.constant 7 : i32
        %get3A_1199 = arith.index_cast %get3A_1197 : i32 to index
        %get3A_1200 = arith.index_cast %get3A_1198 : i32 to index
        %get3A_1201 = arith.index_cast %mul3A_590 : i32 to index
        %get3A_1202 = tpu.vector_load %arg12[%get3A_1199, %get3A_1200, %get3A_1201] {strides = array<i32>} : memref<2x16x256xf32, #tpu.memory_space<vmem>>, vector<1x1x16xf32>,
        %get3A_1203 = vector.shape_cast %get3A_1202 : vector<1x1x16xf32> to vector<16xf32>
        %add3A_1204 = arith.addf %add3A_1196, %get3A_1203 : vector<16xf32>
        %get3A_1205 = arith.constant 1 : i32
        %get3A_1206 = arith.constant 7 : i32
        %get3A_1207 = arith.index_cast %get3A_1205 : i32 to index
        %get3A_1208 = arith.index_cast %get3A_1206 : i32 to index
        %get3A_1209 = arith.index_cast %mul3A_590 : i32 to index
        %get3A_1210 = tpu.vector_load %arg13[%get3A_1207, %get3A_1208, %get3A_1209] {strides = array<i32>} : memref<2x16x256xf32, #tpu.memory_space<vmem>>, vector<1x1x16xf32>,
        %get3A_1211 = vector.shape_cast %get3A_1210 : vector<1x1x16xf32> to vector<16xf32>
        %add3A_1212 = arith.addf %add3A_1204, %get3A_1211 : vector<16xf32>
        %swap3A_1213 = arith.constant 1 : i32
        %swap3A_1214 = arith.constant 7 : i32
        %swap3A_1215 = arith.index_cast %swap3A_1213 : i32 to index
        %swap3A_1216 = arith.index_cast %swap3A_1214 : i32 to index
        %swap3A_1217 = arith.index_cast %mul3A_590 : i32 to index
        %swap3A_1218 = tpu.vector_load %arg15[%swap3A_1215, %swap3A_1216, %swap3A_1217] {strides = array<i32>} : memref<2x16x256xf32, #tpu.memory_space<vmem>>, vector<1x1x16xf32>,
        %swap3A_1219 = vector.shape_cast %swap3A_1218 : vector<1x1x16xf32> to vector<16xf32>
        %swap3A_1220 = vector.shape_cast %add3A_1212 : vector<16xf32> to vector<1x1x16xf32>
        tpu.vector_store %arg15[%swap3A_1215, %swap3A_1216, %swap3A_1217], %swap3A_1220 {strides = array<i32>} : memref<2x16x256xf32, #tpu.memory_space<vmem>>, vector<1x1x16xf32>,
        %get3A_1221 = arith.constant 1 : i32
        %get3A_1222 = arith.constant 8 : i32
        %get3A_1223 = arith.index_cast %get3A_1221 : i32 to index
        %get3A_1224 = arith.index_cast %get3A_1222 : i32 to index
        %get3A_1225 = arith.index_cast %mul3A_590 : i32 to index
        %get3A_1226 = tpu.vector_load %arg5[%get3A_1223, %get3A_1224, %get3A_1225] {strides = array<i32>} : memref<2x16x256xf32, #tpu.memory_space<vmem>>, vector<1x1x16xf32>,
        %get3A_1227 = vector.shape_cast %get3A_1226 : vector<1x1x16xf32> to vector<16xf32>
        %get3A_1228 = arith.constant 1 : i32
        %get3A_1229 = arith.constant 8 : i32
        %get3A_1230 = arith.index_cast %get3A_1228 : i32 to index
        %get3A_1231 = arith.index_cast %get3A_1229 : i32 to index
        %get3A_1232 = arith.index_cast %mul3A_590 : i32 to index
        %get3A_1233 = tpu.vector_load %arg6[%get3A_1230, %get3A_1231, %get3A_1232] {strides = array<i32>} : memref<2x16x256xf32, #tpu.memory_space<vmem>>, vector<1x1x16xf32>,
        %get3A_1234 = vector.shape_cast %get3A_1233 : vector<1x1x16xf32> to vector<16xf32>
        %add3A_1235 = arith.addf %get3A_1227, %get3A_1234 : vector<16xf32>
        %get3A_1236 = arith.constant 1 : i32
        %get3A_1237 = arith.constant 8 : i32
        %get3A_1238 = arith.index_cast %get3A_1236 : i32 to index
        %get3A_1239 = arith.index_cast %get3A_1237 : i32 to index
        %get3A_1240 = arith.index_cast %mul3A_590 : i32 to index
        %get3A_1241 = tpu.vector_load %arg7[%get3A_1238, %get3A_1239, %get3A_1240] {strides = array<i32>} : memref<2x16x256xf32, #tpu.memory_space<vmem>>, vector<1x1x16xf32>,
        %get3A_1242 = vector.shape_cast %get3A_1241 : vector<1x1x16xf32> to vector<16xf32>
        %add3A_1243 = arith.addf %add3A_1235, %get3A_1242 : vector<16xf32>
        %get3A_1244 = arith.constant 1 : i32
        %get3A_1245 = arith.constant 8 : i32
        %get3A_1246 = arith.index_cast %get3A_1244 : i32 to index
        %get3A_1247 = arith.index_cast %get3A_1245 : i32 to index
        %get3A_1248 = arith.index_cast %mul3A_590 : i32 to index
        %get3A_1249 = tpu.vector_load %arg8[%get3A_1246, %get3A_1247, %get3A_1248] {strides = array<i32>} : memref<2x16x256xf32, #tpu.memory_space<vmem>>, vector<1x1x16xf32>,
        %get3A_1250 = vector.shape_cast %get3A_1249 : vector<1x1x16xf32> to vector<16xf32>
        %add3A_1251 = arith.addf %add3A_1243, %get3A_1250 : vector<16xf32>
        %get3A_1252 = arith.constant 1 : i32
        %get3A_1253 = arith.constant 8 : i32
        %get3A_1254 = arith.index_cast %get3A_1252 : i32 to index
        %get3A_1255 = arith.index_cast %get3A_1253 : i32 to index
        %get3A_1256 = arith.index_cast %mul3A_590 : i32 to index
        %get3A_1257 = tpu.vector_load %arg9[%get3A_1254, %get3A_1255, %get3A_1256] {strides = array<i32>} : memref<2x16x256xf32, #tpu.memory_space<vmem>>, vector<1x1x16xf32>,
        %get3A_1258 = vector.shape_cast %get3A_1257 : vector<1x1x16xf32> to vector<16xf32>
        %add3A_1259 = arith.addf %add3A_1251, %get3A_1258 : vector<16xf32>
        %get3A_1260 = arith.constant 1 : i32
        %get3A_1261 = arith.constant 8 : i32
        %get3A_1262 = arith.index_cast %get3A_1260 : i32 to index
        %get3A_1263 = arith.index_cast %get3A_1261 : i32 to index
        %get3A_1264 = arith.index_cast %mul3A_590 : i32 to index
        %get3A_1265 = tpu.vector_load %arg10[%get3A_1262, %get3A_1263, %get3A_1264] {strides = array<i32>} : memref<2x16x256xf32, #tpu.memory_space<vmem>>, vector<1x1x16xf32>,
        %get3A_1266 = vector.shape_cast %get3A_1265 : vector<1x1x16xf32> to vector<16xf32>
        %add3A_1267 = arith.addf %add3A_1259, %get3A_1266 : vector<16xf32>
        %get3A_1268 = arith.constant 1 : i32
        %get3A_1269 = arith.constant 8 : i32
        %get3A_1270 = arith.index_cast %get3A_1268 : i32 to index
        %get3A_1271 = arith.index_cast %get3A_1269 : i32 to index
        %get3A_1272 = arith.index_cast %mul3A_590 : i32 to index
        %get3A_1273 = tpu.vector_load %arg11[%get3A_1270, %get3A_1271, %get3A_1272] {strides = array<i32>} : memref<2x16x256xf32, #tpu.memory_space<vmem>>, vector<1x1x16xf32>,
        %get3A_1274 = vector.shape_cast %get3A_1273 : vector<1x1x16xf32> to vector<16xf32>
        %add3A_1275 = arith.addf %add3A_1267, %get3A_1274 : vector<16xf32>
        %get3A_1276 = arith.constant 1 : i32
        %get3A_1277 = arith.constant 8 : i32
        %get3A_1278 = arith.index_cast %get3A_1276 : i32 to index
        %get3A_1279 = arith.index_cast %get3A_1277 : i32 to index
        %get3A_1280 = arith.index_cast %mul3A_590 : i32 to index
        %get3A_1281 = tpu.vector_load %arg12[%get3A_1278, %get3A_1279, %get3A_1280] {strides = array<i32>} : memref<2x16x256xf32, #tpu.memory_space<vmem>>, vector<1x1x16xf32>,
        %get3A_1282 = vector.shape_cast %get3A_1281 : vector<1x1x16xf32> to vector<16xf32>
        %add3A_1283 = arith.addf %add3A_1275, %get3A_1282 : vector<16xf32>
        %get3A_1284 = arith.constant 1 : i32
        %get3A_1285 = arith.constant 8 : i32
        %get3A_1286 = arith.index_cast %get3A_1284 : i32 to index
        %get3A_1287 = arith.index_cast %get3A_1285 : i32 to index
        %get3A_1288 = arith.index_cast %mul3A_590 : i32 to index
        %get3A_1289 = tpu.vector_load %arg13[%get3A_1286, %get3A_1287, %get3A_1288] {strides = array<i32>} : memref<2x16x256xf32, #tpu.memory_space<vmem>>, vector<1x1x16xf32>,
        %get3A_1290 = vector.shape_cast %get3A_1289 : vector<1x1x16xf32> to vector<16xf32>
        %add3A_1291 = arith.addf %add3A_1283, %get3A_1290 : vector<16xf32>
        %swap3A_1292 = arith.constant 1 : i32
        %swap3A_1293 = arith.constant 8 : i32
        %swap3A_1294 = arith.index_cast %swap3A_1292 : i32 to index
        %swap3A_1295 = arith.index_cast %swap3A_1293 : i32 to index
        %swap3A_1296 = arith.index_cast %mul3A_590 : i32 to index
        %swap3A_1297 = tpu.vector_load %arg15[%swap3A_1294, %swap3A_1295, %swap3A_1296] {strides = array<i32>} : memref<2x16x256xf32, #tpu.memory_space<vmem>>, vector<1x1x16xf32>,
        %swap3A_1298 = vector.shape_cast %swap3A_1297 : vector<1x1x16xf32> to vector<16xf32>
        %swap3A_1299 = vector.shape_cast %add3A_1291 : vector<16xf32> to vector<1x1x16xf32>
        tpu.vector_store %arg15[%swap3A_1294, %swap3A_1295, %swap3A_1296], %swap3A_1299 {strides = array<i32>} : memref<2x16x256xf32, #tpu.memory_space<vmem>>, vector<1x1x16xf32>,
        %get3A_1300 = arith.constant 1 : i32
        %get3A_1301 = arith.constant 9 : i32
        %get3A_1302 = arith.index_cast %get3A_1300 : i32 to index
        %get3A_1303 = arith.index_cast %get3A_1301 : i32 to index
        %get3A_1304 = arith.index_cast %mul3A_590 : i32 to index
        %get3A_1305 = tpu.vector_load %arg5[%get3A_1302, %get3A_1303, %get3A_1304] {strides = array<i32>} : memref<2x16x256xf32, #tpu.memory_space<vmem>>, vector<1x1x16xf32>,
        %get3A_1306 = vector.shape_cast %get3A_1305 : vector<1x1x16xf32> to vector<16xf32>
        %get3A_1307 = arith.constant 1 : i32
        %get3A_1308 = arith.constant 9 : i32
        %get3A_1309 = arith.index_cast %get3A_1307 : i32 to index
        %get3A_1310 = arith.index_cast %get3A_1308 : i32 to index
        %get3A_1311 = arith.index_cast %mul3A_590 : i32 to index
        %get3A_1312 = tpu.vector_load %arg6[%get3A_1309, %get3A_1310, %get3A_1311] {strides = array<i32>} : memref<2x16x256xf32, #tpu.memory_space<vmem>>, vector<1x1x16xf32>,
        %get3A_1313 = vector.shape_cast %get3A_1312 : vector<1x1x16xf32> to vector<16xf32>
        %add3A_1314 = arith.addf %get3A_1306, %get3A_1313 : vector<16xf32>
        %get3A_1315 = arith.constant 1 : i32
        %get3A_1316 = arith.constant 9 : i32
        %get3A_1317 = arith.index_cast %get3A_1315 : i32 to index
        %get3A_1318 = arith.index_cast %get3A_1316 : i32 to index
        %get3A_1319 = arith.index_cast %mul3A_590 : i32 to index
        %get3A_1320 = tpu.vector_load %arg7[%get3A_1317, %get3A_1318, %get3A_1319] {strides = array<i32>} : memref<2x16x256xf32, #tpu.memory_space<vmem>>, vector<1x1x16xf32>,
        %get3A_1321 = vector.shape_cast %get3A_1320 : vector<1x1x16xf32> to vector<16xf32>
        %add3A_1322 = arith.addf %add3A_1314, %get3A_1321 : vector<16xf32>
        %get3A_1323 = arith.constant 1 : i32
        %get3A_1324 = arith.constant 9 : i32
        %get3A_1325 = arith.index_cast %get3A_1323 : i32 to index
        %get3A_1326 = arith.index_cast %get3A_1324 : i32 to index
        %get3A_1327 = arith.index_cast %mul3A_590 : i32 to index
        %get3A_1328 = tpu.vector_load %arg8[%get3A_1325, %get3A_1326, %get3A_1327] {strides = array<i32>} : memref<2x16x256xf32, #tpu.memory_space<vmem>>, vector<1x1x16xf32>,
        %get3A_1329 = vector.shape_cast %get3A_1328 : vector<1x1x16xf32> to vector<16xf32>
        %add3A_1330 = arith.addf %add3A_1322, %get3A_1329 : vector<16xf32>
        %get3A_1331 = arith.constant 1 : i32
        %get3A_1332 = arith.constant 9 : i32
        %get3A_1333 = arith.index_cast %get3A_1331 : i32 to index
        %get3A_1334 = arith.index_cast %get3A_1332 : i32 to index
        %get3A_1335 = arith.index_cast %mul3A_590 : i32 to index
        %get3A_1336 = tpu.vector_load %arg9[%get3A_1333, %get3A_1334, %get3A_1335] {strides = array<i32>} : memref<2x16x256xf32, #tpu.memory_space<vmem>>, vector<1x1x16xf32>,
        %get3A_1337 = vector.shape_cast %get3A_1336 : vector<1x1x16xf32> to vector<16xf32>
        %add3A_1338 = arith.addf %add3A_1330, %get3A_1337 : vector<16xf32>
        %get3A_1339 = arith.constant 1 : i32
        %get3A_1340 = arith.constant 9 : i32
        %get3A_1341 = arith.index_cast %get3A_1339 : i32 to index
        %get3A_1342 = arith.index_cast %get3A_1340 : i32 to index
        %get3A_1343 = arith.index_cast %mul3A_590 : i32 to index
        %get3A_1344 = tpu.vector_load %arg10[%get3A_1341, %get3A_1342, %get3A_1343] {strides = array<i32>} : memref<2x16x256xf32, #tpu.memory_space<vmem>>, vector<1x1x16xf32>,
        %get3A_1345 = vector.shape_cast %get3A_1344 : vector<1x1x16xf32> to vector<16xf32>
        %add3A_1346 = arith.addf %add3A_1338, %get3A_1345 : vector<16xf32>
        %get3A_1347 = arith.constant 1 : i32
        %get3A_1348 = arith.constant 9 : i32
        %get3A_1349 = arith.index_cast %get3A_1347 : i32 to index
        %get3A_1350 = arith.index_cast %get3A_1348 : i32 to index
        %get3A_1351 = arith.index_cast %mul3A_590 : i32 to index
        %get3A_1352 = tpu.vector_load %arg11[%get3A_1349, %get3A_1350, %get3A_1351] {strides = array<i32>} : memref<2x16x256xf32, #tpu.memory_space<vmem>>, vector<1x1x16xf32>,
        %get3A_1353 = vector.shape_cast %get3A_1352 : vector<1x1x16xf32> to vector<16xf32>
        %add3A_1354 = arith.addf %add3A_1346, %get3A_1353 : vector<16xf32>
        %get3A_1355 = arith.constant 1 : i32
        %get3A_1356 = arith.constant 9 : i32
        %get3A_1357 = arith.index_cast %get3A_1355 : i32 to index
        %get3A_1358 = arith.index_cast %get3A_1356 : i32 to index
        %get3A_1359 = arith.index_cast %mul3A_590 : i32 to index
        %get3A_1360 = tpu.vector_load %arg12[%get3A_1357, %get3A_1358, %get3A_1359] {strides = array<i32>} : memref<2x16x256xf32, #tpu.memory_space<vmem>>, vector<1x1x16xf32>,
        %get3A_1361 = vector.shape_cast %get3A_1360 : vector<1x1x16xf32> to vector<16xf32>
        %add3A_1362 = arith.addf %add3A_1354, %get3A_1361 : vector<16xf32>
        %get3A_1363 = arith.constant 1 : i32
        %get3A_1364 = arith.constant 9 : i32
        %get3A_1365 = arith.index_cast %get3A_1363 : i32 to index
        %get3A_1366 = arith.index_cast %get3A_1364 : i32 to index
        %get3A_1367 = arith.index_cast %mul3A_590 : i32 to index
        %get3A_1368 = tpu.vector_load %arg13[%get3A_1365, %get3A_1366, %get3A_1367] {strides = array<i32>} : memref<2x16x256xf32, #tpu.memory_space<vmem>>, vector<1x1x16xf32>,
        %get3A_1369 = vector.shape_cast %get3A_1368 : vector<1x1x16xf32> to vector<16xf32>
        %add3A_1370 = arith.addf %add3A_1362, %get3A_1369 : vector<16xf32>
        %swap3A_1371 = arith.constant 1 : i32
        %swap3A_1372 = arith.constant 9 : i32
        %swap3A_1373 = arith.index_cast %swap3A_1371 : i32 to index
        %swap3A_1374 = arith.index_cast %swap3A_1372 : i32 to index
        %swap3A_1375 = arith.index_cast %mul3A_590 : i32 to index
        %swap3A_1376 = tpu.vector_load %arg15[%swap3A_1373, %swap3A_1374, %swap3A_1375] {strides = array<i32>} : memref<2x16x256xf32, #tpu.memory_space<vmem>>, vector<1x1x16xf32>,
        %swap3A_1377 = vector.shape_cast %swap3A_1376 : vector<1x1x16xf32> to vector<16xf32>
        %swap3A_1378 = vector.shape_cast %add3A_1370 : vector<16xf32> to vector<1x1x16xf32>
        tpu.vector_store %arg15[%swap3A_1373, %swap3A_1374, %swap3A_1375], %swap3A_1378 {strides = array<i32>} : memref<2x16x256xf32, #tpu.memory_space<vmem>>, vector<1x1x16xf32>,
        %get3A_1379 = arith.constant 1 : i32
        %get3A_1380 = arith.constant 10 : i32
        %get3A_1381 = arith.index_cast %get3A_1379 : i32 to index
        %get3A_1382 = arith.index_cast %get3A_1380 : i32 to index
        %get3A_1383 = arith.index_cast %mul3A_590 : i32 to index
        %get3A_1384 = tpu.vector_load %arg5[%get3A_1381, %get3A_1382, %get3A_1383] {strides = array<i32>} : memref<2x16x256xf32, #tpu.memory_space<vmem>>, vector<1x1x16xf32>,
        %get3A_1385 = vector.shape_cast %get3A_1384 : vector<1x1x16xf32> to vector<16xf32>
        %get3A_1386 = arith.constant 1 : i32
        %get3A_1387 = arith.constant 10 : i32
        %get3A_1388 = arith.index_cast %get3A_1386 : i32 to index
        %get3A_1389 = arith.index_cast %get3A_1387 : i32 to index
        %get3A_1390 = arith.index_cast %mul3A_590 : i32 to index
        %get3A_1391 = tpu.vector_load %arg6[%get3A_1388, %get3A_1389, %get3A_1390] {strides = array<i32>} : memref<2x16x256xf32, #tpu.memory_space<vmem>>, vector<1x1x16xf32>,
        %get3A_1392 = vector.shape_cast %get3A_1391 : vector<1x1x16xf32> to vector<16xf32>
        %add3A_1393 = arith.addf %get3A_1385, %get3A_1392 : vector<16xf32>
        %get3A_1394 = arith.constant 1 : i32
        %get3A_1395 = arith.constant 10 : i32
        %get3A_1396 = arith.index_cast %get3A_1394 : i32 to index
        %get3A_1397 = arith.index_cast %get3A_1395 : i32 to index
        %get3A_1398 = arith.index_cast %mul3A_590 : i32 to index
        %get3A_1399 = tpu.vector_load %arg7[%get3A_1396, %get3A_1397, %get3A_1398] {strides = array<i32>} : memref<2x16x256xf32, #tpu.memory_space<vmem>>, vector<1x1x16xf32>,
        %get3A_1400 = vector.shape_cast %get3A_1399 : vector<1x1x16xf32> to vector<16xf32>
        %add3A_1401 = arith.addf %add3A_1393, %get3A_1400 : vector<16xf32>
        %get3A_1402 = arith.constant 1 : i32
        %get3A_1403 = arith.constant 10 : i32
        %get3A_1404 = arith.index_cast %get3A_1402 : i32 to index
        %get3A_1405 = arith.index_cast %get3A_1403 : i32 to index
        %get3A_1406 = arith.index_cast %mul3A_590 : i32 to index
        %get3A_1407 = tpu.vector_load %arg8[%get3A_1404, %get3A_1405, %get3A_1406] {strides = array<i32>} : memref<2x16x256xf32, #tpu.memory_space<vmem>>, vector<1x1x16xf32>,
        %get3A_1408 = vector.shape_cast %get3A_1407 : vector<1x1x16xf32> to vector<16xf32>
        %add3A_1409 = arith.addf %add3A_1401, %get3A_1408 : vector<16xf32>
        %get3A_1410 = arith.constant 1 : i32
        %get3A_1411 = arith.constant 10 : i32
        %get3A_1412 = arith.index_cast %get3A_1410 : i32 to index
        %get3A_1413 = arith.index_cast %get3A_1411 : i32 to index
        %get3A_1414 = arith.index_cast %mul3A_590 : i32 to index
        %get3A_1415 = tpu.vector_load %arg9[%get3A_1412, %get3A_1413, %get3A_1414] {strides = array<i32>} : memref<2x16x256xf32, #tpu.memory_space<vmem>>, vector<1x1x16xf32>,
        %get3A_1416 = vector.shape_cast %get3A_1415 : vector<1x1x16xf32> to vector<16xf32>
        %add3A_1417 = arith.addf %add3A_1409, %get3A_1416 : vector<16xf32>
        %get3A_1418 = arith.constant 1 : i32
        %get3A_1419 = arith.constant 10 : i32
        %get3A_1420 = arith.index_cast %get3A_1418 : i32 to index
        %get3A_1421 = arith.index_cast %get3A_1419 : i32 to index
        %get3A_1422 = arith.index_cast %mul3A_590 : i32 to index
        %get3A_1423 = tpu.vector_load %arg10[%get3A_1420, %get3A_1421, %get3A_1422] {strides = array<i32>} : memref<2x16x256xf32, #tpu.memory_space<vmem>>, vector<1x1x16xf32>,
        %get3A_1424 = vector.shape_cast %get3A_1423 : vector<1x1x16xf32> to vector<16xf32>
        %add3A_1425 = arith.addf %add3A_1417, %get3A_1424 : vector<16xf32>
        %get3A_1426 = arith.constant 1 : i32
        %get3A_1427 = arith.constant 10 : i32
        %get3A_1428 = arith.index_cast %get3A_1426 : i32 to index
        %get3A_1429 = arith.index_cast %get3A_1427 : i32 to index
        %get3A_1430 = arith.index_cast %mul3A_590 : i32 to index
        %get3A_1431 = tpu.vector_load %arg11[%get3A_1428, %get3A_1429, %get3A_1430] {strides = array<i32>} : memref<2x16x256xf32, #tpu.memory_space<vmem>>, vector<1x1x16xf32>,
        %get3A_1432 = vector.shape_cast %get3A_1431 : vector<1x1x16xf32> to vector<16xf32>
        %add3A_1433 = arith.addf %add3A_1425, %get3A_1432 : vector<16xf32>
        %get3A_1434 = arith.constant 1 : i32
        %get3A_1435 = arith.constant 10 : i32
        %get3A_1436 = arith.index_cast %get3A_1434 : i32 to index
        %get3A_1437 = arith.index_cast %get3A_1435 : i32 to index
        %get3A_1438 = arith.index_cast %mul3A_590 : i32 to index
        %get3A_1439 = tpu.vector_load %arg12[%get3A_1436, %get3A_1437, %get3A_1438] {strides = array<i32>} : memref<2x16x256xf32, #tpu.memory_space<vmem>>, vector<1x1x16xf32>,
        %get3A_1440 = vector.shape_cast %get3A_1439 : vector<1x1x16xf32> to vector<16xf32>
        %add3A_1441 = arith.addf %add3A_1433, %get3A_1440 : vector<16xf32>
        %get3A_1442 = arith.constant 1 : i32
        %get3A_1443 = arith.constant 10 : i32
        %get3A_1444 = arith.index_cast %get3A_1442 : i32 to index
        %get3A_1445 = arith.index_cast %get3A_1443 : i32 to index
        %get3A_1446 = arith.index_cast %mul3A_590 : i32 to index
        %get3A_1447 = tpu.vector_load %arg13[%get3A_1444, %get3A_1445, %get3A_1446] {strides = array<i32>} : memref<2x16x256xf32, #tpu.memory_space<vmem>>, vector<1x1x16xf32>,
        %get3A_1448 = vector.shape_cast %get3A_1447 : vector<1x1x16xf32> to vector<16xf32>
        %add3A_1449 = arith.addf %add3A_1441, %get3A_1448 : vector<16xf32>
        %swap3A_1450 = arith.constant 1 : i32
        %swap3A_1451 = arith.constant 10 : i32
        %swap3A_1452 = arith.index_cast %swap3A_1450 : i32 to index
        %swap3A_1453 = arith.index_cast %swap3A_1451 : i32 to index
        %swap3A_1454 = arith.index_cast %mul3A_590 : i32 to index
        %swap3A_1455 = tpu.vector_load %arg15[%swap3A_1452, %swap3A_1453, %swap3A_1454] {strides = array<i32>} : memref<2x16x256xf32, #tpu.memory_space<vmem>>, vector<1x1x16xf32>,
        %swap3A_1456 = vector.shape_cast %swap3A_1455 : vector<1x1x16xf32> to vector<16xf32>
        %swap3A_1457 = vector.shape_cast %add3A_1449 : vector<16xf32> to vector<1x1x16xf32>
        tpu.vector_store %arg15[%swap3A_1452, %swap3A_1453, %swap3A_1454], %swap3A_1457 {strides = array<i32>} : memref<2x16x256xf32, #tpu.memory_space<vmem>>, vector<1x1x16xf32>,
        %get3A_1458 = arith.constant 1 : i32
        %get3A_1459 = arith.constant 11 : i32
        %get3A_1460 = arith.index_cast %get3A_1458 : i32 to index
        %get3A_1461 = arith.index_cast %get3A_1459 : i32 to index
        %get3A_1462 = arith.index_cast %mul3A_590 : i32 to index
        %get3A_1463 = tpu.vector_load %arg5[%get3A_1460, %get3A_1461, %get3A_1462] {strides = array<i32>} : memref<2x16x256xf32, #tpu.memory_space<vmem>>, vector<1x1x16xf32>,
        %get3A_1464 = vector.shape_cast %get3A_1463 : vector<1x1x16xf32> to vector<16xf32>
        %get3A_1465 = arith.constant 1 : i32
        %get3A_1466 = arith.constant 11 : i32
        %get3A_1467 = arith.index_cast %get3A_1465 : i32 to index
        %get3A_1468 = arith.index_cast %get3A_1466 : i32 to index
        %get3A_1469 = arith.index_cast %mul3A_590 : i32 to index
        %get3A_1470 = tpu.vector_load %arg6[%get3A_1467, %get3A_1468, %get3A_1469] {strides = array<i32>} : memref<2x16x256xf32, #tpu.memory_space<vmem>>, vector<1x1x16xf32>,
        %get3A_1471 = vector.shape_cast %get3A_1470 : vector<1x1x16xf32> to vector<16xf32>
        %add3A_1472 = arith.addf %get3A_1464, %get3A_1471 : vector<16xf32>
        %get3A_1473 = arith.constant 1 : i32
        %get3A_1474 = arith.constant 11 : i32
        %get3A_1475 = arith.index_cast %get3A_1473 : i32 to index
        %get3A_1476 = arith.index_cast %get3A_1474 : i32 to index
        %get3A_1477 = arith.index_cast %mul3A_590 : i32 to index
        %get3A_1478 = tpu.vector_load %arg7[%get3A_1475, %get3A_1476, %get3A_1477] {strides = array<i32>} : memref<2x16x256xf32, #tpu.memory_space<vmem>>, vector<1x1x16xf32>,
        %get3A_1479 = vector.shape_cast %get3A_1478 : vector<1x1x16xf32> to vector<16xf32>
        %add3A_1480 = arith.addf %add3A_1472, %get3A_1479 : vector<16xf32>
        %get3A_1481 = arith.constant 1 : i32
        %get3A_1482 = arith.constant 11 : i32
        %get3A_1483 = arith.index_cast %get3A_1481 : i32 to index
        %get3A_1484 = arith.index_cast %get3A_1482 : i32 to index
        %get3A_1485 = arith.index_cast %mul3A_590 : i32 to index
        %get3A_1486 = tpu.vector_load %arg8[%get3A_1483, %get3A_1484, %get3A_1485] {strides = array<i32>} : memref<2x16x256xf32, #tpu.memory_space<vmem>>, vector<1x1x16xf32>,
        %get3A_1487 = vector.shape_cast %get3A_1486 : vector<1x1x16xf32> to vector<16xf32>
        %add3A_1488 = arith.addf %add3A_1480, %get3A_1487 : vector<16xf32>
        %get3A_1489 = arith.constant 1 : i32
        %get3A_1490 = arith.constant 11 : i32
        %get3A_1491 = arith.index_cast %get3A_1489 : i32 to index
        %get3A_1492 = arith.index_cast %get3A_1490 : i32 to index
        %get3A_1493 = arith.index_cast %mul3A_590 : i32 to index
        %get3A_1494 = tpu.vector_load %arg9[%get3A_1491, %get3A_1492, %get3A_1493] {strides = array<i32>} : memref<2x16x256xf32, #tpu.memory_space<vmem>>, vector<1x1x16xf32>,
        %get3A_1495 = vector.shape_cast %get3A_1494 : vector<1x1x16xf32> to vector<16xf32>
        %add3A_1496 = arith.addf %add3A_1488, %get3A_1495 : vector<16xf32>
        %get3A_1497 = arith.constant 1 : i32
        %get3A_1498 = arith.constant 11 : i32
        %get3A_1499 = arith.index_cast %get3A_1497 : i32 to index
        %get3A_1500 = arith.index_cast %get3A_1498 : i32 to index
        %get3A_1501 = arith.index_cast %mul3A_590 : i32 to index
        %get3A_1502 = tpu.vector_load %arg10[%get3A_1499, %get3A_1500, %get3A_1501] {strides = array<i32>} : memref<2x16x256xf32, #tpu.memory_space<vmem>>, vector<1x1x16xf32>,
        %get3A_1503 = vector.shape_cast %get3A_1502 : vector<1x1x16xf32> to vector<16xf32>
        %add3A_1504 = arith.addf %add3A_1496, %get3A_1503 : vector<16xf32>
        %get3A_1505 = arith.constant 1 : i32
        %get3A_1506 = arith.constant 11 : i32
        %get3A_1507 = arith.index_cast %get3A_1505 : i32 to index
        %get3A_1508 = arith.index_cast %get3A_1506 : i32 to index
        %get3A_1509 = arith.index_cast %mul3A_590 : i32 to index
        %get3A_1510 = tpu.vector_load %arg11[%get3A_1507, %get3A_1508, %get3A_1509] {strides = array<i32>} : memref<2x16x256xf32, #tpu.memory_space<vmem>>, vector<1x1x16xf32>,
        %get3A_1511 = vector.shape_cast %get3A_1510 : vector<1x1x16xf32> to vector<16xf32>
        %add3A_1512 = arith.addf %add3A_1504, %get3A_1511 : vector<16xf32>
        %get3A_1513 = arith.constant 1 : i32
        %get3A_1514 = arith.constant 11 : i32
        %get3A_1515 = arith.index_cast %get3A_1513 : i32 to index
        %get3A_1516 = arith.index_cast %get3A_1514 : i32 to index
        %get3A_1517 = arith.index_cast %mul3A_590 : i32 to index
        %get3A_1518 = tpu.vector_load %arg12[%get3A_1515, %get3A_1516, %get3A_1517] {strides = array<i32>} : memref<2x16x256xf32, #tpu.memory_space<vmem>>, vector<1x1x16xf32>,
        %get3A_1519 = vector.shape_cast %get3A_1518 : vector<1x1x16xf32> to vector<16xf32>
        %add3A_1520 = arith.addf %add3A_1512, %get3A_1519 : vector<16xf32>
        %get3A_1521 = arith.constant 1 : i32
        %get3A_1522 = arith.constant 11 : i32
        %get3A_1523 = arith.index_cast %get3A_1521 : i32 to index
        %get3A_1524 = arith.index_cast %get3A_1522 : i32 to index
        %get3A_1525 = arith.index_cast %mul3A_590 : i32 to index
        %get3A_1526 = tpu.vector_load %arg13[%get3A_1523, %get3A_1524, %get3A_1525] {strides = array<i32>} : memref<2x16x256xf32, #tpu.memory_space<vmem>>, vector<1x1x16xf32>,
        %get3A_1527 = vector.shape_cast %get3A_1526 : vector<1x1x16xf32> to vector<16xf32>
        %add3A_1528 = arith.addf %add3A_1520, %get3A_1527 : vector<16xf32>
        %swap3A_1529 = arith.constant 1 : i32
        %swap3A_1530 = arith.constant 11 : i32
        %swap3A_1531 = arith.index_cast %swap3A_1529 : i32 to index
        %swap3A_1532 = arith.index_cast %swap3A_1530 : i32 to index
        %swap3A_1533 = arith.index_cast %mul3A_590 : i32 to index
        %swap3A_1534 = tpu.vector_load %arg15[%swap3A_1531, %swap3A_1532, %swap3A_1533] {strides = array<i32>} : memref<2x16x256xf32, #tpu.memory_space<vmem>>, vector<1x1x16xf32>,
        %swap3A_1535 = vector.shape_cast %swap3A_1534 : vector<1x1x16xf32> to vector<16xf32>
        %swap3A_1536 = vector.shape_cast %add3A_1528 : vector<16xf32> to vector<1x1x16xf32>
        tpu.vector_store %arg15[%swap3A_1531, %swap3A_1532, %swap3A_1533], %swap3A_1536 {strides = array<i32>} : memref<2x16x256xf32, #tpu.memory_space<vmem>>, vector<1x1x16xf32>,
        %get3A_1537 = arith.constant 1 : i32
        %get3A_1538 = arith.constant 12 : i32
        %get3A_1539 = arith.index_cast %get3A_1537 : i32 to index
        %get3A_1540 = arith.index_cast %get3A_1538 : i32 to index
        %get3A_1541 = arith.index_cast %mul3A_590 : i32 to index
        %get3A_1542 = tpu.vector_load %arg5[%get3A_1539, %get3A_1540, %get3A_1541] {strides = array<i32>} : memref<2x16x256xf32, #tpu.memory_space<vmem>>, vector<1x1x16xf32>,
        %get3A_1543 = vector.shape_cast %get3A_1542 : vector<1x1x16xf32> to vector<16xf32>
        %get3A_1544 = arith.constant 1 : i32
        %get3A_1545 = arith.constant 12 : i32
        %get3A_1546 = arith.index_cast %get3A_1544 : i32 to index
        %get3A_1547 = arith.index_cast %get3A_1545 : i32 to index
        %get3A_1548 = arith.index_cast %mul3A_590 : i32 to index
        %get3A_1549 = tpu.vector_load %arg6[%get3A_1546, %get3A_1547, %get3A_1548] {strides = array<i32>} : memref<2x16x256xf32, #tpu.memory_space<vmem>>, vector<1x1x16xf32>,
        %get3A_1550 = vector.shape_cast %get3A_1549 : vector<1x1x16xf32> to vector<16xf32>
        %add3A_1551 = arith.addf %get3A_1543, %get3A_1550 : vector<16xf32>
        %get3A_1552 = arith.constant 1 : i32
        %get3A_1553 = arith.constant 12 : i32
        %get3A_1554 = arith.index_cast %get3A_1552 : i32 to index
        %get3A_1555 = arith.index_cast %get3A_1553 : i32 to index
        %get3A_1556 = arith.index_cast %mul3A_590 : i32 to index
        %get3A_1557 = tpu.vector_load %arg7[%get3A_1554, %get3A_1555, %get3A_1556] {strides = array<i32>} : memref<2x16x256xf32, #tpu.memory_space<vmem>>, vector<1x1x16xf32>,
        %get3A_1558 = vector.shape_cast %get3A_1557 : vector<1x1x16xf32> to vector<16xf32>
        %add3A_1559 = arith.addf %add3A_1551, %get3A_1558 : vector<16xf32>
        %get3A_1560 = arith.constant 1 : i32
        %get3A_1561 = arith.constant 12 : i32
        %get3A_1562 = arith.index_cast %get3A_1560 : i32 to index
        %get3A_1563 = arith.index_cast %get3A_1561 : i32 to index
        %get3A_1564 = arith.index_cast %mul3A_590 : i32 to index
        %get3A_1565 = tpu.vector_load %arg8[%get3A_1562, %get3A_1563, %get3A_1564] {strides = array<i32>} : memref<2x16x256xf32, #tpu.memory_space<vmem>>, vector<1x1x16xf32>,
        %get3A_1566 = vector.shape_cast %get3A_1565 : vector<1x1x16xf32> to vector<16xf32>
        %add3A_1567 = arith.addf %add3A_1559, %get3A_1566 : vector<16xf32>
        %get3A_1568 = arith.constant 1 : i32
        %get3A_1569 = arith.constant 12 : i32
        %get3A_1570 = arith.index_cast %get3A_1568 : i32 to index
        %get3A_1571 = arith.index_cast %get3A_1569 : i32 to index
        %get3A_1572 = arith.index_cast %mul3A_590 : i32 to index
        %get3A_1573 = tpu.vector_load %arg9[%get3A_1570, %get3A_1571, %get3A_1572] {strides = array<i32>} : memref<2x16x256xf32, #tpu.memory_space<vmem>>, vector<1x1x16xf32>,
        %get3A_1574 = vector.shape_cast %get3A_1573 : vector<1x1x16xf32> to vector<16xf32>
        %add3A_1575 = arith.addf %add3A_1567, %get3A_1574 : vector<16xf32>
        %get3A_1576 = arith.constant 1 : i32
        %get3A_1577 = arith.constant 12 : i32
        %get3A_1578 = arith.index_cast %get3A_1576 : i32 to index
        %get3A_1579 = arith.index_cast %get3A_1577 : i32 to index
        %get3A_1580 = arith.index_cast %mul3A_590 : i32 to index
        %get3A_1581 = tpu.vector_load %arg10[%get3A_1578, %get3A_1579, %get3A_1580] {strides = array<i32>} : memref<2x16x256xf32, #tpu.memory_space<vmem>>, vector<1x1x16xf32>,
        %get3A_1582 = vector.shape_cast %get3A_1581 : vector<1x1x16xf32> to vector<16xf32>
        %add3A_1583 = arith.addf %add3A_1575, %get3A_1582 : vector<16xf32>
        %get3A_1584 = arith.constant 1 : i32
        %get3A_1585 = arith.constant 12 : i32
        %get3A_1586 = arith.index_cast %get3A_1584 : i32 to index
        %get3A_1587 = arith.index_cast %get3A_1585 : i32 to index
        %get3A_1588 = arith.index_cast %mul3A_590 : i32 to index
        %get3A_1589 = tpu.vector_load %arg11[%get3A_1586, %get3A_1587, %get3A_1588] {strides = array<i32>} : memref<2x16x256xf32, #tpu.memory_space<vmem>>, vector<1x1x16xf32>,
        %get3A_1590 = vector.shape_cast %get3A_1589 : vector<1x1x16xf32> to vector<16xf32>
        %add3A_1591 = arith.addf %add3A_1583, %get3A_1590 : vector<16xf32>
        %get3A_1592 = arith.constant 1 : i32
        %get3A_1593 = arith.constant 12 : i32
        %get3A_1594 = arith.index_cast %get3A_1592 : i32 to index
        %get3A_1595 = arith.index_cast %get3A_1593 : i32 to index
        %get3A_1596 = arith.index_cast %mul3A_590 : i32 to index
        %get3A_1597 = tpu.vector_load %arg12[%get3A_1594, %get3A_1595, %get3A_1596] {strides = array<i32>} : memref<2x16x256xf32, #tpu.memory_space<vmem>>, vector<1x1x16xf32>,
        %get3A_1598 = vector.shape_cast %get3A_1597 : vector<1x1x16xf32> to vector<16xf32>
        %add3A_1599 = arith.addf %add3A_1591, %get3A_1598 : vector<16xf32>
        %get3A_1600 = arith.constant 1 : i32
        %get3A_1601 = arith.constant 12 : i32
        %get3A_1602 = arith.index_cast %get3A_1600 : i32 to index
        %get3A_1603 = arith.index_cast %get3A_1601 : i32 to index
        %get3A_1604 = arith.index_cast %mul3A_590 : i32 to index
        %get3A_1605 = tpu.vector_load %arg13[%get3A_1602, %get3A_1603, %get3A_1604] {strides = array<i32>} : memref<2x16x256xf32, #tpu.memory_space<vmem>>, vector<1x1x16xf32>,
        %get3A_1606 = vector.shape_cast %get3A_1605 : vector<1x1x16xf32> to vector<16xf32>
        %add3A_1607 = arith.addf %add3A_1599, %get3A_1606 : vector<16xf32>
        %swap3A_1608 = arith.constant 1 : i32
        %swap3A_1609 = arith.constant 12 : i32
        %swap3A_1610 = arith.index_cast %swap3A_1608 : i32 to index
        %swap3A_1611 = arith.index_cast %swap3A_1609 : i32 to index
        %swap3A_1612 = arith.index_cast %mul3A_590 : i32 to index
        %swap3A_1613 = tpu.vector_load %arg15[%swap3A_1610, %swap3A_1611, %swap3A_1612] {strides = array<i32>} : memref<2x16x256xf32, #tpu.memory_space<vmem>>, vector<1x1x16xf32>,
        %swap3A_1614 = vector.shape_cast %swap3A_1613 : vector<1x1x16xf32> to vector<16xf32>
        %swap3A_1615 = vector.shape_cast %add3A_1607 : vector<16xf32> to vector<1x1x16xf32>
        tpu.vector_store %arg15[%swap3A_1610, %swap3A_1611, %swap3A_1612], %swap3A_1615 {strides = array<i32>} : memref<2x16x256xf32, #tpu.memory_space<vmem>>, vector<1x1x16xf32>,
        %get3A_1616 = arith.constant 1 : i32
        %get3A_1617 = arith.constant 13 : i32
        %get3A_1618 = arith.index_cast %get3A_1616 : i32 to index
        %get3A_1619 = arith.index_cast %get3A_1617 : i32 to index
        %get3A_1620 = arith.index_cast %mul3A_590 : i32 to index
        %get3A_1621 = tpu.vector_load %arg5[%get3A_1618, %get3A_1619, %get3A_1620] {strides = array<i32>} : memref<2x16x256xf32, #tpu.memory_space<vmem>>, vector<1x1x16xf32>,
        %get3A_1622 = vector.shape_cast %get3A_1621 : vector<1x1x16xf32> to vector<16xf32>
        %get3A_1623 = arith.constant 1 : i32
        %get3A_1624 = arith.constant 13 : i32
        %get3A_1625 = arith.index_cast %get3A_1623 : i32 to index
        %get3A_1626 = arith.index_cast %get3A_1624 : i32 to index
        %get3A_1627 = arith.index_cast %mul3A_590 : i32 to index
        %get3A_1628 = tpu.vector_load %arg6[%get3A_1625, %get3A_1626, %get3A_1627] {strides = array<i32>} : memref<2x16x256xf32, #tpu.memory_space<vmem>>, vector<1x1x16xf32>,
        %get3A_1629 = vector.shape_cast %get3A_1628 : vector<1x1x16xf32> to vector<16xf32>
        %add3A_1630 = arith.addf %get3A_1622, %get3A_1629 : vector<16xf32>
        %get3A_1631 = arith.constant 1 : i32
        %get3A_1632 = arith.constant 13 : i32
        %get3A_1633 = arith.index_cast %get3A_1631 : i32 to index
        %get3A_1634 = arith.index_cast %get3A_1632 : i32 to index
        %get3A_1635 = arith.index_cast %mul3A_590 : i32 to index
        %get3A_1636 = tpu.vector_load %arg7[%get3A_1633, %get3A_1634, %get3A_1635] {strides = array<i32>} : memref<2x16x256xf32, #tpu.memory_space<vmem>>, vector<1x1x16xf32>,
        %get3A_1637 = vector.shape_cast %get3A_1636 : vector<1x1x16xf32> to vector<16xf32>
        %add3A_1638 = arith.addf %add3A_1630, %get3A_1637 : vector<16xf32>
        %get3A_1639 = arith.constant 1 : i32
        %get3A_1640 = arith.constant 13 : i32
        %get3A_1641 = arith.index_cast %get3A_1639 : i32 to index
        %get3A_1642 = arith.index_cast %get3A_1640 : i32 to index
        %get3A_1643 = arith.index_cast %mul3A_590 : i32 to index
        %get3A_1644 = tpu.vector_load %arg8[%get3A_1641, %get3A_1642, %get3A_1643] {strides = array<i32>} : memref<2x16x256xf32, #tpu.memory_space<vmem>>, vector<1x1x16xf32>,
        %get3A_1645 = vector.shape_cast %get3A_1644 : vector<1x1x16xf32> to vector<16xf32>
        %add3A_1646 = arith.addf %add3A_1638, %get3A_1645 : vector<16xf32>
        %get3A_1647 = arith.constant 1 : i32
        %get3A_1648 = arith.constant 13 : i32
        %get3A_1649 = arith.index_cast %get3A_1647 : i32 to index
        %get3A_1650 = arith.index_cast %get3A_1648 : i32 to index
        %get3A_1651 = arith.index_cast %mul3A_590 : i32 to index
        %get3A_1652 = tpu.vector_load %arg9[%get3A_1649, %get3A_1650, %get3A_1651] {strides = array<i32>} : memref<2x16x256xf32, #tpu.memory_space<vmem>>, vector<1x1x16xf32>,
        %get3A_1653 = vector.shape_cast %get3A_1652 : vector<1x1x16xf32> to vector<16xf32>
        %add3A_1654 = arith.addf %add3A_1646, %get3A_1653 : vector<16xf32>
        %get3A_1655 = arith.constant 1 : i32
        %get3A_1656 = arith.constant 13 : i32
        %get3A_1657 = arith.index_cast %get3A_1655 : i32 to index
        %get3A_1658 = arith.index_cast %get3A_1656 : i32 to index
        %get3A_1659 = arith.index_cast %mul3A_590 : i32 to index
        %get3A_1660 = tpu.vector_load %arg10[%get3A_1657, %get3A_1658, %get3A_1659] {strides = array<i32>} : memref<2x16x256xf32, #tpu.memory_space<vmem>>, vector<1x1x16xf32>,
        %get3A_1661 = vector.shape_cast %get3A_1660 : vector<1x1x16xf32> to vector<16xf32>
        %add3A_1662 = arith.addf %add3A_1654, %get3A_1661 : vector<16xf32>
        %get3A_1663 = arith.constant 1 : i32
        %get3A_1664 = arith.constant 13 : i32
        %get3A_1665 = arith.index_cast %get3A_1663 : i32 to index
        %get3A_1666 = arith.index_cast %get3A_1664 : i32 to index
        %get3A_1667 = arith.index_cast %mul3A_590 : i32 to index
        %get3A_1668 = tpu.vector_load %arg11[%get3A_1665, %get3A_1666, %get3A_1667] {strides = array<i32>} : memref<2x16x256xf32, #tpu.memory_space<vmem>>, vector<1x1x16xf32>,
        %get3A_1669 = vector.shape_cast %get3A_1668 : vector<1x1x16xf32> to vector<16xf32>
        %add3A_1670 = arith.addf %add3A_1662, %get3A_1669 : vector<16xf32>
        %get3A_1671 = arith.constant 1 : i32
        %get3A_1672 = arith.constant 13 : i32
        %get3A_1673 = arith.index_cast %get3A_1671 : i32 to index
        %get3A_1674 = arith.index_cast %get3A_1672 : i32 to index
        %get3A_1675 = arith.index_cast %mul3A_590 : i32 to index
        %get3A_1676 = tpu.vector_load %arg12[%get3A_1673, %get3A_1674, %get3A_1675] {strides = array<i32>} : memref<2x16x256xf32, #tpu.memory_space<vmem>>, vector<1x1x16xf32>,
        %get3A_1677 = vector.shape_cast %get3A_1676 : vector<1x1x16xf32> to vector<16xf32>
        %add3A_1678 = arith.addf %add3A_1670, %get3A_1677 : vector<16xf32>
        %get3A_1679 = arith.constant 1 : i32
        %get3A_1680 = arith.constant 13 : i32
        %get3A_1681 = arith.index_cast %get3A_1679 : i32 to index
        %get3A_1682 = arith.index_cast %get3A_1680 : i32 to index
        %get3A_1683 = arith.index_cast %mul3A_590 : i32 to index
        %get3A_1684 = tpu.vector_load %arg13[%get3A_1681, %get3A_1682, %get3A_1683] {strides = array<i32>} : memref<2x16x256xf32, #tpu.memory_space<vmem>>, vector<1x1x16xf32>,
        %get3A_1685 = vector.shape_cast %get3A_1684 : vector<1x1x16xf32> to vector<16xf32>
        %add3A_1686 = arith.addf %add3A_1678, %get3A_1685 : vector<16xf32>
        %swap3A_1687 = arith.constant 1 : i32
        %swap3A_1688 = arith.constant 13 : i32
        %swap3A_1689 = arith.index_cast %swap3A_1687 : i32 to index
        %swap3A_1690 = arith.index_cast %swap3A_1688 : i32 to index
        %swap3A_1691 = arith.index_cast %mul3A_590 : i32 to index
        %swap3A_1692 = tpu.vector_load %arg15[%swap3A_1689, %swap3A_1690, %swap3A_1691] {strides = array<i32>} : memref<2x16x256xf32, #tpu.memory_space<vmem>>, vector<1x1x16xf32>,
        %swap3A_1693 = vector.shape_cast %swap3A_1692 : vector<1x1x16xf32> to vector<16xf32>
        %swap3A_1694 = vector.shape_cast %add3A_1686 : vector<16xf32> to vector<1x1x16xf32>
        tpu.vector_store %arg15[%swap3A_1689, %swap3A_1690, %swap3A_1691], %swap3A_1694 {strides = array<i32>} : memref<2x16x256xf32, #tpu.memory_space<vmem>>, vector<1x1x16xf32>,
        %get3A_1695 = arith.constant 1 : i32
        %get3A_1696 = arith.constant 14 : i32
        %get3A_1697 = arith.index_cast %get3A_1695 : i32 to index
        %get3A_1698 = arith.index_cast %get3A_1696 : i32 to index
        %get3A_1699 = arith.index_cast %mul3A_590 : i32 to index
        %get3A_1700 = tpu.vector_load %arg5[%get3A_1697, %get3A_1698, %get3A_1699] {strides = array<i32>} : memref<2x16x256xf32, #tpu.memory_space<vmem>>, vector<1x1x16xf32>,
        %get3A_1701 = vector.shape_cast %get3A_1700 : vector<1x1x16xf32> to vector<16xf32>
        %get3A_1702 = arith.constant 1 : i32
        %get3A_1703 = arith.constant 14 : i32
        %get3A_1704 = arith.index_cast %get3A_1702 : i32 to index
        %get3A_1705 = arith.index_cast %get3A_1703 : i32 to index
        %get3A_1706 = arith.index_cast %mul3A_590 : i32 to index
        %get3A_1707 = tpu.vector_load %arg6[%get3A_1704, %get3A_1705, %get3A_1706] {strides = array<i32>} : memref<2x16x256xf32, #tpu.memory_space<vmem>>, vector<1x1x16xf32>,
        %get3A_1708 = vector.shape_cast %get3A_1707 : vector<1x1x16xf32> to vector<16xf32>
        %add3A_1709 = arith.addf %get3A_1701, %get3A_1708 : vector<16xf32>
        %get3A_1710 = arith.constant 1 : i32
        %get3A_1711 = arith.constant 14 : i32
        %get3A_1712 = arith.index_cast %get3A_1710 : i32 to index
        %get3A_1713 = arith.index_cast %get3A_1711 : i32 to index
        %get3A_1714 = arith.index_cast %mul3A_590 : i32 to index
        %get3A_1715 = tpu.vector_load %arg7[%get3A_1712, %get3A_1713, %get3A_1714] {strides = array<i32>} : memref<2x16x256xf32, #tpu.memory_space<vmem>>, vector<1x1x16xf32>,
        %get3A_1716 = vector.shape_cast %get3A_1715 : vector<1x1x16xf32> to vector<16xf32>
        %add3A_1717 = arith.addf %add3A_1709, %get3A_1716 : vector<16xf32>
        %get3A_1718 = arith.constant 1 : i32
        %get3A_1719 = arith.constant 14 : i32
        %get3A_1720 = arith.index_cast %get3A_1718 : i32 to index
        %get3A_1721 = arith.index_cast %get3A_1719 : i32 to index
        %get3A_1722 = arith.index_cast %mul3A_590 : i32 to index
        %get3A_1723 = tpu.vector_load %arg8[%get3A_1720, %get3A_1721, %get3A_1722] {strides = array<i32>} : memref<2x16x256xf32, #tpu.memory_space<vmem>>, vector<1x1x16xf32>,
        %get3A_1724 = vector.shape_cast %get3A_1723 : vector<1x1x16xf32> to vector<16xf32>
        %add3A_1725 = arith.addf %add3A_1717, %get3A_1724 : vector<16xf32>
        %get3A_1726 = arith.constant 1 : i32
        %get3A_1727 = arith.constant 14 : i32
        %get3A_1728 = arith.index_cast %get3A_1726 : i32 to index
        %get3A_1729 = arith.index_cast %get3A_1727 : i32 to index
        %get3A_1730 = arith.index_cast %mul3A_590 : i32 to index
        %get3A_1731 = tpu.vector_load %arg9[%get3A_1728, %get3A_1729, %get3A_1730] {strides = array<i32>} : memref<2x16x256xf32, #tpu.memory_space<vmem>>, vector<1x1x16xf32>,
        %get3A_1732 = vector.shape_cast %get3A_1731 : vector<1x1x16xf32> to vector<16xf32>
        %add3A_1733 = arith.addf %add3A_1725, %get3A_1732 : vector<16xf32>
        %get3A_1734 = arith.constant 1 : i32
        %get3A_1735 = arith.constant 14 : i32
        %get3A_1736 = arith.index_cast %get3A_1734 : i32 to index
        %get3A_1737 = arith.index_cast %get3A_1735 : i32 to index
        %get3A_1738 = arith.index_cast %mul3A_590 : i32 to index
        %get3A_1739 = tpu.vector_load %arg10[%get3A_1736, %get3A_1737, %get3A_1738] {strides = array<i32>} : memref<2x16x256xf32, #tpu.memory_space<vmem>>, vector<1x1x16xf32>,
        %get3A_1740 = vector.shape_cast %get3A_1739 : vector<1x1x16xf32> to vector<16xf32>
        %add3A_1741 = arith.addf %add3A_1733, %get3A_1740 : vector<16xf32>
        %get3A_1742 = arith.constant 1 : i32
        %get3A_1743 = arith.constant 14 : i32
        %get3A_1744 = arith.index_cast %get3A_1742 : i32 to index
        %get3A_1745 = arith.index_cast %get3A_1743 : i32 to index
        %get3A_1746 = arith.index_cast %mul3A_590 : i32 to index
        %get3A_1747 = tpu.vector_load %arg11[%get3A_1744, %get3A_1745, %get3A_1746] {strides = array<i32>} : memref<2x16x256xf32, #tpu.memory_space<vmem>>, vector<1x1x16xf32>,
        %get3A_1748 = vector.shape_cast %get3A_1747 : vector<1x1x16xf32> to vector<16xf32>
        %add3A_1749 = arith.addf %add3A_1741, %get3A_1748 : vector<16xf32>
        %get3A_1750 = arith.constant 1 : i32
        %get3A_1751 = arith.constant 14 : i32
        %get3A_1752 = arith.index_cast %get3A_1750 : i32 to index
        %get3A_1753 = arith.index_cast %get3A_1751 : i32 to index
        %get3A_1754 = arith.index_cast %mul3A_590 : i32 to index
        %get3A_1755 = tpu.vector_load %arg12[%get3A_1752, %get3A_1753, %get3A_1754] {strides = array<i32>} : memref<2x16x256xf32, #tpu.memory_space<vmem>>, vector<1x1x16xf32>,
        %get3A_1756 = vector.shape_cast %get3A_1755 : vector<1x1x16xf32> to vector<16xf32>
        %add3A_1757 = arith.addf %add3A_1749, %get3A_1756 : vector<16xf32>
        %get3A_1758 = arith.constant 1 : i32
        %get3A_1759 = arith.constant 14 : i32
        %get3A_1760 = arith.index_cast %get3A_1758 : i32 to index
        %get3A_1761 = arith.index_cast %get3A_1759 : i32 to index
        %get3A_1762 = arith.index_cast %mul3A_590 : i32 to index
        %get3A_1763 = tpu.vector_load %arg13[%get3A_1760, %get3A_1761, %get3A_1762] {strides = array<i32>} : memref<2x16x256xf32, #tpu.memory_space<vmem>>, vector<1x1x16xf32>,
        %get3A_1764 = vector.shape_cast %get3A_1763 : vector<1x1x16xf32> to vector<16xf32>
        %add3A_1765 = arith.addf %add3A_1757, %get3A_1764 : vector<16xf32>
        %swap3A_1766 = arith.constant 1 : i32
        %swap3A_1767 = arith.constant 14 : i32
        %swap3A_1768 = arith.index_cast %swap3A_1766 : i32 to index
        %swap3A_1769 = arith.index_cast %swap3A_1767 : i32 to index
        %swap3A_1770 = arith.index_cast %mul3A_590 : i32 to index
        %swap3A_1771 = tpu.vector_load %arg15[%swap3A_1768, %swap3A_1769, %swap3A_1770] {strides = array<i32>} : memref<2x16x256xf32, #tpu.memory_space<vmem>>, vector<1x1x16xf32>,
        %swap3A_1772 = vector.shape_cast %swap3A_1771 : vector<1x1x16xf32> to vector<16xf32>
        %swap3A_1773 = vector.shape_cast %add3A_1765 : vector<16xf32> to vector<1x1x16xf32>
        tpu.vector_store %arg15[%swap3A_1768, %swap3A_1769, %swap3A_1770], %swap3A_1773 {strides = array<i32>} : memref<2x16x256xf32, #tpu.memory_space<vmem>>, vector<1x1x16xf32>,
        %get3A_1774 = arith.constant 1 : i32
        %get3A_1775 = arith.constant 15 : i32
        %get3A_1776 = arith.index_cast %get3A_1774 : i32 to index
        %get3A_1777 = arith.index_cast %get3A_1775 : i32 to index
        %get3A_1778 = arith.index_cast %mul3A_590 : i32 to index
        %get3A_1779 = tpu.vector_load %arg5[%get3A_1776, %get3A_1777, %get3A_1778] {strides = array<i32>} : memref<2x16x256xf32, #tpu.memory_space<vmem>>, vector<1x1x16xf32>,
        %get3A_1780 = vector.shape_cast %get3A_1779 : vector<1x1x16xf32> to vector<16xf32>
        %get3A_1781 = arith.constant 1 : i32
        %get3A_1782 = arith.constant 15 : i32
        %get3A_1783 = arith.index_cast %get3A_1781 : i32 to index
        %get3A_1784 = arith.index_cast %get3A_1782 : i32 to index
        %get3A_1785 = arith.index_cast %mul3A_590 : i32 to index
        %get3A_1786 = tpu.vector_load %arg6[%get3A_1783, %get3A_1784, %get3A_1785] {strides = array<i32>} : memref<2x16x256xf32, #tpu.memory_space<vmem>>, vector<1x1x16xf32>,
        %get3A_1787 = vector.shape_cast %get3A_1786 : vector<1x1x16xf32> to vector<16xf32>
        %add3A_1788 = arith.addf %get3A_1780, %get3A_1787 : vector<16xf32>
        %get3A_1789 = arith.constant 1 : i32
        %get3A_1790 = arith.constant 15 : i32
        %get3A_1791 = arith.index_cast %get3A_1789 : i32 to index
        %get3A_1792 = arith.index_cast %get3A_1790 : i32 to index
        %get3A_1793 = arith.index_cast %mul3A_590 : i32 to index
        %get3A_1794 = tpu.vector_load %arg7[%get3A_1791, %get3A_1792, %get3A_1793] {strides = array<i32>} : memref<2x16x256xf32, #tpu.memory_space<vmem>>, vector<1x1x16xf32>,
        %get3A_1795 = vector.shape_cast %get3A_1794 : vector<1x1x16xf32> to vector<16xf32>
        %add3A_1796 = arith.addf %add3A_1788, %get3A_1795 : vector<16xf32>
        %get3A_1797 = arith.constant 1 : i32
        %get3A_1798 = arith.constant 15 : i32
        %get3A_1799 = arith.index_cast %get3A_1797 : i32 to index
        %get3A_1800 = arith.index_cast %get3A_1798 : i32 to index
        %get3A_1801 = arith.index_cast %mul3A_590 : i32 to index
        %get3A_1802 = tpu.vector_load %arg8[%get3A_1799, %get3A_1800, %get3A_1801] {strides = array<i32>} : memref<2x16x256xf32, #tpu.memory_space<vmem>>, vector<1x1x16xf32>,
        %get3A_1803 = vector.shape_cast %get3A_1802 : vector<1x1x16xf32> to vector<16xf32>
        %add3A_1804 = arith.addf %add3A_1796, %get3A_1803 : vector<16xf32>
        %get3A_1805 = arith.constant 1 : i32
        %get3A_1806 = arith.constant 15 : i32
        %get3A_1807 = arith.index_cast %get3A_1805 : i32 to index
        %get3A_1808 = arith.index_cast %get3A_1806 : i32 to index
        %get3A_1809 = arith.index_cast %mul3A_590 : i32 to index
        %get3A_1810 = tpu.vector_load %arg9[%get3A_1807, %get3A_1808, %get3A_1809] {strides = array<i32>} : memref<2x16x256xf32, #tpu.memory_space<vmem>>, vector<1x1x16xf32>,
        %get3A_1811 = vector.shape_cast %get3A_1810 : vector<1x1x16xf32> to vector<16xf32>
        %add3A_1812 = arith.addf %add3A_1804, %get3A_1811 : vector<16xf32>
        %get3A_1813 = arith.constant 1 : i32
        %get3A_1814 = arith.constant 15 : i32
        %get3A_1815 = arith.index_cast %get3A_1813 : i32 to index
        %get3A_1816 = arith.index_cast %get3A_1814 : i32 to index
        %get3A_1817 = arith.index_cast %mul3A_590 : i32 to index
        %get3A_1818 = tpu.vector_load %arg10[%get3A_1815, %get3A_1816, %get3A_1817] {strides = array<i32>} : memref<2x16x256xf32, #tpu.memory_space<vmem>>, vector<1x1x16xf32>,
        %get3A_1819 = vector.shape_cast %get3A_1818 : vector<1x1x16xf32> to vector<16xf32>
        %add3A_1820 = arith.addf %add3A_1812, %get3A_1819 : vector<16xf32>
        %get3A_1821 = arith.constant 1 : i32
        %get3A_1822 = arith.constant 15 : i32
        %get3A_1823 = arith.index_cast %get3A_1821 : i32 to index
        %get3A_1824 = arith.index_cast %get3A_1822 : i32 to index
        %get3A_1825 = arith.index_cast %mul3A_590 : i32 to index
        %get3A_1826 = tpu.vector_load %arg11[%get3A_1823, %get3A_1824, %get3A_1825] {strides = array<i32>} : memref<2x16x256xf32, #tpu.memory_space<vmem>>, vector<1x1x16xf32>,
        %get3A_1827 = vector.shape_cast %get3A_1826 : vector<1x1x16xf32> to vector<16xf32>
        %add3A_1828 = arith.addf %add3A_1820, %get3A_1827 : vector<16xf32>
        %get3A_1829 = arith.constant 1 : i32
        %get3A_1830 = arith.constant 15 : i32
        %get3A_1831 = arith.index_cast %get3A_1829 : i32 to index
        %get3A_1832 = arith.index_cast %get3A_1830 : i32 to index
        %get3A_1833 = arith.index_cast %mul3A_590 : i32 to index
        %get3A_1834 = tpu.vector_load %arg12[%get3A_1831, %get3A_1832, %get3A_1833] {strides = array<i32>} : memref<2x16x256xf32, #tpu.memory_space<vmem>>, vector<1x1x16xf32>,
        %get3A_1835 = vector.shape_cast %get3A_1834 : vector<1x1x16xf32> to vector<16xf32>
        %add3A_1836 = arith.addf %add3A_1828, %get3A_1835 : vector<16xf32>
        %get3A_1837 = arith.constant 1 : i32
        %get3A_1838 = arith.constant 15 : i32
        %get3A_1839 = arith.index_cast %get3A_1837 : i32 to index
        %get3A_1840 = arith.index_cast %get3A_1838 : i32 to index
        %get3A_1841 = arith.index_cast %mul3A_590 : i32 to index
        %get3A_1842 = tpu.vector_load %arg13[%get3A_1839, %get3A_1840, %get3A_1841] {strides = array<i32>} : memref<2x16x256xf32, #tpu.memory_space<vmem>>, vector<1x1x16xf32>,
        %get3A_1843 = vector.shape_cast %get3A_1842 : vector<1x1x16xf32> to vector<16xf32>
        %add3A_1844 = arith.addf %add3A_1836, %get3A_1843 : vector<16xf32>
        %swap3A_1845 = arith.constant 1 : i32
        %swap3A_1846 = arith.constant 15 : i32
        %swap3A_1847 = arith.index_cast %swap3A_1845 : i32 to index
        %swap3A_1848 = arith.index_cast %swap3A_1846 : i32 to index
        %swap3A_1849 = arith.index_cast %mul3A_590 : i32 to index
        %swap3A_1850 = tpu.vector_load %arg15[%swap3A_1847, %swap3A_1848, %swap3A_1849] {strides = array<i32>} : memref<2x16x256xf32, #tpu.memory_space<vmem>>, vector<1x1x16xf32>,
        %swap3A_1851 = vector.shape_cast %swap3A_1850 : vector<1x1x16xf32> to vector<16xf32>
        %swap3A_1852 = vector.shape_cast %add3A_1844 : vector<16xf32> to vector<1x1x16xf32>
        tpu.vector_store %arg15[%swap3A_1847, %swap3A_1848, %swap3A_1849], %swap3A_1852 {strides = array<i32>} : memref<2x16x256xf32, #tpu.memory_space<vmem>>, vector<1x1x16xf32>,
        %scan3A_1853 = arith.constant 0 : i32
        scf.yield %scan3A_1853 : i32
      }
      %scan3A_541 = arith.constant 16 : i32
      %jit3A_542 = arith.constant 8 : i32
      %div3A_543 = arith.divsi %add3A_379, %jit3A_542 : i32
      %sign3A_544 = arith.constant 0 : i32
      %sign3A_545 = arith.cmpi sgt, %add3A_379, %sign3A_544 : i32
      %sign3A_546 = arith.extui %sign3A_545 : i1 to i32
      %sign3A_547 = arith.constant 0 : i32
      %sign3A_548 = arith.cmpi slt, %add3A_379, %sign3A_547 : i32
      %sign3A_549 = arith.extui %sign3A_548 : i1 to i32
      %sign3A_550 = arith.subi %sign3A_546, %sign3A_549 : i32
      %sign3A_551 = arith.constant 0 : i32
      %sign3A_552 = arith.cmpi sgt, %jit3A_542, %sign3A_551 : i32
      %sign3A_553 = arith.extui %sign3A_552 : i1 to i32
      %sign3A_554 = arith.constant 0 : i32
      %sign3A_555 = arith.cmpi slt, %jit3A_542, %sign3A_554 : i32
      %sign3A_556 = arith.extui %sign3A_555 : i1 to i32
      %sign3A_557 = arith.subi %sign3A_553, %sign3A_556 : i32
      %ne3A_558 = arith.cmpi ne, %sign3A_550, %sign3A_557 : i32
      %rem3A_559 = arith.remsi %add3A_379, %jit3A_542 : i32
      %ne3A_560 = arith.constant 0 : i32
      %ne3A_561 = arith.cmpi ne, %rem3A_559, %ne3A_560 : i32
      %and3A_562 = arith.andi %ne3A_558, %ne3A_561 : i1
      %sub3A_563 = arith.constant 1 : i32
      %sub3A_564 = arith.subi %div3A_543, %sub3A_563 : i32
      %select_n3A_565 = arith.select %and3A_562, %sub3A_564, %div3A_543 : i32
      %rem3A_566 = arith.constant 8 : i32
      %rem3A_567 = arith.remsi %add3A_379, %rem3A_566 : i32
      %mul3A_568 = arith.constant 256 : i32
      %mul3A_569 = arith.muli %add3A, %mul3A_568 : i32
      %mul3A_570 = arith.constant 16 : i32
      %mul3A_571 = arith.muli %select_n3A_565, %mul3A_570 : i32
      %add3A_572 = arith.addi %mul3A_569, %mul3A_571 : i32
      %mul3A_573 = arith.constant 256 : i32
      %mul3A_574 = arith.muli %rem3A_567, %mul3A_573 : i32
      %dma_start3A_575 = arith.constant 1 : i32
      %dma_start3A_576 = arith.constant 0 : i32
      %dma_start3A_577 = arith.constant 0 : i32
      %dma_start3A_578 = tpu.memref_slice %arg15[%dma_start3A_575, %dma_start3A_576, %dma_start3A_577] : memref<2x16x256xf32, #tpu.memory_space<vmem>> -> memref<1x16x256xf32, #tpu.memory_space<vmem>>
      %dma_start3A_579 = tpu.memref_squeeze %dma_start3A_578 : memref<1x16x256xf32, #tpu.memory_space<vmem>> -> memref<16x256xf32, #tpu.memory_space<vmem>>
      %dma_start3A_580 = tpu.memref_slice %arg4[%add3A_572, %mul3A_574] : memref<8192x2048xf32, #tpu.memory_space<hbm>> -> memref<16x256xf32, #tpu.memory_space<hbm>>
      %dma_start3A_581 = tpu.memref_slice %arg4[%add3A_572, %mul3A_574] : memref<8192x2048xf32, #tpu.memory_space<hbm>> -> memref<16x256xf32, #tpu.memory_space<hbm>>
      %dma_start3A_582 = arith.constant 0 : i32
      %dma_start3A_583 = arith.constant 0 : i32
      %dma_start3A_584 = tpu.memref_slice %arg15[%dma_start3A_575, %dma_start3A_582, %dma_start3A_583] : memref<2x16x256xf32, #tpu.memory_space<vmem>> -> memref<1x16x256xf32, #tpu.memory_space<vmem>>
      %dma_start3A_585 = tpu.memref_squeeze %dma_start3A_584 : memref<1x16x256xf32, #tpu.memory_space<vmem>> -> memref<16x256xf32, #tpu.memory_space<vmem>>
      tpu.enqueue_dma source(%dma_start3A_585 : memref<16x256xf32, #tpu.memory_space<vmem>>) target(%dma_start3A_581 : memref<16x256xf32, #tpu.memory_space<hbm>>) target_semaphore(%arg19 : memref<!tpu.dma_semaphore, #tpu.memory_space<semaphore_mem>>)
      %scan3A_586 = arith.constant 0 : i32
      scf.yield %scan3A_586 : i32
    }
    %scan3A_135 = arith.constant 64 : i32
    %rem3A_136 = arith.constant 126 : i32
    %rem3A_137 = arith.constant 8 : i32
    %rem3A_138 = arith.remsi %rem3A_136, %rem3A_137 : i32
    %mul3A_139 = arith.constant 256 : i32
    %mul3A_140 = arith.muli %add3A, %mul3A_139 : i32
    %add3A_141 = arith.constant 240 : i32
    %add3A_142 = arith.addi %mul3A_140, %add3A_141 : i32
    %mul3A_143 = arith.constant 256 : i32
    %mul3A_144 = arith.muli %rem3A_138, %mul3A_143 : i32
    %dma_wait3A = arith.constant 0 : i32
    %dma_wait3A_145 = arith.constant 0 : i32
    %dma_wait3A_146 = arith.constant 0 : i32
    %dma_wait3A_147 = tpu.memref_slice %arg15[%dma_wait3A, %dma_wait3A_145, %dma_wait3A_146] : memref<2x16x256xf32, #tpu.memory_space<vmem>> -> memref<1x16x256xf32, #tpu.memory_space<vmem>>
    %dma_wait3A_148 = tpu.memref_squeeze %dma_wait3A_147 : memref<1x16x256xf32, #tpu.memory_space<vmem>> -> memref<16x256xf32, #tpu.memory_space<vmem>>
    %dma_wait3A_149 = tpu.memref_slice %arg4[%add3A_142, %mul3A_144] : memref<8192x2048xf32, #tpu.memory_space<hbm>> -> memref<16x256xf32, #tpu.memory_space<hbm>>
    %dma_wait3A_150 = tpu.memref_slice %arg4[%add3A_142, %mul3A_144] : memref<8192x2048xf32, #tpu.memory_space<hbm>> -> memref<16x256xf32, #tpu.memory_space<hbm>>
    %dma_wait3A_151 = arith.constant 0 : i32
    %dma_wait3A_152 = arith.constant 0 : i32
    %dma_wait3A_153 = tpu.memref_slice %arg15[%dma_wait3A, %dma_wait3A_151, %dma_wait3A_152] : memref<2x16x256xf32, #tpu.memory_space<vmem>> -> memref<1x16x256xf32, #tpu.memory_space<vmem>>
    %dma_wait3A_154 = tpu.memref_squeeze %dma_wait3A_153 : memref<1x16x256xf32, #tpu.memory_space<vmem>> -> memref<16x256xf32, #tpu.memory_space<vmem>>
    tpu.wait_dma2 semaphore(%arg18 : memref<!tpu.dma_semaphore, #tpu.memory_space<semaphore_mem>>) src(%dma_wait3A_154 : memref<16x256xf32, #tpu.memory_space<vmem>>) dst(%dma_wait3A_150 : memref<16x256xf32, #tpu.memory_space<hbm>>)
    %rem3A_155 = arith.constant 127 : i32
    %rem3A_156 = arith.constant 8 : i32
    %rem3A_157 = arith.remsi %rem3A_155, %rem3A_156 : i32
    %mul3A_158 = arith.constant 256 : i32
    %mul3A_159 = arith.muli %add3A, %mul3A_158 : i32
    %add3A_160 = arith.constant 240 : i32
    %add3A_161 = arith.addi %mul3A_159, %add3A_160 : i32
    %mul3A_162 = arith.constant 256 : i32
    %mul3A_163 = arith.muli %rem3A_157, %mul3A_162 : i32
    %dma_wait3A_164 = arith.constant 1 : i32
    %dma_wait3A_165 = arith.constant 0 : i32
    %dma_wait3A_166 = arith.constant 0 : i32
    %dma_wait3A_167 = tpu.memref_slice %arg15[%dma_wait3A_164, %dma_wait3A_165, %dma_wait3A_166] : memref<2x16x256xf32, #tpu.memory_space<vmem>> -> memref<1x16x256xf32, #tpu.memory_space<vmem>>
    %dma_wait3A_168 = tpu.memref_squeeze %dma_wait3A_167 : memref<1x16x256xf32, #tpu.memory_space<vmem>> -> memref<16x256xf32, #tpu.memory_space<vmem>>
    %dma_wait3A_169 = tpu.memref_slice %arg4[%add3A_161, %mul3A_163] : memref<8192x2048xf32, #tpu.memory_space<hbm>> -> memref<16x256xf32, #tpu.memory_space<hbm>>
    %dma_wait3A_170 = tpu.memref_slice %arg4[%add3A_161, %mul3A_163] : memref<8192x2048xf32, #tpu.memory_space<hbm>> -> memref<16x256xf32, #tpu.memory_space<hbm>>
    %dma_wait3A_171 = arith.constant 0 : i32
    %dma_wait3A_172 = arith.constant 0 : i32
    %dma_wait3A_173 = tpu.memref_slice %arg15[%dma_wait3A_164, %dma_wait3A_171, %dma_wait3A_172] : memref<2x16x256xf32, #tpu.memory_space<vmem>> -> memref<1x16x256xf32, #tpu.memory_space<vmem>>
    %dma_wait3A_174 = tpu.memref_squeeze %dma_wait3A_173 : memref<1x16x256xf32, #tpu.memory_space<vmem>> -> memref<16x256xf32, #tpu.memory_space<vmem>>
    tpu.wait_dma2 semaphore(%arg19 : memref<!tpu.dma_semaphore, #tpu.memory_space<semaphore_mem>>) src(%dma_wait3A_174 : memref<16x256xf32, #tpu.memory_space<vmem>>) dst(%dma_wait3A_170 : memref<16x256xf32, #tpu.memory_space<hbm>>)
    return
  }
}

</mosaic_0001>

<sc_bundles>
// kernel: kernel.3.cloned.1.call-start
scs
__scs_entry_jumppad:
0x0: {  	(pc) =	sbr.rel $0x88, $3  }
0x1: {  	(tag) =	ssettag $0x0;
	lr =	simm.s32 $0x1  }
0x2: {  	[smem:$0x3F9F] =	sst lr;
	_ =	strace $0xD0000000  }
0x3: {  	_ = 	snop  }
0x4: {  	_ = 	snop  }
0x5: {  	_ = 	snop  }
0x6: {  	_ = 	snop  }
0x7: {  	_ = 	snop  }
__scs_overlays_trampoline_lowered:
0x8: {  	[smem:$0x3FAE] =	sst s0  }
0x9: {  	[smem:$0x3FAF] =	sst s1  }
0xa: {  	[smem:$0x3FB0] =	sst s2  }
0xb: {  	[smem:$0x3FB1] =	sst s3  }
0xc: {  	[smem:$0x3FB2] =	sst s4  }
0xd: {  	[smem:$0x3FB3] =	sst s5  }
0xe: {  	[smem:$0x3FB4] =	sst s6  }
0xf: {  	[smem:$0x3FB5] =	sst s7  }
0x10: {  	[smem:$0x3FB6] =	sst s8  }
0x11: {  	[smem:$0x3FB7] =	sst s9;
	s0 =	simm.s32 @!p0 $0x0  }
0x12: {  	s1 =	sld [smem:$0x3F9D];
	s0 =	simm.s32 @p0 $0x1  }
0x13: {  	[smem:$0x3FB8] =	sst s0;
	s0 =	simm.s32 @!p1 $0x0  }
0x14: {  	s2 =	sld [smem:$0x3F9C];
	s0 =	simm.s32 @p1 $0x1  }
0x15: {  	[smem:$0x3FB9] =	sst s0;
	s0 =	simm.s32 @!p2 $0x0  }
0x16: {  	s3 =	sld [smem:$0x3FDB];
	s0 =	simm.s32 @p2 $0x1  }
0x17: {  	s4 =	simm.s32 $0x1BF5;
	[smem:$0x3FBB] =	sst s0  }
0x18: {  	s0 =	sld [smem:$0x3F9E];
	_ =	swait.ge [sflag:s4], $0x0  }
0x19: {  	s7 =	sld [smem:$0x3F9F]  }
0x1a: {  	s8 =	sadd.s32 $0xFFFFE003, lr  }
0x1b: {  	s9 =	sadd.s32 $0xFFFFFEF7, lr;
	s5 =	simm.s32 $0xFFFFFFFF;
	p2 =	slt.u32 s8, $0xFFFFF086  }
0x1c: {  	p1 =	slt.u32 s9, $0xF7A;
	s5 =	simm.s32 @!p2 $0x0  }
0x1d: {  	s5 =	simm.s32 @p1 $0x1;
	p0 =	seq.s32 s7, s2  }
0x1e: {  	s7 =	smul.u32 @!p0 $0xF7A, s2;
	p2 =	seq.s32 @!p0 s5, $0x0  }
0x1f: {  	s9 =	smul.u32 $0xF7A, s1;
	s8 =	simm.s32 @!p0 $0x1BF5;
	p2 =	por !p2, p0  }
0x20: {  	[sflag:s8] =	ssyncset.s32 @!p0 $0xFFFFF086;
	s6 =	sadd.s32 @!p0 s3, s7;
	s7 =	simm.s32 @!p0 $0x108  }
0x21: {  	s3 =	sadd.s32 s3, s9;
	s6 =	sadd.s32 @!p0 $0x88, s6;
	s7 =	simm.s32 @p2 $0x1082  }
0x22: {  	[simem:s7], [sflag:s8] =	dma.local @!p0 [hbm:s6], $0xF7A  }
0x23: {  	s9 =	sor.u32 $0xD0000000, s2;
	s6 =	simm.s32 $0x108;
	_ =	swait.ge @!p0 [sflag:s8], $0x0  }
0x24: {  	s3 =	sadd.s32 $0x88, s3;
	s6 =	simm.s32 @!p1 $0x1082;
	[sflag:s4] =	ssyncset.s32 $0xFFFFF086  }
0x25: {  	[simem:s6], [sflag:s4] =	dma.local [hbm:s3], $0xF7A  }
0x26: {  	[smem:$0x3F9F] =	sst s1;
	(tag) =	ssettag s2;
	_ =	strace s9  }
0x27: {  	s1 =	sld [smem:$0x3FAF]  }
0x28: {  	s2 =	sld [smem:$0x3FB0]  }
0x29: {  	s4 =	sld [smem:$0x3FB2]  }
0x2a: {  	p0 =	seq.s32 s5, $0x0;
	s5 =	sld [smem:$0x3FB3]  }
0x2b: {  	s6 =	sld [smem:$0x3FB4]  }
0x2c: {  	s7 =	sld [smem:$0x3FB5]  }
0x2d: {  	s3 =	simm.s32 $0x108;
	s8 =	sld [smem:$0x3FB6]  }
0x2e: {  	s3 =	simm.s32 @!p0 $0x1082;
	s9 =	sld [smem:$0x3FB7]  }
0x2f: {  	lr =	sadd.s32 s0, s3;
	s0 =	sld [smem:$0x3FAE]  }
0x30: {  	s3 =	sld [smem:$0x3FB1]  }
0x31: {  	[smem:$0x3FBA] =	sst s10  }
0x32: {  	s10 =	sld [smem:$0x3FB8];
	_ =	sdelay $0x3  }
0x33: {  	p0 =	seq.s32 s10, $0x1;
	s10 =	sld [smem:$0x3FBA];
	_ =	sdelay $0x3  }
0x34: {  	[smem:$0x3FBA] =	sst s10  }
0x35: {  	s10 =	sld [smem:$0x3FB9];
	_ =	sdelay $0x3  }
0x36: {  	p1 =	seq.s32 s10, $0x1;
	s10 =	sld [smem:$0x3FBA];
	_ =	sdelay $0x3  }
0x37: {  	[smem:$0x3FBA] =	sst s10  }
0x38: {  	s10 =	sld [smem:$0x3FBB]  }
0x39: {  	_ = 	snop;
	(pc) =	sbr.ind lr, $3  }
0x3a: {  	_ = 	snop  }
0x3b: {  	_ = 	snop  }
0x3c: {  	p2 =	seq.s32 s10, $0x1;
	s10 =	sld [smem:$0x3FBA]  }
0x3d: {  	_ =	shalt  }
0x3e: {  	_ =	shalt  }
0x3f: {  	_ =	shalt  }
0x40: {  	_ =	shalt  }
0x41: {  	_ =	shalt  }
0x42: {  	_ =	shalt  }
0x43: {  	_ =	shalt  }
0x44: {  	_ =	shalt  }
0x45: {  	_ =	shalt  }
0x46: {  	_ =	shalt  }
0x47: {  	_ =	shalt  }
0x48: {  	_ =	shalt  }
0x49: {  	_ =	shalt  }
0x4a: {  	_ =	shalt  }
0x4b: {  	_ =	shalt  }
0x4c: {  	_ =	shalt  }
0x4d: {  	_ =	shalt  }
0x4e: {  	_ =	shalt  }
0x4f: {  	_ =	shalt  }
0x50: {  	_ =	shalt  }
0x51: {  	_ =	shalt  }
0x52: {  	_ =	shalt  }
0x53: {  	_ =	shalt  }
0x54: {  	_ =	shalt  }
0x55: {  	_ =	shalt  }
0x56: {  	_ =	shalt  }
0x57: {  	_ =	shalt  }
0x58: {  	_ =	shalt  }
0x59: {  	_ =	shalt  }
0x5a: {  	_ =	shalt  }
0x5b: {  	_ =	shalt  }
0x5c: {  	_ =	shalt  }
0x5d: {  	_ =	shalt  }
0x5e: {  	_ =	shalt  }
0x5f: {  	_ =	shalt  }
0x60: {  	_ =	shalt  }
0x61: {  	_ =	shalt  }
0x62: {  	_ =	shalt  }
0x63: {  	_ =	shalt  }
0x64: {  	_ =	shalt  }
0x65: {  	_ =	shalt  }
0x66: {  	_ =	shalt  }
0x67: {  	_ =	shalt  }
0x68: {  	_ =	shalt  }
0x69: {  	_ =	shalt  }
0x6a: {  	_ =	shalt  }
0x6b: {  	_ =	shalt  }
0x6c: {  	_ =	shalt  }
0x6d: {  	_ =	shalt  }
0x6e: {  	_ =	shalt  }
0x6f: {  	_ =	shalt  }
0x70: {  	_ =	shalt  }
0x71: {  	_ =	shalt  }
0x72: {  	_ =	shalt  }
0x73: {  	_ =	shalt  }
0x74: {  	_ =	shalt  }
0x75: {  	_ =	shalt  }
0x76: {  	_ =	shalt  }
0x77: {  	_ =	shalt  }
0x78: {  	_ =	shalt  }
0x79: {  	_ =	shalt  }
0x7a: {  	_ =	shalt  }
0x7b: {  	_ =	shalt  }
0x7c: {  	_ =	shalt  }
0x7d: {  	_ =	shalt  }
0x7e: {  	_ =	shalt  }
0x7f: {  	_ =	shalt  }
0x80: {  	_ =	shalt  }
0x81: {  	_ =	shalt  }
0x82: {  	_ =	shalt  }
0x83: {  	_ =	shalt  }
0x84: {  	_ =	shalt  }
0x85: {  	_ =	shalt  }
0x86: {  	_ =	shalt  }
0x87: {  	_ =	shalt  }
.Lfunc_end0:
.L_simem_size_0:
called_computation_lowered:
.L_overlay_start_0:
0x88: {  	s2 =	sld [smem:$0x3FD9]  }
0x89: {  	s3 =	sld [smem:$0x3FFE];
	_ =	sdelay $0x1  }
0x8a: {  	s1 =	srdreg.scid  }
0x8b: {  	s0 =	sand.u32 $0x1, s1  }
0x8c: {  	s17 =	sshll.u32 s0, $0xA;
	s2 =	sadd.s32 s3, s2  }
0x8d: {  	s2 =	sadd.s32 s2, s17  }
0x8e: {  	[smem:$0x3FC6] =	sst s2  }
0x8f: {  	_ = 	snop  }
0x90: {  	s2 =	sld [smem:$0x3FC8]  }
0x91: {  	s18 =	sld [smem:$0x3FD0];
	(tm) =	ssettm $0x1  }
0x92: {  	s4 =	sld [smem:$0x3FFB];
	_ =	sdelay $0x3  }
0x93: {  	_ =	strace s4  }
0x94: {  	s4 =	sld [smem:$0x3FFC];
	_ =	sdelay $0x3  }
0x95: {  	_ =	strace s4  }
0x96: {  	s4 =	sld [smem:$0x3FFD];
	_ =	sdelay $0x3  }
0x97: {  	_ =	strace s4  }
0x98: {  	_ =	strace $0x8FFFFFFF  }
0x99: {  	s19 =	sld [smem:$0x3FDB];
	_ =	sdelay $0x1  }
0x9a: {  	s5 =	simm.s32 $_scs_section_size  }
0x9b: {  	s6 =	simm.s32 $_size__tile_overlayer_lowered;
	s7 =	simm.s32 $_tile_overlayer_lowered  }
0x9c: {  	s22 =	simm.s32 $0x1BFF;
	s21 =	sshll.u32 s7, $0x1;
	s4 =	sadd.s32 s5, s19  }
0x9d: {  	s8 =	simm.s32 $0x0;
	s20 =	sshll.u32 s6, $0x1;
	s6 =	sadd.s32 s21, s4  }
0x9e: {  	[timem:s8], [sflag:s22] =	dma.local [hbm:s6], s20  }
0x9f: {  	_ =	swait.ge [sflag:s22], s20  }
0xa0: {  	s5 =	ssub.s32 $0x0, s20;
	[sflag:s22] =	ssyncset.done $0x0  }
0xa1: {  	[sflag:s22] =	ssyncadd.s32 s5;
	_ =	sdelay $0x1  }
0xa2: {  	s23 =	simm.s32 $0x1B8B  }
0xa3: {  	_ =	swait.ge [sflag:s23], $0x1  }
0xa4: {  	[sflag:s23] =	ssyncset.done $0x0  }
0xa5: {  	s25 =	simm.s32 $0x1B8E;
	s24 =	sld [smem:$0x3FFE];
	[sflag:s23] =	ssyncadd.s32 $0xFFFFFFFF  }
0xa6: {  	s26 =	simm.s32 $execute0_lowered;
	[smem:$0x3FD2] =	sst s25  }
0xa7: {  	s6 =	sshll.u32 s26, $0x1;
	_ =	strace $0x80000046;
	[dreg:$0x1] =	wrdreg $0xFFFFFFFF  }
0xa8: {  	s28 =	simm.s32 $_size_execute0_lowered;
	s4 =	sadd.s32 s4, s6;
	[dreg:$0x0] =	wrdreg $0x0  }
0xa9: {  	s6 =	sshll.u32 s28, $0x1;
	[dreg:$0x2] =	wrdreg s4  }
0xaa: {  	[dreg:$0x3] =	wrdreg s6  }
0xab: {  	[dreg:$0x4] =	wrdreg $0xC0  }
0xac: {  	_ =	task [dreg:s8], $0x5FFFF  }
0xad: {  	[dreg:$0x1] =	wrdreg $0xFFFFFFFF  }
0xae: {  	[dreg:$0x0] =	wrdreg $0x60  }
0xaf: {  	[dreg:$0x2] =	wrdreg s24  }
0xb0: {  	[dreg:$0x3] =	wrdreg s2  }
0xb1: {  	[dreg:$0x4] =	wrdreg s18  }
0xb2: {  	[dreg:$0x5] =	wrdreg $0x9  }
0xb3: {  	_ =	task.clear_ibuf [dreg:s8], $0x6FFFF;
	_ =	strace $0x90000046  }
0xb4: {  	s29 =	simm.s32 $0x9;
	_ =	strace $0x80000048  }
0xb5: {  	_ =	swait.ge [sflag:s29], $0x1  }
0xb6: {  	[sflag:s29] =	ssyncadd.s32 $0xFFFFFFFF  }
0xb7: {  	_ =	strace $0x90000048  }
0xb8: {  	_ =	sfence  }
0xb9: {  	s30 =	sld [smem:$0x0];
	_ =	sdelay $0x2  }
0xba: {  	s31 =	sshll.u32 s1, $0xD;
	s1 =	sshrl.u32 s1, $0x2  }
0xbb: {  	s3 =	sand.u32 $0x4000, s31;
	s1 =	sadd.s32 s1, s30  }
0xbc: {  	s0 =	sor.u32 s3, s0;
	s1 =	sshll.u32 s1, $0x11  }
0xbd: {  	s0 =	sor.u32 s1, s0  }
0xbe: {  	s0 =	sadd.s32 $0x8F2B, s0  }
0xbf: {  	[sflag:s0] =	ssyncadd.remote.s32 $0x1  }
0xc0: {  	_ =	sfence.sel $0xFFFF  }
0xc1: {  	[dreg:$0x0] =	wrdreg $0xFFFFFFFF;
	(pc) =	sbr.abs _section_cstart, $3  }
0xc2: {  	[dreg:$0x1] =	wrdreg $0xFFFFFFFF  }
0xc3: {  	_ =	task.clear_ibuf [dreg:s8], $0x2FFFF;
	_ =	strace $0x9FFFFFFF  }
0xc4: {  	(tm) =	ssettm $0x7FFFFFFF  }
0xc5: {  	_ =	shalt  }
tec
execute0_lowered:
.L_overlay_start_1:
0x0: {  	(tag) =	ssettag $0x1  }
0x1: {  	s0 =	rddreg [dreg:$0x0]  }
0x2: {  	s2 =	rddreg [dreg:$0x1];
	s1 =	srdreg.scid  }
0x3: {  	s4 =	stileid.u32;
	s3 =	rddreg [dreg:$0x2];
	s8 =	simm.s32 $0x800  }
0x4: {  	s14 =	simm.s32 $0x4000;
	s7 =	simm.s32 $0x9000;
	s11 =	simm.s32 $0x9800  }
0x5: {  	s12 =	simm.s32 $0xB000;
	s13 =	simm.s32 $0xB800;
	s15 =	simm.s32 $0xD000  }
0x6: {  	s16 =	simm.s32 $0xD800;
	s17 =	simm.s32 $0xF000;
	s18 =	simm.s32 $0xF800  }
0x7: {  	s19 =	simm.s32 $0x11000;
	s20 =	simm.s32 $0x11800;
	s21 =	simm.s32 $0x1  }
0x8: {  	s22 =	simm.s32 $0x16800;
	s1 =	sand.u32 $0x1, s1;
	s5 =	sshll.u32 s4, $0x1  }
0x9: {  	s23 =	simm.s32 $0x2;
	s24 =	simm.s32 $0x17800;
	s5 =	sor.u32 s1, s5  }
0xa: {  	s9 =	simm.s32 $0x0;
	s1 =	ssub.s32 $0x2, s1;
	s6 =	sshll.u32 s5, $0x8  }
0xb: {  	s4 =	simm.s32 $0x0;
	s30 =	sshrl.u32 s1, $0x1;
	s0 =	sadd.s32 s6, s0  }
0xc: {  	v2 =	vlaneseq.u32;
	[smem:$0x7FF] =	sst s4;
	s1 =	ssub.s32 s1, s30;
	s0 =	sadd.s32 $0x400, s0  }
0xd: {  	vm0 =	vmmov $0xffff;
	v1 =	vshrl.u32 v2, $0x3;
	_ =	strace $0x80000047;
	s31 =	smax.u32 s1, $0x1;
	[dreg:$0x4] =	wrdreg s0  }
0xe: {  	v0 =	vand.u32 $0x7, v2;
	v2 =	vor.u32 $0x8, v2;
	v1 =	vmul.u32 $0x8, v1;
	s6 =	sshll.u32 s5, $0x10;
	s5 =	simm.s32 $0x7800;
	[dreg:$0x5] =	wrdreg s31  }
.LBB2_1:
0xf: {  	[dreg:$0x6] =	wrdreg s9  }
0x10: {  	s0 =	rddreg [dreg:$0x4]  }
0x11: {  	s1 =	simm.s32 $0x10000;
	s31 =	simm.s32 $0x12000;
	s10 =	simm.s32 $0x5  }
0x12: {  	[tilespmem:s31], [sflag:$0x5] =	stream.strided.gather [hbm4b:s0+s8], $0x4800, s1, s8, $0x38;
	[tilespmem:$0x18800] =	vst v63  }
0x13: {  	_ =	swait.ge [sflag:s10], $0x4800  }
0x14: {  	[sflag:s10] =	ssyncset.done $0x0  }
0x15: {  	[sflag:s10] =	ssyncadd.s32 $0xFFFFB800  }
0x16: {  	v3 =	vld [tilespmem:$0x12000];
	_ =	sdelay $0x4  }
0x17: {  	v4 =	vshll.u32 v3, $0x4  }
0x18: {  	v3 =	vand.u32 $0x7, v3;
	v4 =	vand.u32 $0xFFFFFF80, v4  }
0x19: {  	v3 =	vor.u32 v3, v4  }
0x1a: {  	v4 =	vperm.xlane v3, v0;
	_ =	sdelay $0x1  }
0x1b: {  	v3 =	vperm.xlane v3, v2;
	v4 =	vadd.s32 v1, v4;
	_ =	sdelay $0x1  }
0x1c: {  	v3 =	vadd.s32 v1, v3;
	_ =	sdelay $0x2  }
0x1d: {  	[tilespmem:s4], [sflag:$0x1] =	stream.indirect_vreg.gather [hbm4b:s2+s4], $0x80, v4, vm0, $0xb8;
	[tilespmem:$0x18800] =	vst v63  }
0x1e: {  	_ = 	snop  }
0x1f: {  	[tilespmem:s8], [sflag:$0x1] =	stream.indirect_vreg.gather [hbm4b:s2+s4], $0x80, v3, vm0, $0xb8;
	[tilespmem:$0x18800] =	vst v63  }
0x20: {  	v3 =	vld [tilespmem:$0x12800];
	_ =	sdelay $0x4  }
0x21: {  	v56 =	vshll.u32 v3, $0x4  }
0x22: {  	v3 =	vand.u32 $0x7, v3;
	v4 =	vand.u32 $0xFFFFFF80, v56  }
0x23: {  	v3 =	vor.u32 v3, v4  }
0x24: {  	v4 =	vperm.xlane v3, v0;
	_ =	sdelay $0x1  }
0x25: {  	v3 =	vperm.xlane v3, v2;
	v4 =	vadd.s32 v1, v4;
	_ =	sdelay $0x1  }
0x26: {  	v3 =	vadd.s32 v1, v3;
	_ =	sdelay $0x1  }
0x27: {  	s25 =	simm.s32 $0x2000  }
0x28: {  	[tilespmem:s25], [sflag:$0x1] =	stream.indirect_vreg.gather [hbm4b:s2+s4], $0x80, v4, vm0, $0xb8;
	[tilespmem:$0x18800] =	vst v63  }
0x29: {  	s26 =	simm.s32 $0x2800  }
0x2a: {  	[tilespmem:s26], [sflag:$0x1] =	stream.indirect_vreg.gather [hbm4b:s2+s4], $0x80, v3, vm0, $0xb8;
	[tilespmem:$0x18800] =	vst v63  }
0x2b: {  	v3 =	vld [tilespmem:$0x13000];
	_ =	sdelay $0x4  }
0x2c: {  	v57 =	vshll.u32 v3, $0x4  }
0x2d: {  	v3 =	vand.u32 $0x7, v3;
	v4 =	vand.u32 $0xFFFFFF80, v57  }
0x2e: {  	v3 =	vor.u32 v3, v4  }
0x2f: {  	v4 =	vperm.xlane v3, v0;
	_ =	sdelay $0x1  }
0x30: {  	v3 =	vperm.xlane v3, v2;
	v4 =	vadd.s32 v1, v4;
	_ =	sdelay $0x1  }
0x31: {  	v3 =	vadd.s32 v1, v3;
	_ =	sdelay $0x2  }
0x32: {  	[tilespmem:s14], [sflag:$0x1] =	stream.indirect_vreg.gather [hbm4b:s2+s4], $0x80, v4, vm0, $0xb8;
	[tilespmem:$0x18800] =	vst v63  }
0x33: {  	s28 =	simm.s32 $0x4800  }
0x34: {  	[tilespmem:s28], [sflag:$0x1] =	stream.indirect_vreg.gather [hbm4b:s2+s4], $0x80, v3, vm0, $0xb8;
	[tilespmem:$0x18800] =	vst v63  }
0x35: {  	v3 =	vld [tilespmem:$0x13800];
	_ =	sdelay $0x4  }
0x36: {  	v58 =	vshll.u32 v3, $0x4  }
0x37: {  	v3 =	vand.u32 $0x7, v3;
	v4 =	vand.u32 $0xFFFFFF80, v58  }
0x38: {  	v3 =	vor.u32 v3, v4  }
0x39: {  	v4 =	vperm.xlane v3, v0;
	_ =	sdelay $0x1  }
0x3a: {  	v3 =	vperm.xlane v3, v2;
	v4 =	vadd.s32 v1, v4;
	_ =	sdelay $0x1  }
0x3b: {  	v3 =	vadd.s32 v1, v3;
	_ =	sdelay $0x1  }
0x3c: {  	s29 =	simm.s32 $0x6000  }
0x3d: {  	[tilespmem:s29], [sflag:$0x1] =	stream.indirect_vreg.gather [hbm4b:s2+s4], $0x80, v4, vm0, $0xb8;
	[tilespmem:$0x18800] =	vst v63  }
0x3e: {  	s30 =	simm.s32 $0x6800  }
0x3f: {  	[tilespmem:s30], [sflag:$0x1] =	stream.indirect_vreg.gather [hbm4b:s2+s4], $0x80, v3, vm0, $0xb8;
	[tilespmem:$0x18800] =	vst v63  }
0x40: {  	v3 =	vld [tilespmem:$0x14000];
	_ =	sdelay $0x4  }
0x41: {  	v59 =	vshll.u32 v3, $0x4  }
0x42: {  	v3 =	vand.u32 $0x7, v3;
	v4 =	vand.u32 $0xFFFFFF80, v59  }
0x43: {  	v3 =	vor.u32 v3, v4  }
0x44: {  	v4 =	vperm.xlane v3, v0;
	_ =	sdelay $0x1  }
0x45: {  	v3 =	vperm.xlane v3, v2;
	v4 =	vadd.s32 v1, v4;
	_ =	sdelay $0x1  }
0x46: {  	v3 =	vadd.s32 v1, v3;
	_ =	sdelay $0x1  }
0x47: {  	s31 =	simm.s32 $0x8000  }
0x48: {  	[tilespmem:s31], [sflag:$0x1] =	stream.indirect_vreg.gather [hbm4b:s2+s4], $0x80, v4, vm0, $0xb8;
	[tilespmem:$0x18800] =	vst v63  }
0x49: {  	s9 =	simm.s32 $0x8800  }
0x4a: {  	[tilespmem:s9], [sflag:$0x1] =	stream.indirect_vreg.gather [hbm4b:s2+s4], $0x80, v3, vm0, $0xb8;
	[tilespmem:$0x18800] =	vst v63  }
0x4b: {  	v3 =	vld [tilespmem:$0x14800];
	_ =	sdelay $0x4  }
0x4c: {  	v60 =	vshll.u32 v3, $0x4  }
0x4d: {  	v3 =	vand.u32 $0x7, v3;
	v4 =	vand.u32 $0xFFFFFF80, v60  }
0x4e: {  	v3 =	vor.u32 v3, v4  }
0x4f: {  	v4 =	vperm.xlane v3, v0;
	_ =	sdelay $0x1  }
0x50: {  	v3 =	vperm.xlane v3, v2;
	v4 =	vadd.s32 v1, v4;
	_ =	sdelay $0x1  }
0x51: {  	v3 =	vadd.s32 v1, v3;
	_ =	sdelay $0x1  }
0x52: {  	s10 =	simm.s32 $0xA000  }
0x53: {  	[tilespmem:s10], [sflag:$0x1] =	stream.indirect_vreg.gather [hbm4b:s2+s4], $0x80, v4, vm0, $0xb8;
	[tilespmem:$0x18800] =	vst v63  }
0x54: {  	s25 =	simm.s32 $0xA800  }
0x55: {  	[tilespmem:s25], [sflag:$0x1] =	stream.indirect_vreg.gather [hbm4b:s2+s4], $0x80, v3, vm0, $0xb8;
	[tilespmem:$0x18800] =	vst v63  }
0x56: {  	v3 =	vld [tilespmem:$0x15000];
	_ =	sdelay $0x4  }
0x57: {  	v61 =	vshll.u32 v3, $0x4  }
0x58: {  	v3 =	vand.u32 $0x7, v3;
	v4 =	vand.u32 $0xFFFFFF80, v61  }
0x59: {  	v3 =	vor.u32 v3, v4  }
0x5a: {  	v4 =	vperm.xlane v3, v0;
	_ =	sdelay $0x1  }
0x5b: {  	v3 =	vperm.xlane v3, v2;
	v4 =	vadd.s32 v1, v4;
	_ =	sdelay $0x1  }
0x5c: {  	v3 =	vadd.s32 v1, v3;
	_ =	sdelay $0x1  }
0x5d: {  	s26 =	simm.s32 $0xC000  }
0x5e: {  	[tilespmem:s26], [sflag:$0x1] =	stream.indirect_vreg.gather [hbm4b:s2+s4], $0x80, v4, vm0, $0xb8;
	[tilespmem:$0x18800] =	vst v63  }
0x5f: {  	s28 =	simm.s32 $0xC800  }
0x60: {  	[tilespmem:s28], [sflag:$0x1] =	stream.indirect_vreg.gather [hbm4b:s2+s4], $0x80, v3, vm0, $0xb8;
	[tilespmem:$0x18800] =	vst v63  }
0x61: {  	v3 =	vld [tilespmem:$0x15800];
	_ =	sdelay $0x4  }
0x62: {  	v62 =	vshll.u32 v3, $0x4  }
0x63: {  	v3 =	vand.u32 $0x7, v3;
	v4 =	vand.u32 $0xFFFFFF80, v62  }
0x64: {  	v3 =	vor.u32 v3, v4  }
0x65: {  	v4 =	vperm.xlane v3, v0;
	_ =	sdelay $0x1  }
0x66: {  	v3 =	vperm.xlane v3, v2;
	v4 =	vadd.s32 v1, v4;
	_ =	sdelay $0x1  }
0x67: {  	v3 =	vadd.s32 v1, v3;
	_ =	sdelay $0x1  }
0x68: {  	s29 =	simm.s32 $0xE000  }
0x69: {  	[tilespmem:s29], [sflag:$0x1] =	stream.indirect_vreg.gather [hbm4b:s2+s4], $0x80, v4, vm0, $0xb8;
	[tilespmem:$0x18800] =	vst v63  }
0x6a: {  	s30 =	simm.s32 $0xE800  }
0x6b: {  	[tilespmem:s30], [sflag:$0x1] =	stream.indirect_vreg.gather [hbm4b:s2+s4], $0x80, v3, vm0, $0xb8;
	[tilespmem:$0x18800] =	vst v63  }
0x6c: {  	v3 =	vld [tilespmem:$0x16000];
	_ =	sdelay $0x4  }
0x6d: {  	v63 =	vshll.u32 v3, $0x4  }
0x6e: {  	v3 =	vand.u32 $0x7, v3;
	v4 =	vand.u32 $0xFFFFFF80, v63  }
0x6f: {  	v3 =	vor.u32 v3, v4  }
0x70: {  	v4 =	vperm.xlane v3, v0;
	_ =	sdelay $0x1  }
0x71: {  	v3 =	vperm.xlane v3, v2;
	v4 =	vadd.s32 v1, v4;
	_ =	sdelay $0x1  }
0x72: {  	v3 =	vadd.s32 v1, v3;
	_ =	sdelay $0x2  }
0x73: {  	[tilespmem:s1], [sflag:$0x1] =	stream.indirect_vreg.gather [hbm4b:s2+s4], $0x80, v4, vm0, $0xb8;
	[tilespmem:$0x18800] =	vst v63  }
0x74: {  	s31 =	simm.s32 $0x10800;
	s25 =	simm.s32 $0x0  }
0x75: {  	[tilespmem:s31], [sflag:$0x1] =	stream.indirect_vreg.gather [hbm4b:s2+s4], $0x80, v3, vm0, $0xb8;
	[tilespmem:$0x18800] =	vst v63  }
.LBB2_2:
0x76: {  	s0 =	sshll.u32 s25, $0x5  }
0x77: {  	s0 =	sand.u32 $0x780, s0  }
0x78: {  	v3 =	vld [tilespmem:s0+$0x12000];
	_ =	sdelay $0x4  }
0x79: {  	v4 =	vshll.u32 v3, $0x4  }
0x7a: {  	v3 =	vand.u32 $0x7, v3;
	v4 =	vand.u32 $0xFFFFFF80, v4  }
0x7b: {  	v3 =	vor.u32 v3, v4  }
0x7c: {  	v4 =	vperm.xlane v3, v0;
	_ =	sdelay $0x1  }
0x7d: {  	v3 =	vperm.xlane v3, v2;
	v4 =	vadd.s32 v1, v4  }
0x7e: {  	s1 =	sshll.u32 s25, $0x9  }
0x7f: {  	s28 =	sand.u32 $0x600, s1;
	v3 =	vadd.s32 v1, v3  }
0x80: {  	s26 =	sor.u32 $0x100, s28  }
0x81: {  	s9 =	simm.s32 $0x1000;
	s1 =	sadd.s32 s2, s26  }
0x82: {  	[tilespmem:s9], [sflag:$0x2] =	stream.indirect_vreg.gather [hbm4b:s1+s4], $0x80, v4, vm0, $0xb8;
	[tilespmem:$0x18800] =	vst v63  }
0x83: {  	s31 =	simm.s32 $0x1800  }
0x84: {  	[tilespmem:s31], [sflag:$0x2] =	stream.indirect_vreg.gather [hbm4b:s1+s4], $0x80, v3, vm0, $0xb8;
	[tilespmem:$0x18800] =	vst v63  }
0x85: {  	v3 =	vld [tilespmem:s0+$0x12800];
	_ =	sdelay $0x4  }
0x86: {  	v4 =	vshll.u32 v3, $0x4  }
0x87: {  	v3 =	vand.u32 $0x7, v3;
	v4 =	vand.u32 $0xFFFFFF80, v4  }
0x88: {  	v3 =	vor.u32 v3, v4  }
0x89: {  	v4 =	vperm.xlane v3, v0;
	_ =	sdelay $0x1  }
0x8a: {  	v3 =	vperm.xlane v3, v2;
	v4 =	vadd.s32 v1, v4;
	_ =	sdelay $0x1  }
0x8b: {  	v3 =	vadd.s32 v1, v3;
	_ =	sdelay $0x1  }
0x8c: {  	s10 =	simm.s32 $0x3000  }
0x8d: {  	[tilespmem:s10], [sflag:$0x2] =	stream.indirect_vreg.gather [hbm4b:s1+s4], $0x80, v4, vm0, $0xb8;
	[tilespmem:$0x18800] =	vst v63  }
0x8e: {  	s31 =	simm.s32 $0x3800  }
0x8f: {  	[tilespmem:s31], [sflag:$0x2] =	stream.indirect_vreg.gather [hbm4b:s1+s4], $0x80, v3, vm0, $0xb8;
	[tilespmem:$0x18800] =	vst v63  }
0x90: {  	v3 =	vld [tilespmem:s0+$0x13000];
	_ =	sdelay $0x4  }
0x91: {  	v4 =	vshll.u32 v3, $0x4  }
0x92: {  	v3 =	vand.u32 $0x7, v3;
	v4 =	vand.u32 $0xFFFFFF80, v4  }
0x93: {  	v3 =	vor.u32 v3, v4  }
0x94: {  	v4 =	vperm.xlane v3, v0;
	_ =	sdelay $0x1  }
0x95: {  	v3 =	vperm.xlane v3, v2;
	v4 =	vadd.s32 v1, v4;
	_ =	sdelay $0x1  }
0x96: {  	v3 =	vadd.s32 v1, v3;
	_ =	sdelay $0x1  }
0x97: {  	s10 =	simm.s32 $0x5000  }
0x98: {  	[tilespmem:s10], [sflag:$0x2] =	stream.indirect_vreg.gather [hbm4b:s1+s4], $0x80, v4, vm0, $0xb8;
	[tilespmem:$0x18800] =	vst v63  }
0x99: {  	s31 =	simm.s32 $0x5800  }
0x9a: {  	[tilespmem:s31], [sflag:$0x2] =	stream.indirect_vreg.gather [hbm4b:s1+s4], $0x80, v3, vm0, $0xb8;
	[tilespmem:$0x18800] =	vst v63  }
0x9b: {  	v3 =	vld [tilespmem:s0+$0x13800];
	_ =	sdelay $0x4  }
0x9c: {  	v4 =	vshll.u32 v3, $0x4  }
0x9d: {  	v3 =	vand.u32 $0x7, v3;
	v4 =	vand.u32 $0xFFFFFF80, v4  }
0x9e: {  	v3 =	vor.u32 v3, v4  }
0x9f: {  	v4 =	vperm.xlane v3, v0;
	_ =	sdelay $0x1  }
0xa0: {  	v3 =	vperm.xlane v3, v2;
	v4 =	vadd.s32 v1, v4;
	_ =	sdelay $0x1  }
0xa1: {  	v3 =	vadd.s32 v1, v3;
	_ =	sdelay $0x1  }
0xa2: {  	s10 =	simm.s32 $0x7000  }
0xa3: {  	[tilespmem:s10], [sflag:$0x2] =	stream.indirect_vreg.gather [hbm4b:s1+s4], $0x80, v4, vm0, $0xb8;
	[tilespmem:$0x18800] =	vst v63  }
0xa4: {  	_ = 	snop  }
0xa5: {  	[tilespmem:s5], [sflag:$0x2] =	stream.indirect_vreg.gather [hbm4b:s1+s4], $0x80, v3, vm0, $0xb8;
	[tilespmem:$0x18800] =	vst v63  }
0xa6: {  	v3 =	vld [tilespmem:s0+$0x14000];
	_ =	sdelay $0x4  }
0xa7: {  	v4 =	vshll.u32 v3, $0x4  }
0xa8: {  	v3 =	vand.u32 $0x7, v3;
	v4 =	vand.u32 $0xFFFFFF80, v4  }
0xa9: {  	v3 =	vor.u32 v3, v4  }
0xaa: {  	v4 =	vperm.xlane v3, v0;
	_ =	sdelay $0x1  }
0xab: {  	v3 =	vperm.xlane v3, v2;
	v4 =	vadd.s32 v1, v4;
	_ =	sdelay $0x1  }
0xac: {  	v3 =	vadd.s32 v1, v3;
	_ =	sdelay $0x2  }
0xad: {  	[tilespmem:s7], [sflag:$0x2] =	stream.indirect_vreg.gather [hbm4b:s1+s4], $0x80, v4, vm0, $0xb8;
	[tilespmem:$0x18800] =	vst v63  }
0xae: {  	_ = 	snop  }
0xaf: {  	[tilespmem:s11], [sflag:$0x2] =	stream.indirect_vreg.gather [hbm4b:s1+s4], $0x80, v3, vm0, $0xb8;
	[tilespmem:$0x18800] =	vst v63  }
0xb0: {  	v3 =	vld [tilespmem:s0+$0x14800];
	_ =	sdelay $0x4  }
0xb1: {  	v4 =	vshll.u32 v3, $0x4  }
0xb2: {  	v3 =	vand.u32 $0x7, v3;
	v4 =	vand.u32 $0xFFFFFF80, v4  }
0xb3: {  	v3 =	vor.u32 v3, v4  }
0xb4: {  	v4 =	vperm.xlane v3, v0;
	_ =	sdelay $0x1  }
0xb5: {  	v3 =	vperm.xlane v3, v2;
	v4 =	vadd.s32 v1, v4;
	_ =	sdelay $0x1  }
0xb6: {  	v3 =	vadd.s32 v1, v3;
	_ =	sdelay $0x2  }
0xb7: {  	[tilespmem:s12], [sflag:$0x2] =	stream.indirect_vreg.gather [hbm4b:s1+s4], $0x80, v4, vm0, $0xb8;
	[tilespmem:$0x18800] =	vst v63  }
0xb8: {  	_ = 	snop  }
0xb9: {  	[tilespmem:s13], [sflag:$0x2] =	stream.indirect_vreg.gather [hbm4b:s1+s4], $0x80, v3, vm0, $0xb8;
	[tilespmem:$0x18800] =	vst v63  }
0xba: {  	v3 =	vld [tilespmem:s0+$0x15000];
	_ =	sdelay $0x4  }
0xbb: {  	v4 =	vshll.u32 v3, $0x4  }
0xbc: {  	v3 =	vand.u32 $0x7, v3;
	v4 =	vand.u32 $0xFFFFFF80, v4  }
0xbd: {  	v3 =	vor.u32 v3, v4  }
0xbe: {  	v4 =	vperm.xlane v3, v0;
	_ =	sdelay $0x1  }
0xbf: {  	v3 =	vperm.xlane v3, v2;
	v4 =	vadd.s32 v1, v4;
	_ =	sdelay $0x1  }
0xc0: {  	v3 =	vadd.s32 v1, v3;
	_ =	sdelay $0x2  }
0xc1: {  	[tilespmem:s15], [sflag:$0x2] =	stream.indirect_vreg.gather [hbm4b:s1+s4], $0x80, v4, vm0, $0xb8;
	[tilespmem:$0x18800] =	vst v63  }
0xc2: {  	_ = 	snop  }
0xc3: {  	[tilespmem:s16], [sflag:$0x2] =	stream.indirect_vreg.gather [hbm4b:s1+s4], $0x80, v3, vm0, $0xb8;
	[tilespmem:$0x18800] =	vst v63  }
0xc4: {  	v3 =	vld [tilespmem:s0+$0x15800];
	_ =	sdelay $0x4  }
0xc5: {  	v4 =	vshll.u32 v3, $0x4  }
0xc6: {  	v3 =	vand.u32 $0x7, v3;
	v4 =	vand.u32 $0xFFFFFF80, v4  }
0xc7: {  	v3 =	vor.u32 v3, v4  }
0xc8: {  	v4 =	vperm.xlane v3, v0;
	_ =	sdelay $0x1  }
0xc9: {  	v3 =	vperm.xlane v3, v2;
	v4 =	vadd.s32 v1, v4;
	_ =	sdelay $0x1  }
0xca: {  	v3 =	vadd.s32 v1, v3;
	_ =	sdelay $0x2  }
0xcb: {  	[tilespmem:s17], [sflag:$0x2] =	stream.indirect_vreg.gather [hbm4b:s1+s4], $0x80, v4, vm0, $0xb8;
	[tilespmem:$0x18800] =	vst v63  }
0xcc: {  	_ = 	snop  }
0xcd: {  	[tilespmem:s18], [sflag:$0x2] =	stream.indirect_vreg.gather [hbm4b:s1+s4], $0x80, v3, vm0, $0xb8;
	[tilespmem:$0x18800] =	vst v63  }
0xce: {  	v3 =	vld [tilespmem:s0+$0x16000];
	_ =	sdelay $0x4  }
0xcf: {  	v4 =	vshll.u32 v3, $0x4  }
0xd0: {  	v3 =	vand.u32 $0x7, v3;
	v4 =	vand.u32 $0xFFFFFF80, v4  }
0xd1: {  	v3 =	vor.u32 v3, v4  }
0xd2: {  	v4 =	vperm.xlane v3, v0;
	_ =	sdelay $0x1  }
0xd3: {  	v3 =	vperm.xlane v3, v2;
	v4 =	vadd.s32 v1, v4;
	_ =	sdelay $0x1  }
0xd4: {  	v3 =	vadd.s32 v1, v3;
	_ =	sdelay $0x2  }
0xd5: {  	[tilespmem:s19], [sflag:$0x2] =	stream.indirect_vreg.gather [hbm4b:s1+s4], $0x80, v4, vm0, $0xb8;
	[tilespmem:$0x18800] =	vst v63  }
0xd6: {  	_ = 	snop  }
0xd7: {  	[tilespmem:s20], [sflag:$0x2] =	stream.indirect_vreg.gather [hbm4b:s1+s4], $0x80, v3, vm0, $0xb8;
	[tilespmem:$0x18800] =	vst v63  }
0xd8: {  	_ =	swait.ge [sflag:s21], $0x1000  }
0xd9: {  	[sflag:s21] =	ssyncset.done $0x0  }
0xda: {  	[sflag:s21] =	ssyncadd.s32 $0xFFFFF000  }
0xdb: {  	_ =	swait.ge [sflag:s21], $0x1000  }
0xdc: {  	[sflag:s21] =	ssyncset.done $0x0  }
0xdd: {  	[sflag:s21] =	ssyncadd.s32 $0xFFFFF000  }
0xde: {  	_ =	swait.ge [sflag:s21], $0x1000  }
0xdf: {  	[sflag:s21] =	ssyncset.done $0x0  }
0xe0: {  	[sflag:s21] =	ssyncadd.s32 $0xFFFFF000  }
0xe1: {  	_ =	swait.ge [sflag:s21], $0x1000  }
0xe2: {  	[sflag:s21] =	ssyncset.done $0x0  }
0xe3: {  	[sflag:s21] =	ssyncadd.s32 $0xFFFFF000  }
0xe4: {  	_ =	swait.ge [sflag:s21], $0x1000  }
0xe5: {  	[sflag:s21] =	ssyncset.done $0x0  }
0xe6: {  	[sflag:s21] =	ssyncadd.s32 $0xFFFFF000  }
0xe7: {  	_ =	swait.ge [sflag:s21], $0x1000  }
0xe8: {  	[sflag:s21] =	ssyncset.done $0x0  }
0xe9: {  	[sflag:s21] =	ssyncadd.s32 $0xFFFFF000  }
0xea: {  	_ =	swait.ge [sflag:s21], $0x1000  }
0xeb: {  	[sflag:s21] =	ssyncset.done $0x0  }
0xec: {  	[sflag:s21] =	ssyncadd.s32 $0xFFFFF000  }
0xed: {  	_ =	swait.ge [sflag:s21], $0x1000  }
0xee: {  	[sflag:s21] =	ssyncset.done $0x0  }
0xef: {  	[sflag:s21] =	ssyncadd.s32 $0xFFFFF000  }
0xf0: {  	_ =	swait.ge [sflag:s21], $0x1000  }
0xf1: {  	p0 =	seq.s32 s25, $0x0;
	[sflag:s21] =	ssyncset.done $0x0  }
0xf2: {  	s0 =	simm.s32 @!p0 $0x3;
	[sflag:s21] =	ssyncadd.s32 $0xFFFFF000  }
0xf3: {  	s9 =	simm.s32 $0x0;
	_ =	swait.ge @!p0 [sflag:s0], $0x1000  }
0xf4: {  	s29 =	sand.u32 $0x400, s9;
	s31 =	sand.u32 $0x70, s9;
	[sflag:s0] =	ssyncset.done @!p0 $0x0  }
0xf5: {  	s10 =	sor.u32 s31, s29;
	[sflag:s0] =	ssyncadd.s32 @!p0 $0xFFFFF000  }
0xf6: {  	v3 =	vld [tilespmem:s10+$0x0]  }
0xf7: {  	v4 =	vld [tilespmem:s10+$0x2000];
	_ =	sdelay $0x1  }
0xf8: {  	v5 =	vld [tilespmem:s10+$0x4000];
	_ =	sdelay $0x1  }
0xf9: {  	v6 =	vld [tilespmem:s10+$0x6000]  }
0xfa: {  	v3 =	vadd.f32 v4, v3  }
0xfb: {  	v4 =	vld [tilespmem:s10+$0x8000]  }
0xfc: {  	v3 =	vadd.f32 v5, v3  }
0xfd: {  	v5 =	vld [tilespmem:s10+$0xA000]  }
0xfe: {  	v3 =	vadd.f32 v6, v3  }
0xff: {  	v6 =	vld [tilespmem:s10+$0xC000]  }
0x100: {  	v3 =	vadd.f32 v4, v3  }
0x101: {  	v4 =	vld [tilespmem:s10+$0xE000]  }
0x102: {  	v3 =	vadd.f32 v5, v3  }
0x103: {  	v5 =	vld [tilespmem:s10+$0x10000]  }
0x104: {  	v3 =	vadd.f32 v6, v3;
	_ =	sdelay $0x1  }
0x105: {  	v3 =	vadd.f32 v4, v3;
	_ =	sdelay $0x1  }
0x106: {  	s31 =	sand.u32 $0xFFFFFC00, s9;
	v3 =	vadd.f32 v5, v3  }
0x107: {  	s1 =	sadd.s32 $0x0, s31  }
0x108: {  	s29 =	sor.u32 $0x80, s1;
	[tilespmem:s10+$0x16800] =	vst v3  }
0x109: {  	v3 =	vld [tilespmem:s29+$0x0]  }
0x10a: {  	v4 =	vld [tilespmem:s29+$0x2000];
	_ =	sdelay $0x1  }
0x10b: {  	v5 =	vld [tilespmem:s29+$0x4000];
	_ =	sdelay $0x1  }
0x10c: {  	v6 =	vld [tilespmem:s29+$0x6000]  }
0x10d: {  	v3 =	vadd.f32 v4, v3  }
0x10e: {  	v4 =	vld [tilespmem:s29+$0x8000]  }
0x10f: {  	v3 =	vadd.f32 v5, v3  }
0x110: {  	v5 =	vld [tilespmem:s29+$0xA000]  }
0x111: {  	v3 =	vadd.f32 v6, v3  }
0x112: {  	v6 =	vld [tilespmem:s29+$0xC000]  }
0x113: {  	v3 =	vadd.f32 v4, v3  }
0x114: {  	v4 =	vld [tilespmem:s29+$0xE000]  }
0x115: {  	v3 =	vadd.f32 v5, v3  }
0x116: {  	v5 =	vld [tilespmem:s29+$0x10000]  }
0x117: {  	v3 =	vadd.f32 v6, v3;
	_ =	sdelay $0x1  }
0x118: {  	v3 =	vadd.f32 v4, v3;
	_ =	sdelay $0x1  }
0x119: {  	v3 =	vadd.f32 v5, v3;
	_ =	sdelay $0x1  }
0x11a: {  	[tilespmem:s29+$0x16800] =	vst v3  }
0x11b: {  	v3 =	vld [tilespmem:s10+$0x100]  }
0x11c: {  	v4 =	vld [tilespmem:s10+$0x2100];
	_ =	sdelay $0x1  }
0x11d: {  	v5 =	vld [tilespmem:s10+$0x4100];
	_ =	sdelay $0x1  }
0x11e: {  	v6 =	vld [tilespmem:s10+$0x6100]  }
0x11f: {  	v3 =	vadd.f32 v4, v3  }
0x120: {  	v4 =	vld [tilespmem:s10+$0x8100]  }
0x121: {  	v3 =	vadd.f32 v5, v3  }
0x122: {  	v5 =	vld [tilespmem:s10+$0xA100]  }
0x123: {  	v3 =	vadd.f32 v6, v3  }
0x124: {  	v6 =	vld [tilespmem:s10+$0xC100]  }
0x125: {  	v3 =	vadd.f32 v4, v3  }
0x126: {  	v4 =	vld [tilespmem:s10+$0xE100]  }
0x127: {  	v3 =	vadd.f32 v5, v3  }
0x128: {  	v5 =	vld [tilespmem:s10+$0x10100]  }
0x129: {  	v3 =	vadd.f32 v6, v3;
	_ =	sdelay $0x1  }
0x12a: {  	v3 =	vadd.f32 v4, v3;
	_ =	sdelay $0x1  }
0x12b: {  	v3 =	vadd.f32 v5, v3;
	_ =	sdelay $0x1  }
0x12c: {  	s29 =	sor.u32 $0x180, s1;
	[tilespmem:s10+$0x16900] =	vst v3  }
0x12d: {  	v3 =	vld [tilespmem:s29+$0x0]  }
0x12e: {  	v4 =	vld [tilespmem:s29+$0x2000];
	_ =	sdelay $0x1  }
0x12f: {  	v5 =	vld [tilespmem:s29+$0x4000];
	_ =	sdelay $0x1  }
0x130: {  	v6 =	vld [tilespmem:s29+$0x6000]  }
0x131: {  	v3 =	vadd.f32 v4, v3  }
0x132: {  	v4 =	vld [tilespmem:s29+$0x8000]  }
0x133: {  	v3 =	vadd.f32 v5, v3  }
0x134: {  	v5 =	vld [tilespmem:s29+$0xA000]  }
0x135: {  	v3 =	vadd.f32 v6, v3  }
0x136: {  	v6 =	vld [tilespmem:s29+$0xC000]  }
0x137: {  	v3 =	vadd.f32 v4, v3  }
0x138: {  	v4 =	vld [tilespmem:s29+$0xE000]  }
0x139: {  	v3 =	vadd.f32 v5, v3  }
0x13a: {  	v5 =	vld [tilespmem:s29+$0x10000]  }
0x13b: {  	v3 =	vadd.f32 v6, v3;
	_ =	sdelay $0x1  }
0x13c: {  	v3 =	vadd.f32 v4, v3;
	_ =	sdelay $0x1  }
0x13d: {  	v3 =	vadd.f32 v5, v3;
	_ =	sdelay $0x1  }
0x13e: {  	[tilespmem:s29+$0x16800] =	vst v3  }
0x13f: {  	v3 =	vld [tilespmem:s10+$0x200]  }
0x140: {  	v4 =	vld [tilespmem:s10+$0x2200];
	_ =	sdelay $0x1  }
0x141: {  	v5 =	vld [tilespmem:s10+$0x4200];
	_ =	sdelay $0x1  }
0x142: {  	v6 =	vld [tilespmem:s10+$0x6200]  }
0x143: {  	v3 =	vadd.f32 v4, v3  }
0x144: {  	v4 =	vld [tilespmem:s10+$0x8200]  }
0x145: {  	v3 =	vadd.f32 v5, v3  }
0x146: {  	v5 =	vld [tilespmem:s10+$0xA200]  }
0x147: {  	v3 =	vadd.f32 v6, v3  }
0x148: {  	v6 =	vld [tilespmem:s10+$0xC200]  }
0x149: {  	v3 =	vadd.f32 v4, v3  }
0x14a: {  	v4 =	vld [tilespmem:s10+$0xE200]  }
0x14b: {  	v3 =	vadd.f32 v5, v3  }
0x14c: {  	v5 =	vld [tilespmem:s10+$0x10200]  }
0x14d: {  	v3 =	vadd.f32 v6, v3;
	_ =	sdelay $0x1  }
0x14e: {  	v3 =	vadd.f32 v4, v3;
	_ =	sdelay $0x1  }
0x14f: {  	v3 =	vadd.f32 v5, v3;
	_ =	sdelay $0x1  }
0x150: {  	s29 =	sor.u32 $0x280, s1;
	[tilespmem:s10+$0x16A00] =	vst v3  }
0x151: {  	v3 =	vld [tilespmem:s29+$0x0]  }
0x152: {  	v4 =	vld [tilespmem:s29+$0x2000];
	_ =	sdelay $0x1  }
0x153: {  	v5 =	vld [tilespmem:s29+$0x4000];
	_ =	sdelay $0x1  }
0x154: {  	v6 =	vld [tilespmem:s29+$0x6000]  }
0x155: {  	v3 =	vadd.f32 v4, v3  }
0x156: {  	v4 =	vld [tilespmem:s29+$0x8000]  }
0x157: {  	v3 =	vadd.f32 v5, v3  }
0x158: {  	v5 =	vld [tilespmem:s29+$0xA000]  }
0x159: {  	v3 =	vadd.f32 v6, v3  }
0x15a: {  	v6 =	vld [tilespmem:s29+$0xC000]  }
0x15b: {  	v3 =	vadd.f32 v4, v3  }
0x15c: {  	v4 =	vld [tilespmem:s29+$0xE000]  }
0x15d: {  	v3 =	vadd.f32 v5, v3  }
0x15e: {  	v5 =	vld [tilespmem:s29+$0x10000]  }
0x15f: {  	v3 =	vadd.f32 v6, v3;
	_ =	sdelay $0x1  }
0x160: {  	v3 =	vadd.f32 v4, v3;
	_ =	sdelay $0x1  }
0x161: {  	v3 =	vadd.f32 v5, v3;
	_ =	sdelay $0x1  }
0x162: {  	[tilespmem:s29+$0x16800] =	vst v3  }
0x163: {  	v3 =	vld [tilespmem:s10+$0x300]  }
0x164: {  	v4 =	vld [tilespmem:s10+$0x2300];
	_ =	sdelay $0x1  }
0x165: {  	v5 =	vld [tilespmem:s10+$0x4300];
	_ =	sdelay $0x1  }
0x166: {  	v6 =	vld [tilespmem:s10+$0x6300]  }
0x167: {  	v3 =	vadd.f32 v4, v3  }
0x168: {  	v4 =	vld [tilespmem:s10+$0x8300]  }
0x169: {  	v3 =	vadd.f32 v5, v3  }
0x16a: {  	v5 =	vld [tilespmem:s10+$0xA300]  }
0x16b: {  	v3 =	vadd.f32 v6, v3  }
0x16c: {  	v6 =	vld [tilespmem:s10+$0xC300]  }
0x16d: {  	v3 =	vadd.f32 v4, v3  }
0x16e: {  	v4 =	vld [tilespmem:s10+$0xE300]  }
0x16f: {  	v3 =	vadd.f32 v5, v3  }
0x170: {  	v5 =	vld [tilespmem:s10+$0x10300]  }
0x171: {  	v3 =	vadd.f32 v6, v3;
	_ =	sdelay $0x1  }
0x172: {  	v3 =	vadd.f32 v4, v3;
	_ =	sdelay $0x1  }
0x173: {  	v3 =	vadd.f32 v5, v3  }
0x174: {  	s29 =	sor.u32 s9, s9  }
0x175: {  	s30 =	sor.u32 $0x380, s29;
	[tilespmem:s10+$0x16B00] =	vst v3  }
0x176: {  	v3 =	vld [tilespmem:s30+$0x0]  }
0x177: {  	v4 =	vld [tilespmem:s30+$0x2000];
	_ =	sdelay $0x1  }
0x178: {  	v5 =	vld [tilespmem:s30+$0x4000];
	_ =	sdelay $0x1  }
0x179: {  	v6 =	vld [tilespmem:s30+$0x6000]  }
0x17a: {  	v3 =	vadd.f32 v4, v3  }
0x17b: {  	v4 =	vld [tilespmem:s30+$0x8000]  }
0x17c: {  	v3 =	vadd.f32 v5, v3  }
0x17d: {  	v5 =	vld [tilespmem:s30+$0xA000]  }
0x17e: {  	v3 =	vadd.f32 v6, v3  }
0x17f: {  	v6 =	vld [tilespmem:s30+$0xC000]  }
0x180: {  	v3 =	vadd.f32 v4, v3  }
0x181: {  	v4 =	vld [tilespmem:s30+$0xE000]  }
0x182: {  	v3 =	vadd.f32 v5, v3  }
0x183: {  	v5 =	vld [tilespmem:s30+$0x10000]  }
0x184: {  	v3 =	vadd.f32 v6, v3;
	_ =	sdelay $0x1  }
0x185: {  	v3 =	vadd.f32 v4, v3;
	_ =	sdelay $0x1  }
0x186: {  	v3 =	vadd.f32 v5, v3;
	_ =	sdelay $0x1  }
0x187: {  	[tilespmem:s30+$0x16800] =	vst v3  }
0x188: {  	v3 =	vld [tilespmem:s10+$0x800]  }
0x189: {  	v4 =	vld [tilespmem:s10+$0x2800];
	_ =	sdelay $0x1  }
0x18a: {  	v5 =	vld [tilespmem:s10+$0x4800];
	_ =	sdelay $0x1  }
0x18b: {  	v6 =	vld [tilespmem:s10+$0x6800]  }
0x18c: {  	v3 =	vadd.f32 v4, v3  }
0x18d: {  	v4 =	vld [tilespmem:s10+$0x8800]  }
0x18e: {  	v3 =	vadd.f32 v5, v3  }
0x18f: {  	v5 =	vld [tilespmem:s10+$0xA800]  }
0x190: {  	v3 =	vadd.f32 v6, v3  }
0x191: {  	v6 =	vld [tilespmem:s10+$0xC800]  }
0x192: {  	v3 =	vadd.f32 v4, v3  }
0x193: {  	v4 =	vld [tilespmem:s10+$0xE800]  }
0x194: {  	v3 =	vadd.f32 v5, v3  }
0x195: {  	v5 =	vld [tilespmem:s10+$0x10800]  }
0x196: {  	v3 =	vadd.f32 v6, v3;
	_ =	sdelay $0x1  }
0x197: {  	v3 =	vadd.f32 v4, v3;
	_ =	sdelay $0x1  }
0x198: {  	v3 =	vadd.f32 v5, v3;
	_ =	sdelay $0x1  }
0x199: {  	s30 =	sor.u32 $0x880, s1;
	[tilespmem:s10+$0x17000] =	vst v3  }
0x19a: {  	v3 =	vld [tilespmem:s30+$0x0]  }
0x19b: {  	v4 =	vld [tilespmem:s30+$0x2000];
	_ =	sdelay $0x1  }
0x19c: {  	v5 =	vld [tilespmem:s30+$0x4000];
	_ =	sdelay $0x1  }
0x19d: {  	v6 =	vld [tilespmem:s30+$0x6000]  }
0x19e: {  	v3 =	vadd.f32 v4, v3  }
0x19f: {  	v4 =	vld [tilespmem:s30+$0x8000]  }
0x1a0: {  	v3 =	vadd.f32 v5, v3  }
0x1a1: {  	v5 =	vld [tilespmem:s30+$0xA000]  }
0x1a2: {  	v3 =	vadd.f32 v6, v3  }
0x1a3: {  	v6 =	vld [tilespmem:s30+$0xC000]  }
0x1a4: {  	v3 =	vadd.f32 v4, v3  }
0x1a5: {  	v4 =	vld [tilespmem:s30+$0xE000]  }
0x1a6: {  	v3 =	vadd.f32 v5, v3  }
0x1a7: {  	v5 =	vld [tilespmem:s30+$0x10000]  }
0x1a8: {  	v3 =	vadd.f32 v6, v3;
	_ =	sdelay $0x1  }
0x1a9: {  	v3 =	vadd.f32 v4, v3;
	_ =	sdelay $0x1  }
0x1aa: {  	v3 =	vadd.f32 v5, v3;
	_ =	sdelay $0x1  }
0x1ab: {  	[tilespmem:s30+$0x16800] =	vst v3  }
0x1ac: {  	v3 =	vld [tilespmem:s10+$0x900]  }
0x1ad: {  	v4 =	vld [tilespmem:s10+$0x2900];
	_ =	sdelay $0x1  }
0x1ae: {  	v5 =	vld [tilespmem:s10+$0x4900];
	_ =	sdelay $0x1  }
0x1af: {  	v6 =	vld [tilespmem:s10+$0x6900]  }
0x1b0: {  	v3 =	vadd.f32 v4, v3  }
0x1b1: {  	v4 =	vld [tilespmem:s10+$0x8900]  }
0x1b2: {  	v3 =	vadd.f32 v5, v3  }
0x1b3: {  	v5 =	vld [tilespmem:s10+$0xA900]  }
0x1b4: {  	v3 =	vadd.f32 v6, v3  }
0x1b5: {  	v6 =	vld [tilespmem:s10+$0xC900]  }
0x1b6: {  	v3 =	vadd.f32 v4, v3  }
0x1b7: {  	v4 =	vld [tilespmem:s10+$0xE900]  }
0x1b8: {  	v3 =	vadd.f32 v5, v3  }
0x1b9: {  	v5 =	vld [tilespmem:s10+$0x10900]  }
0x1ba: {  	v3 =	vadd.f32 v6, v3;
	_ =	sdelay $0x1  }
0x1bb: {  	v3 =	vadd.f32 v4, v3;
	_ =	sdelay $0x1  }
0x1bc: {  	v3 =	vadd.f32 v5, v3;
	_ =	sdelay $0x1  }
0x1bd: {  	s30 =	sor.u32 $0x980, s1;
	[tilespmem:s10+$0x17100] =	vst v3  }
0x1be: {  	v3 =	vld [tilespmem:s30+$0x0]  }
0x1bf: {  	v4 =	vld [tilespmem:s30+$0x2000];
	_ =	sdelay $0x1  }
0x1c0: {  	v5 =	vld [tilespmem:s30+$0x4000];
	_ =	sdelay $0x1  }
0x1c1: {  	v6 =	vld [tilespmem:s30+$0x6000]  }
0x1c2: {  	v3 =	vadd.f32 v4, v3  }
0x1c3: {  	v4 =	vld [tilespmem:s30+$0x8000]  }
0x1c4: {  	v3 =	vadd.f32 v5, v3  }
0x1c5: {  	v5 =	vld [tilespmem:s30+$0xA000]  }
0x1c6: {  	v3 =	vadd.f32 v6, v3  }
0x1c7: {  	v6 =	vld [tilespmem:s30+$0xC000]  }
0x1c8: {  	v3 =	vadd.f32 v4, v3  }
0x1c9: {  	v4 =	vld [tilespmem:s30+$0xE000]  }
0x1ca: {  	v3 =	vadd.f32 v5, v3  }
0x1cb: {  	v5 =	vld [tilespmem:s30+$0x10000]  }
0x1cc: {  	v3 =	vadd.f32 v6, v3;
	_ =	sdelay $0x1  }
0x1cd: {  	v3 =	vadd.f32 v4, v3;
	_ =	sdelay $0x1  }
0x1ce: {  	v3 =	vadd.f32 v5, v3;
	_ =	sdelay $0x1  }
0x1cf: {  	[tilespmem:s30+$0x16800] =	vst v3  }
0x1d0: {  	v3 =	vld [tilespmem:s10+$0xA00]  }
0x1d1: {  	v4 =	vld [tilespmem:s10+$0x2A00];
	_ =	sdelay $0x1  }
0x1d2: {  	v5 =	vld [tilespmem:s10+$0x4A00];
	_ =	sdelay $0x1  }
0x1d3: {  	v6 =	vld [tilespmem:s10+$0x6A00]  }
0x1d4: {  	v3 =	vadd.f32 v4, v3  }
0x1d5: {  	v4 =	vld [tilespmem:s10+$0x8A00]  }
0x1d6: {  	v3 =	vadd.f32 v5, v3  }
0x1d7: {  	v5 =	vld [tilespmem:s10+$0xAA00]  }
0x1d8: {  	v3 =	vadd.f32 v6, v3  }
0x1d9: {  	v6 =	vld [tilespmem:s10+$0xCA00]  }
0x1da: {  	v3 =	vadd.f32 v4, v3  }
0x1db: {  	v4 =	vld [tilespmem:s10+$0xEA00]  }
0x1dc: {  	v3 =	vadd.f32 v5, v3  }
0x1dd: {  	v5 =	vld [tilespmem:s10+$0x10A00]  }
0x1de: {  	v3 =	vadd.f32 v6, v3;
	_ =	sdelay $0x1  }
0x1df: {  	v3 =	vadd.f32 v4, v3;
	_ =	sdelay $0x1  }
0x1e0: {  	v3 =	vadd.f32 v5, v3;
	_ =	sdelay $0x1  }
0x1e1: {  	s1 =	sor.u32 $0xA80, s1;
	[tilespmem:s10+$0x17200] =	vst v3  }
0x1e2: {  	v3 =	vld [tilespmem:s1+$0x0]  }
0x1e3: {  	v4 =	vld [tilespmem:s1+$0x2000];
	_ =	sdelay $0x1  }
0x1e4: {  	v5 =	vld [tilespmem:s1+$0x4000];
	_ =	sdelay $0x1  }
0x1e5: {  	v6 =	vld [tilespmem:s1+$0x6000]  }
0x1e6: {  	v3 =	vadd.f32 v4, v3  }
0x1e7: {  	v4 =	vld [tilespmem:s1+$0x8000]  }
0x1e8: {  	v3 =	vadd.f32 v5, v3  }
0x1e9: {  	v5 =	vld [tilespmem:s1+$0xA000]  }
0x1ea: {  	v3 =	vadd.f32 v6, v3  }
0x1eb: {  	v6 =	vld [tilespmem:s1+$0xC000]  }
0x1ec: {  	v3 =	vadd.f32 v4, v3  }
0x1ed: {  	v4 =	vld [tilespmem:s1+$0xE000]  }
0x1ee: {  	v3 =	vadd.f32 v5, v3  }
0x1ef: {  	v5 =	vld [tilespmem:s1+$0x10000]  }
0x1f0: {  	v3 =	vadd.f32 v6, v3;
	_ =	sdelay $0x1  }
0x1f1: {  	v3 =	vadd.f32 v4, v3;
	_ =	sdelay $0x1  }
0x1f2: {  	v3 =	vadd.f32 v5, v3;
	_ =	sdelay $0x1  }
0x1f3: {  	[tilespmem:s1+$0x16800] =	vst v3  }
0x1f4: {  	v3 =	vld [tilespmem:s10+$0xB00]  }
0x1f5: {  	v4 =	vld [tilespmem:s10+$0x2B00];
	_ =	sdelay $0x1  }
0x1f6: {  	v5 =	vld [tilespmem:s10+$0x4B00];
	_ =	sdelay $0x1  }
0x1f7: {  	v6 =	vld [tilespmem:s10+$0x6B00]  }
0x1f8: {  	v3 =	vadd.f32 v4, v3  }
0x1f9: {  	v4 =	vld [tilespmem:s10+$0x8B00]  }
0x1fa: {  	v3 =	vadd.f32 v5, v3  }
0x1fb: {  	v5 =	vld [tilespmem:s10+$0xAB00]  }
0x1fc: {  	v3 =	vadd.f32 v6, v3  }
0x1fd: {  	v6 =	vld [tilespmem:s10+$0xCB00]  }
0x1fe: {  	v3 =	vadd.f32 v4, v3  }
0x1ff: {  	v4 =	vld [tilespmem:s10+$0xEB00]  }
0x200: {  	v3 =	vadd.f32 v5, v3  }
0x201: {  	v5 =	vld [tilespmem:s10+$0x10B00]  }
0x202: {  	v3 =	vadd.f32 v6, v3;
	_ =	sdelay $0x1  }
0x203: {  	v3 =	vadd.f32 v4, v3;
	_ =	sdelay $0x1  }
0x204: {  	v3 =	vadd.f32 v5, v3;
	_ =	sdelay $0x1  }
0x205: {  	s1 =	sor.u32 $0xB80, s29;
	[tilespmem:s10+$0x17300] =	vst v3  }
0x206: {  	v5 =	vld [tilespmem:s1+$0x0]  }
0x207: {  	v7 =	vld [tilespmem:s1+$0x2000]  }
0x208: {  	v6 =	vld [tilespmem:s1+$0x4000]  }
0x209: {  	v3 =	vld [tilespmem:s1+$0x6000]  }
0x20a: {  	s30 =	simm.s32 $0x10;
	s29 =	sshll.u32 s25, $0x1;
	v4 =	vld [tilespmem:s1+$0x8000]  }
.LBB2_3:
0x20b: {  	p1 =	sne.s32 s30, $0xF0  }
0x20c: {  	v8 =	vld [tilespmem:s1+$0xA000];
	s9 =	sadd.s32 $0x80, s9;
	s0 =	smov.u32 s30;
	s30 =	sadd.s32 $0x10, s30  }
0x20d: {  	v5 =	vadd.f32 v7, v5;
	v7 =	vld [tilespmem:s1+$0xC000]  }
0x20e: {  	v9 =	vld [tilespmem:s1+$0xE000]  }
0x20f: {  	v5 =	vadd.f32 v6, v5;
	v6 =	vld [tilespmem:s1+$0x10000];
	_ =	sdelay $0x1  }
0x210: {  	v3 =	vadd.f32 v3, v5;
	_ =	sdelay $0x1  }
0x211: {  	v3 =	vadd.f32 v4, v3;
	_ =	sdelay $0x1  }
0x212: {  	v3 =	vadd.f32 v8, v3;
	_ =	sdelay $0x1  }
0x213: {  	v3 =	vadd.f32 v7, v3;
	_ =	sdelay $0x1  }
0x214: {  	v3 =	vadd.f32 v9, v3;
	_ =	sdelay $0x1  }
0x215: {  	s31 =	sand.u32 $0x70, s0;
	s10 =	sand.u32 $0x400, s9;
	v3 =	vadd.f32 v6, v3  }
0x216: {  	s31 =	sor.u32 s31, s10  }
0x217: {  	[tilespmem:s1+$0x16800] =	vst v3  }
0x218: {  	v3 =	vld [tilespmem:s31+$0x0]  }
0x219: {  	v4 =	vld [tilespmem:s31+$0x2000]  }
0x21a: {  	v5 =	vld [tilespmem:s31+$0x4000];
	_ =	sdelay $0x1  }
0x21b: {  	v6 =	vld [tilespmem:s31+$0x6000];
	_ =	sdelay $0x1  }
0x21c: {  	v3 =	vadd.f32 v4, v3;
	v4 =	vld [tilespmem:s31+$0x8000];
	_ =	sdelay $0x1  }
0x21d: {  	v3 =	vadd.f32 v5, v3;
	v5 =	vld [tilespmem:s31+$0xA000];
	_ =	sdelay $0x1  }
0x21e: {  	v3 =	vadd.f32 v6, v3;
	v6 =	vld [tilespmem:s31+$0xC000];
	_ =	sdelay $0x1  }
0x21f: {  	v3 =	vadd.f32 v4, v3;
	v4 =	vld [tilespmem:s31+$0xE000];
	_ =	sdelay $0x1  }
0x220: {  	v3 =	vadd.f32 v5, v3  }
0x221: {  	v5 =	vld [tilespmem:s31+$0x10000]  }
0x222: {  	v3 =	vadd.f32 v6, v3;
	_ =	sdelay $0x1  }
0x223: {  	v3 =	vadd.f32 v4, v3;
	_ =	sdelay $0x1  }
0x224: {  	s1 =	sand.u32 $0xFFFFFC00, s9;
	v3 =	vadd.f32 v5, v3  }
0x225: {  	s1 =	sadd.s32 s1, s0  }
0x226: {  	s10 =	sor.u32 $0x80, s1;
	[tilespmem:s31+$0x16800] =	vst v3  }
0x227: {  	v3 =	vld [tilespmem:s10+$0x0]  }
0x228: {  	v4 =	vld [tilespmem:s10+$0x2000];
	_ =	sdelay $0x1  }
0x229: {  	v5 =	vld [tilespmem:s10+$0x4000];
	_ =	sdelay $0x1  }
0x22a: {  	v6 =	vld [tilespmem:s10+$0x6000]  }
0x22b: {  	v3 =	vadd.f32 v4, v3  }
0x22c: {  	v4 =	vld [tilespmem:s10+$0x8000]  }
0x22d: {  	v3 =	vadd.f32 v5, v3  }
0x22e: {  	v5 =	vld [tilespmem:s10+$0xA000]  }
0x22f: {  	v3 =	vadd.f32 v6, v3  }
0x230: {  	v6 =	vld [tilespmem:s10+$0xC000]  }
0x231: {  	v3 =	vadd.f32 v4, v3  }
0x232: {  	v4 =	vld [tilespmem:s10+$0xE000]  }
0x233: {  	v3 =	vadd.f32 v5, v3  }
0x234: {  	v5 =	vld [tilespmem:s10+$0x10000]  }
0x235: {  	v3 =	vadd.f32 v6, v3;
	_ =	sdelay $0x1  }
0x236: {  	v3 =	vadd.f32 v4, v3;
	_ =	sdelay $0x1  }
0x237: {  	v3 =	vadd.f32 v5, v3;
	_ =	sdelay $0x1  }
0x238: {  	[tilespmem:s10+$0x16800] =	vst v3  }
0x239: {  	v3 =	vld [tilespmem:s31+$0x100]  }
0x23a: {  	v4 =	vld [tilespmem:s31+$0x2100];
	_ =	sdelay $0x1  }
0x23b: {  	v5 =	vld [tilespmem:s31+$0x4100];
	_ =	sdelay $0x1  }
0x23c: {  	v6 =	vld [tilespmem:s31+$0x6100]  }
0x23d: {  	v3 =	vadd.f32 v4, v3  }
0x23e: {  	v4 =	vld [tilespmem:s31+$0x8100]  }
0x23f: {  	v3 =	vadd.f32 v5, v3  }
0x240: {  	v5 =	vld [tilespmem:s31+$0xA100]  }
0x241: {  	v3 =	vadd.f32 v6, v3  }
0x242: {  	v6 =	vld [tilespmem:s31+$0xC100]  }
0x243: {  	v3 =	vadd.f32 v4, v3  }
0x244: {  	v4 =	vld [tilespmem:s31+$0xE100]  }
0x245: {  	v3 =	vadd.f32 v5, v3  }
0x246: {  	v5 =	vld [tilespmem:s31+$0x10100]  }
0x247: {  	v3 =	vadd.f32 v6, v3;
	_ =	sdelay $0x1  }
0x248: {  	v3 =	vadd.f32 v4, v3;
	_ =	sdelay $0x1  }
0x249: {  	v3 =	vadd.f32 v5, v3;
	_ =	sdelay $0x1  }
0x24a: {  	s10 =	sor.u32 $0x180, s1;
	[tilespmem:s31+$0x16900] =	vst v3  }
0x24b: {  	v3 =	vld [tilespmem:s10+$0x0]  }
0x24c: {  	v4 =	vld [tilespmem:s10+$0x2000]  }
0x24d: {  	v5 =	vld [tilespmem:s10+$0x4000]  }
0x24e: {  	v6 =	vld [tilespmem:s10+$0x6000];
	_ =	sdelay $0x2  }
0x24f: {  	v3 =	vadd.f32 v4, v3  }
0x250: {  	v4 =	vld [tilespmem:s10+$0x8000]  }
0x251: {  	v3 =	vadd.f32 v5, v3  }
0x252: {  	v5 =	vld [tilespmem:s10+$0xA000]  }
0x253: {  	v3 =	vadd.f32 v6, v3  }
0x254: {  	v6 =	vld [tilespmem:s10+$0xC000]  }
0x255: {  	v3 =	vadd.f32 v4, v3  }
0x256: {  	v4 =	vld [tilespmem:s10+$0xE000]  }
0x257: {  	v3 =	vadd.f32 v5, v3  }
0x258: {  	v5 =	vld [tilespmem:s10+$0x10000]  }
0x259: {  	v3 =	vadd.f32 v6, v3;
	_ =	sdelay $0x1  }
0x25a: {  	v3 =	vadd.f32 v4, v3;
	_ =	sdelay $0x1  }
0x25b: {  	v3 =	vadd.f32 v5, v3;
	_ =	sdelay $0x1  }
0x25c: {  	[tilespmem:s10+$0x16800] =	vst v3  }
0x25d: {  	v3 =	vld [tilespmem:s31+$0x200]  }
0x25e: {  	v4 =	vld [tilespmem:s31+$0x2200]  }
0x25f: {  	v5 =	vld [tilespmem:s31+$0x4200]  }
0x260: {  	v6 =	vld [tilespmem:s31+$0x6200]  }
0x261: {  	v7 =	vld [tilespmem:s31+$0x8200]  }
0x262: {  	v8 =	vld [tilespmem:s31+$0xA200]  }
0x263: {  	v3 =	vadd.f32 v4, v3;
	_ =	sdelay $0x1  }
0x264: {  	v3 =	vadd.f32 v5, v3;
	_ =	sdelay $0x1  }
0x265: {  	v3 =	vadd.f32 v6, v3  }
0x266: {  	v4 =	vld [tilespmem:s31+$0xC200]  }
0x267: {  	v3 =	vadd.f32 v7, v3  }
0x268: {  	v5 =	vld [tilespmem:s31+$0xE200]  }
0x269: {  	v3 =	vadd.f32 v8, v3  }
0x26a: {  	v6 =	vld [tilespmem:s31+$0x10200]  }
0x26b: {  	v3 =	vadd.f32 v4, v3;
	_ =	sdelay $0x1  }
0x26c: {  	v3 =	vadd.f32 v5, v3;
	_ =	sdelay $0x1  }
0x26d: {  	v3 =	vadd.f32 v6, v3;
	_ =	sdelay $0x1  }
0x26e: {  	s10 =	sor.u32 $0x280, s1;
	[tilespmem:s31+$0x16A00] =	vst v3  }
0x26f: {  	v3 =	vld [tilespmem:s10+$0x0]  }
0x270: {  	v4 =	vld [tilespmem:s10+$0x2000]  }
0x271: {  	v5 =	vld [tilespmem:s10+$0x4000]  }
0x272: {  	v6 =	vld [tilespmem:s10+$0x6000]  }
0x273: {  	v7 =	vld [tilespmem:s10+$0x8000]  }
0x274: {  	v8 =	vld [tilespmem:s10+$0xA000]  }
0x275: {  	v3 =	vadd.f32 v4, v3;
	_ =	sdelay $0x1  }
0x276: {  	v3 =	vadd.f32 v5, v3;
	_ =	sdelay $0x1  }
0x277: {  	v3 =	vadd.f32 v6, v3  }
0x278: {  	v4 =	vld [tilespmem:s10+$0xC000]  }
0x279: {  	v3 =	vadd.f32 v7, v3  }
0x27a: {  	v5 =	vld [tilespmem:s10+$0xE000]  }
0x27b: {  	v3 =	vadd.f32 v8, v3  }
0x27c: {  	v6 =	vld [tilespmem:s10+$0x10000]  }
0x27d: {  	v3 =	vadd.f32 v4, v3;
	_ =	sdelay $0x1  }
0x27e: {  	v3 =	vadd.f32 v5, v3;
	_ =	sdelay $0x1  }
0x27f: {  	v3 =	vadd.f32 v6, v3;
	_ =	sdelay $0x1  }
0x280: {  	[tilespmem:s10+$0x16800] =	vst v3  }
0x281: {  	v3 =	vld [tilespmem:s31+$0x300]  }
0x282: {  	v4 =	vld [tilespmem:s31+$0x2300]  }
0x283: {  	v5 =	vld [tilespmem:s31+$0x4300]  }
0x284: {  	v6 =	vld [tilespmem:s31+$0x6300]  }
0x285: {  	v7 =	vld [tilespmem:s31+$0x8300];
	_ =	sdelay $0x1  }
0x286: {  	v3 =	vadd.f32 v4, v3;
	_ =	sdelay $0x1  }
0x287: {  	v3 =	vadd.f32 v5, v3  }
0x288: {  	v4 =	vld [tilespmem:s31+$0xA300]  }
0x289: {  	v3 =	vadd.f32 v6, v3  }
0x28a: {  	v5 =	vld [tilespmem:s31+$0xC300]  }
0x28b: {  	v3 =	vadd.f32 v7, v3  }
0x28c: {  	v6 =	vld [tilespmem:s31+$0xE300]  }
0x28d: {  	v3 =	vadd.f32 v4, v3  }
0x28e: {  	v4 =	vld [tilespmem:s31+$0x10300]  }
0x28f: {  	v3 =	vadd.f32 v5, v3;
	_ =	sdelay $0x1  }
0x290: {  	v3 =	vadd.f32 v6, v3;
	_ =	sdelay $0x1  }
0x291: {  	v3 =	vadd.f32 v4, v3  }
0x292: {  	s0 =	sor.u32 s0, s9  }
0x293: {  	s10 =	sor.u32 $0x380, s0;
	[tilespmem:s31+$0x16B00] =	vst v3  }
0x294: {  	v3 =	vld [tilespmem:s10+$0x0]  }
0x295: {  	v4 =	vld [tilespmem:s10+$0x2000]  }
0x296: {  	v5 =	vld [tilespmem:s10+$0x4000]  }
0x297: {  	v6 =	vld [tilespmem:s10+$0x6000];
	_ =	sdelay $0x2  }
0x298: {  	v3 =	vadd.f32 v4, v3  }
0x299: {  	v4 =	vld [tilespmem:s10+$0x8000]  }
0x29a: {  	v3 =	vadd.f32 v5, v3  }
0x29b: {  	v5 =	vld [tilespmem:s10+$0xA000]  }
0x29c: {  	v3 =	vadd.f32 v6, v3  }
0x29d: {  	v6 =	vld [tilespmem:s10+$0xC000]  }
0x29e: {  	v3 =	vadd.f32 v4, v3  }
0x29f: {  	v4 =	vld [tilespmem:s10+$0xE000]  }
0x2a0: {  	v3 =	vadd.f32 v5, v3  }
0x2a1: {  	v5 =	vld [tilespmem:s10+$0x10000]  }
0x2a2: {  	v3 =	vadd.f32 v6, v3;
	_ =	sdelay $0x1  }
0x2a3: {  	v3 =	vadd.f32 v4, v3;
	_ =	sdelay $0x1  }
0x2a4: {  	v3 =	vadd.f32 v5, v3;
	_ =	sdelay $0x1  }
0x2a5: {  	[tilespmem:s10+$0x16800] =	vst v3  }
0x2a6: {  	v3 =	vld [tilespmem:s31+$0x800]  }
0x2a7: {  	v4 =	vld [tilespmem:s31+$0x2800]  }
0x2a8: {  	v5 =	vld [tilespmem:s31+$0x6800]  }
0x2a9: {  	v6 =	vld [tilespmem:s31+$0x4800];
	_ =	sdelay $0x2  }
0x2aa: {  	v3 =	vadd.f32 v4, v3  }
0x2ab: {  	v4 =	vld [tilespmem:s31+$0x8800]  }
0x2ac: {  	v3 =	vadd.f32 v6, v3  }
0x2ad: {  	v6 =	vld [tilespmem:s31+$0xA800]  }
0x2ae: {  	v3 =	vadd.f32 v5, v3  }
0x2af: {  	v5 =	vld [tilespmem:s31+$0xC800]  }
0x2b0: {  	v3 =	vadd.f32 v4, v3  }
0x2b1: {  	v4 =	vld [tilespmem:s31+$0xE800]  }
0x2b2: {  	v3 =	vadd.f32 v6, v3  }
0x2b3: {  	v6 =	vld [tilespmem:s31+$0x10800]  }
0x2b4: {  	v3 =	vadd.f32 v5, v3;
	_ =	sdelay $0x1  }
0x2b5: {  	v3 =	vadd.f32 v4, v3;
	_ =	sdelay $0x1  }
0x2b6: {  	v3 =	vadd.f32 v6, v3;
	_ =	sdelay $0x1  }
0x2b7: {  	s10 =	sor.u32 $0x880, s1;
	[tilespmem:s31+$0x17000] =	vst v3  }
0x2b8: {  	v3 =	vld [tilespmem:s10+$0x0]  }
0x2b9: {  	v4 =	vld [tilespmem:s10+$0x2000]  }
0x2ba: {  	v5 =	vld [tilespmem:s10+$0x4000]  }
0x2bb: {  	v6 =	vld [tilespmem:s10+$0x6000]  }
0x2bc: {  	v7 =	vld [tilespmem:s10+$0x8000]  }
0x2bd: {  	v8 =	vld [tilespmem:s10+$0xA000]  }
0x2be: {  	v3 =	vadd.f32 v4, v3;
	v4 =	vld [tilespmem:s10+$0xC000]  }
0x2bf: {  	v9 =	vld [tilespmem:s10+$0xE000]  }
0x2c0: {  	v3 =	vadd.f32 v5, v3;
	v5 =	vld [tilespmem:s10+$0x10000];
	_ =	sdelay $0x1  }
0x2c1: {  	v3 =	vadd.f32 v6, v3;
	_ =	sdelay $0x1  }
0x2c2: {  	v3 =	vadd.f32 v7, v3;
	_ =	sdelay $0x1  }
0x2c3: {  	v3 =	vadd.f32 v8, v3;
	_ =	sdelay $0x1  }
0x2c4: {  	v3 =	vadd.f32 v4, v3;
	_ =	sdelay $0x1  }
0x2c5: {  	v3 =	vadd.f32 v9, v3;
	_ =	sdelay $0x1  }
0x2c6: {  	v3 =	vadd.f32 v5, v3;
	_ =	sdelay $0x1  }
0x2c7: {  	[tilespmem:s10+$0x16800] =	vst v3  }
0x2c8: {  	v3 =	vld [tilespmem:s31+$0x900]  }
0x2c9: {  	v4 =	vld [tilespmem:s31+$0x2900]  }
0x2ca: {  	v5 =	vld [tilespmem:s31+$0x4900]  }
0x2cb: {  	v6 =	vld [tilespmem:s31+$0xA900]  }
0x2cc: {  	v7 =	vld [tilespmem:s31+$0x6900]  }
0x2cd: {  	v8 =	vld [tilespmem:s31+$0x8900]  }
0x2ce: {  	v3 =	vadd.f32 v4, v3;
	v4 =	vld [tilespmem:s31+$0xC900]  }
0x2cf: {  	v9 =	vld [tilespmem:s31+$0xE900]  }
0x2d0: {  	v3 =	vadd.f32 v5, v3;
	v5 =	vld [tilespmem:s31+$0x10900];
	_ =	sdelay $0x1  }
0x2d1: {  	v3 =	vadd.f32 v7, v3;
	_ =	sdelay $0x1  }
0x2d2: {  	v3 =	vadd.f32 v8, v3;
	_ =	sdelay $0x1  }
0x2d3: {  	v3 =	vadd.f32 v6, v3;
	_ =	sdelay $0x1  }
0x2d4: {  	v3 =	vadd.f32 v4, v3;
	_ =	sdelay $0x1  }
0x2d5: {  	v3 =	vadd.f32 v9, v3;
	_ =	sdelay $0x1  }
0x2d6: {  	v3 =	vadd.f32 v5, v3;
	_ =	sdelay $0x1  }
0x2d7: {  	s10 =	sor.u32 $0x980, s1;
	[tilespmem:s31+$0x17100] =	vst v3  }
0x2d8: {  	v3 =	vld [tilespmem:s10+$0x0]  }
0x2d9: {  	v4 =	vld [tilespmem:s10+$0x2000]  }
0x2da: {  	v5 =	vld [tilespmem:s10+$0x4000]  }
0x2db: {  	v6 =	vld [tilespmem:s10+$0x6000]  }
0x2dc: {  	v7 =	vld [tilespmem:s10+$0xA000]  }
0x2dd: {  	v8 =	vld [tilespmem:s10+$0xC000]  }
0x2de: {  	v3 =	vadd.f32 v4, v3;
	v4 =	vld [tilespmem:s10+$0xE000]  }
0x2df: {  	v9 =	vld [tilespmem:s10+$0x8000]  }
0x2e0: {  	v3 =	vadd.f32 v5, v3;
	v5 =	vld [tilespmem:s10+$0x10000];
	_ =	sdelay $0x1  }
0x2e1: {  	v3 =	vadd.f32 v6, v3;
	_ =	sdelay $0x1  }
0x2e2: {  	v3 =	vadd.f32 v9, v3;
	_ =	sdelay $0x1  }
0x2e3: {  	v3 =	vadd.f32 v7, v3;
	_ =	sdelay $0x1  }
0x2e4: {  	v3 =	vadd.f32 v8, v3;
	_ =	sdelay $0x1  }
0x2e5: {  	v3 =	vadd.f32 v4, v3;
	_ =	sdelay $0x1  }
0x2e6: {  	v3 =	vadd.f32 v5, v3;
	_ =	sdelay $0x1  }
0x2e7: {  	[tilespmem:s10+$0x16800] =	vst v3  }
0x2e8: {  	v3 =	vld [tilespmem:s31+$0xA00]  }
0x2e9: {  	v4 =	vld [tilespmem:s31+$0x2A00]  }
0x2ea: {  	v5 =	vld [tilespmem:s31+$0x4A00]  }
0x2eb: {  	v6 =	vld [tilespmem:s31+$0x6A00]  }
0x2ec: {  	v7 =	vld [tilespmem:s31+$0x8A00]  }
0x2ed: {  	v8 =	vld [tilespmem:s31+$0xAA00]  }
0x2ee: {  	v3 =	vadd.f32 v4, v3;
	v4 =	vld [tilespmem:s31+$0xCA00]  }
0x2ef: {  	v9 =	vld [tilespmem:s31+$0xEA00]  }
0x2f0: {  	v3 =	vadd.f32 v5, v3;
	v5 =	vld [tilespmem:s31+$0x10A00];
	_ =	sdelay $0x1  }
0x2f1: {  	v3 =	vadd.f32 v6, v3;
	_ =	sdelay $0x1  }
0x2f2: {  	v3 =	vadd.f32 v7, v3;
	_ =	sdelay $0x1  }
0x2f3: {  	v3 =	vadd.f32 v8, v3;
	_ =	sdelay $0x1  }
0x2f4: {  	v3 =	vadd.f32 v4, v3;
	_ =	sdelay $0x1  }
0x2f5: {  	v3 =	vadd.f32 v9, v3;
	_ =	sdelay $0x1  }
0x2f6: {  	v3 =	vadd.f32 v5, v3;
	_ =	sdelay $0x1  }
0x2f7: {  	s1 =	sor.u32 $0xA80, s1;
	[tilespmem:s31+$0x17200] =	vst v3  }
0x2f8: {  	v3 =	vld [tilespmem:s1+$0x0]  }
0x2f9: {  	v4 =	vld [tilespmem:s1+$0x2000]  }
0x2fa: {  	v5 =	vld [tilespmem:s1+$0x4000]  }
0x2fb: {  	v6 =	vld [tilespmem:s1+$0x6000]  }
0x2fc: {  	v7 =	vld [tilespmem:s1+$0x8000]  }
0x2fd: {  	v8 =	vld [tilespmem:s1+$0xA000]  }
0x2fe: {  	v3 =	vadd.f32 v4, v3;
	v4 =	vld [tilespmem:s1+$0xC000]  }
0x2ff: {  	v9 =	vld [tilespmem:s1+$0xE000]  }
0x300: {  	v3 =	vadd.f32 v5, v3;
	v5 =	vld [tilespmem:s1+$0x10000];
	_ =	sdelay $0x1  }
0x301: {  	v3 =	vadd.f32 v6, v3;
	_ =	sdelay $0x1  }
0x302: {  	v3 =	vadd.f32 v7, v3;
	_ =	sdelay $0x1  }
0x303: {  	v3 =	vadd.f32 v8, v3;
	_ =	sdelay $0x1  }
0x304: {  	v3 =	vadd.f32 v4, v3;
	_ =	sdelay $0x1  }
0x305: {  	v3 =	vadd.f32 v9, v3;
	_ =	sdelay $0x1  }
0x306: {  	v3 =	vadd.f32 v5, v3;
	_ =	sdelay $0x1  }
0x307: {  	[tilespmem:s1+$0x16800] =	vst v3  }
0x308: {  	v3 =	vld [tilespmem:s31+$0xB00]  }
0x309: {  	v4 =	vld [tilespmem:s31+$0x2B00]  }
0x30a: {  	v5 =	vld [tilespmem:s31+$0x4B00]  }
0x30b: {  	v6 =	vld [tilespmem:s31+$0x6B00]  }
0x30c: {  	v7 =	vld [tilespmem:s31+$0x8B00]  }
0x30d: {  	v8 =	vld [tilespmem:s31+$0xAB00]  }
0x30e: {  	v3 =	vadd.f32 v4, v3;
	v4 =	vld [tilespmem:s31+$0xCB00]  }
0x30f: {  	v9 =	vld [tilespmem:s31+$0xEB00]  }
0x310: {  	v3 =	vadd.f32 v5, v3;
	v5 =	vld [tilespmem:s31+$0x10B00];
	_ =	sdelay $0x1  }
0x311: {  	v3 =	vadd.f32 v6, v3;
	_ =	sdelay $0x1  }
0x312: {  	v3 =	vadd.f32 v7, v3;
	_ =	sdelay $0x1  }
0x313: {  	v3 =	vadd.f32 v8, v3;
	_ =	sdelay $0x1  }
0x314: {  	v3 =	vadd.f32 v4, v3;
	_ =	sdelay $0x1  }
0x315: {  	v3 =	vadd.f32 v9, v3;
	_ =	sdelay $0x1  }
0x316: {  	v3 =	vadd.f32 v5, v3;
	_ =	sdelay $0x1  }
0x317: {  	s1 =	sor.u32 $0xB80, s0;
	[tilespmem:s31+$0x17300] =	vst v3  }
.Ltmp0:
0x318: {  	v5 =	vld [tilespmem:s1+$0x0];
	(pc) =	sbr.rel @p1 .LBB2_3-.Ltmp0, $4  }
0x319: {  	v7 =	vld [tilespmem:s1+$0x2000]  }
0x31a: {  	v6 =	vld [tilespmem:s1+$0x4000]  }
0x31b: {  	v3 =	vld [tilespmem:s1+$0x6000]  }
0x31c: {  	v4 =	vld [tilespmem:s1+$0x8000]  }
0x31d: {  	_ = 	snop  }
0x31e: {  	v5 =	vadd.f32 v7, v5;
	_ =	sdelay $0x1  }
0x31f: {  	v5 =	vadd.f32 v6, v5  }
0x320: {  	v60 =	vld [tilespmem:s1+$0xA000]  }
0x321: {  	v3 =	vadd.f32 v3, v5  }
0x322: {  	v61 =	vld [tilespmem:s1+$0xC000]  }
0x323: {  	v3 =	vadd.f32 v4, v3  }
0x324: {  	v62 =	vld [tilespmem:s1+$0xE000]  }
0x325: {  	v3 =	vadd.f32 v60, v3  }
0x326: {  	v63 =	vld [tilespmem:s1+$0x10000]  }
0x327: {  	v3 =	vadd.f32 v61, v3;
	_ =	sdelay $0x1  }
0x328: {  	p1 =	seq.s32 s25, $0x3F;
	v3 =	vadd.f32 v62, v3  }
.Ltmp1:
0x329: {  	s0 =	sshll.u32 s25, $0xA;
	(pc) =	sbr.rel @p1 .LBB2_6-.Ltmp1, $4  }
0x32a: {  	s0 =	sand.u32 $0xF000, s0;
	v3 =	vadd.f32 v63, v3  }
0x32b: {  	s31 =	sadd.s32 s3, s28;
	s9 =	sor.u32 s6, s0  }
0x32c: {  	s0 =	sadd.s32 s9, s31;
	[tilespmem:s1+$0x16800] =	vst v3  }
0x32d: {  	[hbm4b:s0+s8] =	stream.strided.scatter [tilespmem:s22], [sflag:$0x3], $0x1000, s14, s8, $0x38;
	[tilespmem:$0x18800] =	vst v63  }
0x32e: {  	s1 =	sadd.s32 $0x2, s29  }
0x32f: {  	s0 =	sshll.u32 s1, $0x4  }
0x330: {  	s0 =	sand.u32 $0xF80, s0  }
0x331: {  	v3 =	vld [tilespmem:s0+$0x12000];
	_ =	sdelay $0x4  }
0x332: {  	v4 =	vshll.u32 v3, $0x4  }
0x333: {  	v3 =	vand.u32 $0x7, v3;
	v4 =	vand.u32 $0xFFFFFF80, v4  }
0x334: {  	v3 =	vor.u32 v3, v4  }
0x335: {  	v4 =	vperm.xlane v3, v0;
	_ =	sdelay $0x1  }
0x336: {  	v3 =	vperm.xlane v3, v2;
	v4 =	vadd.s32 v1, v4;
	_ =	sdelay $0x1  }
0x337: {  	s1 =	sshll.u32 s1, $0x8;
	v3 =	vadd.s32 v1, v3  }
0x338: {  	s1 =	sand.u32 $0x600, s1  }
0x339: {  	s1 =	sadd.s32 s2, s1  }
0x33a: {  	[tilespmem:s4], [sflag:$0x1] =	stream.indirect_vreg.gather [hbm4b:s1+s4], $0x80, v4, vm0, $0xb8;
	[tilespmem:$0x18800] =	vst v63  }
0x33b: {  	_ = 	snop  }
0x33c: {  	[tilespmem:s8], [sflag:$0x1] =	stream.indirect_vreg.gather [hbm4b:s1+s4], $0x80, v3, vm0, $0xb8;
	[tilespmem:$0x18800] =	vst v63  }
0x33d: {  	v3 =	vld [tilespmem:s0+$0x12800];
	_ =	sdelay $0x4  }
0x33e: {  	v56 =	vshll.u32 v3, $0x4  }
0x33f: {  	v3 =	vand.u32 $0x7, v3;
	v4 =	vand.u32 $0xFFFFFF80, v56  }
0x340: {  	v3 =	vor.u32 v3, v4  }
0x341: {  	v4 =	vperm.xlane v3, v0;
	_ =	sdelay $0x1  }
0x342: {  	v3 =	vperm.xlane v3, v2;
	v4 =	vadd.s32 v1, v4;
	_ =	sdelay $0x1  }
0x343: {  	v3 =	vadd.s32 v1, v3;
	_ =	sdelay $0x1  }
0x344: {  	s10 =	simm.s32 $0x2000  }
0x345: {  	[tilespmem:s10], [sflag:$0x1] =	stream.indirect_vreg.gather [hbm4b:s1+s4], $0x80, v4, vm0, $0xb8;
	[tilespmem:$0x18800] =	vst v63  }
0x346: {  	s30 =	simm.s32 $0x2800  }
0x347: {  	[tilespmem:s30], [sflag:$0x1] =	stream.indirect_vreg.gather [hbm4b:s1+s4], $0x80, v3, vm0, $0xb8;
	[tilespmem:$0x18800] =	vst v63  }
0x348: {  	v3 =	vld [tilespmem:s0+$0x13000];
	_ =	sdelay $0x4  }
0x349: {  	v57 =	vshll.u32 v3, $0x4  }
0x34a: {  	v3 =	vand.u32 $0x7, v3;
	v4 =	vand.u32 $0xFFFFFF80, v57  }
0x34b: {  	v3 =	vor.u32 v3, v4  }
0x34c: {  	v4 =	vperm.xlane v3, v0;
	_ =	sdelay $0x1  }
0x34d: {  	v3 =	vperm.xlane v3, v2;
	v4 =	vadd.s32 v1, v4;
	_ =	sdelay $0x1  }
0x34e: {  	v3 =	vadd.s32 v1, v3;
	_ =	sdelay $0x2  }
0x34f: {  	[tilespmem:s14], [sflag:$0x1] =	stream.indirect_vreg.gather [hbm4b:s1+s4], $0x80, v4, vm0, $0xb8;
	[tilespmem:$0x18800] =	vst v63  }
0x350: {  	s31 =	simm.s32 $0x4800  }
0x351: {  	[tilespmem:s31], [sflag:$0x1] =	stream.indirect_vreg.gather [hbm4b:s1+s4], $0x80, v3, vm0, $0xb8;
	[tilespmem:$0x18800] =	vst v63  }
0x352: {  	v3 =	vld [tilespmem:s0+$0x13800];
	_ =	sdelay $0x4  }
0x353: {  	v58 =	vshll.u32 v3, $0x4  }
0x354: {  	v3 =	vand.u32 $0x7, v3;
	v4 =	vand.u32 $0xFFFFFF80, v58  }
0x355: {  	v3 =	vor.u32 v3, v4  }
0x356: {  	v4 =	vperm.xlane v3, v0;
	_ =	sdelay $0x1  }
0x357: {  	v3 =	vperm.xlane v3, v2;
	v4 =	vadd.s32 v1, v4;
	_ =	sdelay $0x1  }
0x358: {  	v3 =	vadd.s32 v1, v3;
	_ =	sdelay $0x1  }
0x359: {  	s28 =	simm.s32 $0x6000  }
0x35a: {  	[tilespmem:s28], [sflag:$0x1] =	stream.indirect_vreg.gather [hbm4b:s1+s4], $0x80, v4, vm0, $0xb8;
	[tilespmem:$0x18800] =	vst v63  }
0x35b: {  	s29 =	simm.s32 $0x6800  }
0x35c: {  	[tilespmem:s29], [sflag:$0x1] =	stream.indirect_vreg.gather [hbm4b:s1+s4], $0x80, v3, vm0, $0xb8;
	[tilespmem:$0x18800] =	vst v63  }
0x35d: {  	v3 =	vld [tilespmem:s0+$0x14000];
	_ =	sdelay $0x4  }
0x35e: {  	v59 =	vshll.u32 v3, $0x4  }
0x35f: {  	v3 =	vand.u32 $0x7, v3;
	v4 =	vand.u32 $0xFFFFFF80, v59  }
0x360: {  	v3 =	vor.u32 v3, v4  }
0x361: {  	v4 =	vperm.xlane v3, v0;
	_ =	sdelay $0x1  }
0x362: {  	v3 =	vperm.xlane v3, v2;
	v4 =	vadd.s32 v1, v4;
	_ =	sdelay $0x1  }
0x363: {  	v3 =	vadd.s32 v1, v3;
	_ =	sdelay $0x1  }
0x364: {  	s30 =	simm.s32 $0x8000  }
0x365: {  	[tilespmem:s30], [sflag:$0x1] =	stream.indirect_vreg.gather [hbm4b:s1+s4], $0x80, v4, vm0, $0xb8;
	[tilespmem:$0x18800] =	vst v63  }
0x366: {  	s31 =	simm.s32 $0x8800  }
0x367: {  	[tilespmem:s31], [sflag:$0x1] =	stream.indirect_vreg.gather [hbm4b:s1+s4], $0x80, v3, vm0, $0xb8;
	[tilespmem:$0x18800] =	vst v63  }
0x368: {  	v3 =	vld [tilespmem:s0+$0x14800];
	_ =	sdelay $0x4  }
0x369: {  	v60 =	vshll.u32 v3, $0x4  }
0x36a: {  	v3 =	vand.u32 $0x7, v3;
	v4 =	vand.u32 $0xFFFFFF80, v60  }
0x36b: {  	v3 =	vor.u32 v3, v4  }
0x36c: {  	v4 =	vperm.xlane v3, v0;
	_ =	sdelay $0x1  }
0x36d: {  	v3 =	vperm.xlane v3, v2;
	v4 =	vadd.s32 v1, v4;
	_ =	sdelay $0x1  }
0x36e: {  	v3 =	vadd.s32 v1, v3;
	_ =	sdelay $0x1  }
0x36f: {  	s28 =	simm.s32 $0xA000  }
0x370: {  	[tilespmem:s28], [sflag:$0x1] =	stream.indirect_vreg.gather [hbm4b:s1+s4], $0x80, v4, vm0, $0xb8;
	[tilespmem:$0x18800] =	vst v63  }
0x371: {  	s29 =	simm.s32 $0xA800  }
0x372: {  	[tilespmem:s29], [sflag:$0x1] =	stream.indirect_vreg.gather [hbm4b:s1+s4], $0x80, v3, vm0, $0xb8;
	[tilespmem:$0x18800] =	vst v63  }
0x373: {  	v3 =	vld [tilespmem:s0+$0x15000];
	_ =	sdelay $0x4  }
0x374: {  	v61 =	vshll.u32 v3, $0x4  }
0x375: {  	v3 =	vand.u32 $0x7, v3;
	v4 =	vand.u32 $0xFFFFFF80, v61  }
0x376: {  	v3 =	vor.u32 v3, v4  }
0x377: {  	v4 =	vperm.xlane v3, v0;
	_ =	sdelay $0x1  }
0x378: {  	v3 =	vperm.xlane v3, v2;
	v4 =	vadd.s32 v1, v4;
	_ =	sdelay $0x1  }
0x379: {  	v3 =	vadd.s32 v1, v3;
	_ =	sdelay $0x1  }
0x37a: {  	s30 =	simm.s32 $0xC000  }
0x37b: {  	[tilespmem:s30], [sflag:$0x1] =	stream.indirect_vreg.gather [hbm4b:s1+s4], $0x80, v4, vm0, $0xb8;
	[tilespmem:$0x18800] =	vst v63  }
0x37c: {  	s31 =	simm.s32 $0xC800  }
0x37d: {  	[tilespmem:s31], [sflag:$0x1] =	stream.indirect_vreg.gather [hbm4b:s1+s4], $0x80, v3, vm0, $0xb8;
	[tilespmem:$0x18800] =	vst v63  }
0x37e: {  	v3 =	vld [tilespmem:s0+$0x15800];
	_ =	sdelay $0x4  }
0x37f: {  	v62 =	vshll.u32 v3, $0x4  }
0x380: {  	v3 =	vand.u32 $0x7, v3;
	v4 =	vand.u32 $0xFFFFFF80, v62  }
0x381: {  	v3 =	vor.u32 v3, v4  }
0x382: {  	v4 =	vperm.xlane v3, v0;
	_ =	sdelay $0x1  }
0x383: {  	v3 =	vperm.xlane v3, v2;
	v4 =	vadd.s32 v1, v4;
	_ =	sdelay $0x1  }
0x384: {  	v3 =	vadd.s32 v1, v3;
	_ =	sdelay $0x1  }
0x385: {  	s28 =	simm.s32 $0xE000  }
0x386: {  	[tilespmem:s28], [sflag:$0x1] =	stream.indirect_vreg.gather [hbm4b:s1+s4], $0x80, v4, vm0, $0xb8;
	[tilespmem:$0x18800] =	vst v63  }
0x387: {  	s29 =	simm.s32 $0xE800  }
0x388: {  	[tilespmem:s29], [sflag:$0x1] =	stream.indirect_vreg.gather [hbm4b:s1+s4], $0x80, v3, vm0, $0xb8;
	[tilespmem:$0x18800] =	vst v63  }
0x389: {  	v3 =	vld [tilespmem:s0+$0x16000];
	_ =	sdelay $0x4  }
0x38a: {  	v63 =	vshll.u32 v3, $0x4  }
0x38b: {  	v3 =	vand.u32 $0x7, v3;
	v4 =	vand.u32 $0xFFFFFF80, v63  }
0x38c: {  	v3 =	vor.u32 v3, v4  }
0x38d: {  	v4 =	vperm.xlane v3, v0;
	_ =	sdelay $0x1  }
0x38e: {  	v3 =	vperm.xlane v3, v2;
	v4 =	vadd.s32 v1, v4;
	_ =	sdelay $0x1  }
0x38f: {  	v3 =	vadd.s32 v1, v3;
	_ =	sdelay $0x1  }
0x390: {  	s30 =	simm.s32 $0x10000  }
0x391: {  	[tilespmem:s30], [sflag:$0x1] =	stream.indirect_vreg.gather [hbm4b:s1+s4], $0x80, v4, vm0, $0xb8;
	[tilespmem:$0x18800] =	vst v63  }
0x392: {  	s31 =	simm.s32 $0x10800  }
0x393: {  	[tilespmem:s31], [sflag:$0x1] =	stream.indirect_vreg.gather [hbm4b:s1+s4], $0x80, v3, vm0, $0xb8;
	[tilespmem:$0x18800] =	vst v63  }
.LBB2_6:
0x394: {  	_ =	swait.ge [sflag:s23], $0x1000  }
0x395: {  	[sflag:s23] =	ssyncset.done $0x0  }
0x396: {  	[sflag:s23] =	ssyncadd.s32 $0xFFFFF000  }
0x397: {  	_ =	swait.ge [sflag:s23], $0x1000  }
0x398: {  	[sflag:s23] =	ssyncset.done $0x0  }
0x399: {  	[sflag:s23] =	ssyncadd.s32 $0xFFFFF000  }
0x39a: {  	_ =	swait.ge [sflag:s23], $0x1000  }
0x39b: {  	[sflag:s23] =	ssyncset.done $0x0  }
0x39c: {  	[sflag:s23] =	ssyncadd.s32 $0xFFFFF000  }
0x39d: {  	_ =	swait.ge [sflag:s23], $0x1000  }
0x39e: {  	[sflag:s23] =	ssyncset.done $0x0  }
0x39f: {  	[sflag:s23] =	ssyncadd.s32 $0xFFFFF000  }
0x3a0: {  	_ =	swait.ge [sflag:s23], $0x1000  }
0x3a1: {  	[sflag:s23] =	ssyncset.done $0x0  }
0x3a2: {  	[sflag:s23] =	ssyncadd.s32 $0xFFFFF000  }
0x3a3: {  	_ =	swait.ge [sflag:s23], $0x1000  }
0x3a4: {  	[sflag:s23] =	ssyncset.done $0x0  }
0x3a5: {  	[sflag:s23] =	ssyncadd.s32 $0xFFFFF000  }
0x3a6: {  	_ =	swait.ge [sflag:s23], $0x1000  }
0x3a7: {  	[sflag:s23] =	ssyncset.done $0x0  }
0x3a8: {  	[sflag:s23] =	ssyncadd.s32 $0xFFFFF000  }
0x3a9: {  	_ =	swait.ge [sflag:s23], $0x1000  }
0x3aa: {  	[sflag:s23] =	ssyncset.done $0x0  }
0x3ab: {  	[sflag:s23] =	ssyncadd.s32 $0xFFFFF000  }
0x3ac: {  	_ =	swait.ge [sflag:s23], $0x1000  }
0x3ad: {  	[sflag:s23] =	ssyncset.done $0x0  }
0x3ae: {  	s0 =	simm.s32 @!p0 $0x4;
	[sflag:s23] =	ssyncadd.s32 $0xFFFFF000  }
0x3af: {  	s28 =	simm.s32 $0x0;
	_ =	swait.ge @!p0 [sflag:s0], $0x1000  }
0x3b0: {  	s1 =	sand.u32 $0x70, s28;
	s10 =	sand.u32 $0x400, s28;
	[sflag:s0] =	ssyncset.done @!p0 $0x0  }
0x3b1: {  	[sflag:s0] =	ssyncadd.s32 @!p0 $0xFFFFF000;
	s0 =	sor.u32 s1, s10  }
0x3b2: {  	v3 =	vld [tilespmem:s0+$0x1000]  }
0x3b3: {  	v4 =	vld [tilespmem:s0+$0x3000];
	_ =	sdelay $0x1  }
0x3b4: {  	v5 =	vld [tilespmem:s0+$0x5000];
	_ =	sdelay $0x1  }
0x3b5: {  	v6 =	vld [tilespmem:s0+$0x7000]  }
0x3b6: {  	v3 =	vadd.f32 v4, v3  }
0x3b7: {  	v4 =	vld [tilespmem:s0+$0x9000]  }
0x3b8: {  	v3 =	vadd.f32 v5, v3  }
0x3b9: {  	v5 =	vld [tilespmem:s0+$0xB000]  }
0x3ba: {  	v3 =	vadd.f32 v6, v3  }
0x3bb: {  	v6 =	vld [tilespmem:s0+$0xD000]  }
0x3bc: {  	v3 =	vadd.f32 v4, v3  }
0x3bd: {  	v4 =	vld [tilespmem:s0+$0xF000]  }
0x3be: {  	v3 =	vadd.f32 v5, v3  }
0x3bf: {  	v5 =	vld [tilespmem:s0+$0x11000]  }
0x3c0: {  	v3 =	vadd.f32 v6, v3;
	_ =	sdelay $0x1  }
0x3c1: {  	v3 =	vadd.f32 v4, v3;
	_ =	sdelay $0x1  }
0x3c2: {  	s10 =	sand.u32 $0xFFFFFC00, s28;
	v3 =	vadd.f32 v5, v3  }
0x3c3: {  	s1 =	sadd.s32 $0x0, s10  }
0x3c4: {  	s30 =	sor.u32 $0x1080, s1;
	[tilespmem:s0+$0x17800] =	vst v3  }
0x3c5: {  	v3 =	vld [tilespmem:s30+$0x0]  }
0x3c6: {  	v4 =	vld [tilespmem:s30+$0x2000];
	_ =	sdelay $0x1  }
0x3c7: {  	v5 =	vld [tilespmem:s30+$0x4000];
	_ =	sdelay $0x1  }
0x3c8: {  	v6 =	vld [tilespmem:s30+$0x6000]  }
0x3c9: {  	v3 =	vadd.f32 v4, v3  }
0x3ca: {  	v4 =	vld [tilespmem:s30+$0x8000]  }
0x3cb: {  	v3 =	vadd.f32 v5, v3  }
0x3cc: {  	v5 =	vld [tilespmem:s30+$0xA000]  }
0x3cd: {  	v3 =	vadd.f32 v6, v3  }
0x3ce: {  	v6 =	vld [tilespmem:s30+$0xC000]  }
0x3cf: {  	v3 =	vadd.f32 v4, v3  }
0x3d0: {  	v4 =	vld [tilespmem:s30+$0xE000]  }
0x3d1: {  	v3 =	vadd.f32 v5, v3  }
0x3d2: {  	v5 =	vld [tilespmem:s30+$0x10000]  }
0x3d3: {  	v3 =	vadd.f32 v6, v3;
	_ =	sdelay $0x1  }
0x3d4: {  	v3 =	vadd.f32 v4, v3;
	_ =	sdelay $0x1  }
0x3d5: {  	v3 =	vadd.f32 v5, v3;
	_ =	sdelay $0x1  }
0x3d6: {  	[tilespmem:s30+$0x16800] =	vst v3  }
0x3d7: {  	v3 =	vld [tilespmem:s0+$0x1100]  }
0x3d8: {  	v4 =	vld [tilespmem:s0+$0x3100];
	_ =	sdelay $0x1  }
0x3d9: {  	v5 =	vld [tilespmem:s0+$0x5100];
	_ =	sdelay $0x1  }
0x3da: {  	v6 =	vld [tilespmem:s0+$0x7100]  }
0x3db: {  	v3 =	vadd.f32 v4, v3  }
0x3dc: {  	v4 =	vld [tilespmem:s0+$0x9100]  }
0x3dd: {  	v3 =	vadd.f32 v5, v3  }
0x3de: {  	v5 =	vld [tilespmem:s0+$0xB100]  }
0x3df: {  	v3 =	vadd.f32 v6, v3  }
0x3e0: {  	v6 =	vld [tilespmem:s0+$0xD100]  }
0x3e1: {  	v3 =	vadd.f32 v4, v3  }
0x3e2: {  	v4 =	vld [tilespmem:s0+$0xF100]  }
0x3e3: {  	v3 =	vadd.f32 v5, v3  }
0x3e4: {  	v5 =	vld [tilespmem:s0+$0x11100]  }
0x3e5: {  	v3 =	vadd.f32 v6, v3;
	_ =	sdelay $0x1  }
0x3e6: {  	v3 =	vadd.f32 v4, v3;
	_ =	sdelay $0x1  }
0x3e7: {  	v3 =	vadd.f32 v5, v3;
	_ =	sdelay $0x1  }
0x3e8: {  	s31 =	sor.u32 $0x1180, s1;
	[tilespmem:s0+$0x17900] =	vst v3  }
0x3e9: {  	v3 =	vld [tilespmem:s31+$0x0]  }
0x3ea: {  	v4 =	vld [tilespmem:s31+$0x2000];
	_ =	sdelay $0x1  }
0x3eb: {  	v5 =	vld [tilespmem:s31+$0x4000];
	_ =	sdelay $0x1  }
0x3ec: {  	v6 =	vld [tilespmem:s31+$0x6000]  }
0x3ed: {  	v3 =	vadd.f32 v4, v3  }
0x3ee: {  	v4 =	vld [tilespmem:s31+$0x8000]  }
0x3ef: {  	v3 =	vadd.f32 v5, v3  }
0x3f0: {  	v5 =	vld [tilespmem:s31+$0xA000]  }
0x3f1: {  	v3 =	vadd.f32 v6, v3  }
0x3f2: {  	v6 =	vld [tilespmem:s31+$0xC000]  }
0x3f3: {  	v3 =	vadd.f32 v4, v3  }
0x3f4: {  	v4 =	vld [tilespmem:s31+$0xE000]  }
0x3f5: {  	v3 =	vadd.f32 v5, v3  }
0x3f6: {  	v5 =	vld [tilespmem:s31+$0x10000]  }
0x3f7: {  	v3 =	vadd.f32 v6, v3;
	_ =	sdelay $0x1  }
0x3f8: {  	v3 =	vadd.f32 v4, v3;
	_ =	sdelay $0x1  }
0x3f9: {  	v3 =	vadd.f32 v5, v3;
	_ =	sdelay $0x1  }
0x3fa: {  	[tilespmem:s31+$0x16800] =	vst v3  }
0x3fb: {  	v3 =	vld [tilespmem:s0+$0x1200]  }
0x3fc: {  	v4 =	vld [tilespmem:s0+$0x3200];
	_ =	sdelay $0x1  }
0x3fd: {  	v5 =	vld [tilespmem:s0+$0x5200];
	_ =	sdelay $0x1  }
0x3fe: {  	v6 =	vld [tilespmem:s0+$0x7200]  }
0x3ff: {  	v3 =	vadd.f32 v4, v3  }
0x400: {  	v4 =	vld [tilespmem:s0+$0x9200]  }
0x401: {  	v3 =	vadd.f32 v5, v3  }
0x402: {  	v5 =	vld [tilespmem:s0+$0xB200]  }
0x403: {  	v3 =	vadd.f32 v6, v3  }
0x404: {  	v6 =	vld [tilespmem:s0+$0xD200]  }
0x405: {  	v3 =	vadd.f32 v4, v3  }
0x406: {  	v4 =	vld [tilespmem:s0+$0xF200]  }
0x407: {  	v3 =	vadd.f32 v5, v3  }
0x408: {  	v5 =	vld [tilespmem:s0+$0x11200]  }
0x409: {  	v3 =	vadd.f32 v6, v3;
	_ =	sdelay $0x1  }
0x40a: {  	v3 =	vadd.f32 v4, v3;
	_ =	sdelay $0x1  }
0x40b: {  	v3 =	vadd.f32 v5, v3;
	_ =	sdelay $0x1  }
0x40c: {  	s30 =	sor.u32 $0x1280, s1;
	[tilespmem:s0+$0x17A00] =	vst v3  }
0x40d: {  	v3 =	vld [tilespmem:s30+$0x0]  }
0x40e: {  	v4 =	vld [tilespmem:s30+$0x2000];
	_ =	sdelay $0x1  }
0x40f: {  	v5 =	vld [tilespmem:s30+$0x4000];
	_ =	sdelay $0x1  }
0x410: {  	v6 =	vld [tilespmem:s30+$0x6000]  }
0x411: {  	v3 =	vadd.f32 v4, v3  }
0x412: {  	v4 =	vld [tilespmem:s30+$0x8000]  }
0x413: {  	v3 =	vadd.f32 v5, v3  }
0x414: {  	v5 =	vld [tilespmem:s30+$0xA000]  }
0x415: {  	v3 =	vadd.f32 v6, v3  }
0x416: {  	v6 =	vld [tilespmem:s30+$0xC000]  }
0x417: {  	v3 =	vadd.f32 v4, v3  }
0x418: {  	v4 =	vld [tilespmem:s30+$0xE000]  }
0x419: {  	v3 =	vadd.f32 v5, v3  }
0x41a: {  	v5 =	vld [tilespmem:s30+$0x10000]  }
0x41b: {  	v3 =	vadd.f32 v6, v3;
	_ =	sdelay $0x1  }
0x41c: {  	v3 =	vadd.f32 v4, v3;
	_ =	sdelay $0x1  }
0x41d: {  	v3 =	vadd.f32 v5, v3;
	_ =	sdelay $0x1  }
0x41e: {  	[tilespmem:s30+$0x16800] =	vst v3  }
0x41f: {  	v3 =	vld [tilespmem:s0+$0x1300]  }
0x420: {  	v4 =	vld [tilespmem:s0+$0x3300];
	_ =	sdelay $0x1  }
0x421: {  	v5 =	vld [tilespmem:s0+$0x5300];
	_ =	sdelay $0x1  }
0x422: {  	v6 =	vld [tilespmem:s0+$0x7300]  }
0x423: {  	v3 =	vadd.f32 v4, v3  }
0x424: {  	v4 =	vld [tilespmem:s0+$0x9300]  }
0x425: {  	v3 =	vadd.f32 v5, v3  }
0x426: {  	v5 =	vld [tilespmem:s0+$0xB300]  }
0x427: {  	v3 =	vadd.f32 v6, v3  }
0x428: {  	v6 =	vld [tilespmem:s0+$0xD300]  }
0x429: {  	v3 =	vadd.f32 v4, v3  }
0x42a: {  	v4 =	vld [tilespmem:s0+$0xF300]  }
0x42b: {  	v3 =	vadd.f32 v5, v3  }
0x42c: {  	v5 =	vld [tilespmem:s0+$0x11300]  }
0x42d: {  	v3 =	vadd.f32 v6, v3;
	_ =	sdelay $0x1  }
0x42e: {  	v3 =	vadd.f32 v4, v3;
	_ =	sdelay $0x1  }
0x42f: {  	v3 =	vadd.f32 v5, v3  }
0x430: {  	s29 =	sor.u32 s28, s28  }
0x431: {  	s31 =	sor.u32 $0x1380, s29;
	[tilespmem:s0+$0x17B00] =	vst v3  }
0x432: {  	v3 =	vld [tilespmem:s31+$0x0]  }
0x433: {  	v4 =	vld [tilespmem:s31+$0x2000];
	_ =	sdelay $0x1  }
0x434: {  	v5 =	vld [tilespmem:s31+$0x4000];
	_ =	sdelay $0x1  }
0x435: {  	v6 =	vld [tilespmem:s31+$0x6000]  }
0x436: {  	v3 =	vadd.f32 v4, v3  }
0x437: {  	v4 =	vld [tilespmem:s31+$0x8000]  }
0x438: {  	v3 =	vadd.f32 v5, v3  }
0x439: {  	v5 =	vld [tilespmem:s31+$0xA000]  }
0x43a: {  	v3 =	vadd.f32 v6, v3  }
0x43b: {  	v6 =	vld [tilespmem:s31+$0xC000]  }
0x43c: {  	v3 =	vadd.f32 v4, v3  }
0x43d: {  	v4 =	vld [tilespmem:s31+$0xE000]  }
0x43e: {  	v3 =	vadd.f32 v5, v3  }
0x43f: {  	v5 =	vld [tilespmem:s31+$0x10000]  }
0x440: {  	v3 =	vadd.f32 v6, v3;
	_ =	sdelay $0x1  }
0x441: {  	v3 =	vadd.f32 v4, v3;
	_ =	sdelay $0x1  }
0x442: {  	v3 =	vadd.f32 v5, v3;
	_ =	sdelay $0x1  }
0x443: {  	[tilespmem:s31+$0x16800] =	vst v3  }
0x444: {  	v3 =	vld [tilespmem:s0+$0x1800]  }
0x445: {  	v4 =	vld [tilespmem:s0+$0x3800];
	_ =	sdelay $0x1  }
0x446: {  	v5 =	vld [tilespmem:s0+$0x5800];
	_ =	sdelay $0x1  }
0x447: {  	v6 =	vld [tilespmem:s0+$0x7800]  }
0x448: {  	v3 =	vadd.f32 v4, v3  }
0x449: {  	v4 =	vld [tilespmem:s0+$0x9800]  }
0x44a: {  	v3 =	vadd.f32 v5, v3  }
0x44b: {  	v5 =	vld [tilespmem:s0+$0xB800]  }
0x44c: {  	v3 =	vadd.f32 v6, v3  }
0x44d: {  	v6 =	vld [tilespmem:s0+$0xD800]  }
0x44e: {  	v3 =	vadd.f32 v4, v3  }
0x44f: {  	v4 =	vld [tilespmem:s0+$0xF800]  }
0x450: {  	v3 =	vadd.f32 v5, v3  }
0x451: {  	v5 =	vld [tilespmem:s0+$0x11800]  }
0x452: {  	v3 =	vadd.f32 v6, v3;
	_ =	sdelay $0x1  }
0x453: {  	v3 =	vadd.f32 v4, v3;
	_ =	sdelay $0x1  }
0x454: {  	v3 =	vadd.f32 v5, v3;
	_ =	sdelay $0x1  }
0x455: {  	s30 =	sor.u32 $0x1880, s1;
	[tilespmem:s0+$0x18000] =	vst v3  }
0x456: {  	v3 =	vld [tilespmem:s30+$0x0]  }
0x457: {  	v4 =	vld [tilespmem:s30+$0x2000];
	_ =	sdelay $0x1  }
0x458: {  	v5 =	vld [tilespmem:s30+$0x4000];
	_ =	sdelay $0x1  }
0x459: {  	v6 =	vld [tilespmem:s30+$0x6000]  }
0x45a: {  	v3 =	vadd.f32 v4, v3  }
0x45b: {  	v4 =	vld [tilespmem:s30+$0x8000]  }
0x45c: {  	v3 =	vadd.f32 v5, v3  }
0x45d: {  	v5 =	vld [tilespmem:s30+$0xA000]  }
0x45e: {  	v3 =	vadd.f32 v6, v3  }
0x45f: {  	v6 =	vld [tilespmem:s30+$0xC000]  }
0x460: {  	v3 =	vadd.f32 v4, v3  }
0x461: {  	v4 =	vld [tilespmem:s30+$0xE000]  }
0x462: {  	v3 =	vadd.f32 v5, v3  }
0x463: {  	v5 =	vld [tilespmem:s30+$0x10000]  }
0x464: {  	v3 =	vadd.f32 v6, v3;
	_ =	sdelay $0x1  }
0x465: {  	v3 =	vadd.f32 v4, v3;
	_ =	sdelay $0x1  }
0x466: {  	v3 =	vadd.f32 v5, v3;
	_ =	sdelay $0x1  }
0x467: {  	[tilespmem:s30+$0x16800] =	vst v3  }
0x468: {  	v3 =	vld [tilespmem:s0+$0x1900]  }
0x469: {  	v4 =	vld [tilespmem:s0+$0x3900];
	_ =	sdelay $0x1  }
0x46a: {  	v5 =	vld [tilespmem:s0+$0x5900];
	_ =	sdelay $0x1  }
0x46b: {  	v6 =	vld [tilespmem:s0+$0x7900]  }
0x46c: {  	v3 =	vadd.f32 v4, v3  }
0x46d: {  	v4 =	vld [tilespmem:s0+$0x9900]  }
0x46e: {  	v3 =	vadd.f32 v5, v3  }
0x46f: {  	v5 =	vld [tilespmem:s0+$0xB900]  }
0x470: {  	v3 =	vadd.f32 v6, v3  }
0x471: {  	v6 =	vld [tilespmem:s0+$0xD900]  }
0x472: {  	v3 =	vadd.f32 v4, v3  }
0x473: {  	v4 =	vld [tilespmem:s0+$0xF900]  }
0x474: {  	v3 =	vadd.f32 v5, v3  }
0x475: {  	v5 =	vld [tilespmem:s0+$0x11900]  }
0x476: {  	v3 =	vadd.f32 v6, v3;
	_ =	sdelay $0x1  }
0x477: {  	v3 =	vadd.f32 v4, v3;
	_ =	sdelay $0x1  }
0x478: {  	v3 =	vadd.f32 v5, v3;
	_ =	sdelay $0x1  }
0x479: {  	s31 =	sor.u32 $0x1980, s1;
	[tilespmem:s0+$0x18100] =	vst v3  }
0x47a: {  	v3 =	vld [tilespmem:s31+$0x0]  }
0x47b: {  	v4 =	vld [tilespmem:s31+$0x2000];
	_ =	sdelay $0x1  }
0x47c: {  	v5 =	vld [tilespmem:s31+$0x4000];
	_ =	sdelay $0x1  }
0x47d: {  	v6 =	vld [tilespmem:s31+$0x6000]  }
0x47e: {  	v3 =	vadd.f32 v4, v3  }
0x47f: {  	v4 =	vld [tilespmem:s31+$0x8000]  }
0x480: {  	v3 =	vadd.f32 v5, v3  }
0x481: {  	v5 =	vld [tilespmem:s31+$0xA000]  }
0x482: {  	v3 =	vadd.f32 v6, v3  }
0x483: {  	v6 =	vld [tilespmem:s31+$0xC000]  }
0x484: {  	v3 =	vadd.f32 v4, v3  }
0x485: {  	v4 =	vld [tilespmem:s31+$0xE000]  }
0x486: {  	v3 =	vadd.f32 v5, v3  }
0x487: {  	v5 =	vld [tilespmem:s31+$0x10000]  }
0x488: {  	v3 =	vadd.f32 v6, v3;
	_ =	sdelay $0x1  }
0x489: {  	v3 =	vadd.f32 v4, v3;
	_ =	sdelay $0x1  }
0x48a: {  	v3 =	vadd.f32 v5, v3;
	_ =	sdelay $0x1  }
0x48b: {  	[tilespmem:s31+$0x16800] =	vst v3  }
0x48c: {  	v3 =	vld [tilespmem:s0+$0x1A00]  }
0x48d: {  	v4 =	vld [tilespmem:s0+$0x3A00];
	_ =	sdelay $0x1  }
0x48e: {  	v5 =	vld [tilespmem:s0+$0x5A00];
	_ =	sdelay $0x1  }
0x48f: {  	v6 =	vld [tilespmem:s0+$0x7A00]  }
0x490: {  	v3 =	vadd.f32 v4, v3  }
0x491: {  	v4 =	vld [tilespmem:s0+$0x9A00]  }
0x492: {  	v3 =	vadd.f32 v5, v3  }
0x493: {  	v5 =	vld [tilespmem:s0+$0xBA00]  }
0x494: {  	v3 =	vadd.f32 v6, v3  }
0x495: {  	v6 =	vld [tilespmem:s0+$0xDA00]  }
0x496: {  	v3 =	vadd.f32 v4, v3  }
0x497: {  	v4 =	vld [tilespmem:s0+$0xFA00]  }
0x498: {  	v3 =	vadd.f32 v5, v3  }
0x499: {  	v5 =	vld [tilespmem:s0+$0x11A00]  }
0x49a: {  	v3 =	vadd.f32 v6, v3;
	_ =	sdelay $0x1  }
0x49b: {  	v3 =	vadd.f32 v4, v3;
	_ =	sdelay $0x1  }
0x49c: {  	v3 =	vadd.f32 v5, v3;
	_ =	sdelay $0x1  }
0x49d: {  	s1 =	sor.u32 $0x1A80, s1;
	[tilespmem:s0+$0x18200] =	vst v3  }
0x49e: {  	v3 =	vld [tilespmem:s1+$0x0]  }
0x49f: {  	v4 =	vld [tilespmem:s1+$0x2000];
	_ =	sdelay $0x1  }
0x4a0: {  	v5 =	vld [tilespmem:s1+$0x4000];
	_ =	sdelay $0x1  }
0x4a1: {  	v6 =	vld [tilespmem:s1+$0x6000]  }
0x4a2: {  	v3 =	vadd.f32 v4, v3  }
0x4a3: {  	v4 =	vld [tilespmem:s1+$0x8000]  }
0x4a4: {  	v3 =	vadd.f32 v5, v3  }
0x4a5: {  	v5 =	vld [tilespmem:s1+$0xA000]  }
0x4a6: {  	v3 =	vadd.f32 v6, v3  }
0x4a7: {  	v6 =	vld [tilespmem:s1+$0xC000]  }
0x4a8: {  	v3 =	vadd.f32 v4, v3  }
0x4a9: {  	v4 =	vld [tilespmem:s1+$0xE000]  }
0x4aa: {  	v3 =	vadd.f32 v5, v3  }
0x4ab: {  	v5 =	vld [tilespmem:s1+$0x10000]  }
0x4ac: {  	v3 =	vadd.f32 v6, v3;
	_ =	sdelay $0x1  }
0x4ad: {  	v3 =	vadd.f32 v4, v3;
	_ =	sdelay $0x1  }
0x4ae: {  	v3 =	vadd.f32 v5, v3;
	_ =	sdelay $0x1  }
0x4af: {  	[tilespmem:s1+$0x16800] =	vst v3  }
0x4b0: {  	v3 =	vld [tilespmem:s0+$0x1B00]  }
0x4b1: {  	v4 =	vld [tilespmem:s0+$0x3B00];
	_ =	sdelay $0x1  }
0x4b2: {  	v5 =	vld [tilespmem:s0+$0x5B00];
	_ =	sdelay $0x1  }
0x4b3: {  	v6 =	vld [tilespmem:s0+$0x7B00]  }
0x4b4: {  	v3 =	vadd.f32 v4, v3  }
0x4b5: {  	v4 =	vld [tilespmem:s0+$0x9B00]  }
0x4b6: {  	v3 =	vadd.f32 v5, v3  }
0x4b7: {  	v5 =	vld [tilespmem:s0+$0xBB00]  }
0x4b8: {  	v3 =	vadd.f32 v6, v3  }
0x4b9: {  	v6 =	vld [tilespmem:s0+$0xDB00]  }
0x4ba: {  	v3 =	vadd.f32 v4, v3  }
0x4bb: {  	v4 =	vld [tilespmem:s0+$0xFB00]  }
0x4bc: {  	v3 =	vadd.f32 v5, v3  }
0x4bd: {  	v5 =	vld [tilespmem:s0+$0x11B00]  }
0x4be: {  	v3 =	vadd.f32 v6, v3;
	_ =	sdelay $0x1  }
0x4bf: {  	v3 =	vadd.f32 v4, v3;
	_ =	sdelay $0x1  }
0x4c0: {  	v3 =	vadd.f32 v5, v3;
	_ =	sdelay $0x1  }
0x4c1: {  	s1 =	sor.u32 $0x1B80, s29;
	[tilespmem:s0+$0x18300] =	vst v3  }
0x4c2: {  	v5 =	vld [tilespmem:s1+$0x0]  }
0x4c3: {  	v7 =	vld [tilespmem:s1+$0x2000]  }
0x4c4: {  	v6 =	vld [tilespmem:s1+$0x4000]  }
0x4c5: {  	v4 =	vld [tilespmem:s1+$0x6000]  }
0x4c6: {  	s29 =	simm.s32 $0x10;
	v3 =	vld [tilespmem:s1+$0x8000]  }
.LBB2_7:
0x4c7: {  	p0 =	sne.s32 s29, $0xF0  }
0x4c8: {  	v8 =	vld [tilespmem:s1+$0xA000];
	s28 =	sadd.s32 $0x80, s28;
	s0 =	smov.u32 s29;
	s29 =	sadd.s32 $0x10, s29  }
0x4c9: {  	v5 =	vadd.f32 v7, v5;
	v7 =	vld [tilespmem:s1+$0xC000]  }
0x4ca: {  	v9 =	vld [tilespmem:s1+$0xE000]  }
0x4cb: {  	v5 =	vadd.f32 v6, v5;
	v6 =	vld [tilespmem:s1+$0x10000];
	_ =	sdelay $0x1  }
0x4cc: {  	v4 =	vadd.f32 v4, v5;
	_ =	sdelay $0x1  }
0x4cd: {  	v3 =	vadd.f32 v3, v4;
	_ =	sdelay $0x1  }
0x4ce: {  	v3 =	vadd.f32 v8, v3;
	_ =	sdelay $0x1  }
0x4cf: {  	v3 =	vadd.f32 v7, v3;
	_ =	sdelay $0x1  }
0x4d0: {  	v3 =	vadd.f32 v9, v3;
	_ =	sdelay $0x1  }
0x4d1: {  	s10 =	sand.u32 $0x70, s0;
	s30 =	sand.u32 $0x400, s28;
	v3 =	vadd.f32 v6, v3  }
0x4d2: {  	s30 =	sor.u32 s10, s30  }
0x4d3: {  	[tilespmem:s1+$0x16800] =	vst v3  }
0x4d4: {  	v3 =	vld [tilespmem:s30+$0x1000]  }
0x4d5: {  	v4 =	vld [tilespmem:s30+$0x3000]  }
0x4d6: {  	v5 =	vld [tilespmem:s30+$0x5000];
	_ =	sdelay $0x1  }
0x4d7: {  	v6 =	vld [tilespmem:s30+$0x7000];
	_ =	sdelay $0x1  }
0x4d8: {  	v3 =	vadd.f32 v4, v3;
	v4 =	vld [tilespmem:s30+$0x9000];
	_ =	sdelay $0x1  }
0x4d9: {  	v3 =	vadd.f32 v5, v3;
	v5 =	vld [tilespmem:s30+$0xB000];
	_ =	sdelay $0x1  }
0x4da: {  	v3 =	vadd.f32 v6, v3;
	v6 =	vld [tilespmem:s30+$0xD000];
	_ =	sdelay $0x1  }
0x4db: {  	v3 =	vadd.f32 v4, v3;
	v4 =	vld [tilespmem:s30+$0xF000];
	_ =	sdelay $0x1  }
0x4dc: {  	v3 =	vadd.f32 v5, v3  }
0x4dd: {  	v5 =	vld [tilespmem:s30+$0x11000]  }
0x4de: {  	v3 =	vadd.f32 v6, v3;
	_ =	sdelay $0x1  }
0x4df: {  	v3 =	vadd.f32 v4, v3;
	_ =	sdelay $0x1  }
0x4e0: {  	s1 =	sand.u32 $0xFFFFFC00, s28;
	v3 =	vadd.f32 v5, v3  }
0x4e1: {  	s1 =	sadd.s32 s1, s0  }
0x4e2: {  	s10 =	sor.u32 $0x1080, s1;
	[tilespmem:s30+$0x17800] =	vst v3  }
0x4e3: {  	v3 =	vld [tilespmem:s10+$0x0]  }
0x4e4: {  	v4 =	vld [tilespmem:s10+$0x2000];
	_ =	sdelay $0x1  }
0x4e5: {  	v5 =	vld [tilespmem:s10+$0x4000];
	_ =	sdelay $0x1  }
0x4e6: {  	v6 =	vld [tilespmem:s10+$0x6000]  }
0x4e7: {  	v3 =	vadd.f32 v4, v3  }
0x4e8: {  	v4 =	vld [tilespmem:s10+$0x8000]  }
0x4e9: {  	v3 =	vadd.f32 v5, v3  }
0x4ea: {  	v5 =	vld [tilespmem:s10+$0xA000]  }
0x4eb: {  	v3 =	vadd.f32 v6, v3  }
0x4ec: {  	v6 =	vld [tilespmem:s10+$0xC000]  }
0x4ed: {  	v3 =	vadd.f32 v4, v3  }
0x4ee: {  	v4 =	vld [tilespmem:s10+$0xE000]  }
0x4ef: {  	v3 =	vadd.f32 v5, v3  }
0x4f0: {  	v5 =	vld [tilespmem:s10+$0x10000]  }
0x4f1: {  	v3 =	vadd.f32 v6, v3;
	_ =	sdelay $0x1  }
0x4f2: {  	v3 =	vadd.f32 v4, v3;
	_ =	sdelay $0x1  }
0x4f3: {  	v3 =	vadd.f32 v5, v3;
	_ =	sdelay $0x1  }
0x4f4: {  	[tilespmem:s10+$0x16800] =	vst v3  }
0x4f5: {  	v3 =	vld [tilespmem:s30+$0x1100]  }
0x4f6: {  	v4 =	vld [tilespmem:s30+$0x3100];
	_ =	sdelay $0x1  }
0x4f7: {  	v5 =	vld [tilespmem:s30+$0x5100];
	_ =	sdelay $0x1  }
0x4f8: {  	v6 =	vld [tilespmem:s30+$0x7100]  }
0x4f9: {  	v3 =	vadd.f32 v4, v3  }
0x4fa: {  	v4 =	vld [tilespmem:s30+$0x9100]  }
0x4fb: {  	v3 =	vadd.f32 v5, v3  }
0x4fc: {  	v5 =	vld [tilespmem:s30+$0xB100]  }
0x4fd: {  	v3 =	vadd.f32 v6, v3  }
0x4fe: {  	v6 =	vld [tilespmem:s30+$0xD100]  }
0x4ff: {  	v3 =	vadd.f32 v4, v3  }
0x500: {  	v4 =	vld [tilespmem:s30+$0xF100]  }
0x501: {  	v3 =	vadd.f32 v5, v3  }
0x502: {  	v5 =	vld [tilespmem:s30+$0x11100]  }
0x503: {  	v3 =	vadd.f32 v6, v3;
	_ =	sdelay $0x1  }
0x504: {  	v3 =	vadd.f32 v4, v3;
	_ =	sdelay $0x1  }
0x505: {  	v3 =	vadd.f32 v5, v3;
	_ =	sdelay $0x1  }
0x506: {  	s10 =	sor.u32 $0x1180, s1;
	[tilespmem:s30+$0x17900] =	vst v3  }
0x507: {  	v3 =	vld [tilespmem:s10+$0x0]  }
0x508: {  	v4 =	vld [tilespmem:s10+$0x2000]  }
0x509: {  	v5 =	vld [tilespmem:s10+$0x4000]  }
0x50a: {  	v6 =	vld [tilespmem:s10+$0x6000];
	_ =	sdelay $0x2  }
0x50b: {  	v3 =	vadd.f32 v4, v3  }
0x50c: {  	v4 =	vld [tilespmem:s10+$0x8000]  }
0x50d: {  	v3 =	vadd.f32 v5, v3  }
0x50e: {  	v5 =	vld [tilespmem:s10+$0xA000]  }
0x50f: {  	v3 =	vadd.f32 v6, v3  }
0x510: {  	v6 =	vld [tilespmem:s10+$0xC000]  }
0x511: {  	v3 =	vadd.f32 v4, v3  }
0x512: {  	v4 =	vld [tilespmem:s10+$0xE000]  }
0x513: {  	v3 =	vadd.f32 v5, v3  }
0x514: {  	v5 =	vld [tilespmem:s10+$0x10000]  }
0x515: {  	v3 =	vadd.f32 v6, v3;
	_ =	sdelay $0x1  }
0x516: {  	v3 =	vadd.f32 v4, v3;
	_ =	sdelay $0x1  }
0x517: {  	v3 =	vadd.f32 v5, v3;
	_ =	sdelay $0x1  }
0x518: {  	[tilespmem:s10+$0x16800] =	vst v3  }
0x519: {  	v3 =	vld [tilespmem:s30+$0x1200]  }
0x51a: {  	v4 =	vld [tilespmem:s30+$0x3200]  }
0x51b: {  	v5 =	vld [tilespmem:s30+$0x5200]  }
0x51c: {  	v6 =	vld [tilespmem:s30+$0x7200]  }
0x51d: {  	v7 =	vld [tilespmem:s30+$0x9200]  }
0x51e: {  	v8 =	vld [tilespmem:s30+$0xB200]  }
0x51f: {  	v3 =	vadd.f32 v4, v3;
	_ =	sdelay $0x1  }
0x520: {  	v3 =	vadd.f32 v5, v3;
	_ =	sdelay $0x1  }
0x521: {  	v3 =	vadd.f32 v6, v3  }
0x522: {  	v4 =	vld [tilespmem:s30+$0xD200]  }
0x523: {  	v3 =	vadd.f32 v7, v3  }
0x524: {  	v5 =	vld [tilespmem:s30+$0xF200]  }
0x525: {  	v3 =	vadd.f32 v8, v3  }
0x526: {  	v6 =	vld [tilespmem:s30+$0x11200]  }
0x527: {  	v3 =	vadd.f32 v4, v3;
	_ =	sdelay $0x1  }
0x528: {  	v3 =	vadd.f32 v5, v3;
	_ =	sdelay $0x1  }
0x529: {  	v3 =	vadd.f32 v6, v3;
	_ =	sdelay $0x1  }
0x52a: {  	s10 =	sor.u32 $0x1280, s1;
	[tilespmem:s30+$0x17A00] =	vst v3  }
0x52b: {  	v3 =	vld [tilespmem:s10+$0x0]  }
0x52c: {  	v4 =	vld [tilespmem:s10+$0x2000]  }
0x52d: {  	v5 =	vld [tilespmem:s10+$0x4000]  }
0x52e: {  	v6 =	vld [tilespmem:s10+$0x6000]  }
0x52f: {  	v7 =	vld [tilespmem:s10+$0x8000]  }
0x530: {  	v8 =	vld [tilespmem:s10+$0xA000]  }
0x531: {  	v3 =	vadd.f32 v4, v3;
	_ =	sdelay $0x1  }
0x532: {  	v3 =	vadd.f32 v5, v3;
	_ =	sdelay $0x1  }
0x533: {  	v3 =	vadd.f32 v6, v3  }
0x534: {  	v4 =	vld [tilespmem:s10+$0xC000]  }
0x535: {  	v3 =	vadd.f32 v7, v3  }
0x536: {  	v5 =	vld [tilespmem:s10+$0xE000]  }
0x537: {  	v3 =	vadd.f32 v8, v3  }
0x538: {  	v6 =	vld [tilespmem:s10+$0x10000]  }
0x539: {  	v3 =	vadd.f32 v4, v3;
	_ =	sdelay $0x1  }
0x53a: {  	v3 =	vadd.f32 v5, v3;
	_ =	sdelay $0x1  }
0x53b: {  	v3 =	vadd.f32 v6, v3;
	_ =	sdelay $0x1  }
0x53c: {  	[tilespmem:s10+$0x16800] =	vst v3  }
0x53d: {  	v3 =	vld [tilespmem:s30+$0x1300]  }
0x53e: {  	v4 =	vld [tilespmem:s30+$0x3300]  }
0x53f: {  	v5 =	vld [tilespmem:s30+$0x5300]  }
0x540: {  	v6 =	vld [tilespmem:s30+$0x7300]  }
0x541: {  	v7 =	vld [tilespmem:s30+$0x9300];
	_ =	sdelay $0x1  }
0x542: {  	v3 =	vadd.f32 v4, v3;
	_ =	sdelay $0x1  }
0x543: {  	v3 =	vadd.f32 v5, v3  }
0x544: {  	v4 =	vld [tilespmem:s30+$0xB300]  }
0x545: {  	v3 =	vadd.f32 v6, v3  }
0x546: {  	v5 =	vld [tilespmem:s30+$0xD300]  }
0x547: {  	v3 =	vadd.f32 v7, v3  }
0x548: {  	v6 =	vld [tilespmem:s30+$0xF300]  }
0x549: {  	v3 =	vadd.f32 v4, v3  }
0x54a: {  	v4 =	vld [tilespmem:s30+$0x11300]  }
0x54b: {  	v3 =	vadd.f32 v5, v3;
	_ =	sdelay $0x1  }
0x54c: {  	v3 =	vadd.f32 v6, v3;
	_ =	sdelay $0x1  }
0x54d: {  	v3 =	vadd.f32 v4, v3  }
0x54e: {  	s0 =	sor.u32 s0, s28  }
0x54f: {  	s10 =	sor.u32 $0x1380, s0;
	[tilespmem:s30+$0x17B00] =	vst v3  }
0x550: {  	v3 =	vld [tilespmem:s10+$0x0]  }
0x551: {  	v4 =	vld [tilespmem:s10+$0x2000]  }
0x552: {  	v5 =	vld [tilespmem:s10+$0x4000]  }
0x553: {  	v6 =	vld [tilespmem:s10+$0x6000];
	_ =	sdelay $0x2  }
0x554: {  	v3 =	vadd.f32 v4, v3  }
0x555: {  	v4 =	vld [tilespmem:s10+$0x8000]  }
0x556: {  	v3 =	vadd.f32 v5, v3  }
0x557: {  	v5 =	vld [tilespmem:s10+$0xA000]  }
0x558: {  	v3 =	vadd.f32 v6, v3  }
0x559: {  	v6 =	vld [tilespmem:s10+$0xC000]  }
0x55a: {  	v3 =	vadd.f32 v4, v3  }
0x55b: {  	v4 =	vld [tilespmem:s10+$0xE000]  }
0x55c: {  	v3 =	vadd.f32 v5, v3  }
0x55d: {  	v5 =	vld [tilespmem:s10+$0x10000]  }
0x55e: {  	v3 =	vadd.f32 v6, v3;
	_ =	sdelay $0x1  }
0x55f: {  	v3 =	vadd.f32 v4, v3;
	_ =	sdelay $0x1  }
0x560: {  	v3 =	vadd.f32 v5, v3;
	_ =	sdelay $0x1  }
0x561: {  	[tilespmem:s10+$0x16800] =	vst v3  }
0x562: {  	v3 =	vld [tilespmem:s30+$0x1800]  }
0x563: {  	v4 =	vld [tilespmem:s30+$0x3800]  }
0x564: {  	v5 =	vld [tilespmem:s30+$0x7800]  }
0x565: {  	v6 =	vld [tilespmem:s30+$0x5800];
	_ =	sdelay $0x2  }
0x566: {  	v3 =	vadd.f32 v4, v3  }
0x567: {  	v4 =	vld [tilespmem:s30+$0x9800]  }
0x568: {  	v3 =	vadd.f32 v6, v3  }
0x569: {  	v6 =	vld [tilespmem:s30+$0xB800]  }
0x56a: {  	v3 =	vadd.f32 v5, v3  }
0x56b: {  	v5 =	vld [tilespmem:s30+$0xD800]  }
0x56c: {  	v3 =	vadd.f32 v4, v3  }
0x56d: {  	v4 =	vld [tilespmem:s30+$0xF800]  }
0x56e: {  	v3 =	vadd.f32 v6, v3  }
0x56f: {  	v6 =	vld [tilespmem:s30+$0x11800]  }
0x570: {  	v3 =	vadd.f32 v5, v3;
	_ =	sdelay $0x1  }
0x571: {  	v3 =	vadd.f32 v4, v3;
	_ =	sdelay $0x1  }
0x572: {  	v3 =	vadd.f32 v6, v3;
	_ =	sdelay $0x1  }
0x573: {  	s10 =	sor.u32 $0x1880, s1;
	[tilespmem:s30+$0x18000] =	vst v3  }
0x574: {  	v3 =	vld [tilespmem:s10+$0x0]  }
0x575: {  	v4 =	vld [tilespmem:s10+$0x2000]  }
0x576: {  	v5 =	vld [tilespmem:s10+$0x4000]  }
0x577: {  	v6 =	vld [tilespmem:s10+$0x6000]  }
0x578: {  	v7 =	vld [tilespmem:s10+$0x8000]  }
0x579: {  	v8 =	vld [tilespmem:s10+$0xA000]  }
0x57a: {  	v3 =	vadd.f32 v4, v3;
	v4 =	vld [tilespmem:s10+$0xC000]  }
0x57b: {  	v9 =	vld [tilespmem:s10+$0xE000]  }
0x57c: {  	v3 =	vadd.f32 v5, v3;
	v5 =	vld [tilespmem:s10+$0x10000];
	_ =	sdelay $0x1  }
0x57d: {  	v3 =	vadd.f32 v6, v3;
	_ =	sdelay $0x1  }
0x57e: {  	v3 =	vadd.f32 v7, v3;
	_ =	sdelay $0x1  }
0x57f: {  	v3 =	vadd.f32 v8, v3;
	_ =	sdelay $0x1  }
0x580: {  	v3 =	vadd.f32 v4, v3;
	_ =	sdelay $0x1  }
0x581: {  	v3 =	vadd.f32 v9, v3;
	_ =	sdelay $0x1  }
0x582: {  	v3 =	vadd.f32 v5, v3;
	_ =	sdelay $0x1  }
0x583: {  	[tilespmem:s10+$0x16800] =	vst v3  }
0x584: {  	v3 =	vld [tilespmem:s30+$0x1900]  }
0x585: {  	v4 =	vld [tilespmem:s30+$0x3900]  }
0x586: {  	v5 =	vld [tilespmem:s30+$0x5900]  }
0x587: {  	v6 =	vld [tilespmem:s30+$0xB900]  }
0x588: {  	v7 =	vld [tilespmem:s30+$0x7900]  }
0x589: {  	v8 =	vld [tilespmem:s30+$0x9900]  }
0x58a: {  	v3 =	vadd.f32 v4, v3;
	v4 =	vld [tilespmem:s30+$0xD900]  }
0x58b: {  	v9 =	vld [tilespmem:s30+$0xF900]  }
0x58c: {  	v3 =	vadd.f32 v5, v3;
	v5 =	vld [tilespmem:s30+$0x11900];
	_ =	sdelay $0x1  }
0x58d: {  	v3 =	vadd.f32 v7, v3;
	_ =	sdelay $0x1  }
0x58e: {  	v3 =	vadd.f32 v8, v3;
	_ =	sdelay $0x1  }
0x58f: {  	v3 =	vadd.f32 v6, v3;
	_ =	sdelay $0x1  }
0x590: {  	v3 =	vadd.f32 v4, v3;
	_ =	sdelay $0x1  }
0x591: {  	v3 =	vadd.f32 v9, v3;
	_ =	sdelay $0x1  }
0x592: {  	v3 =	vadd.f32 v5, v3;
	_ =	sdelay $0x1  }
0x593: {  	s10 =	sor.u32 $0x1980, s1;
	[tilespmem:s30+$0x18100] =	vst v3  }
0x594: {  	v3 =	vld [tilespmem:s10+$0x0]  }
0x595: {  	v4 =	vld [tilespmem:s10+$0x2000]  }
0x596: {  	v5 =	vld [tilespmem:s10+$0x4000]  }
0x597: {  	v6 =	vld [tilespmem:s10+$0x6000]  }
0x598: {  	v7 =	vld [tilespmem:s10+$0xA000]  }
0x599: {  	v8 =	vld [tilespmem:s10+$0xC000]  }
0x59a: {  	v3 =	vadd.f32 v4, v3;
	v4 =	vld [tilespmem:s10+$0xE000]  }
0x59b: {  	v9 =	vld [tilespmem:s10+$0x8000]  }
0x59c: {  	v3 =	vadd.f32 v5, v3;
	v5 =	vld [tilespmem:s10+$0x10000];
	_ =	sdelay $0x1  }
0x59d: {  	v3 =	vadd.f32 v6, v3;
	_ =	sdelay $0x1  }
0x59e: {  	v3 =	vadd.f32 v9, v3;
	_ =	sdelay $0x1  }
0x59f: {  	v3 =	vadd.f32 v7, v3;
	_ =	sdelay $0x1  }
0x5a0: {  	v3 =	vadd.f32 v8, v3;
	_ =	sdelay $0x1  }
0x5a1: {  	v3 =	vadd.f32 v4, v3;
	_ =	sdelay $0x1  }
0x5a2: {  	v3 =	vadd.f32 v5, v3;
	_ =	sdelay $0x1  }
0x5a3: {  	[tilespmem:s10+$0x16800] =	vst v3  }
0x5a4: {  	v3 =	vld [tilespmem:s30+$0x1A00]  }
0x5a5: {  	v4 =	vld [tilespmem:s30+$0x3A00]  }
0x5a6: {  	v5 =	vld [tilespmem:s30+$0x5A00]  }
0x5a7: {  	v6 =	vld [tilespmem:s30+$0x7A00]  }
0x5a8: {  	v7 =	vld [tilespmem:s30+$0x9A00]  }
0x5a9: {  	v8 =	vld [tilespmem:s30+$0xBA00]  }
0x5aa: {  	v3 =	vadd.f32 v4, v3;
	v4 =	vld [tilespmem:s30+$0xDA00]  }
0x5ab: {  	v9 =	vld [tilespmem:s30+$0xFA00]  }
0x5ac: {  	v3 =	vadd.f32 v5, v3;
	v5 =	vld [tilespmem:s30+$0x11A00];
	_ =	sdelay $0x1  }
0x5ad: {  	v3 =	vadd.f32 v6, v3;
	_ =	sdelay $0x1  }
0x5ae: {  	v3 =	vadd.f32 v7, v3;
	_ =	sdelay $0x1  }
0x5af: {  	v3 =	vadd.f32 v8, v3;
	_ =	sdelay $0x1  }
0x5b0: {  	v3 =	vadd.f32 v4, v3;
	_ =	sdelay $0x1  }
0x5b1: {  	v3 =	vadd.f32 v9, v3;
	_ =	sdelay $0x1  }
0x5b2: {  	v3 =	vadd.f32 v5, v3;
	_ =	sdelay $0x1  }
0x5b3: {  	s1 =	sor.u32 $0x1A80, s1;
	[tilespmem:s30+$0x18200] =	vst v3  }
0x5b4: {  	v3 =	vld [tilespmem:s1+$0x0]  }
0x5b5: {  	v4 =	vld [tilespmem:s1+$0x2000]  }
0x5b6: {  	v5 =	vld [tilespmem:s1+$0x4000]  }
0x5b7: {  	v6 =	vld [tilespmem:s1+$0x6000]  }
0x5b8: {  	v7 =	vld [tilespmem:s1+$0x8000]  }
0x5b9: {  	v8 =	vld [tilespmem:s1+$0xA000]  }
0x5ba: {  	v3 =	vadd.f32 v4, v3;
	v4 =	vld [tilespmem:s1+$0xC000]  }
0x5bb: {  	v9 =	vld [tilespmem:s1+$0xE000]  }
0x5bc: {  	v3 =	vadd.f32 v5, v3;
	v5 =	vld [tilespmem:s1+$0x10000];
	_ =	sdelay $0x1  }
0x5bd: {  	v3 =	vadd.f32 v6, v3;
	_ =	sdelay $0x1  }
0x5be: {  	v3 =	vadd.f32 v7, v3;
	_ =	sdelay $0x1  }
0x5bf: {  	v3 =	vadd.f32 v8, v3;
	_ =	sdelay $0x1  }
0x5c0: {  	v3 =	vadd.f32 v4, v3;
	_ =	sdelay $0x1  }
0x5c1: {  	v3 =	vadd.f32 v9, v3;
	_ =	sdelay $0x1  }
0x5c2: {  	v3 =	vadd.f32 v5, v3;
	_ =	sdelay $0x1  }
0x5c3: {  	[tilespmem:s1+$0x16800] =	vst v3  }
0x5c4: {  	v3 =	vld [tilespmem:s30+$0x1B00]  }
0x5c5: {  	v4 =	vld [tilespmem:s30+$0x3B00]  }
0x5c6: {  	v5 =	vld [tilespmem:s30+$0x5B00]  }
0x5c7: {  	v6 =	vld [tilespmem:s30+$0x7B00]  }
0x5c8: {  	v7 =	vld [tilespmem:s30+$0x9B00]  }
0x5c9: {  	v8 =	vld [tilespmem:s30+$0xBB00]  }
0x5ca: {  	v3 =	vadd.f32 v4, v3;
	v4 =	vld [tilespmem:s30+$0xDB00]  }
0x5cb: {  	v9 =	vld [tilespmem:s30+$0xFB00]  }
0x5cc: {  	v3 =	vadd.f32 v5, v3;
	v5 =	vld [tilespmem:s30+$0x11B00];
	_ =	sdelay $0x1  }
0x5cd: {  	v3 =	vadd.f32 v6, v3;
	_ =	sdelay $0x1  }
0x5ce: {  	v3 =	vadd.f32 v7, v3;
	_ =	sdelay $0x1  }
0x5cf: {  	v3 =	vadd.f32 v8, v3;
	_ =	sdelay $0x1  }
0x5d0: {  	v3 =	vadd.f32 v4, v3;
	_ =	sdelay $0x1  }
0x5d1: {  	v3 =	vadd.f32 v9, v3;
	_ =	sdelay $0x1  }
0x5d2: {  	v3 =	vadd.f32 v5, v3;
	_ =	sdelay $0x1  }
0x5d3: {  	s1 =	sor.u32 $0x1B80, s0;
	[tilespmem:s30+$0x18300] =	vst v3  }
.Ltmp2:
0x5d4: {  	v5 =	vld [tilespmem:s1+$0x0];
	(pc) =	sbr.rel @p0 .LBB2_7-.Ltmp2, $4  }
0x5d5: {  	v7 =	vld [tilespmem:s1+$0x2000]  }
0x5d6: {  	v6 =	vld [tilespmem:s1+$0x4000]  }
0x5d7: {  	v4 =	vld [tilespmem:s1+$0x6000]  }
0x5d8: {  	v3 =	vld [tilespmem:s1+$0x8000]  }
0x5d9: {  	_ = 	snop  }
0x5da: {  	v5 =	vadd.f32 v7, v5;
	_ =	sdelay $0x1  }
0x5db: {  	v5 =	vadd.f32 v6, v5  }
0x5dc: {  	v60 =	vld [tilespmem:s1+$0xA000]  }
0x5dd: {  	v4 =	vadd.f32 v4, v5  }
0x5de: {  	v61 =	vld [tilespmem:s1+$0xC000]  }
0x5df: {  	v3 =	vadd.f32 v3, v4  }
0x5e0: {  	v62 =	vld [tilespmem:s1+$0xE000]  }
0x5e1: {  	v3 =	vadd.f32 v60, v3  }
0x5e2: {  	v63 =	vld [tilespmem:s1+$0x10000]  }
0x5e3: {  	v3 =	vadd.f32 v61, v3  }
0x5e4: {  	s25 =	sadd.s32 $0x1, s25  }
0x5e5: {  	p0 =	sne.s32 s25, $0x40;
	v3 =	vadd.f32 v62, v3  }
.Ltmp3:
0x5e6: {  	_ = 	snop;
	(pc) =	sbr.rel @p0 .LBB2_2-.Ltmp3, $4  }
0x5e7: {  	v3 =	vadd.f32 v63, v3  }
0x5e8: {  	s0 =	sadd.s32 s3, s26  }
0x5e9: {  	s0 =	sadd.s32 s9, s0;
	[tilespmem:s1+$0x16800] =	vst v3  }
0x5ea: {  	[hbm4b:s0+s8] =	stream.strided.scatter [tilespmem:s24], [sflag:$0x4], $0x1000, s14, s8, $0x38;
	[tilespmem:$0x18800] =	vst v63  }
0x5eb: {  	s0 =	simm.s32 $0x3  }
0x5ec: {  	_ =	swait.ge [sflag:s0], $0x1000  }
0x5ed: {  	[sflag:s0] =	ssyncset.done $0x0  }
0x5ee: {  	s1 =	simm.s32 $0x4;
	[sflag:s0] =	ssyncadd.s32 $0xFFFFF000  }
0x5ef: {  	_ =	swait.ge [sflag:s1], $0x1000  }
0x5f0: {  	s9 =	rddreg [dreg:$0x6]  }
0x5f1: {  	s31 =	rddreg [dreg:$0x5];
	s9 =	sadd.s32 $0x1, s9  }
0x5f2: {  	p0 =	sne.s32 s9, s31  }
.Ltmp4:
0x5f3: {  	_ = 	snop;
	(pc) =	sbr.rel @p0 .LBB2_1-.Ltmp4, $3  }
0x5f4: {  	_ =	sdelay $0x1  }
0x5f5: {  	[sflag:s1] =	ssyncset.done $0x0  }
0x5f6: {  	[sflag:s1] =	ssyncadd.s32 $0xFFFFF000  }
0x5f7: {  	_ =	sfence.sel $0x180000  }
0x5f8: {  	[bflag:$0x0] =	sbarrier.arrive $0xFFFF  }
0x5f9: {  	_ =	strace $0x90000047  }
0x5fa: {  	s0 =	stileid.u32;
	[bflag:$0x2] =	sbarrier.arrive $0xFFFF  }
0x5fb: {  	p0 =	sne.s32 s0, $0x0;
	s0 =	rddreg [dreg:$0x3]  }
0x5fc: {  	s0 =	sadd.s32 @!p0 $0x100000, s0  }
0x5fd: {  	[sflag:s0] =	ssyncadd.tile.s32 @!p0 $0x1;
	_ =	shalt  }
.Lfunc_end2:
_tile_overlayer_lowered:
.L_overlay_start_2:
0x5fe: {  	(tag) =	ssettag $0x2  }
0x5ff: {  	s0 =	rddreg [dreg:$0x0];
	s2 =	stileid.u32  }
0x600: {  	s1 =	rddreg [dreg:$0x1];
	p0 =	sne.s32 s2, $0x0  }
0x601: {  	s3 =	rddreg [dreg:$0x2];
	[bflag:$0x3] =	sbarrier.arrive $0xFFFF;
	s2 =	simm.s32 @!p0 $0x1C05  }
0x602: {  	[timem:s3], [sflag:s2] =	dma.local @!p0 [hbm:s0], s1  }
0x603: {  	s0 =	simm.s32 @!p0 $0x5  }
0x604: {  	_ =	swait.ge @!p0 [sflag:s0], s1  }
0x605: {  	s1 =	ssub.s32 @!p0 $0x0, s1;
	[sflag:s0] =	ssyncset.done @!p0 $0x0  }
0x606: {  	[sflag:s0] =	ssyncadd.s32 @!p0 s1  }
0x607: {  	[bflag:$0x3] =	sbarrier.arrive $0xFFFF  }
0x608: {  	_ =	shalt  }

</sc_bundles>
